<compile_context>
chip_gen: v7x
topology: tpu7x:2x2x1
jax: 0.10.2.dev20260603
libtpu: 0.0.44.dev20260713+nightly
codegen_flags: <defaults>
</compile_context>

<pallas_src>
import jax
import jax.numpy as jnp
from jax import lax
from jax.experimental import pallas as pl
from jax.experimental.pallas import tpu as pltpu
from jax.experimental.pallas import tpu_sc as plsc

_N = 10000
_E = 320000
_D = 128
_DH = 48
_NP = 3
_H = 256
_NC, _NS, _L = 2, 16, 16
_NW = _NC * _NS
_K = 128
_NB = 84
_EP = _NW * _NB * _K
_NT = 10240
_RPT = _NT // _NS
_DEGW = 16

_f32 = jnp.float32



def _deg_body(dst_hbm, out_hbm, dstv, ones_v, zrow, acc):
    cid = lax.axis_index("c")
    sid = lax.axis_index("s")
    wid = sid * _NC + cid

    pltpu.sync_copy(dst_hbm.at[wid], dstv)

    @pl.loop(0, _K)
    def _fill(i):
        ones_v[i, :] = jnp.ones((_DEGW,), _f32)
        zrow[i, :] = jnp.zeros((_DEGW,), _f32)

    for k in range(_RPT // _K):
        pltpu.sync_copy(zrow, acc.at[pl.ds(sid * _RPT + k * _K, _K)])
    plsc.subcore_barrier()

    @pl.loop(0, _NB)
    def _accum(b):
        pltpu.sync_copy(ones_v, acc.at[dstv.at[b]], add=True)

    plsc.subcore_barrier()
    pltpu.sync_copy(acc.at[pl.ds(sid * _RPT, _RPT)],
                    out_hbm.at[cid, pl.ds(sid * _RPT, _RPT)])


_deg_call = pl.kernel(
    _deg_body,
    out_type=jax.ShapeDtypeStruct((_NC, _NT, _DEGW), _f32),
    mesh=plsc.VectorSubcoreMesh(core_axis_name="c", subcore_axis_name="s",
                                num_cores=_NC, num_subcores=_NS),
    scratch_types=[
        pltpu.VMEM((_NB, _K), jnp.int32),
        pltpu.VMEM((_K, _DEGW), _f32),
        pltpu.VMEM((_K, _DEGW), _f32),
        pltpu.VMEM_SHARED((_NT, _DEGW), _f32),
    ],
    compiler_params=pltpu.CompilerParams(use_tc_tiling_on_sc=False),
)


def _prop_body(u_hbm, src_hbm, dst_hbm, out_hbm,
               srcv, dstv, rb0, rb1, rb2, rb3, tbl, acc,
               g0, g1, g2, g3, c0, c1, c2, c3):
    cid = lax.axis_index("c")
    sid = lax.axis_index("s")
    wid = sid * _NC + cid

    pltpu.sync_copy(src_hbm.at[wid], srcv)
    pltpu.sync_copy(dst_hbm.at[wid], dstv)

    for p in range(_NP):
        pltpu.sync_copy(u_hbm.at[pl.ds(sid * _RPT, _RPT), pl.ds(p * _DH, _DH)],
                        tbl.at[pl.ds(sid * _RPT, _RPT)])

        @pl.loop(0, _K)
        def _zero(i):
            for j in range(_DH // _L):
                rb0[i, pl.ds(j * _L, _L)] = jnp.zeros((_L,), _f32)

        for k in range(_RPT // _K):
            pltpu.sync_copy(rb0, acc.at[pl.ds(sid * _RPT + k * _K, _K)])
        plsc.subcore_barrier()

        bufs = ((rb0, g0, c0), (rb1, g1, c1), (rb2, g2, c2), (rb3, g3, c3))
        for j, (rb, gs, cs) in enumerate(bufs):
            pltpu.async_copy(tbl.at[srcv.at[j]], rb, gs)

        @pl.loop(0, _NB - 4, step=4)
        def _main(b):
            for j, (rb, gs, cs) in enumerate(bufs):
                pltpu.make_async_copy(tbl.at[srcv.at[b + j]], rb, gs).wait()
                pltpu.async_copy(rb, acc.at[dstv.at[b + j]], cs, add=True)
                pltpu.make_async_copy(rb, acc.at[dstv.at[b + j]], cs).wait()
                pltpu.async_copy(tbl.at[srcv.at[b + j + 4]], rb, gs)

        for j, (rb, gs, cs) in enumerate(bufs):
            pltpu.make_async_copy(tbl.at[srcv.at[_NB - 4 + j]], rb, gs).wait()
            pltpu.sync_copy(rb, acc.at[dstv.at[_NB - 4 + j]], add=True)

        plsc.subcore_barrier()
        pltpu.sync_copy(acc.at[pl.ds(sid * _RPT, _RPT)],
                        out_hbm.at[cid, p, pl.ds(sid * _RPT, _RPT)])


_prop_call = pl.kernel(
    _prop_body,
    out_type=jax.ShapeDtypeStruct((_NC, _NP, _NT, _DH), _f32),
    mesh=plsc.VectorSubcoreMesh(core_axis_name="c", subcore_axis_name="s",
                                num_cores=_NC, num_subcores=_NS),
    scratch_types=[
        pltpu.VMEM((_NB, _K), jnp.int32),
        pltpu.VMEM((_NB, _K), jnp.int32),
        pltpu.VMEM((_K, _DH), _f32),
        pltpu.VMEM((_K, _DH), _f32),
        pltpu.VMEM((_K, _DH), _f32),
        pltpu.VMEM((_K, _DH), _f32),
        pltpu.VMEM_SHARED((_NT, _DH), _f32),
        pltpu.VMEM_SHARED((_NT, _DH), _f32),
    ] + [pltpu.SemaphoreType.DMA] * 8,
    compiler_params=pltpu.CompilerParams(use_tc_tiling_on_sc=False),
)



def _split3(u):
    zpad = jnp.zeros((u.shape[0], _NP * _DH - _D), _f32)
    return jnp.concatenate([u, zpad], axis=-1)


def _tc1_body(degs_ref, xp_ref, dinv_ref, u0_ref):
    deg = degs_ref[0] + degs_ref[1] + 1.0
    dinv = lax.rsqrt(deg)
    dinv_ref[...] = dinv
    u1 = xp_ref[...] * dinv
    u0_ref[...] = _split3(u1)


_tc1_call = pl.pallas_call(
    _tc1_body,
    out_shape=[jax.ShapeDtypeStruct((_NT, 1), _f32),
               jax.ShapeDtypeStruct((_NT, _NP * _DH), _f32)],
)

_RB = 2048


def _combine(acc_ref):
    p2 = (acc_ref[0, 2] + acc_ref[1, 2])[:, :_D - 2 * _DH]
    return jnp.concatenate([acc_ref[0, 0] + acc_ref[1, 0],
                            acc_ref[0, 1] + acc_ref[1, 1], p2], axis=-1)


def _tc2_body(acc_ref, xp_ref, dinv_ref, w1_ref, b1_ref, w2_ref,
              g_ref, u0_ref):
    dinv = dinv_ref[...]
    p1 = dinv * _combine(acc_ref) + (dinv * dinv) * xp_ref[...]
    h = jnp.dot(p1, w1_ref[...], preferred_element_type=_f32) + b1_ref[...]
    h = jnp.maximum(h, 0.0)
    g = jnp.dot(h, w2_ref[...], preferred_element_type=_f32)
    g_ref[...] = g
    u2 = g * dinv
    u0_ref[...] = _split3(u2)


_tc2_call = pl.pallas_call(
    _tc2_body,
    grid=(_NT // _RB,),
    in_specs=[
        pl.BlockSpec((_NC, _NP, _RB, _DH), lambda i: (0, 0, i, 0)),
        pl.BlockSpec((_RB, _D), lambda i: (i, 0)),
        pl.BlockSpec((_RB, 1), lambda i: (i, 0)),
        pl.BlockSpec((_D, _H), lambda i: (0, 0)),
        pl.BlockSpec((1, _H), lambda i: (0, 0)),
        pl.BlockSpec((_H, _D), lambda i: (0, 0)),
    ],
    out_specs=[
        pl.BlockSpec((_RB, _D), lambda i: (i, 0)),
        pl.BlockSpec((_RB, _NP * _DH), lambda i: (i, 0)),
    ],
    out_shape=[jax.ShapeDtypeStruct((_NT, _D), _f32),
               jax.ShapeDtypeStruct((_NT, _NP * _DH), _f32)],
)


def _tc3_body(acc_ref, g_ref, dinv_ref, b2_ref, out_ref):
    dinv = dinv_ref[...]
    out_ref[...] = (dinv * _combine(acc_ref)
                    + (dinv * dinv) * g_ref[...] + b2_ref[...])


_tc3_call = pl.pallas_call(
    _tc3_body,
    grid=(_NT // _RB,),
    in_specs=[
        pl.BlockSpec((_NC, _NP, _RB, _DH), lambda i: (0, 0, i, 0)),
        pl.BlockSpec((_RB, _D), lambda i: (i, 0)),
        pl.BlockSpec((_RB, 1), lambda i: (i, 0)),
        pl.BlockSpec((1, _D), lambda i: (0, 0)),
    ],
    out_specs=pl.BlockSpec((_RB, _D), lambda i: (i, 0)),
    out_shape=jax.ShapeDtypeStruct((_NT, _D), _f32),
)



def kernel(x, edge_index, W1, b1, W2, b2):
    src = edge_index[0].astype(jnp.int32)
    dst = edge_index[1].astype(jnp.int32)
    pad = _EP - _E
    srcp = jnp.concatenate([src, jnp.full((pad,), _N, jnp.int32)]
                           ).reshape(_NW, _NB, _K)
    dstp = jnp.concatenate([dst, jnp.full((pad,), _N, jnp.int32)]
                           ).reshape(_NW, _NB, _K)
    xp = jnp.concatenate([x, jnp.zeros((_NT - _N, _D), x.dtype)], axis=0)

    degs = _deg_call(dstp)
    deg1 = degs[:, :, :1]
    dinv, u1t = _tc1_call(deg1, xp)
    acc1 = _prop_call(u1t, srcp, dstp)
    g, u2t = _tc2_call(acc1, xp, dinv, W1, b1.reshape(1, _H), W2)
    acc2 = _prop_call(u2t, srcp, dstp)
    out = _tc3_call(acc2, g, dinv, b2.reshape(1, _D))
    return out[:_N]

# --- scband reference (transcript-rebuilt; emitter-appended) ---
"""Pipeline reference for scband-gcnencoder-3470333575319 (READ-ONLY COPY).

The authoritative reference and input builder live on the scoring server;
editing this copy changes nothing except your own understanding.
"""

import jax, jax.numpy as jnp
import numpy as np

N = 10000
E = 320000
D_IN = 128
D_HID = 256
D_OUT = 128


def gcn_conv(x, edge_index, W, b):
    # PyG GCNConv: add self-loops, symmetric normalization D^-1/2 (A+I) D^-1/2, then linear
    n = x.shape[0]
    loop = jnp.arange(n, dtype=edge_index.dtype)
    src = jnp.concatenate([edge_index[0], loop])
    dst = jnp.concatenate([edge_index[1], loop])
    deg = jnp.zeros((n,), dtype=x.dtype).at[dst].add(1.0)
    deg_inv_sqrt = jnp.where(deg > 0, jax.lax.rsqrt(jnp.maximum(deg, 1e-12)), 0.0)
    norm = deg_inv_sqrt[src] * deg_inv_sqrt[dst]
    h = x @ W
    msg = h[src] * norm[:, None]
    out = jnp.zeros((n, W.shape[1]), dtype=x.dtype).at[dst].add(msg)
    return out + b


def setup_inputs(seed: int = 0) -> dict:
    key = jax.random.key(seed)
    k1, k2, k3, k4, k5, k6 = jax.random.split(key, 6)
    x = jax.random.normal(k1, (N, D_IN), dtype=jnp.float32)
    edge_index = jax.random.randint(k2, (2, E), 0, N, dtype=jnp.int32)
    W1 = jax.random.normal(k3, (D_IN, D_HID), dtype=jnp.float32) * (1.0 / np.sqrt(D_IN))
    b1 = jnp.zeros((D_HID,), dtype=jnp.float32)
    W2 = jax.random.normal(k4, (D_HID, D_OUT), dtype=jnp.float32) * (1.0 / np.sqrt(D_HID))
    b2 = jnp.zeros((D_OUT,), dtype=jnp.float32)
    return {"x": x, "edge_index": edge_index, "W1": W1, "b1": b1, "W2": W2, "b2": b2}


def reference(x, edge_index, W1, b1, W2, b2):
    h = jax.nn.relu(gcn_conv(x, edge_index, W1, b1))
    out = gcn_conv(h, edge_index, W2, b2)
    return out

if __name__ == "__main__":
    import jax
    _d = setup_inputs()
    print(jax.jit(kernel)(*tuple(_d.values())))

</pallas_src>

<mosaic_0001>
#map = affine_map<(d0, d1) -> (0, 0, 0)>
module attributes {stable_mosaic.version = 14 : i64} {
  func.func @_deg_body(%arg0: i32, %arg1: i32, %arg2: memref<32x84x128xi32, #tpu.memory_space<hbm>>, %arg3: memref<2x10240x16xf32, #tpu.memory_space<hbm>>, %arg4: memref<84x128xi32, #tpu.memory_space<vmem>>, %arg5: memref<128x16xf32, #tpu.memory_space<vmem>>, %arg6: memref<128x16xf32, #tpu.memory_space<vmem>>, %arg7: memref<10240x16xf32, #tpu.memory_space<vmem_shared>>) attributes {dimension_semantics = [#tpu.dimension_semantics<core_parallel>, #tpu.dimension_semantics<subcore_parallel>], iteration_bounds = array<i64: 2, 16>, scalar_prefetch = 0 : i64, scratch_operands = 4 : i64, tpu.core_type = #tpu.core_type<sc_vector_subcore>, window_params = [{transform_indices = #map}, {transform_indices = #map}]} {
    %mul3A = arith.constant 2 : i32
    %mul3A_0 = arith.muli %arg1, %mul3A : i32
    %add3A = arith.addi %mul3A_0, %arg0 : i32
    "tpu.region"() ({
      %run_scoped3A = tpu.sem_alloc : memref<!tpu.dma_semaphore, #tpu.memory_space<semaphore_mem>>
      %dma_start3A = arith.constant 0 : i32
      %dma_start3A_35 = arith.constant 0 : i32
      %dma_start3A_36 = tpu.memref_slice %arg2[%add3A, %dma_start3A, %dma_start3A_35] : memref<32x84x128xi32, #tpu.memory_space<hbm>> -> memref<1x84x128xi32, #tpu.memory_space<hbm>>
      %dma_start3A_37 = tpu.memref_squeeze %dma_start3A_36 : memref<1x84x128xi32, #tpu.memory_space<hbm>> -> memref<84x128xi32, #tpu.memory_space<hbm>>
      %dma_start3A_38 = arith.constant 0 : i32
      %dma_start3A_39 = arith.constant 0 : i32
      %dma_start3A_40 = tpu.memref_slice %arg2[%add3A, %dma_start3A_38, %dma_start3A_39] : memref<32x84x128xi32, #tpu.memory_space<hbm>> -> memref<1x84x128xi32, #tpu.memory_space<hbm>>
      %dma_start3A_41 = tpu.memref_squeeze %dma_start3A_40 : memref<1x84x128xi32, #tpu.memory_space<hbm>> -> memref<84x128xi32, #tpu.memory_space<hbm>>
      tpu.enqueue_dma source(%dma_start3A_41 : memref<84x128xi32, #tpu.memory_space<hbm>>) target(%arg4 : memref<84x128xi32, #tpu.memory_space<vmem>>) target_semaphore(%run_scoped3A : memref<!tpu.dma_semaphore, #tpu.memory_space<semaphore_mem>>)
      %dma_wait3A = arith.constant 0 : i32
      %dma_wait3A_42 = arith.constant 0 : i32
      %dma_wait3A_43 = tpu.memref_slice %arg2[%add3A, %dma_wait3A, %dma_wait3A_42] : memref<32x84x128xi32, #tpu.memory_space<hbm>> -> memref<1x84x128xi32, #tpu.memory_space<hbm>>
      %dma_wait3A_44 = tpu.memref_squeeze %dma_wait3A_43 : memref<1x84x128xi32, #tpu.memory_space<hbm>> -> memref<84x128xi32, #tpu.memory_space<hbm>>
      %dma_wait3A_45 = arith.constant 0 : i32
      %dma_wait3A_46 = arith.constant 0 : i32
      %dma_wait3A_47 = tpu.memref_slice %arg2[%add3A, %dma_wait3A_45, %dma_wait3A_46] : memref<32x84x128xi32, #tpu.memory_space<hbm>> -> memref<1x84x128xi32, #tpu.memory_space<hbm>>
      %dma_wait3A_48 = tpu.memref_squeeze %dma_wait3A_47 : memref<1x84x128xi32, #tpu.memory_space<hbm>> -> memref<84x128xi32, #tpu.memory_space<hbm>>
      tpu.wait_dma2 semaphore(%run_scoped3A : memref<!tpu.dma_semaphore, #tpu.memory_space<semaphore_mem>>) src(%dma_wait3A_48 : memref<84x128xi32, #tpu.memory_space<hbm>>) dst(%arg4 : memref<84x128xi32, #tpu.memory_space<vmem>>)
      tpu.yield
    }) : () -> ()
    %scan3A = arith.constant 0 : i32
    %scan3A_1 = arith.constant 128 : i32
    %scan3A_2 = arith.addi %scan3A, %scan3A_1 : i32
    %scan3A_3 = arith.constant 1 : i32
    scf.for %scan3A_35 = %scan3A to %scan3A_2 step %scan3A_3  : i32 {
      %mul3A_36 = arith.constant 1 : i32
      %mul3A_37 = arith.muli %scan3A_35, %mul3A_36 : i32
      %add3A_38 = arith.constant 0 : i32
      %add3A_39 = arith.addi %add3A_38, %mul3A_37 : i32
      %broadcast_in_dim3A = arith.constant 1.000000e+00 : f32
      %broadcast_in_dim3A_40 = vector.broadcast %broadcast_in_dim3A : f32 to vector<16xf32>
      %swap3A = arith.index_cast %add3A_39 : i32 to index
      %swap3A_41 = arith.constant 0 : index
      %swap3A_42 = tpu.vector_load %arg5[%swap3A, %swap3A_41] {strides = array<i32>} : memref<128x16xf32, #tpu.memory_space<vmem>>, vector<1x16xf32>,
      %swap3A_43 = vector.shape_cast %swap3A_42 : vector<1x16xf32> to vector<16xf32>
      %swap3A_44 = vector.shape_cast %broadcast_in_dim3A_40 : vector<16xf32> to vector<1x16xf32>
      tpu.vector_store %arg5[%swap3A, %swap3A_41], %swap3A_44 {strides = array<i32>} : memref<128x16xf32, #tpu.memory_space<vmem>>, vector<1x16xf32>,
      %broadcast_in_dim3A_45 = arith.constant 0.000000e+00 : f32
      %broadcast_in_dim3A_46 = vector.broadcast %broadcast_in_dim3A_45 : f32 to vector<16xf32>
      %swap3A_47 = arith.index_cast %add3A_39 : i32 to index
      %swap3A_48 = arith.constant 0 : index
      %swap3A_49 = tpu.vector_load %arg6[%swap3A_47, %swap3A_48] {strides = array<i32>} : memref<128x16xf32, #tpu.memory_space<vmem>>, vector<1x16xf32>,
      %swap3A_50 = vector.shape_cast %swap3A_49 : vector<1x16xf32> to vector<16xf32>
      %swap3A_51 = vector.shape_cast %broadcast_in_dim3A_46 : vector<16xf32> to vector<1x16xf32>
      tpu.vector_store %arg6[%swap3A_47, %swap3A_48], %swap3A_51 {strides = array<i32>} : memref<128x16xf32, #tpu.memory_space<vmem>>, vector<1x16xf32>,
    }
    %scan3A_4 = arith.constant 128 : i32
    %mul3A_5 = arith.constant 640 : i32
    %mul3A_6 = arith.muli %arg1, %mul3A_5 : i32
    %add3A_7 = arith.constant 0 : i32
    %add3A_8 = arith.addi %mul3A_6, %add3A_7 : i32
    "tpu.region"() ({
      %run_scoped3A = tpu.sem_alloc : memref<!tpu.dma_semaphore, #tpu.memory_space<semaphore_mem>>
      %dma_start3A = arith.constant 0 : i32
      %dma_start3A_35 = tpu.memref_slice %arg7[%add3A_8, %dma_start3A] : memref<10240x16xf32, #tpu.memory_space<vmem_shared>> -> memref<128x16xf32, #tpu.memory_space<vmem_shared>>
      %dma_start3A_36 = arith.constant 0 : i32
      %dma_start3A_37 = tpu.memref_slice %arg7[%add3A_8, %dma_start3A_36] : memref<10240x16xf32, #tpu.memory_space<vmem_shared>> -> memref<128x16xf32, #tpu.memory_space<vmem_shared>>
      tpu.enqueue_dma source(%arg6 : memref<128x16xf32, #tpu.memory_space<vmem>>) target(%dma_start3A_37 : memref<128x16xf32, #tpu.memory_space<vmem_shared>>) target_semaphore(%run_scoped3A : memref<!tpu.dma_semaphore, #tpu.memory_space<semaphore_mem>>)
      %dma_wait3A = arith.constant 0 : i32
      %dma_wait3A_38 = tpu.memref_slice %arg7[%add3A_8, %dma_wait3A] : memref<10240x16xf32, #tpu.memory_space<vmem_shared>> -> memref<128x16xf32, #tpu.memory_space<vmem_shared>>
      %dma_wait3A_39 = arith.constant 0 : i32
      %dma_wait3A_40 = tpu.memref_slice %arg7[%add3A_8, %dma_wait3A_39] : memref<10240x16xf32, #tpu.memory_space<vmem_shared>> -> memref<128x16xf32, #tpu.memory_space<vmem_shared>>
      tpu.wait_dma2 semaphore(%run_scoped3A : memref<!tpu.dma_semaphore, #tpu.memory_space<semaphore_mem>>) src(%arg6 : memref<128x16xf32, #tpu.memory_space<vmem>>) dst(%dma_wait3A_40 : memref<128x16xf32, #tpu.memory_space<vmem_shared>>)
      tpu.yield
    }) : () -> ()
    %mul3A_9 = arith.constant 640 : i32
    %mul3A_10 = arith.muli %arg1, %mul3A_9 : i32
    %add3A_11 = arith.constant 128 : i32
    %add3A_12 = arith.addi %mul3A_10, %add3A_11 : i32
    "tpu.region"() ({
      %run_scoped3A = tpu.sem_alloc : memref<!tpu.dma_semaphore, #tpu.memory_space<semaphore_mem>>
      %dma_start3A = arith.constant 0 : i32
      %dma_start3A_35 = tpu.memref_slice %arg7[%add3A_12, %dma_start3A] : memref<10240x16xf32, #tpu.memory_space<vmem_shared>> -> memref<128x16xf32, #tpu.memory_space<vmem_shared>>
      %dma_start3A_36 = arith.constant 0 : i32
      %dma_start3A_37 = tpu.memref_slice %arg7[%add3A_12, %dma_start3A_36] : memref<10240x16xf32, #tpu.memory_space<vmem_shared>> -> memref<128x16xf32, #tpu.memory_space<vmem_shared>>
      tpu.enqueue_dma source(%arg6 : memref<128x16xf32, #tpu.memory_space<vmem>>) target(%dma_start3A_37 : memref<128x16xf32, #tpu.memory_space<vmem_shared>>) target_semaphore(%run_scoped3A : memref<!tpu.dma_semaphore, #tpu.memory_space<semaphore_mem>>)
      %dma_wait3A = arith.constant 0 : i32
      %dma_wait3A_38 = tpu.memref_slice %arg7[%add3A_12, %dma_wait3A] : memref<10240x16xf32, #tpu.memory_space<vmem_shared>> -> memref<128x16xf32, #tpu.memory_space<vmem_shared>>
      %dma_wait3A_39 = arith.constant 0 : i32
      %dma_wait3A_40 = tpu.memref_slice %arg7[%add3A_12, %dma_wait3A_39] : memref<10240x16xf32, #tpu.memory_space<vmem_shared>> -> memref<128x16xf32, #tpu.memory_space<vmem_shared>>
      tpu.wait_dma2 semaphore(%run_scoped3A : memref<!tpu.dma_semaphore, #tpu.memory_space<semaphore_mem>>) src(%arg6 : memref<128x16xf32, #tpu.memory_space<vmem>>) dst(%dma_wait3A_40 : memref<128x16xf32, #tpu.memory_space<vmem_shared>>)
      tpu.yield
    }) : () -> ()
    %mul3A_13 = arith.constant 640 : i32
    %mul3A_14 = arith.muli %arg1, %mul3A_13 : i32
    %add3A_15 = arith.constant 256 : i32
    %add3A_16 = arith.addi %mul3A_14, %add3A_15 : i32
    "tpu.region"() ({
      %run_scoped3A = tpu.sem_alloc : memref<!tpu.dma_semaphore, #tpu.memory_space<semaphore_mem>>
      %dma_start3A = arith.constant 0 : i32
      %dma_start3A_35 = tpu.memref_slice %arg7[%add3A_16, %dma_start3A] : memref<10240x16xf32, #tpu.memory_space<vmem_shared>> -> memref<128x16xf32, #tpu.memory_space<vmem_shared>>
      %dma_start3A_36 = arith.constant 0 : i32
      %dma_start3A_37 = tpu.memref_slice %arg7[%add3A_16, %dma_start3A_36] : memref<10240x16xf32, #tpu.memory_space<vmem_shared>> -> memref<128x16xf32, #tpu.memory_space<vmem_shared>>
      tpu.enqueue_dma source(%arg6 : memref<128x16xf32, #tpu.memory_space<vmem>>) target(%dma_start3A_37 : memref<128x16xf32, #tpu.memory_space<vmem_shared>>) target_semaphore(%run_scoped3A : memref<!tpu.dma_semaphore, #tpu.memory_space<semaphore_mem>>)
      %dma_wait3A = arith.constant 0 : i32
      %dma_wait3A_38 = tpu.memref_slice %arg7[%add3A_16, %dma_wait3A] : memref<10240x16xf32, #tpu.memory_space<vmem_shared>> -> memref<128x16xf32, #tpu.memory_space<vmem_shared>>
      %dma_wait3A_39 = arith.constant 0 : i32
      %dma_wait3A_40 = tpu.memref_slice %arg7[%add3A_16, %dma_wait3A_39] : memref<10240x16xf32, #tpu.memory_space<vmem_shared>> -> memref<128x16xf32, #tpu.memory_space<vmem_shared>>
      tpu.wait_dma2 semaphore(%run_scoped3A : memref<!tpu.dma_semaphore, #tpu.memory_space<semaphore_mem>>) src(%arg6 : memref<128x16xf32, #tpu.memory_space<vmem>>) dst(%dma_wait3A_40 : memref<128x16xf32, #tpu.memory_space<vmem_shared>>)
      tpu.yield
    }) : () -> ()
    %mul3A_17 = arith.constant 640 : i32
    %mul3A_18 = arith.muli %arg1, %mul3A_17 : i32
    %add3A_19 = arith.constant 384 : i32
    %add3A_20 = arith.addi %mul3A_18, %add3A_19 : i32
    "tpu.region"() ({
      %run_scoped3A = tpu.sem_alloc : memref<!tpu.dma_semaphore, #tpu.memory_space<semaphore_mem>>
      %dma_start3A = arith.constant 0 : i32
      %dma_start3A_35 = tpu.memref_slice %arg7[%add3A_20, %dma_start3A] : memref<10240x16xf32, #tpu.memory_space<vmem_shared>> -> memref<128x16xf32, #tpu.memory_space<vmem_shared>>
      %dma_start3A_36 = arith.constant 0 : i32
      %dma_start3A_37 = tpu.memref_slice %arg7[%add3A_20, %dma_start3A_36] : memref<10240x16xf32, #tpu.memory_space<vmem_shared>> -> memref<128x16xf32, #tpu.memory_space<vmem_shared>>
      tpu.enqueue_dma source(%arg6 : memref<128x16xf32, #tpu.memory_space<vmem>>) target(%dma_start3A_37 : memref<128x16xf32, #tpu.memory_space<vmem_shared>>) target_semaphore(%run_scoped3A : memref<!tpu.dma_semaphore, #tpu.memory_space<semaphore_mem>>)
      %dma_wait3A = arith.constant 0 : i32
      %dma_wait3A_38 = tpu.memref_slice %arg7[%add3A_20, %dma_wait3A] : memref<10240x16xf32, #tpu.memory_space<vmem_shared>> -> memref<128x16xf32, #tpu.memory_space<vmem_shared>>
      %dma_wait3A_39 = arith.constant 0 : i32
      %dma_wait3A_40 = tpu.memref_slice %arg7[%add3A_20, %dma_wait3A_39] : memref<10240x16xf32, #tpu.memory_space<vmem_shared>> -> memref<128x16xf32, #tpu.memory_space<vmem_shared>>
      tpu.wait_dma2 semaphore(%run_scoped3A : memref<!tpu.dma_semaphore, #tpu.memory_space<semaphore_mem>>) src(%arg6 : memref<128x16xf32, #tpu.memory_space<vmem>>) dst(%dma_wait3A_40 : memref<128x16xf32, #tpu.memory_space<vmem_shared>>)
      tpu.yield
    }) : () -> ()
    %mul3A_21 = arith.constant 640 : i32
    %mul3A_22 = arith.muli %arg1, %mul3A_21 : i32
    %add3A_23 = arith.constant 512 : i32
    %add3A_24 = arith.addi %mul3A_22, %add3A_23 : i32
    "tpu.region"() ({
      %run_scoped3A = tpu.sem_alloc : memref<!tpu.dma_semaphore, #tpu.memory_space<semaphore_mem>>
      %dma_start3A = arith.constant 0 : i32
      %dma_start3A_35 = tpu.memref_slice %arg7[%add3A_24, %dma_start3A] : memref<10240x16xf32, #tpu.memory_space<vmem_shared>> -> memref<128x16xf32, #tpu.memory_space<vmem_shared>>
      %dma_start3A_36 = arith.constant 0 : i32
      %dma_start3A_37 = tpu.memref_slice %arg7[%add3A_24, %dma_start3A_36] : memref<10240x16xf32, #tpu.memory_space<vmem_shared>> -> memref<128x16xf32, #tpu.memory_space<vmem_shared>>
      tpu.enqueue_dma source(%arg6 : memref<128x16xf32, #tpu.memory_space<vmem>>) target(%dma_start3A_37 : memref<128x16xf32, #tpu.memory_space<vmem_shared>>) target_semaphore(%run_scoped3A : memref<!tpu.dma_semaphore, #tpu.memory_space<semaphore_mem>>)
      %dma_wait3A = arith.constant 0 : i32
      %dma_wait3A_38 = tpu.memref_slice %arg7[%add3A_24, %dma_wait3A] : memref<10240x16xf32, #tpu.memory_space<vmem_shared>> -> memref<128x16xf32, #tpu.memory_space<vmem_shared>>
      %dma_wait3A_39 = arith.constant 0 : i32
      %dma_wait3A_40 = tpu.memref_slice %arg7[%add3A_24, %dma_wait3A_39] : memref<10240x16xf32, #tpu.memory_space<vmem_shared>> -> memref<128x16xf32, #tpu.memory_space<vmem_shared>>
      tpu.wait_dma2 semaphore(%run_scoped3A : memref<!tpu.dma_semaphore, #tpu.memory_space<semaphore_mem>>) src(%arg6 : memref<128x16xf32, #tpu.memory_space<vmem>>) dst(%dma_wait3A_40 : memref<128x16xf32, #tpu.memory_space<vmem_shared>>)
      tpu.yield
    }) : () -> ()
    %barrier3A = arith.constant 0 : index
    tpu.barrier barrier_id(%barrier3A)
    %scan3A_25 = arith.constant 0 : i32
    %scan3A_26 = arith.constant 84 : i32
    %scan3A_27 = arith.addi %scan3A_25, %scan3A_26 : i32
    %scan3A_28 = arith.constant 1 : i32
    scf.for %scan3A_35 = %scan3A_25 to %scan3A_27 step %scan3A_28  : i32 {
      %mul3A_36 = arith.constant 1 : i32
      %mul3A_37 = arith.muli %scan3A_35, %mul3A_36 : i32
      %add3A_38 = arith.constant 0 : i32
      %add3A_39 = arith.addi %add3A_38, %mul3A_37 : i32
      "tpu.region"() ({
        %run_scoped3A = tpu.sem_alloc : memref<!tpu.dma_semaphore, #tpu.memory_space<semaphore_mem>>
        %dma_start3A = arith.constant 0 : i32
        %dma_start3A_40 = tpu.memref_slice %arg4[%add3A_39, %dma_start3A] : memref<84x128xi32, #tpu.memory_space<vmem>> -> memref<1x128xi32, #tpu.memory_space<vmem>>
        %dma_start3A_41 = tpu.memref_squeeze %dma_start3A_40 : memref<1x128xi32, #tpu.memory_space<vmem>> -> memref<128xi32, #tpu.memory_space<vmem>>
        %dma_start3A_42 = arith.constant 0 : i32
        %dma_start3A_43 = arith.constant 0 : i32
        %dma_start3A_44 = tpu.memref_slice %arg7[%dma_start3A_42, %dma_start3A_43] : memref<10240x16xf32, #tpu.memory_space<vmem_shared>> -> memref<10240x16xf32, #tpu.memory_space<vmem_shared>>
        tpu.enqueue_indirect_dma source(%arg5 : memref<128x16xf32, #tpu.memory_space<vmem>>) target(%dma_start3A_44 : memref<10240x16xf32, #tpu.memory_space<vmem_shared>>) offsets(%dma_start3A_41 : memref<128xi32, #tpu.memory_space<vmem>>) semaphore(%run_scoped3A : memref<!tpu.dma_semaphore, #tpu.memory_space<semaphore_mem>>) {add = true}
        %dma_wait3A = arith.constant 0 : i32
        %dma_wait3A_45 = tpu.memref_slice %arg4[%add3A_39, %dma_wait3A] : memref<84x128xi32, #tpu.memory_space<vmem>> -> memref<1x128xi32, #tpu.memory_space<vmem>>
        %dma_wait3A_46 = tpu.memref_squeeze %dma_wait3A_45 : memref<1x128xi32, #tpu.memory_space<vmem>> -> memref<128xi32, #tpu.memory_space<vmem>>
        %dma_wait3A_47 = arith.constant 0 : i32
        %dma_wait3A_48 = arith.constant 0 : i32
        %dma_wait3A_49 = tpu.memref_slice %arg7[%dma_wait3A_47, %dma_wait3A_48] : memref<10240x16xf32, #tpu.memory_space<vmem_shared>> -> memref<10240x16xf32, #tpu.memory_space<vmem_shared>>
        tpu.wait_indirect_dma semaphore(%run_scoped3A : memref<!tpu.dma_semaphore, #tpu.memory_space<semaphore_mem>>) src(%arg5 : memref<128x16xf32, #tpu.memory_space<vmem>>) dst(%dma_wait3A_49 : memref<10240x16xf32, #tpu.memory_space<vmem_shared>>)
        tpu.yield
      }) : () -> ()
    }
    %scan3A_29 = arith.constant 84 : i32
    %barrier3A_30 = arith.constant 0 : index
    tpu.barrier barrier_id(%barrier3A_30)
    %mul3A_31 = arith.constant 640 : i32
    %mul3A_32 = arith.muli %arg1, %mul3A_31 : i32
    %mul3A_33 = arith.constant 640 : i32
    %mul3A_34 = arith.muli %arg1, %mul3A_33 : i32
    "tpu.region"() ({
      %run_scoped3A = tpu.sem_alloc : memref<!tpu.dma_semaphore, #tpu.memory_space<semaphore_mem>>
      %dma_start3A = arith.constant 0 : i32
      %dma_start3A_35 = tpu.memref_slice %arg3[%arg0, %mul3A_34, %dma_start3A] : memref<2x10240x16xf32, #tpu.memory_space<hbm>> -> memref<1x640x16xf32, #tpu.memory_space<hbm>>
      %dma_start3A_36 = tpu.memref_squeeze %dma_start3A_35 : memref<1x640x16xf32, #tpu.memory_space<hbm>> -> memref<640x16xf32, #tpu.memory_space<hbm>>
      %dma_start3A_37 = arith.constant 0 : i32
      %dma_start3A_38 = tpu.memref_slice %arg7[%mul3A_32, %dma_start3A_37] : memref<10240x16xf32, #tpu.memory_space<vmem_shared>> -> memref<640x16xf32, #tpu.memory_space<vmem_shared>>
      tpu.enqueue_dma source(%dma_start3A_38 : memref<640x16xf32, #tpu.memory_space<vmem_shared>>) target(%dma_start3A_36 : memref<640x16xf32, #tpu.memory_space<hbm>>) target_semaphore(%run_scoped3A : memref<!tpu.dma_semaphore, #tpu.memory_space<semaphore_mem>>)
      %dma_wait3A = arith.constant 0 : i32
      %dma_wait3A_39 = tpu.memref_slice %arg3[%arg0, %mul3A_34, %dma_wait3A] : memref<2x10240x16xf32, #tpu.memory_space<hbm>> -> memref<1x640x16xf32, #tpu.memory_space<hbm>>
      %dma_wait3A_40 = tpu.memref_squeeze %dma_wait3A_39 : memref<1x640x16xf32, #tpu.memory_space<hbm>> -> memref<640x16xf32, #tpu.memory_space<hbm>>
      %dma_wait3A_41 = arith.constant 0 : i32
      %dma_wait3A_42 = tpu.memref_slice %arg7[%mul3A_32, %dma_wait3A_41] : memref<10240x16xf32, #tpu.memory_space<vmem_shared>> -> memref<640x16xf32, #tpu.memory_space<vmem_shared>>
      tpu.wait_dma2 semaphore(%run_scoped3A : memref<!tpu.dma_semaphore, #tpu.memory_space<semaphore_mem>>) src(%dma_wait3A_42 : memref<640x16xf32, #tpu.memory_space<vmem_shared>>) dst(%dma_wait3A_40 : memref<640x16xf32, #tpu.memory_space<hbm>>)
      tpu.yield
    }) : () -> ()
    return
  }
}

#map = affine_map<(d0, d1) -> (0, 0)>
#map1 = affine_map<(d0, d1) -> (0, 0, 0)>
#map2 = affine_map<(d0, d1) -> (0, 0, 0, 0)>
module attributes {stable_mosaic.version = 14 : i64} {
  func.func @_prop_body(%arg0: i32, %arg1: i32, %arg2: memref<10240x144xf32, #tpu.memory_space<hbm>>, %arg3: memref<32x84x128xi32, #tpu.memory_space<hbm>>, %arg4: memref<32x84x128xi32, #tpu.memory_space<hbm>>, %arg5: memref<2x3x10240x48xf32, #tpu.memory_space<hbm>>, %arg6: memref<84x128xi32, #tpu.memory_space<vmem>>, %arg7: memref<84x128xi32, #tpu.memory_space<vmem>>, %arg8: memref<128x48xf32, #tpu.memory_space<vmem>>, %arg9: memref<128x48xf32, #tpu.memory_space<vmem>>, %arg10: memref<128x48xf32, #tpu.memory_space<vmem>>, %arg11: memref<128x48xf32, #tpu.memory_space<vmem>>, %arg12: memref<10240x48xf32, #tpu.memory_space<vmem_shared>>, %arg13: memref<10240x48xf32, #tpu.memory_space<vmem_shared>>, %arg14: memref<!tpu.dma_semaphore, #tpu.memory_space<semaphore_mem>>, %arg15: memref<!tpu.dma_semaphore, #tpu.memory_space<semaphore_mem>>, %arg16: memref<!tpu.dma_semaphore, #tpu.memory_space<semaphore_mem>>, %arg17: memref<!tpu.dma_semaphore, #tpu.memory_space<semaphore_mem>>, %arg18: memref<!tpu.dma_semaphore, #tpu.memory_space<semaphore_mem>>, %arg19: memref<!tpu.dma_semaphore, #tpu.memory_space<semaphore_mem>>, %arg20: memref<!tpu.dma_semaphore, #tpu.memory_space<semaphore_mem>>, %arg21: memref<!tpu.dma_semaphore, #tpu.memory_space<semaphore_mem>>) attributes {dimension_semantics = [#tpu.dimension_semantics<core_parallel>, #tpu.dimension_semantics<subcore_parallel>], iteration_bounds = array<i64: 2, 16>, scalar_prefetch = 0 : i64, scratch_operands = 16 : i64, tpu.core_type = #tpu.core_type<sc_vector_subcore>, window_params = [{transform_indices = #map}, {transform_indices = #map1}, {transform_indices = #map1}, {transform_indices = #map2}]} {
    %mul3A = arith.constant 2 : i32
    %mul3A_0 = arith.muli %arg1, %mul3A : i32
    %add3A = arith.addi %mul3A_0, %arg0 : i32
    "tpu.region"() ({
      %run_scoped3A_299 = tpu.sem_alloc : memref<!tpu.dma_semaphore, #tpu.memory_space<semaphore_mem>>
      %dma_start3A_300 = arith.constant 0 : i32
      %dma_start3A_301 = arith.constant 0 : i32
      %dma_start3A_302 = tpu.memref_slice %arg3[%add3A, %dma_start3A_300, %dma_start3A_301] : memref<32x84x128xi32, #tpu.memory_space<hbm>> -> memref<1x84x128xi32, #tpu.memory_space<hbm>>
      %dma_start3A_303 = tpu.memref_squeeze %dma_start3A_302 : memref<1x84x128xi32, #tpu.memory_space<hbm>> -> memref<84x128xi32, #tpu.memory_space<hbm>>
      %dma_start3A_304 = arith.constant 0 : i32
      %dma_start3A_305 = arith.constant 0 : i32
      %dma_start3A_306 = tpu.memref_slice %arg3[%add3A, %dma_start3A_304, %dma_start3A_305] : memref<32x84x128xi32, #tpu.memory_space<hbm>> -> memref<1x84x128xi32, #tpu.memory_space<hbm>>
      %dma_start3A_307 = tpu.memref_squeeze %dma_start3A_306 : memref<1x84x128xi32, #tpu.memory_space<hbm>> -> memref<84x128xi32, #tpu.memory_space<hbm>>
      tpu.enqueue_dma source(%dma_start3A_307 : memref<84x128xi32, #tpu.memory_space<hbm>>) target(%arg6 : memref<84x128xi32, #tpu.memory_space<vmem>>) target_semaphore(%run_scoped3A_299 : memref<!tpu.dma_semaphore, #tpu.memory_space<semaphore_mem>>)
      %dma_wait3A_308 = arith.constant 0 : i32
      %dma_wait3A_309 = arith.constant 0 : i32
      %dma_wait3A_310 = tpu.memref_slice %arg3[%add3A, %dma_wait3A_308, %dma_wait3A_309] : memref<32x84x128xi32, #tpu.memory_space<hbm>> -> memref<1x84x128xi32, #tpu.memory_space<hbm>>
      %dma_wait3A_311 = tpu.memref_squeeze %dma_wait3A_310 : memref<1x84x128xi32, #tpu.memory_space<hbm>> -> memref<84x128xi32, #tpu.memory_space<hbm>>
      %dma_wait3A_312 = arith.constant 0 : i32
      %dma_wait3A_313 = arith.constant 0 : i32
      %dma_wait3A_314 = tpu.memref_slice %arg3[%add3A, %dma_wait3A_312, %dma_wait3A_313] : memref<32x84x128xi32, #tpu.memory_space<hbm>> -> memref<1x84x128xi32, #tpu.memory_space<hbm>>
      %dma_wait3A_315 = tpu.memref_squeeze %dma_wait3A_314 : memref<1x84x128xi32, #tpu.memory_space<hbm>> -> memref<84x128xi32, #tpu.memory_space<hbm>>
      tpu.wait_dma2 semaphore(%run_scoped3A_299 : memref<!tpu.dma_semaphore, #tpu.memory_space<semaphore_mem>>) src(%dma_wait3A_315 : memref<84x128xi32, #tpu.memory_space<hbm>>) dst(%arg6 : memref<84x128xi32, #tpu.memory_space<vmem>>)
      tpu.yield
    }) : () -> ()
    "tpu.region"() ({
      %run_scoped3A_299 = tpu.sem_alloc : memref<!tpu.dma_semaphore, #tpu.memory_space<semaphore_mem>>
      %dma_start3A_300 = arith.constant 0 : i32
      %dma_start3A_301 = arith.constant 0 : i32
      %dma_start3A_302 = tpu.memref_slice %arg4[%add3A, %dma_start3A_300, %dma_start3A_301] : memref<32x84x128xi32, #tpu.memory_space<hbm>> -> memref<1x84x128xi32, #tpu.memory_space<hbm>>
      %dma_start3A_303 = tpu.memref_squeeze %dma_start3A_302 : memref<1x84x128xi32, #tpu.memory_space<hbm>> -> memref<84x128xi32, #tpu.memory_space<hbm>>
      %dma_start3A_304 = arith.constant 0 : i32
      %dma_start3A_305 = arith.constant 0 : i32
      %dma_start3A_306 = tpu.memref_slice %arg4[%add3A, %dma_start3A_304, %dma_start3A_305] : memref<32x84x128xi32, #tpu.memory_space<hbm>> -> memref<1x84x128xi32, #tpu.memory_space<hbm>>
      %dma_start3A_307 = tpu.memref_squeeze %dma_start3A_306 : memref<1x84x128xi32, #tpu.memory_space<hbm>> -> memref<84x128xi32, #tpu.memory_space<hbm>>
      tpu.enqueue_dma source(%dma_start3A_307 : memref<84x128xi32, #tpu.memory_space<hbm>>) target(%arg7 : memref<84x128xi32, #tpu.memory_space<vmem>>) target_semaphore(%run_scoped3A_299 : memref<!tpu.dma_semaphore, #tpu.memory_space<semaphore_mem>>)
      %dma_wait3A_308 = arith.constant 0 : i32
      %dma_wait3A_309 = arith.constant 0 : i32
      %dma_wait3A_310 = tpu.memref_slice %arg4[%add3A, %dma_wait3A_308, %dma_wait3A_309] : memref<32x84x128xi32, #tpu.memory_space<hbm>> -> memref<1x84x128xi32, #tpu.memory_space<hbm>>
      %dma_wait3A_311 = tpu.memref_squeeze %dma_wait3A_310 : memref<1x84x128xi32, #tpu.memory_space<hbm>> -> memref<84x128xi32, #tpu.memory_space<hbm>>
      %dma_wait3A_312 = arith.constant 0 : i32
      %dma_wait3A_313 = arith.constant 0 : i32
      %dma_wait3A_314 = tpu.memref_slice %arg4[%add3A, %dma_wait3A_312, %dma_wait3A_313] : memref<32x84x128xi32, #tpu.memory_space<hbm>> -> memref<1x84x128xi32, #tpu.memory_space<hbm>>
      %dma_wait3A_315 = tpu.memref_squeeze %dma_wait3A_314 : memref<1x84x128xi32, #tpu.memory_space<hbm>> -> memref<84x128xi32, #tpu.memory_space<hbm>>
      tpu.wait_dma2 semaphore(%run_scoped3A_299 : memref<!tpu.dma_semaphore, #tpu.memory_space<semaphore_mem>>) src(%dma_wait3A_315 : memref<84x128xi32, #tpu.memory_space<hbm>>) dst(%arg7 : memref<84x128xi32, #tpu.memory_space<vmem>>)
      tpu.yield
    }) : () -> ()
    %mul3A_1 = arith.constant 640 : i32
    %mul3A_2 = arith.muli %arg1, %mul3A_1 : i32
    %mul3A_3 = arith.constant 640 : i32
    %mul3A_4 = arith.muli %arg1, %mul3A_3 : i32
    "tpu.region"() ({
      %run_scoped3A_299 = tpu.sem_alloc : memref<!tpu.dma_semaphore, #tpu.memory_space<semaphore_mem>>
      %dma_start3A_300 = arith.constant 0 : i32
      %dma_start3A_301 = tpu.memref_slice %arg12[%mul3A_4, %dma_start3A_300] : memref<10240x48xf32, #tpu.memory_space<vmem_shared>> -> memref<640x48xf32, #tpu.memory_space<vmem_shared>>
      %dma_start3A_302 = arith.constant 0 : i32
      %dma_start3A_303 = tpu.memref_slice %arg2[%mul3A_2, %dma_start3A_302] : memref<10240x144xf32, #tpu.memory_space<hbm>> -> memref<640x48xf32, #tpu.memory_space<hbm>>
      tpu.enqueue_dma source(%dma_start3A_303 : memref<640x48xf32, #tpu.memory_space<hbm>>) target(%dma_start3A_301 : memref<640x48xf32, #tpu.memory_space<vmem_shared>>) target_semaphore(%run_scoped3A_299 : memref<!tpu.dma_semaphore, #tpu.memory_space<semaphore_mem>>)
      %dma_wait3A_304 = arith.constant 0 : i32
      %dma_wait3A_305 = tpu.memref_slice %arg12[%mul3A_4, %dma_wait3A_304] : memref<10240x48xf32, #tpu.memory_space<vmem_shared>> -> memref<640x48xf32, #tpu.memory_space<vmem_shared>>
      %dma_wait3A_306 = arith.constant 0 : i32
      %dma_wait3A_307 = tpu.memref_slice %arg2[%mul3A_2, %dma_wait3A_306] : memref<10240x144xf32, #tpu.memory_space<hbm>> -> memref<640x48xf32, #tpu.memory_space<hbm>>
      tpu.wait_dma2 semaphore(%run_scoped3A_299 : memref<!tpu.dma_semaphore, #tpu.memory_space<semaphore_mem>>) src(%dma_wait3A_307 : memref<640x48xf32, #tpu.memory_space<hbm>>) dst(%dma_wait3A_305 : memref<640x48xf32, #tpu.memory_space<vmem_shared>>)
      tpu.yield
    }) : () -> ()
    %scan3A = arith.constant 0 : i32
    %scan3A_5 = arith.constant 128 : i32
    %scan3A_6 = arith.addi %scan3A, %scan3A_5 : i32
    %scan3A_7 = arith.constant 1 : i32
    scf.for %scan3A_299 = %scan3A to %scan3A_6 step %scan3A_7  : i32 {
      %mul3A_300 = arith.constant 1 : i32
      %mul3A_301 = arith.muli %scan3A_299, %mul3A_300 : i32
      %add3A_302 = arith.constant 0 : i32
      %add3A_303 = arith.addi %add3A_302, %mul3A_301 : i32
      %broadcast_in_dim3A = arith.constant 0.000000e+00 : f32
      %broadcast_in_dim3A_304 = vector.broadcast %broadcast_in_dim3A : f32 to vector<16xf32>
      %swap3A = arith.index_cast %add3A_303 : i32 to index
      %swap3A_305 = arith.constant 0 : index
      %swap3A_306 = tpu.vector_load %arg8[%swap3A, %swap3A_305] {strides = array<i32>} : memref<128x48xf32, #tpu.memory_space<vmem>>, vector<1x16xf32>,
      %swap3A_307 = vector.shape_cast %swap3A_306 : vector<1x16xf32> to vector<16xf32>
      %swap3A_308 = vector.shape_cast %broadcast_in_dim3A_304 : vector<16xf32> to vector<1x16xf32>
      tpu.vector_store %arg8[%swap3A, %swap3A_305], %swap3A_308 {strides = array<i32>} : memref<128x48xf32, #tpu.memory_space<vmem>>, vector<1x16xf32>,
      %broadcast_in_dim3A_309 = arith.constant 0.000000e+00 : f32
      %broadcast_in_dim3A_310 = vector.broadcast %broadcast_in_dim3A_309 : f32 to vector<16xf32>
      %swap3A_311 = arith.index_cast %add3A_303 : i32 to index
      %swap3A_312 = arith.constant 16 : index
      %swap3A_313 = tpu.vector_load %arg8[%swap3A_311, %swap3A_312] {strides = array<i32>} : memref<128x48xf32, #tpu.memory_space<vmem>>, vector<1x16xf32>,
      %swap3A_314 = vector.shape_cast %swap3A_313 : vector<1x16xf32> to vector<16xf32>
      %swap3A_315 = vector.shape_cast %broadcast_in_dim3A_310 : vector<16xf32> to vector<1x16xf32>
      tpu.vector_store %arg8[%swap3A_311, %swap3A_312], %swap3A_315 {strides = array<i32>} : memref<128x48xf32, #tpu.memory_space<vmem>>, vector<1x16xf32>,
      %broadcast_in_dim3A_316 = arith.constant 0.000000e+00 : f32
      %broadcast_in_dim3A_317 = vector.broadcast %broadcast_in_dim3A_316 : f32 to vector<16xf32>
      %swap3A_318 = arith.index_cast %add3A_303 : i32 to index
      %swap3A_319 = arith.constant 32 : index
      %swap3A_320 = tpu.vector_load %arg8[%swap3A_318, %swap3A_319] {strides = array<i32>} : memref<128x48xf32, #tpu.memory_space<vmem>>, vector<1x16xf32>,
      %swap3A_321 = vector.shape_cast %swap3A_320 : vector<1x16xf32> to vector<16xf32>
      %swap3A_322 = vector.shape_cast %broadcast_in_dim3A_317 : vector<16xf32> to vector<1x16xf32>
      tpu.vector_store %arg8[%swap3A_318, %swap3A_319], %swap3A_322 {strides = array<i32>} : memref<128x48xf32, #tpu.memory_space<vmem>>, vector<1x16xf32>,
    }
    %scan3A_8 = arith.constant 128 : i32
    %mul3A_9 = arith.constant 640 : i32
    %mul3A_10 = arith.muli %arg1, %mul3A_9 : i32
    %add3A_11 = arith.constant 0 : i32
    %add3A_12 = arith.addi %mul3A_10, %add3A_11 : i32
    "tpu.region"() ({
      %run_scoped3A_299 = tpu.sem_alloc : memref<!tpu.dma_semaphore, #tpu.memory_space<semaphore_mem>>
      %dma_start3A_300 = arith.constant 0 : i32
      %dma_start3A_301 = tpu.memref_slice %arg13[%add3A_12, %dma_start3A_300] : memref<10240x48xf32, #tpu.memory_space<vmem_shared>> -> memref<128x48xf32, #tpu.memory_space<vmem_shared>>
      %dma_start3A_302 = arith.constant 0 : i32
      %dma_start3A_303 = tpu.memref_slice %arg13[%add3A_12, %dma_start3A_302] : memref<10240x48xf32, #tpu.memory_space<vmem_shared>> -> memref<128x48xf32, #tpu.memory_space<vmem_shared>>
      tpu.enqueue_dma source(%arg8 : memref<128x48xf32, #tpu.memory_space<vmem>>) target(%dma_start3A_303 : memref<128x48xf32, #tpu.memory_space<vmem_shared>>) target_semaphore(%run_scoped3A_299 : memref<!tpu.dma_semaphore, #tpu.memory_space<semaphore_mem>>)
      %dma_wait3A_304 = arith.constant 0 : i32
      %dma_wait3A_305 = tpu.memref_slice %arg13[%add3A_12, %dma_wait3A_304] : memref<10240x48xf32, #tpu.memory_space<vmem_shared>> -> memref<128x48xf32, #tpu.memory_space<vmem_shared>>
      %dma_wait3A_306 = arith.constant 0 : i32
      %dma_wait3A_307 = tpu.memref_slice %arg13[%add3A_12, %dma_wait3A_306] : memref<10240x48xf32, #tpu.memory_space<vmem_shared>> -> memref<128x48xf32, #tpu.memory_space<vmem_shared>>
      tpu.wait_dma2 semaphore(%run_scoped3A_299 : memref<!tpu.dma_semaphore, #tpu.memory_space<semaphore_mem>>) src(%arg8 : memref<128x48xf32, #tpu.memory_space<vmem>>) dst(%dma_wait3A_307 : memref<128x48xf32, #tpu.memory_space<vmem_shared>>)
      tpu.yield
    }) : () -> ()
    %mul3A_13 = arith.constant 640 : i32
    %mul3A_14 = arith.muli %arg1, %mul3A_13 : i32
    %add3A_15 = arith.constant 128 : i32
    %add3A_16 = arith.addi %mul3A_14, %add3A_15 : i32
    "tpu.region"() ({
      %run_scoped3A_299 = tpu.sem_alloc : memref<!tpu.dma_semaphore, #tpu.memory_space<semaphore_mem>>
      %dma_start3A_300 = arith.constant 0 : i32
      %dma_start3A_301 = tpu.memref_slice %arg13[%add3A_16, %dma_start3A_300] : memref<10240x48xf32, #tpu.memory_space<vmem_shared>> -> memref<128x48xf32, #tpu.memory_space<vmem_shared>>
      %dma_start3A_302 = arith.constant 0 : i32
      %dma_start3A_303 = tpu.memref_slice %arg13[%add3A_16, %dma_start3A_302] : memref<10240x48xf32, #tpu.memory_space<vmem_shared>> -> memref<128x48xf32, #tpu.memory_space<vmem_shared>>
      tpu.enqueue_dma source(%arg8 : memref<128x48xf32, #tpu.memory_space<vmem>>) target(%dma_start3A_303 : memref<128x48xf32, #tpu.memory_space<vmem_shared>>) target_semaphore(%run_scoped3A_299 : memref<!tpu.dma_semaphore, #tpu.memory_space<semaphore_mem>>)
      %dma_wait3A_304 = arith.constant 0 : i32
      %dma_wait3A_305 = tpu.memref_slice %arg13[%add3A_16, %dma_wait3A_304] : memref<10240x48xf32, #tpu.memory_space<vmem_shared>> -> memref<128x48xf32, #tpu.memory_space<vmem_shared>>
      %dma_wait3A_306 = arith.constant 0 : i32
      %dma_wait3A_307 = tpu.memref_slice %arg13[%add3A_16, %dma_wait3A_306] : memref<10240x48xf32, #tpu.memory_space<vmem_shared>> -> memref<128x48xf32, #tpu.memory_space<vmem_shared>>
      tpu.wait_dma2 semaphore(%run_scoped3A_299 : memref<!tpu.dma_semaphore, #tpu.memory_space<semaphore_mem>>) src(%arg8 : memref<128x48xf32, #tpu.memory_space<vmem>>) dst(%dma_wait3A_307 : memref<128x48xf32, #tpu.memory_space<vmem_shared>>)
      tpu.yield
    }) : () -> ()
    %mul3A_17 = arith.constant 640 : i32
    %mul3A_18 = arith.muli %arg1, %mul3A_17 : i32
    %add3A_19 = arith.constant 256 : i32
    %add3A_20 = arith.addi %mul3A_18, %add3A_19 : i32
    "tpu.region"() ({
      %run_scoped3A_299 = tpu.sem_alloc : memref<!tpu.dma_semaphore, #tpu.memory_space<semaphore_mem>>
      %dma_start3A_300 = arith.constant 0 : i32
      %dma_start3A_301 = tpu.memref_slice %arg13[%add3A_20, %dma_start3A_300] : memref<10240x48xf32, #tpu.memory_space<vmem_shared>> -> memref<128x48xf32, #tpu.memory_space<vmem_shared>>
      %dma_start3A_302 = arith.constant 0 : i32
      %dma_start3A_303 = tpu.memref_slice %arg13[%add3A_20, %dma_start3A_302] : memref<10240x48xf32, #tpu.memory_space<vmem_shared>> -> memref<128x48xf32, #tpu.memory_space<vmem_shared>>
      tpu.enqueue_dma source(%arg8 : memref<128x48xf32, #tpu.memory_space<vmem>>) target(%dma_start3A_303 : memref<128x48xf32, #tpu.memory_space<vmem_shared>>) target_semaphore(%run_scoped3A_299 : memref<!tpu.dma_semaphore, #tpu.memory_space<semaphore_mem>>)
      %dma_wait3A_304 = arith.constant 0 : i32
      %dma_wait3A_305 = tpu.memref_slice %arg13[%add3A_20, %dma_wait3A_304] : memref<10240x48xf32, #tpu.memory_space<vmem_shared>> -> memref<128x48xf32, #tpu.memory_space<vmem_shared>>
      %dma_wait3A_306 = arith.constant 0 : i32
      %dma_wait3A_307 = tpu.memref_slice %arg13[%add3A_20, %dma_wait3A_306] : memref<10240x48xf32, #tpu.memory_space<vmem_shared>> -> memref<128x48xf32, #tpu.memory_space<vmem_shared>>
      tpu.wait_dma2 semaphore(%run_scoped3A_299 : memref<!tpu.dma_semaphore, #tpu.memory_space<semaphore_mem>>) src(%arg8 : memref<128x48xf32, #tpu.memory_space<vmem>>) dst(%dma_wait3A_307 : memref<128x48xf32, #tpu.memory_space<vmem_shared>>)
      tpu.yield
    }) : () -> ()
    %mul3A_21 = arith.constant 640 : i32
    %mul3A_22 = arith.muli %arg1, %mul3A_21 : i32
    %add3A_23 = arith.constant 384 : i32
    %add3A_24 = arith.addi %mul3A_22, %add3A_23 : i32
    "tpu.region"() ({
      %run_scoped3A_299 = tpu.sem_alloc : memref<!tpu.dma_semaphore, #tpu.memory_space<semaphore_mem>>
      %dma_start3A_300 = arith.constant 0 : i32
      %dma_start3A_301 = tpu.memref_slice %arg13[%add3A_24, %dma_start3A_300] : memref<10240x48xf32, #tpu.memory_space<vmem_shared>> -> memref<128x48xf32, #tpu.memory_space<vmem_shared>>
      %dma_start3A_302 = arith.constant 0 : i32
      %dma_start3A_303 = tpu.memref_slice %arg13[%add3A_24, %dma_start3A_302] : memref<10240x48xf32, #tpu.memory_space<vmem_shared>> -> memref<128x48xf32, #tpu.memory_space<vmem_shared>>
      tpu.enqueue_dma source(%arg8 : memref<128x48xf32, #tpu.memory_space<vmem>>) target(%dma_start3A_303 : memref<128x48xf32, #tpu.memory_space<vmem_shared>>) target_semaphore(%run_scoped3A_299 : memref<!tpu.dma_semaphore, #tpu.memory_space<semaphore_mem>>)
      %dma_wait3A_304 = arith.constant 0 : i32
      %dma_wait3A_305 = tpu.memref_slice %arg13[%add3A_24, %dma_wait3A_304] : memref<10240x48xf32, #tpu.memory_space<vmem_shared>> -> memref<128x48xf32, #tpu.memory_space<vmem_shared>>
      %dma_wait3A_306 = arith.constant 0 : i32
      %dma_wait3A_307 = tpu.memref_slice %arg13[%add3A_24, %dma_wait3A_306] : memref<10240x48xf32, #tpu.memory_space<vmem_shared>> -> memref<128x48xf32, #tpu.memory_space<vmem_shared>>
      tpu.wait_dma2 semaphore(%run_scoped3A_299 : memref<!tpu.dma_semaphore, #tpu.memory_space<semaphore_mem>>) src(%arg8 : memref<128x48xf32, #tpu.memory_space<vmem>>) dst(%dma_wait3A_307 : memref<128x48xf32, #tpu.memory_space<vmem_shared>>)
      tpu.yield
    }) : () -> ()
    %mul3A_25 = arith.constant 640 : i32
    %mul3A_26 = arith.muli %arg1, %mul3A_25 : i32
    %add3A_27 = arith.constant 512 : i32
    %add3A_28 = arith.addi %mul3A_26, %add3A_27 : i32
    "tpu.region"() ({
      %run_scoped3A_299 = tpu.sem_alloc : memref<!tpu.dma_semaphore, #tpu.memory_space<semaphore_mem>>
      %dma_start3A_300 = arith.constant 0 : i32
      %dma_start3A_301 = tpu.memref_slice %arg13[%add3A_28, %dma_start3A_300] : memref<10240x48xf32, #tpu.memory_space<vmem_shared>> -> memref<128x48xf32, #tpu.memory_space<vmem_shared>>
      %dma_start3A_302 = arith.constant 0 : i32
      %dma_start3A_303 = tpu.memref_slice %arg13[%add3A_28, %dma_start3A_302] : memref<10240x48xf32, #tpu.memory_space<vmem_shared>> -> memref<128x48xf32, #tpu.memory_space<vmem_shared>>
      tpu.enqueue_dma source(%arg8 : memref<128x48xf32, #tpu.memory_space<vmem>>) target(%dma_start3A_303 : memref<128x48xf32, #tpu.memory_space<vmem_shared>>) target_semaphore(%run_scoped3A_299 : memref<!tpu.dma_semaphore, #tpu.memory_space<semaphore_mem>>)
      %dma_wait3A_304 = arith.constant 0 : i32
      %dma_wait3A_305 = tpu.memref_slice %arg13[%add3A_28, %dma_wait3A_304] : memref<10240x48xf32, #tpu.memory_space<vmem_shared>> -> memref<128x48xf32, #tpu.memory_space<vmem_shared>>
      %dma_wait3A_306 = arith.constant 0 : i32
      %dma_wait3A_307 = tpu.memref_slice %arg13[%add3A_28, %dma_wait3A_306] : memref<10240x48xf32, #tpu.memory_space<vmem_shared>> -> memref<128x48xf32, #tpu.memory_space<vmem_shared>>
      tpu.wait_dma2 semaphore(%run_scoped3A_299 : memref<!tpu.dma_semaphore, #tpu.memory_space<semaphore_mem>>) src(%arg8 : memref<128x48xf32, #tpu.memory_space<vmem>>) dst(%dma_wait3A_307 : memref<128x48xf32, #tpu.memory_space<vmem_shared>>)
      tpu.yield
    }) : () -> ()
    %barrier3A = arith.constant 0 : index
    tpu.barrier barrier_id(%barrier3A)
    %dma_start3A = arith.constant 0 : i32
    %dma_start3A_29 = arith.constant 0 : i32
    %dma_start3A_30 = tpu.memref_slice %arg6[%dma_start3A, %dma_start3A_29] : memref<84x128xi32, #tpu.memory_space<vmem>> -> memref<1x128xi32, #tpu.memory_space<vmem>>
    %dma_start3A_31 = tpu.memref_squeeze %dma_start3A_30 : memref<1x128xi32, #tpu.memory_space<vmem>> -> memref<128xi32, #tpu.memory_space<vmem>>
    %dma_start3A_32 = arith.constant 0 : i32
    %dma_start3A_33 = arith.constant 0 : i32
    %dma_start3A_34 = tpu.memref_slice %arg12[%dma_start3A_32, %dma_start3A_33] : memref<10240x48xf32, #tpu.memory_space<vmem_shared>> -> memref<10240x48xf32, #tpu.memory_space<vmem_shared>>
    tpu.enqueue_indirect_dma source(%dma_start3A_34 : memref<10240x48xf32, #tpu.memory_space<vmem_shared>>) target(%arg8 : memref<128x48xf32, #tpu.memory_space<vmem>>) offsets(%dma_start3A_31 : memref<128xi32, #tpu.memory_space<vmem>>) semaphore(%arg14 : memref<!tpu.dma_semaphore, #tpu.memory_space<semaphore_mem>>)
    %dma_start3A_35 = arith.constant 1 : i32
    %dma_start3A_36 = arith.constant 0 : i32
    %dma_start3A_37 = tpu.memref_slice %arg6[%dma_start3A_35, %dma_start3A_36] : memref<84x128xi32, #tpu.memory_space<vmem>> -> memref<1x128xi32, #tpu.memory_space<vmem>>
    %dma_start3A_38 = tpu.memref_squeeze %dma_start3A_37 : memref<1x128xi32, #tpu.memory_space<vmem>> -> memref<128xi32, #tpu.memory_space<vmem>>
    %dma_start3A_39 = arith.constant 0 : i32
    %dma_start3A_40 = arith.constant 0 : i32
    %dma_start3A_41 = tpu.memref_slice %arg12[%dma_start3A_39, %dma_start3A_40] : memref<10240x48xf32, #tpu.memory_space<vmem_shared>> -> memref<10240x48xf32, #tpu.memory_space<vmem_shared>>
    tpu.enqueue_indirect_dma source(%dma_start3A_41 : memref<10240x48xf32, #tpu.memory_space<vmem_shared>>) target(%arg9 : memref<128x48xf32, #tpu.memory_space<vmem>>) offsets(%dma_start3A_38 : memref<128xi32, #tpu.memory_space<vmem>>) semaphore(%arg15 : memref<!tpu.dma_semaphore, #tpu.memory_space<semaphore_mem>>)
    %dma_start3A_42 = arith.constant 2 : i32
    %dma_start3A_43 = arith.constant 0 : i32
    %dma_start3A_44 = tpu.memref_slice %arg6[%dma_start3A_42, %dma_start3A_43] : memref<84x128xi32, #tpu.memory_space<vmem>> -> memref<1x128xi32, #tpu.memory_space<vmem>>
    %dma_start3A_45 = tpu.memref_squeeze %dma_start3A_44 : memref<1x128xi32, #tpu.memory_space<vmem>> -> memref<128xi32, #tpu.memory_space<vmem>>
    %dma_start3A_46 = arith.constant 0 : i32
    %dma_start3A_47 = arith.constant 0 : i32
    %dma_start3A_48 = tpu.memref_slice %arg12[%dma_start3A_46, %dma_start3A_47] : memref<10240x48xf32, #tpu.memory_space<vmem_shared>> -> memref<10240x48xf32, #tpu.memory_space<vmem_shared>>
    tpu.enqueue_indirect_dma source(%dma_start3A_48 : memref<10240x48xf32, #tpu.memory_space<vmem_shared>>) target(%arg10 : memref<128x48xf32, #tpu.memory_space<vmem>>) offsets(%dma_start3A_45 : memref<128xi32, #tpu.memory_space<vmem>>) semaphore(%arg16 : memref<!tpu.dma_semaphore, #tpu.memory_space<semaphore_mem>>)
    %dma_start3A_49 = arith.constant 3 : i32
    %dma_start3A_50 = arith.constant 0 : i32
    %dma_start3A_51 = tpu.memref_slice %arg6[%dma_start3A_49, %dma_start3A_50] : memref<84x128xi32, #tpu.memory_space<vmem>> -> memref<1x128xi32, #tpu.memory_space<vmem>>
    %dma_start3A_52 = tpu.memref_squeeze %dma_start3A_51 : memref<1x128xi32, #tpu.memory_space<vmem>> -> memref<128xi32, #tpu.memory_space<vmem>>
    %dma_start3A_53 = arith.constant 0 : i32
    %dma_start3A_54 = arith.constant 0 : i32
    %dma_start3A_55 = tpu.memref_slice %arg12[%dma_start3A_53, %dma_start3A_54] : memref<10240x48xf32, #tpu.memory_space<vmem_shared>> -> memref<10240x48xf32, #tpu.memory_space<vmem_shared>>
    tpu.enqueue_indirect_dma source(%dma_start3A_55 : memref<10240x48xf32, #tpu.memory_space<vmem_shared>>) target(%arg11 : memref<128x48xf32, #tpu.memory_space<vmem>>) offsets(%dma_start3A_52 : memref<128xi32, #tpu.memory_space<vmem>>) semaphore(%arg17 : memref<!tpu.dma_semaphore, #tpu.memory_space<semaphore_mem>>)
    %scan3A_56 = arith.constant 0 : i32
    %scan3A_57 = arith.constant 20 : i32
    %scan3A_58 = arith.addi %scan3A_56, %scan3A_57 : i32
    %scan3A_59 = arith.constant 1 : i32
    scf.for %scan3A_299 = %scan3A_56 to %scan3A_58 step %scan3A_59  : i32 {
      %mul3A_300 = arith.constant 4 : i32
      %mul3A_301 = arith.muli %scan3A_299, %mul3A_300 : i32
      %add3A_302 = arith.constant 0 : i32
      %add3A_303 = arith.addi %add3A_302, %mul3A_301 : i32
      %add3A_304 = arith.constant 0 : i32
      %add3A_305 = arith.addi %add3A_303, %add3A_304 : i32
      %dma_wait3A_306 = arith.constant 0 : i32
      %dma_wait3A_307 = tpu.memref_slice %arg6[%add3A_305, %dma_wait3A_306] : memref<84x128xi32, #tpu.memory_space<vmem>> -> memref<1x128xi32, #tpu.memory_space<vmem>>
      %dma_wait3A_308 = tpu.memref_squeeze %dma_wait3A_307 : memref<1x128xi32, #tpu.memory_space<vmem>> -> memref<128xi32, #tpu.memory_space<vmem>>
      %dma_wait3A_309 = arith.constant 0 : i32
      %dma_wait3A_310 = arith.constant 0 : i32
      %dma_wait3A_311 = tpu.memref_slice %arg12[%dma_wait3A_309, %dma_wait3A_310] : memref<10240x48xf32, #tpu.memory_space<vmem_shared>> -> memref<10240x48xf32, #tpu.memory_space<vmem_shared>>
      tpu.wait_indirect_dma semaphore(%arg14 : memref<!tpu.dma_semaphore, #tpu.memory_space<semaphore_mem>>) src(%dma_wait3A_311 : memref<10240x48xf32, #tpu.memory_space<vmem_shared>>) dst(%arg8 : memref<128x48xf32, #tpu.memory_space<vmem>>)
      %add3A_312 = arith.constant 0 : i32
      %add3A_313 = arith.addi %add3A_303, %add3A_312 : i32
      %dma_start3A_314 = arith.constant 0 : i32
      %dma_start3A_315 = tpu.memref_slice %arg7[%add3A_313, %dma_start3A_314] : memref<84x128xi32, #tpu.memory_space<vmem>> -> memref<1x128xi32, #tpu.memory_space<vmem>>
      %dma_start3A_316 = tpu.memref_squeeze %dma_start3A_315 : memref<1x128xi32, #tpu.memory_space<vmem>> -> memref<128xi32, #tpu.memory_space<vmem>>
      %dma_start3A_317 = arith.constant 0 : i32
      %dma_start3A_318 = arith.constant 0 : i32
      %dma_start3A_319 = tpu.memref_slice %arg13[%dma_start3A_317, %dma_start3A_318] : memref<10240x48xf32, #tpu.memory_space<vmem_shared>> -> memref<10240x48xf32, #tpu.memory_space<vmem_shared>>
      tpu.enqueue_indirect_dma source(%arg8 : memref<128x48xf32, #tpu.memory_space<vmem>>) target(%dma_start3A_319 : memref<10240x48xf32, #tpu.memory_space<vmem_shared>>) offsets(%dma_start3A_316 : memref<128xi32, #tpu.memory_space<vmem>>) semaphore(%arg18 : memref<!tpu.dma_semaphore, #tpu.memory_space<semaphore_mem>>) {add = true}
      %add3A_320 = arith.constant 0 : i32
      %add3A_321 = arith.addi %add3A_303, %add3A_320 : i32
      %dma_wait3A_322 = arith.constant 0 : i32
      %dma_wait3A_323 = tpu.memref_slice %arg7[%add3A_321, %dma_wait3A_322] : memref<84x128xi32, #tpu.memory_space<vmem>> -> memref<1x128xi32, #tpu.memory_space<vmem>>
      %dma_wait3A_324 = tpu.memref_squeeze %dma_wait3A_323 : memref<1x128xi32, #tpu.memory_space<vmem>> -> memref<128xi32, #tpu.memory_space<vmem>>
      %dma_wait3A_325 = arith.constant 0 : i32
      %dma_wait3A_326 = arith.constant 0 : i32
      %dma_wait3A_327 = tpu.memref_slice %arg13[%dma_wait3A_325, %dma_wait3A_326] : memref<10240x48xf32, #tpu.memory_space<vmem_shared>> -> memref<10240x48xf32, #tpu.memory_space<vmem_shared>>
      tpu.wait_indirect_dma semaphore(%arg18 : memref<!tpu.dma_semaphore, #tpu.memory_space<semaphore_mem>>) src(%arg8 : memref<128x48xf32, #tpu.memory_space<vmem>>) dst(%dma_wait3A_327 : memref<10240x48xf32, #tpu.memory_space<vmem_shared>>)
      %add3A_328 = arith.constant 0 : i32
      %add3A_329 = arith.addi %add3A_303, %add3A_328 : i32
      %add3A_330 = arith.constant 4 : i32
      %add3A_331 = arith.addi %add3A_329, %add3A_330 : i32
      %dma_start3A_332 = arith.constant 0 : i32
      %dma_start3A_333 = tpu.memref_slice %arg6[%add3A_331, %dma_start3A_332] : memref<84x128xi32, #tpu.memory_space<vmem>> -> memref<1x128xi32, #tpu.memory_space<vmem>>
      %dma_start3A_334 = tpu.memref_squeeze %dma_start3A_333 : memref<1x128xi32, #tpu.memory_space<vmem>> -> memref<128xi32, #tpu.memory_space<vmem>>
      %dma_start3A_335 = arith.constant 0 : i32
      %dma_start3A_336 = arith.constant 0 : i32
      %dma_start3A_337 = tpu.memref_slice %arg12[%dma_start3A_335, %dma_start3A_336] : memref<10240x48xf32, #tpu.memory_space<vmem_shared>> -> memref<10240x48xf32, #tpu.memory_space<vmem_shared>>
      tpu.enqueue_indirect_dma source(%dma_start3A_337 : memref<10240x48xf32, #tpu.memory_space<vmem_shared>>) target(%arg8 : memref<128x48xf32, #tpu.memory_space<vmem>>) offsets(%dma_start3A_334 : memref<128xi32, #tpu.memory_space<vmem>>) semaphore(%arg14 : memref<!tpu.dma_semaphore, #tpu.memory_space<semaphore_mem>>)
      %add3A_338 = arith.constant 1 : i32
      %add3A_339 = arith.addi %add3A_303, %add3A_338 : i32
      %dma_wait3A_340 = arith.constant 0 : i32
      %dma_wait3A_341 = tpu.memref_slice %arg6[%add3A_339, %dma_wait3A_340] : memref<84x128xi32, #tpu.memory_space<vmem>> -> memref<1x128xi32, #tpu.memory_space<vmem>>
      %dma_wait3A_342 = tpu.memref_squeeze %dma_wait3A_341 : memref<1x128xi32, #tpu.memory_space<vmem>> -> memref<128xi32, #tpu.memory_space<vmem>>
      %dma_wait3A_343 = arith.constant 0 : i32
      %dma_wait3A_344 = arith.constant 0 : i32
      %dma_wait3A_345 = tpu.memref_slice %arg12[%dma_wait3A_343, %dma_wait3A_344] : memref<10240x48xf32, #tpu.memory_space<vmem_shared>> -> memref<10240x48xf32, #tpu.memory_space<vmem_shared>>
      tpu.wait_indirect_dma semaphore(%arg15 : memref<!tpu.dma_semaphore, #tpu.memory_space<semaphore_mem>>) src(%dma_wait3A_345 : memref<10240x48xf32, #tpu.memory_space<vmem_shared>>) dst(%arg9 : memref<128x48xf32, #tpu.memory_space<vmem>>)
      %add3A_346 = arith.constant 1 : i32
      %add3A_347 = arith.addi %add3A_303, %add3A_346 : i32
      %dma_start3A_348 = arith.constant 0 : i32
      %dma_start3A_349 = tpu.memref_slice %arg7[%add3A_347, %dma_start3A_348] : memref<84x128xi32, #tpu.memory_space<vmem>> -> memref<1x128xi32, #tpu.memory_space<vmem>>
      %dma_start3A_350 = tpu.memref_squeeze %dma_start3A_349 : memref<1x128xi32, #tpu.memory_space<vmem>> -> memref<128xi32, #tpu.memory_space<vmem>>
      %dma_start3A_351 = arith.constant 0 : i32
      %dma_start3A_352 = arith.constant 0 : i32
      %dma_start3A_353 = tpu.memref_slice %arg13[%dma_start3A_351, %dma_start3A_352] : memref<10240x48xf32, #tpu.memory_space<vmem_shared>> -> memref<10240x48xf32, #tpu.memory_space<vmem_shared>>
      tpu.enqueue_indirect_dma source(%arg9 : memref<128x48xf32, #tpu.memory_space<vmem>>) target(%dma_start3A_353 : memref<10240x48xf32, #tpu.memory_space<vmem_shared>>) offsets(%dma_start3A_350 : memref<128xi32, #tpu.memory_space<vmem>>) semaphore(%arg19 : memref<!tpu.dma_semaphore, #tpu.memory_space<semaphore_mem>>) {add = true}
      %add3A_354 = arith.constant 1 : i32
      %add3A_355 = arith.addi %add3A_303, %add3A_354 : i32
      %dma_wait3A_356 = arith.constant 0 : i32
      %dma_wait3A_357 = tpu.memref_slice %arg7[%add3A_355, %dma_wait3A_356] : memref<84x128xi32, #tpu.memory_space<vmem>> -> memref<1x128xi32, #tpu.memory_space<vmem>>
      %dma_wait3A_358 = tpu.memref_squeeze %dma_wait3A_357 : memref<1x128xi32, #tpu.memory_space<vmem>> -> memref<128xi32, #tpu.memory_space<vmem>>
      %dma_wait3A_359 = arith.constant 0 : i32
      %dma_wait3A_360 = arith.constant 0 : i32
      %dma_wait3A_361 = tpu.memref_slice %arg13[%dma_wait3A_359, %dma_wait3A_360] : memref<10240x48xf32, #tpu.memory_space<vmem_shared>> -> memref<10240x48xf32, #tpu.memory_space<vmem_shared>>
      tpu.wait_indirect_dma semaphore(%arg19 : memref<!tpu.dma_semaphore, #tpu.memory_space<semaphore_mem>>) src(%arg9 : memref<128x48xf32, #tpu.memory_space<vmem>>) dst(%dma_wait3A_361 : memref<10240x48xf32, #tpu.memory_space<vmem_shared>>)
      %add3A_362 = arith.constant 1 : i32
      %add3A_363 = arith.addi %add3A_303, %add3A_362 : i32
      %add3A_364 = arith.constant 4 : i32
      %add3A_365 = arith.addi %add3A_363, %add3A_364 : i32
      %dma_start3A_366 = arith.constant 0 : i32
      %dma_start3A_367 = tpu.memref_slice %arg6[%add3A_365, %dma_start3A_366] : memref<84x128xi32, #tpu.memory_space<vmem>> -> memref<1x128xi32, #tpu.memory_space<vmem>>
      %dma_start3A_368 = tpu.memref_squeeze %dma_start3A_367 : memref<1x128xi32, #tpu.memory_space<vmem>> -> memref<128xi32, #tpu.memory_space<vmem>>
      %dma_start3A_369 = arith.constant 0 : i32
      %dma_start3A_370 = arith.constant 0 : i32
      %dma_start3A_371 = tpu.memref_slice %arg12[%dma_start3A_369, %dma_start3A_370] : memref<10240x48xf32, #tpu.memory_space<vmem_shared>> -> memref<10240x48xf32, #tpu.memory_space<vmem_shared>>
      tpu.enqueue_indirect_dma source(%dma_start3A_371 : memref<10240x48xf32, #tpu.memory_space<vmem_shared>>) target(%arg9 : memref<128x48xf32, #tpu.memory_space<vmem>>) offsets(%dma_start3A_368 : memref<128xi32, #tpu.memory_space<vmem>>) semaphore(%arg15 : memref<!tpu.dma_semaphore, #tpu.memory_space<semaphore_mem>>)
      %add3A_372 = arith.constant 2 : i32
      %add3A_373 = arith.addi %add3A_303, %add3A_372 : i32
      %dma_wait3A_374 = arith.constant 0 : i32
      %dma_wait3A_375 = tpu.memref_slice %arg6[%add3A_373, %dma_wait3A_374] : memref<84x128xi32, #tpu.memory_space<vmem>> -> memref<1x128xi32, #tpu.memory_space<vmem>>
      %dma_wait3A_376 = tpu.memref_squeeze %dma_wait3A_375 : memref<1x128xi32, #tpu.memory_space<vmem>> -> memref<128xi32, #tpu.memory_space<vmem>>
      %dma_wait3A_377 = arith.constant 0 : i32
      %dma_wait3A_378 = arith.constant 0 : i32
      %dma_wait3A_379 = tpu.memref_slice %arg12[%dma_wait3A_377, %dma_wait3A_378] : memref<10240x48xf32, #tpu.memory_space<vmem_shared>> -> memref<10240x48xf32, #tpu.memory_space<vmem_shared>>
      tpu.wait_indirect_dma semaphore(%arg16 : memref<!tpu.dma_semaphore, #tpu.memory_space<semaphore_mem>>) src(%dma_wait3A_379 : memref<10240x48xf32, #tpu.memory_space<vmem_shared>>) dst(%arg10 : memref<128x48xf32, #tpu.memory_space<vmem>>)
      %add3A_380 = arith.constant 2 : i32
      %add3A_381 = arith.addi %add3A_303, %add3A_380 : i32
      %dma_start3A_382 = arith.constant 0 : i32
      %dma_start3A_383 = tpu.memref_slice %arg7[%add3A_381, %dma_start3A_382] : memref<84x128xi32, #tpu.memory_space<vmem>> -> memref<1x128xi32, #tpu.memory_space<vmem>>
      %dma_start3A_384 = tpu.memref_squeeze %dma_start3A_383 : memref<1x128xi32, #tpu.memory_space<vmem>> -> memref<128xi32, #tpu.memory_space<vmem>>
      %dma_start3A_385 = arith.constant 0 : i32
      %dma_start3A_386 = arith.constant 0 : i32
      %dma_start3A_387 = tpu.memref_slice %arg13[%dma_start3A_385, %dma_start3A_386] : memref<10240x48xf32, #tpu.memory_space<vmem_shared>> -> memref<10240x48xf32, #tpu.memory_space<vmem_shared>>
      tpu.enqueue_indirect_dma source(%arg10 : memref<128x48xf32, #tpu.memory_space<vmem>>) target(%dma_start3A_387 : memref<10240x48xf32, #tpu.memory_space<vmem_shared>>) offsets(%dma_start3A_384 : memref<128xi32, #tpu.memory_space<vmem>>) semaphore(%arg20 : memref<!tpu.dma_semaphore, #tpu.memory_space<semaphore_mem>>) {add = true}
      %add3A_388 = arith.constant 2 : i32
      %add3A_389 = arith.addi %add3A_303, %add3A_388 : i32
      %dma_wait3A_390 = arith.constant 0 : i32
      %dma_wait3A_391 = tpu.memref_slice %arg7[%add3A_389, %dma_wait3A_390] : memref<84x128xi32, #tpu.memory_space<vmem>> -> memref<1x128xi32, #tpu.memory_space<vmem>>
      %dma_wait3A_392 = tpu.memref_squeeze %dma_wait3A_391 : memref<1x128xi32, #tpu.memory_space<vmem>> -> memref<128xi32, #tpu.memory_space<vmem>>
      %dma_wait3A_393 = arith.constant 0 : i32
      %dma_wait3A_394 = arith.constant 0 : i32
      %dma_wait3A_395 = tpu.memref_slice %arg13[%dma_wait3A_393, %dma_wait3A_394] : memref<10240x48xf32, #tpu.memory_space<vmem_shared>> -> memref<10240x48xf32, #tpu.memory_space<vmem_shared>>
      tpu.wait_indirect_dma semaphore(%arg20 : memref<!tpu.dma_semaphore, #tpu.memory_space<semaphore_mem>>) src(%arg10 : memref<128x48xf32, #tpu.memory_space<vmem>>) dst(%dma_wait3A_395 : memref<10240x48xf32, #tpu.memory_space<vmem_shared>>)
      %add3A_396 = arith.constant 2 : i32
      %add3A_397 = arith.addi %add3A_303, %add3A_396 : i32
      %add3A_398 = arith.constant 4 : i32
      %add3A_399 = arith.addi %add3A_397, %add3A_398 : i32
      %dma_start3A_400 = arith.constant 0 : i32
      %dma_start3A_401 = tpu.memref_slice %arg6[%add3A_399, %dma_start3A_400] : memref<84x128xi32, #tpu.memory_space<vmem>> -> memref<1x128xi32, #tpu.memory_space<vmem>>
      %dma_start3A_402 = tpu.memref_squeeze %dma_start3A_401 : memref<1x128xi32, #tpu.memory_space<vmem>> -> memref<128xi32, #tpu.memory_space<vmem>>
      %dma_start3A_403 = arith.constant 0 : i32
      %dma_start3A_404 = arith.constant 0 : i32
      %dma_start3A_405 = tpu.memref_slice %arg12[%dma_start3A_403, %dma_start3A_404] : memref<10240x48xf32, #tpu.memory_space<vmem_shared>> -> memref<10240x48xf32, #tpu.memory_space<vmem_shared>>
      tpu.enqueue_indirect_dma source(%dma_start3A_405 : memref<10240x48xf32, #tpu.memory_space<vmem_shared>>) target(%arg10 : memref<128x48xf32, #tpu.memory_space<vmem>>) offsets(%dma_start3A_402 : memref<128xi32, #tpu.memory_space<vmem>>) semaphore(%arg16 : memref<!tpu.dma_semaphore, #tpu.memory_space<semaphore_mem>>)
      %add3A_406 = arith.constant 3 : i32
      %add3A_407 = arith.addi %add3A_303, %add3A_406 : i32
      %dma_wait3A_408 = arith.constant 0 : i32
      %dma_wait3A_409 = tpu.memref_slice %arg6[%add3A_407, %dma_wait3A_408] : memref<84x128xi32, #tpu.memory_space<vmem>> -> memref<1x128xi32, #tpu.memory_space<vmem>>
      %dma_wait3A_410 = tpu.memref_squeeze %dma_wait3A_409 : memref<1x128xi32, #tpu.memory_space<vmem>> -> memref<128xi32, #tpu.memory_space<vmem>>
      %dma_wait3A_411 = arith.constant 0 : i32
      %dma_wait3A_412 = arith.constant 0 : i32
      %dma_wait3A_413 = tpu.memref_slice %arg12[%dma_wait3A_411, %dma_wait3A_412] : memref<10240x48xf32, #tpu.memory_space<vmem_shared>> -> memref<10240x48xf32, #tpu.memory_space<vmem_shared>>
      tpu.wait_indirect_dma semaphore(%arg17 : memref<!tpu.dma_semaphore, #tpu.memory_space<semaphore_mem>>) src(%dma_wait3A_413 : memref<10240x48xf32, #tpu.memory_space<vmem_shared>>) dst(%arg11 : memref<128x48xf32, #tpu.memory_space<vmem>>)
      %add3A_414 = arith.constant 3 : i32
      %add3A_415 = arith.addi %add3A_303, %add3A_414 : i32
      %dma_start3A_416 = arith.constant 0 : i32
      %dma_start3A_417 = tpu.memref_slice %arg7[%add3A_415, %dma_start3A_416] : memref<84x128xi32, #tpu.memory_space<vmem>> -> memref<1x128xi32, #tpu.memory_space<vmem>>
      %dma_start3A_418 = tpu.memref_squeeze %dma_start3A_417 : memref<1x128xi32, #tpu.memory_space<vmem>> -> memref<128xi32, #tpu.memory_space<vmem>>
      %dma_start3A_419 = arith.constant 0 : i32
      %dma_start3A_420 = arith.constant 0 : i32
      %dma_start3A_421 = tpu.memref_slice %arg13[%dma_start3A_419, %dma_start3A_420] : memref<10240x48xf32, #tpu.memory_space<vmem_shared>> -> memref<10240x48xf32, #tpu.memory_space<vmem_shared>>
      tpu.enqueue_indirect_dma source(%arg11 : memref<128x48xf32, #tpu.memory_space<vmem>>) target(%dma_start3A_421 : memref<10240x48xf32, #tpu.memory_space<vmem_shared>>) offsets(%dma_start3A_418 : memref<128xi32, #tpu.memory_space<vmem>>) semaphore(%arg21 : memref<!tpu.dma_semaphore, #tpu.memory_space<semaphore_mem>>) {add = true}
      %add3A_422 = arith.constant 3 : i32
      %add3A_423 = arith.addi %add3A_303, %add3A_422 : i32
      %dma_wait3A_424 = arith.constant 0 : i32
      %dma_wait3A_425 = tpu.memref_slice %arg7[%add3A_423, %dma_wait3A_424] : memref<84x128xi32, #tpu.memory_space<vmem>> -> memref<1x128xi32, #tpu.memory_space<vmem>>
      %dma_wait3A_426 = tpu.memref_squeeze %dma_wait3A_425 : memref<1x128xi32, #tpu.memory_space<vmem>> -> memref<128xi32, #tpu.memory_space<vmem>>
      %dma_wait3A_427 = arith.constant 0 : i32
      %dma_wait3A_428 = arith.constant 0 : i32
      %dma_wait3A_429 = tpu.memref_slice %arg13[%dma_wait3A_427, %dma_wait3A_428] : memref<10240x48xf32, #tpu.memory_space<vmem_shared>> -> memref<10240x48xf32, #tpu.memory_space<vmem_shared>>
      tpu.wait_indirect_dma semaphore(%arg21 : memref<!tpu.dma_semaphore, #tpu.memory_space<semaphore_mem>>) src(%arg11 : memref<128x48xf32, #tpu.memory_space<vmem>>) dst(%dma_wait3A_429 : memref<10240x48xf32, #tpu.memory_space<vmem_shared>>)
      %add3A_430 = arith.constant 3 : i32
      %add3A_431 = arith.addi %add3A_303, %add3A_430 : i32
      %add3A_432 = arith.constant 4 : i32
      %add3A_433 = arith.addi %add3A_431, %add3A_432 : i32
      %dma_start3A_434 = arith.constant 0 : i32
      %dma_start3A_435 = tpu.memref_slice %arg6[%add3A_433, %dma_start3A_434] : memref<84x128xi32, #tpu.memory_space<vmem>> -> memref<1x128xi32, #tpu.memory_space<vmem>>
      %dma_start3A_436 = tpu.memref_squeeze %dma_start3A_435 : memref<1x128xi32, #tpu.memory_space<vmem>> -> memref<128xi32, #tpu.memory_space<vmem>>
      %dma_start3A_437 = arith.constant 0 : i32
      %dma_start3A_438 = arith.constant 0 : i32
      %dma_start3A_439 = tpu.memref_slice %arg12[%dma_start3A_437, %dma_start3A_438] : memref<10240x48xf32, #tpu.memory_space<vmem_shared>> -> memref<10240x48xf32, #tpu.memory_space<vmem_shared>>
      tpu.enqueue_indirect_dma source(%dma_start3A_439 : memref<10240x48xf32, #tpu.memory_space<vmem_shared>>) target(%arg11 : memref<128x48xf32, #tpu.memory_space<vmem>>) offsets(%dma_start3A_436 : memref<128xi32, #tpu.memory_space<vmem>>) semaphore(%arg17 : memref<!tpu.dma_semaphore, #tpu.memory_space<semaphore_mem>>)
    }
    %scan3A_60 = arith.constant 20 : i32
    %dma_wait3A = arith.constant 80 : i32
    %dma_wait3A_61 = arith.constant 0 : i32
    %dma_wait3A_62 = tpu.memref_slice %arg6[%dma_wait3A, %dma_wait3A_61] : memref<84x128xi32, #tpu.memory_space<vmem>> -> memref<1x128xi32, #tpu.memory_space<vmem>>
    %dma_wait3A_63 = tpu.memref_squeeze %dma_wait3A_62 : memref<1x128xi32, #tpu.memory_space<vmem>> -> memref<128xi32, #tpu.memory_space<vmem>>
    %dma_wait3A_64 = arith.constant 0 : i32
    %dma_wait3A_65 = arith.constant 0 : i32
    %dma_wait3A_66 = tpu.memref_slice %arg12[%dma_wait3A_64, %dma_wait3A_65] : memref<10240x48xf32, #tpu.memory_space<vmem_shared>> -> memref<10240x48xf32, #tpu.memory_space<vmem_shared>>
    tpu.wait_indirect_dma semaphore(%arg14 : memref<!tpu.dma_semaphore, #tpu.memory_space<semaphore_mem>>) src(%dma_wait3A_66 : memref<10240x48xf32, #tpu.memory_space<vmem_shared>>) dst(%arg8 : memref<128x48xf32, #tpu.memory_space<vmem>>)
    %run_scoped3A = arith.constant 80 : i32
    "tpu.region"() ({
      %run_scoped3A_299 = tpu.sem_alloc : memref<!tpu.dma_semaphore, #tpu.memory_space<semaphore_mem>>
      %dma_start3A_300 = arith.constant 0 : i32
      %dma_start3A_301 = tpu.memref_slice %arg7[%run_scoped3A, %dma_start3A_300] : memref<84x128xi32, #tpu.memory_space<vmem>> -> memref<1x128xi32, #tpu.memory_space<vmem>>
      %dma_start3A_302 = tpu.memref_squeeze %dma_start3A_301 : memref<1x128xi32, #tpu.memory_space<vmem>> -> memref<128xi32, #tpu.memory_space<vmem>>
      %dma_start3A_303 = arith.constant 0 : i32
      %dma_start3A_304 = arith.constant 0 : i32
      %dma_start3A_305 = tpu.memref_slice %arg13[%dma_start3A_303, %dma_start3A_304] : memref<10240x48xf32, #tpu.memory_space<vmem_shared>> -> memref<10240x48xf32, #tpu.memory_space<vmem_shared>>
      tpu.enqueue_indirect_dma source(%arg8 : memref<128x48xf32, #tpu.memory_space<vmem>>) target(%dma_start3A_305 : memref<10240x48xf32, #tpu.memory_space<vmem_shared>>) offsets(%dma_start3A_302 : memref<128xi32, #tpu.memory_space<vmem>>) semaphore(%run_scoped3A_299 : memref<!tpu.dma_semaphore, #tpu.memory_space<semaphore_mem>>) {add = true}
      %dma_wait3A_306 = arith.constant 0 : i32
      %dma_wait3A_307 = tpu.memref_slice %arg7[%run_scoped3A, %dma_wait3A_306] : memref<84x128xi32, #tpu.memory_space<vmem>> -> memref<1x128xi32, #tpu.memory_space<vmem>>
      %dma_wait3A_308 = tpu.memref_squeeze %dma_wait3A_307 : memref<1x128xi32, #tpu.memory_space<vmem>> -> memref<128xi32, #tpu.memory_space<vmem>>
      %dma_wait3A_309 = arith.constant 0 : i32
      %dma_wait3A_310 = arith.constant 0 : i32
      %dma_wait3A_311 = tpu.memref_slice %arg13[%dma_wait3A_309, %dma_wait3A_310] : memref<10240x48xf32, #tpu.memory_space<vmem_shared>> -> memref<10240x48xf32, #tpu.memory_space<vmem_shared>>
      tpu.wait_indirect_dma semaphore(%run_scoped3A_299 : memref<!tpu.dma_semaphore, #tpu.memory_space<semaphore_mem>>) src(%arg8 : memref<128x48xf32, #tpu.memory_space<vmem>>) dst(%dma_wait3A_311 : memref<10240x48xf32, #tpu.memory_space<vmem_shared>>)
      tpu.yield
    }) : () -> ()
    %dma_wait3A_67 = arith.constant 81 : i32
    %dma_wait3A_68 = arith.constant 0 : i32
    %dma_wait3A_69 = tpu.memref_slice %arg6[%dma_wait3A_67, %dma_wait3A_68] : memref<84x128xi32, #tpu.memory_space<vmem>> -> memref<1x128xi32, #tpu.memory_space<vmem>>
    %dma_wait3A_70 = tpu.memref_squeeze %dma_wait3A_69 : memref<1x128xi32, #tpu.memory_space<vmem>> -> memref<128xi32, #tpu.memory_space<vmem>>
    %dma_wait3A_71 = arith.constant 0 : i32
    %dma_wait3A_72 = arith.constant 0 : i32
    %dma_wait3A_73 = tpu.memref_slice %arg12[%dma_wait3A_71, %dma_wait3A_72] : memref<10240x48xf32, #tpu.memory_space<vmem_shared>> -> memref<10240x48xf32, #tpu.memory_space<vmem_shared>>
    tpu.wait_indirect_dma semaphore(%arg15 : memref<!tpu.dma_semaphore, #tpu.memory_space<semaphore_mem>>) src(%dma_wait3A_73 : memref<10240x48xf32, #tpu.memory_space<vmem_shared>>) dst(%arg9 : memref<128x48xf32, #tpu.memory_space<vmem>>)
    %run_scoped3A_74 = arith.constant 81 : i32
    "tpu.region"() ({
      %run_scoped3A_299 = tpu.sem_alloc : memref<!tpu.dma_semaphore, #tpu.memory_space<semaphore_mem>>
      %dma_start3A_300 = arith.constant 0 : i32
      %dma_start3A_301 = tpu.memref_slice %arg7[%run_scoped3A_74, %dma_start3A_300] : memref<84x128xi32, #tpu.memory_space<vmem>> -> memref<1x128xi32, #tpu.memory_space<vmem>>
      %dma_start3A_302 = tpu.memref_squeeze %dma_start3A_301 : memref<1x128xi32, #tpu.memory_space<vmem>> -> memref<128xi32, #tpu.memory_space<vmem>>
      %dma_start3A_303 = arith.constant 0 : i32
      %dma_start3A_304 = arith.constant 0 : i32
      %dma_start3A_305 = tpu.memref_slice %arg13[%dma_start3A_303, %dma_start3A_304] : memref<10240x48xf32, #tpu.memory_space<vmem_shared>> -> memref<10240x48xf32, #tpu.memory_space<vmem_shared>>
      tpu.enqueue_indirect_dma source(%arg9 : memref<128x48xf32, #tpu.memory_space<vmem>>) target(%dma_start3A_305 : memref<10240x48xf32, #tpu.memory_space<vmem_shared>>) offsets(%dma_start3A_302 : memref<128xi32, #tpu.memory_space<vmem>>) semaphore(%run_scoped3A_299 : memref<!tpu.dma_semaphore, #tpu.memory_space<semaphore_mem>>) {add = true}
      %dma_wait3A_306 = arith.constant 0 : i32
      %dma_wait3A_307 = tpu.memref_slice %arg7[%run_scoped3A_74, %dma_wait3A_306] : memref<84x128xi32, #tpu.memory_space<vmem>> -> memref<1x128xi32, #tpu.memory_space<vmem>>
      %dma_wait3A_308 = tpu.memref_squeeze %dma_wait3A_307 : memref<1x128xi32, #tpu.memory_space<vmem>> -> memref<128xi32, #tpu.memory_space<vmem>>
      %dma_wait3A_309 = arith.constant 0 : i32
      %dma_wait3A_310 = arith.constant 0 : i32
      %dma_wait3A_311 = tpu.memref_slice %arg13[%dma_wait3A_309, %dma_wait3A_310] : memref<10240x48xf32, #tpu.memory_space<vmem_shared>> -> memref<10240x48xf32, #tpu.memory_space<vmem_shared>>
      tpu.wait_indirect_dma semaphore(%run_scoped3A_299 : memref<!tpu.dma_semaphore, #tpu.memory_space<semaphore_mem>>) src(%arg9 : memref<128x48xf32, #tpu.memory_space<vmem>>) dst(%dma_wait3A_311 : memref<10240x48xf32, #tpu.memory_space<vmem_shared>>)
      tpu.yield
    }) : () -> ()
    %dma_wait3A_75 = arith.constant 82 : i32
    %dma_wait3A_76 = arith.constant 0 : i32
    %dma_wait3A_77 = tpu.memref_slice %arg6[%dma_wait3A_75, %dma_wait3A_76] : memref<84x128xi32, #tpu.memory_space<vmem>> -> memref<1x128xi32, #tpu.memory_space<vmem>>
    %dma_wait3A_78 = tpu.memref_squeeze %dma_wait3A_77 : memref<1x128xi32, #tpu.memory_space<vmem>> -> memref<128xi32, #tpu.memory_space<vmem>>
    %dma_wait3A_79 = arith.constant 0 : i32
    %dma_wait3A_80 = arith.constant 0 : i32
    %dma_wait3A_81 = tpu.memref_slice %arg12[%dma_wait3A_79, %dma_wait3A_80] : memref<10240x48xf32, #tpu.memory_space<vmem_shared>> -> memref<10240x48xf32, #tpu.memory_space<vmem_shared>>
    tpu.wait_indirect_dma semaphore(%arg16 : memref<!tpu.dma_semaphore, #tpu.memory_space<semaphore_mem>>) src(%dma_wait3A_81 : memref<10240x48xf32, #tpu.memory_space<vmem_shared>>) dst(%arg10 : memref<128x48xf32, #tpu.memory_space<vmem>>)
    %run_scoped3A_82 = arith.constant 82 : i32
    "tpu.region"() ({
      %run_scoped3A_299 = tpu.sem_alloc : memref<!tpu.dma_semaphore, #tpu.memory_space<semaphore_mem>>
      %dma_start3A_300 = arith.constant 0 : i32
      %dma_start3A_301 = tpu.memref_slice %arg7[%run_scoped3A_82, %dma_start3A_300] : memref<84x128xi32, #tpu.memory_space<vmem>> -> memref<1x128xi32, #tpu.memory_space<vmem>>
      %dma_start3A_302 = tpu.memref_squeeze %dma_start3A_301 : memref<1x128xi32, #tpu.memory_space<vmem>> -> memref<128xi32, #tpu.memory_space<vmem>>
      %dma_start3A_303 = arith.constant 0 : i32
      %dma_start3A_304 = arith.constant 0 : i32
      %dma_start3A_305 = tpu.memref_slice %arg13[%dma_start3A_303, %dma_start3A_304] : memref<10240x48xf32, #tpu.memory_space<vmem_shared>> -> memref<10240x48xf32, #tpu.memory_space<vmem_shared>>
      tpu.enqueue_indirect_dma source(%arg10 : memref<128x48xf32, #tpu.memory_space<vmem>>) target(%dma_start3A_305 : memref<10240x48xf32, #tpu.memory_space<vmem_shared>>) offsets(%dma_start3A_302 : memref<128xi32, #tpu.memory_space<vmem>>) semaphore(%run_scoped3A_299 : memref<!tpu.dma_semaphore, #tpu.memory_space<semaphore_mem>>) {add = true}
      %dma_wait3A_306 = arith.constant 0 : i32
      %dma_wait3A_307 = tpu.memref_slice %arg7[%run_scoped3A_82, %dma_wait3A_306] : memref<84x128xi32, #tpu.memory_space<vmem>> -> memref<1x128xi32, #tpu.memory_space<vmem>>
      %dma_wait3A_308 = tpu.memref_squeeze %dma_wait3A_307 : memref<1x128xi32, #tpu.memory_space<vmem>> -> memref<128xi32, #tpu.memory_space<vmem>>
      %dma_wait3A_309 = arith.constant 0 : i32
      %dma_wait3A_310 = arith.constant 0 : i32
      %dma_wait3A_311 = tpu.memref_slice %arg13[%dma_wait3A_309, %dma_wait3A_310] : memref<10240x48xf32, #tpu.memory_space<vmem_shared>> -> memref<10240x48xf32, #tpu.memory_space<vmem_shared>>
      tpu.wait_indirect_dma semaphore(%run_scoped3A_299 : memref<!tpu.dma_semaphore, #tpu.memory_space<semaphore_mem>>) src(%arg10 : memref<128x48xf32, #tpu.memory_space<vmem>>) dst(%dma_wait3A_311 : memref<10240x48xf32, #tpu.memory_space<vmem_shared>>)
      tpu.yield
    }) : () -> ()
    %dma_wait3A_83 = arith.constant 83 : i32
    %dma_wait3A_84 = arith.constant 0 : i32
    %dma_wait3A_85 = tpu.memref_slice %arg6[%dma_wait3A_83, %dma_wait3A_84] : memref<84x128xi32, #tpu.memory_space<vmem>> -> memref<1x128xi32, #tpu.memory_space<vmem>>
    %dma_wait3A_86 = tpu.memref_squeeze %dma_wait3A_85 : memref<1x128xi32, #tpu.memory_space<vmem>> -> memref<128xi32, #tpu.memory_space<vmem>>
    %dma_wait3A_87 = arith.constant 0 : i32
    %dma_wait3A_88 = arith.constant 0 : i32
    %dma_wait3A_89 = tpu.memref_slice %arg12[%dma_wait3A_87, %dma_wait3A_88] : memref<10240x48xf32, #tpu.memory_space<vmem_shared>> -> memref<10240x48xf32, #tpu.memory_space<vmem_shared>>
    tpu.wait_indirect_dma semaphore(%arg17 : memref<!tpu.dma_semaphore, #tpu.memory_space<semaphore_mem>>) src(%dma_wait3A_89 : memref<10240x48xf32, #tpu.memory_space<vmem_shared>>) dst(%arg11 : memref<128x48xf32, #tpu.memory_space<vmem>>)
    %run_scoped3A_90 = arith.constant 83 : i32
    "tpu.region"() ({
      %run_scoped3A_299 = tpu.sem_alloc : memref<!tpu.dma_semaphore, #tpu.memory_space<semaphore_mem>>
      %dma_start3A_300 = arith.constant 0 : i32
      %dma_start3A_301 = tpu.memref_slice %arg7[%run_scoped3A_90, %dma_start3A_300] : memref<84x128xi32, #tpu.memory_space<vmem>> -> memref<1x128xi32, #tpu.memory_space<vmem>>
      %dma_start3A_302 = tpu.memref_squeeze %dma_start3A_301 : memref<1x128xi32, #tpu.memory_space<vmem>> -> memref<128xi32, #tpu.memory_space<vmem>>
      %dma_start3A_303 = arith.constant 0 : i32
      %dma_start3A_304 = arith.constant 0 : i32
      %dma_start3A_305 = tpu.memref_slice %arg13[%dma_start3A_303, %dma_start3A_304] : memref<10240x48xf32, #tpu.memory_space<vmem_shared>> -> memref<10240x48xf32, #tpu.memory_space<vmem_shared>>
      tpu.enqueue_indirect_dma source(%arg11 : memref<128x48xf32, #tpu.memory_space<vmem>>) target(%dma_start3A_305 : memref<10240x48xf32, #tpu.memory_space<vmem_shared>>) offsets(%dma_start3A_302 : memref<128xi32, #tpu.memory_space<vmem>>) semaphore(%run_scoped3A_299 : memref<!tpu.dma_semaphore, #tpu.memory_space<semaphore_mem>>) {add = true}
      %dma_wait3A_306 = arith.constant 0 : i32
      %dma_wait3A_307 = tpu.memref_slice %arg7[%run_scoped3A_90, %dma_wait3A_306] : memref<84x128xi32, #tpu.memory_space<vmem>> -> memref<1x128xi32, #tpu.memory_space<vmem>>
      %dma_wait3A_308 = tpu.memref_squeeze %dma_wait3A_307 : memref<1x128xi32, #tpu.memory_space<vmem>> -> memref<128xi32, #tpu.memory_space<vmem>>
      %dma_wait3A_309 = arith.constant 0 : i32
      %dma_wait3A_310 = arith.constant 0 : i32
      %dma_wait3A_311 = tpu.memref_slice %arg13[%dma_wait3A_309, %dma_wait3A_310] : memref<10240x48xf32, #tpu.memory_space<vmem_shared>> -> memref<10240x48xf32, #tpu.memory_space<vmem_shared>>
      tpu.wait_indirect_dma semaphore(%run_scoped3A_299 : memref<!tpu.dma_semaphore, #tpu.memory_space<semaphore_mem>>) src(%arg11 : memref<128x48xf32, #tpu.memory_space<vmem>>) dst(%dma_wait3A_311 : memref<10240x48xf32, #tpu.memory_space<vmem_shared>>)
      tpu.yield
    }) : () -> ()
    %barrier3A_91 = arith.constant 0 : index
    tpu.barrier barrier_id(%barrier3A_91)
    %mul3A_92 = arith.constant 640 : i32
    %mul3A_93 = arith.muli %arg1, %mul3A_92 : i32
    %mul3A_94 = arith.constant 640 : i32
    %mul3A_95 = arith.muli %arg1, %mul3A_94 : i32
    %run_scoped3A_96 = arith.constant 0 : i32
    "tpu.region"() ({
      %run_scoped3A_299 = tpu.sem_alloc : memref<!tpu.dma_semaphore, #tpu.memory_space<semaphore_mem>>
      %dma_start3A_300 = arith.constant 0 : i32
      %dma_start3A_301 = tpu.memref_slice %arg5[%arg0, %run_scoped3A_96, %mul3A_95, %dma_start3A_300] : memref<2x3x10240x48xf32, #tpu.memory_space<hbm>> -> memref<1x1x640x48xf32, #tpu.memory_space<hbm>>
      %dma_start3A_302 = tpu.memref_squeeze %dma_start3A_301 : memref<1x1x640x48xf32, #tpu.memory_space<hbm>> -> memref<640x48xf32, #tpu.memory_space<hbm>>
      %dma_start3A_303 = arith.constant 0 : i32
      %dma_start3A_304 = tpu.memref_slice %arg13[%mul3A_93, %dma_start3A_303] : memref<10240x48xf32, #tpu.memory_space<vmem_shared>> -> memref<640x48xf32, #tpu.memory_space<vmem_shared>>
      tpu.enqueue_dma source(%dma_start3A_304 : memref<640x48xf32, #tpu.memory_space<vmem_shared>>) target(%dma_start3A_302 : memref<640x48xf32, #tpu.memory_space<hbm>>) target_semaphore(%run_scoped3A_299 : memref<!tpu.dma_semaphore, #tpu.memory_space<semaphore_mem>>)
      %dma_wait3A_305 = arith.constant 0 : i32
      %dma_wait3A_306 = tpu.memref_slice %arg5[%arg0, %run_scoped3A_96, %mul3A_95, %dma_wait3A_305] : memref<2x3x10240x48xf32, #tpu.memory_space<hbm>> -> memref<1x1x640x48xf32, #tpu.memory_space<hbm>>
      %dma_wait3A_307 = tpu.memref_squeeze %dma_wait3A_306 : memref<1x1x640x48xf32, #tpu.memory_space<hbm>> -> memref<640x48xf32, #tpu.memory_space<hbm>>
      %dma_wait3A_308 = arith.constant 0 : i32
      %dma_wait3A_309 = tpu.memref_slice %arg13[%mul3A_93, %dma_wait3A_308] : memref<10240x48xf32, #tpu.memory_space<vmem_shared>> -> memref<640x48xf32, #tpu.memory_space<vmem_shared>>
      tpu.wait_dma2 semaphore(%run_scoped3A_299 : memref<!tpu.dma_semaphore, #tpu.memory_space<semaphore_mem>>) src(%dma_wait3A_309 : memref<640x48xf32, #tpu.memory_space<vmem_shared>>) dst(%dma_wait3A_307 : memref<640x48xf32, #tpu.memory_space<hbm>>)
      tpu.yield
    }) : () -> ()
    %mul3A_97 = arith.constant 640 : i32
    %mul3A_98 = arith.muli %arg1, %mul3A_97 : i32
    %mul3A_99 = arith.constant 640 : i32
    %mul3A_100 = arith.muli %arg1, %mul3A_99 : i32
    "tpu.region"() ({
      %run_scoped3A_299 = tpu.sem_alloc : memref<!tpu.dma_semaphore, #tpu.memory_space<semaphore_mem>>
      %dma_start3A_300 = arith.constant 0 : i32
      %dma_start3A_301 = tpu.memref_slice %arg12[%mul3A_100, %dma_start3A_300] : memref<10240x48xf32, #tpu.memory_space<vmem_shared>> -> memref<640x48xf32, #tpu.memory_space<vmem_shared>>
      %dma_start3A_302 = arith.constant 48 : i32
      %dma_start3A_303 = tpu.memref_slice %arg2[%mul3A_98, %dma_start3A_302] : memref<10240x144xf32, #tpu.memory_space<hbm>> -> memref<640x48xf32, #tpu.memory_space<hbm>>
      tpu.enqueue_dma source(%dma_start3A_303 : memref<640x48xf32, #tpu.memory_space<hbm>>) target(%dma_start3A_301 : memref<640x48xf32, #tpu.memory_space<vmem_shared>>) target_semaphore(%run_scoped3A_299 : memref<!tpu.dma_semaphore, #tpu.memory_space<semaphore_mem>>)
      %dma_wait3A_304 = arith.constant 0 : i32
      %dma_wait3A_305 = tpu.memref_slice %arg12[%mul3A_100, %dma_wait3A_304] : memref<10240x48xf32, #tpu.memory_space<vmem_shared>> -> memref<640x48xf32, #tpu.memory_space<vmem_shared>>
      %dma_wait3A_306 = arith.constant 48 : i32
      %dma_wait3A_307 = tpu.memref_slice %arg2[%mul3A_98, %dma_wait3A_306] : memref<10240x144xf32, #tpu.memory_space<hbm>> -> memref<640x48xf32, #tpu.memory_space<hbm>>
      tpu.wait_dma2 semaphore(%run_scoped3A_299 : memref<!tpu.dma_semaphore, #tpu.memory_space<semaphore_mem>>) src(%dma_wait3A_307 : memref<640x48xf32, #tpu.memory_space<hbm>>) dst(%dma_wait3A_305 : memref<640x48xf32, #tpu.memory_space<vmem_shared>>)
      tpu.yield
    }) : () -> ()
    %scan3A_101 = arith.constant 0 : i32
    %scan3A_102 = arith.constant 128 : i32
    %scan3A_103 = arith.addi %scan3A_101, %scan3A_102 : i32
    %scan3A_104 = arith.constant 1 : i32
    scf.for %scan3A_299 = %scan3A_101 to %scan3A_103 step %scan3A_104  : i32 {
      %mul3A_300 = arith.constant 1 : i32
      %mul3A_301 = arith.muli %scan3A_299, %mul3A_300 : i32
      %add3A_302 = arith.constant 0 : i32
      %add3A_303 = arith.addi %add3A_302, %mul3A_301 : i32
      %broadcast_in_dim3A = arith.constant 0.000000e+00 : f32
      %broadcast_in_dim3A_304 = vector.broadcast %broadcast_in_dim3A : f32 to vector<16xf32>
      %swap3A = arith.index_cast %add3A_303 : i32 to index
      %swap3A_305 = arith.constant 0 : index
      %swap3A_306 = tpu.vector_load %arg8[%swap3A, %swap3A_305] {strides = array<i32>} : memref<128x48xf32, #tpu.memory_space<vmem>>, vector<1x16xf32>,
      %swap3A_307 = vector.shape_cast %swap3A_306 : vector<1x16xf32> to vector<16xf32>
      %swap3A_308 = vector.shape_cast %broadcast_in_dim3A_304 : vector<16xf32> to vector<1x16xf32>
      tpu.vector_store %arg8[%swap3A, %swap3A_305], %swap3A_308 {strides = array<i32>} : memref<128x48xf32, #tpu.memory_space<vmem>>, vector<1x16xf32>,
      %broadcast_in_dim3A_309 = arith.constant 0.000000e+00 : f32
      %broadcast_in_dim3A_310 = vector.broadcast %broadcast_in_dim3A_309 : f32 to vector<16xf32>
      %swap3A_311 = arith.index_cast %add3A_303 : i32 to index
      %swap3A_312 = arith.constant 16 : index
      %swap3A_313 = tpu.vector_load %arg8[%swap3A_311, %swap3A_312] {strides = array<i32>} : memref<128x48xf32, #tpu.memory_space<vmem>>, vector<1x16xf32>,
      %swap3A_314 = vector.shape_cast %swap3A_313 : vector<1x16xf32> to vector<16xf32>
      %swap3A_315 = vector.shape_cast %broadcast_in_dim3A_310 : vector<16xf32> to vector<1x16xf32>
      tpu.vector_store %arg8[%swap3A_311, %swap3A_312], %swap3A_315 {strides = array<i32>} : memref<128x48xf32, #tpu.memory_space<vmem>>, vector<1x16xf32>,
      %broadcast_in_dim3A_316 = arith.constant 0.000000e+00 : f32
      %broadcast_in_dim3A_317 = vector.broadcast %broadcast_in_dim3A_316 : f32 to vector<16xf32>
      %swap3A_318 = arith.index_cast %add3A_303 : i32 to index
      %swap3A_319 = arith.constant 32 : index
      %swap3A_320 = tpu.vector_load %arg8[%swap3A_318, %swap3A_319] {strides = array<i32>} : memref<128x48xf32, #tpu.memory_space<vmem>>, vector<1x16xf32>,
      %swap3A_321 = vector.shape_cast %swap3A_320 : vector<1x16xf32> to vector<16xf32>
      %swap3A_322 = vector.shape_cast %broadcast_in_dim3A_317 : vector<16xf32> to vector<1x16xf32>
      tpu.vector_store %arg8[%swap3A_318, %swap3A_319], %swap3A_322 {strides = array<i32>} : memref<128x48xf32, #tpu.memory_space<vmem>>, vector<1x16xf32>,
    }
    %scan3A_105 = arith.constant 128 : i32
    %mul3A_106 = arith.constant 640 : i32
    %mul3A_107 = arith.muli %arg1, %mul3A_106 : i32
    %add3A_108 = arith.constant 0 : i32
    %add3A_109 = arith.addi %mul3A_107, %add3A_108 : i32
    "tpu.region"() ({
      %run_scoped3A_299 = tpu.sem_alloc : memref<!tpu.dma_semaphore, #tpu.memory_space<semaphore_mem>>
      %dma_start3A_300 = arith.constant 0 : i32
      %dma_start3A_301 = tpu.memref_slice %arg13[%add3A_109, %dma_start3A_300] : memref<10240x48xf32, #tpu.memory_space<vmem_shared>> -> memref<128x48xf32, #tpu.memory_space<vmem_shared>>
      %dma_start3A_302 = arith.constant 0 : i32
      %dma_start3A_303 = tpu.memref_slice %arg13[%add3A_109, %dma_start3A_302] : memref<10240x48xf32, #tpu.memory_space<vmem_shared>> -> memref<128x48xf32, #tpu.memory_space<vmem_shared>>
      tpu.enqueue_dma source(%arg8 : memref<128x48xf32, #tpu.memory_space<vmem>>) target(%dma_start3A_303 : memref<128x48xf32, #tpu.memory_space<vmem_shared>>) target_semaphore(%run_scoped3A_299 : memref<!tpu.dma_semaphore, #tpu.memory_space<semaphore_mem>>)
      %dma_wait3A_304 = arith.constant 0 : i32
      %dma_wait3A_305 = tpu.memref_slice %arg13[%add3A_109, %dma_wait3A_304] : memref<10240x48xf32, #tpu.memory_space<vmem_shared>> -> memref<128x48xf32, #tpu.memory_space<vmem_shared>>
      %dma_wait3A_306 = arith.constant 0 : i32
      %dma_wait3A_307 = tpu.memref_slice %arg13[%add3A_109, %dma_wait3A_306] : memref<10240x48xf32, #tpu.memory_space<vmem_shared>> -> memref<128x48xf32, #tpu.memory_space<vmem_shared>>
      tpu.wait_dma2 semaphore(%run_scoped3A_299 : memref<!tpu.dma_semaphore, #tpu.memory_space<semaphore_mem>>) src(%arg8 : memref<128x48xf32, #tpu.memory_space<vmem>>) dst(%dma_wait3A_307 : memref<128x48xf32, #tpu.memory_space<vmem_shared>>)
      tpu.yield
    }) : () -> ()
    %mul3A_110 = arith.constant 640 : i32
    %mul3A_111 = arith.muli %arg1, %mul3A_110 : i32
    %add3A_112 = arith.constant 128 : i32
    %add3A_113 = arith.addi %mul3A_111, %add3A_112 : i32
    "tpu.region"() ({
      %run_scoped3A_299 = tpu.sem_alloc : memref<!tpu.dma_semaphore, #tpu.memory_space<semaphore_mem>>
      %dma_start3A_300 = arith.constant 0 : i32
      %dma_start3A_301 = tpu.memref_slice %arg13[%add3A_113, %dma_start3A_300] : memref<10240x48xf32, #tpu.memory_space<vmem_shared>> -> memref<128x48xf32, #tpu.memory_space<vmem_shared>>
      %dma_start3A_302 = arith.constant 0 : i32
      %dma_start3A_303 = tpu.memref_slice %arg13[%add3A_113, %dma_start3A_302] : memref<10240x48xf32, #tpu.memory_space<vmem_shared>> -> memref<128x48xf32, #tpu.memory_space<vmem_shared>>
      tpu.enqueue_dma source(%arg8 : memref<128x48xf32, #tpu.memory_space<vmem>>) target(%dma_start3A_303 : memref<128x48xf32, #tpu.memory_space<vmem_shared>>) target_semaphore(%run_scoped3A_299 : memref<!tpu.dma_semaphore, #tpu.memory_space<semaphore_mem>>)
      %dma_wait3A_304 = arith.constant 0 : i32
      %dma_wait3A_305 = tpu.memref_slice %arg13[%add3A_113, %dma_wait3A_304] : memref<10240x48xf32, #tpu.memory_space<vmem_shared>> -> memref<128x48xf32, #tpu.memory_space<vmem_shared>>
      %dma_wait3A_306 = arith.constant 0 : i32
      %dma_wait3A_307 = tpu.memref_slice %arg13[%add3A_113, %dma_wait3A_306] : memref<10240x48xf32, #tpu.memory_space<vmem_shared>> -> memref<128x48xf32, #tpu.memory_space<vmem_shared>>
      tpu.wait_dma2 semaphore(%run_scoped3A_299 : memref<!tpu.dma_semaphore, #tpu.memory_space<semaphore_mem>>) src(%arg8 : memref<128x48xf32, #tpu.memory_space<vmem>>) dst(%dma_wait3A_307 : memref<128x48xf32, #tpu.memory_space<vmem_shared>>)
      tpu.yield
    }) : () -> ()
    %mul3A_114 = arith.constant 640 : i32
    %mul3A_115 = arith.muli %arg1, %mul3A_114 : i32
    %add3A_116 = arith.constant 256 : i32
    %add3A_117 = arith.addi %mul3A_115, %add3A_116 : i32
    "tpu.region"() ({
      %run_scoped3A_299 = tpu.sem_alloc : memref<!tpu.dma_semaphore, #tpu.memory_space<semaphore_mem>>
      %dma_start3A_300 = arith.constant 0 : i32
      %dma_start3A_301 = tpu.memref_slice %arg13[%add3A_117, %dma_start3A_300] : memref<10240x48xf32, #tpu.memory_space<vmem_shared>> -> memref<128x48xf32, #tpu.memory_space<vmem_shared>>
      %dma_start3A_302 = arith.constant 0 : i32
      %dma_start3A_303 = tpu.memref_slice %arg13[%add3A_117, %dma_start3A_302] : memref<10240x48xf32, #tpu.memory_space<vmem_shared>> -> memref<128x48xf32, #tpu.memory_space<vmem_shared>>
      tpu.enqueue_dma source(%arg8 : memref<128x48xf32, #tpu.memory_space<vmem>>) target(%dma_start3A_303 : memref<128x48xf32, #tpu.memory_space<vmem_shared>>) target_semaphore(%run_scoped3A_299 : memref<!tpu.dma_semaphore, #tpu.memory_space<semaphore_mem>>)
      %dma_wait3A_304 = arith.constant 0 : i32
      %dma_wait3A_305 = tpu.memref_slice %arg13[%add3A_117, %dma_wait3A_304] : memref<10240x48xf32, #tpu.memory_space<vmem_shared>> -> memref<128x48xf32, #tpu.memory_space<vmem_shared>>
      %dma_wait3A_306 = arith.constant 0 : i32
      %dma_wait3A_307 = tpu.memref_slice %arg13[%add3A_117, %dma_wait3A_306] : memref<10240x48xf32, #tpu.memory_space<vmem_shared>> -> memref<128x48xf32, #tpu.memory_space<vmem_shared>>
      tpu.wait_dma2 semaphore(%run_scoped3A_299 : memref<!tpu.dma_semaphore, #tpu.memory_space<semaphore_mem>>) src(%arg8 : memref<128x48xf32, #tpu.memory_space<vmem>>) dst(%dma_wait3A_307 : memref<128x48xf32, #tpu.memory_space<vmem_shared>>)
      tpu.yield
    }) : () -> ()
    %mul3A_118 = arith.constant 640 : i32
    %mul3A_119 = arith.muli %arg1, %mul3A_118 : i32
    %add3A_120 = arith.constant 384 : i32
    %add3A_121 = arith.addi %mul3A_119, %add3A_120 : i32
    "tpu.region"() ({
      %run_scoped3A_299 = tpu.sem_alloc : memref<!tpu.dma_semaphore, #tpu.memory_space<semaphore_mem>>
      %dma_start3A_300 = arith.constant 0 : i32
      %dma_start3A_301 = tpu.memref_slice %arg13[%add3A_121, %dma_start3A_300] : memref<10240x48xf32, #tpu.memory_space<vmem_shared>> -> memref<128x48xf32, #tpu.memory_space<vmem_shared>>
      %dma_start3A_302 = arith.constant 0 : i32
      %dma_start3A_303 = tpu.memref_slice %arg13[%add3A_121, %dma_start3A_302] : memref<10240x48xf32, #tpu.memory_space<vmem_shared>> -> memref<128x48xf32, #tpu.memory_space<vmem_shared>>
      tpu.enqueue_dma source(%arg8 : memref<128x48xf32, #tpu.memory_space<vmem>>) target(%dma_start3A_303 : memref<128x48xf32, #tpu.memory_space<vmem_shared>>) target_semaphore(%run_scoped3A_299 : memref<!tpu.dma_semaphore, #tpu.memory_space<semaphore_mem>>)
      %dma_wait3A_304 = arith.constant 0 : i32
      %dma_wait3A_305 = tpu.memref_slice %arg13[%add3A_121, %dma_wait3A_304] : memref<10240x48xf32, #tpu.memory_space<vmem_shared>> -> memref<128x48xf32, #tpu.memory_space<vmem_shared>>
      %dma_wait3A_306 = arith.constant 0 : i32
      %dma_wait3A_307 = tpu.memref_slice %arg13[%add3A_121, %dma_wait3A_306] : memref<10240x48xf32, #tpu.memory_space<vmem_shared>> -> memref<128x48xf32, #tpu.memory_space<vmem_shared>>
      tpu.wait_dma2 semaphore(%run_scoped3A_299 : memref<!tpu.dma_semaphore, #tpu.memory_space<semaphore_mem>>) src(%arg8 : memref<128x48xf32, #tpu.memory_space<vmem>>) dst(%dma_wait3A_307 : memref<128x48xf32, #tpu.memory_space<vmem_shared>>)
      tpu.yield
    }) : () -> ()
    %mul3A_122 = arith.constant 640 : i32
    %mul3A_123 = arith.muli %arg1, %mul3A_122 : i32
    %add3A_124 = arith.constant 512 : i32
    %add3A_125 = arith.addi %mul3A_123, %add3A_124 : i32
    "tpu.region"() ({
      %run_scoped3A_299 = tpu.sem_alloc : memref<!tpu.dma_semaphore, #tpu.memory_space<semaphore_mem>>
      %dma_start3A_300 = arith.constant 0 : i32
      %dma_start3A_301 = tpu.memref_slice %arg13[%add3A_125, %dma_start3A_300] : memref<10240x48xf32, #tpu.memory_space<vmem_shared>> -> memref<128x48xf32, #tpu.memory_space<vmem_shared>>
      %dma_start3A_302 = arith.constant 0 : i32
      %dma_start3A_303 = tpu.memref_slice %arg13[%add3A_125, %dma_start3A_302] : memref<10240x48xf32, #tpu.memory_space<vmem_shared>> -> memref<128x48xf32, #tpu.memory_space<vmem_shared>>
      tpu.enqueue_dma source(%arg8 : memref<128x48xf32, #tpu.memory_space<vmem>>) target(%dma_start3A_303 : memref<128x48xf32, #tpu.memory_space<vmem_shared>>) target_semaphore(%run_scoped3A_299 : memref<!tpu.dma_semaphore, #tpu.memory_space<semaphore_mem>>)
      %dma_wait3A_304 = arith.constant 0 : i32
      %dma_wait3A_305 = tpu.memref_slice %arg13[%add3A_125, %dma_wait3A_304] : memref<10240x48xf32, #tpu.memory_space<vmem_shared>> -> memref<128x48xf32, #tpu.memory_space<vmem_shared>>
      %dma_wait3A_306 = arith.constant 0 : i32
      %dma_wait3A_307 = tpu.memref_slice %arg13[%add3A_125, %dma_wait3A_306] : memref<10240x48xf32, #tpu.memory_space<vmem_shared>> -> memref<128x48xf32, #tpu.memory_space<vmem_shared>>
      tpu.wait_dma2 semaphore(%run_scoped3A_299 : memref<!tpu.dma_semaphore, #tpu.memory_space<semaphore_mem>>) src(%arg8 : memref<128x48xf32, #tpu.memory_space<vmem>>) dst(%dma_wait3A_307 : memref<128x48xf32, #tpu.memory_space<vmem_shared>>)
      tpu.yield
    }) : () -> ()
    %barrier3A_126 = arith.constant 0 : index
    tpu.barrier barrier_id(%barrier3A_126)
    %dma_start3A_127 = arith.constant 0 : i32
    %dma_start3A_128 = arith.constant 0 : i32
    %dma_start3A_129 = tpu.memref_slice %arg6[%dma_start3A_127, %dma_start3A_128] : memref<84x128xi32, #tpu.memory_space<vmem>> -> memref<1x128xi32, #tpu.memory_space<vmem>>
    %dma_start3A_130 = tpu.memref_squeeze %dma_start3A_129 : memref<1x128xi32, #tpu.memory_space<vmem>> -> memref<128xi32, #tpu.memory_space<vmem>>
    %dma_start3A_131 = arith.constant 0 : i32
    %dma_start3A_132 = arith.constant 0 : i32
    %dma_start3A_133 = tpu.memref_slice %arg12[%dma_start3A_131, %dma_start3A_132] : memref<10240x48xf32, #tpu.memory_space<vmem_shared>> -> memref<10240x48xf32, #tpu.memory_space<vmem_shared>>
    tpu.enqueue_indirect_dma source(%dma_start3A_133 : memref<10240x48xf32, #tpu.memory_space<vmem_shared>>) target(%arg8 : memref<128x48xf32, #tpu.memory_space<vmem>>) offsets(%dma_start3A_130 : memref<128xi32, #tpu.memory_space<vmem>>) semaphore(%arg14 : memref<!tpu.dma_semaphore, #tpu.memory_space<semaphore_mem>>)
    %dma_start3A_134 = arith.constant 1 : i32
    %dma_start3A_135 = arith.constant 0 : i32
    %dma_start3A_136 = tpu.memref_slice %arg6[%dma_start3A_134, %dma_start3A_135] : memref<84x128xi32, #tpu.memory_space<vmem>> -> memref<1x128xi32, #tpu.memory_space<vmem>>
    %dma_start3A_137 = tpu.memref_squeeze %dma_start3A_136 : memref<1x128xi32, #tpu.memory_space<vmem>> -> memref<128xi32, #tpu.memory_space<vmem>>
    %dma_start3A_138 = arith.constant 0 : i32
    %dma_start3A_139 = arith.constant 0 : i32
    %dma_start3A_140 = tpu.memref_slice %arg12[%dma_start3A_138, %dma_start3A_139] : memref<10240x48xf32, #tpu.memory_space<vmem_shared>> -> memref<10240x48xf32, #tpu.memory_space<vmem_shared>>
    tpu.enqueue_indirect_dma source(%dma_start3A_140 : memref<10240x48xf32, #tpu.memory_space<vmem_shared>>) target(%arg9 : memref<128x48xf32, #tpu.memory_space<vmem>>) offsets(%dma_start3A_137 : memref<128xi32, #tpu.memory_space<vmem>>) semaphore(%arg15 : memref<!tpu.dma_semaphore, #tpu.memory_space<semaphore_mem>>)
    %dma_start3A_141 = arith.constant 2 : i32
    %dma_start3A_142 = arith.constant 0 : i32
    %dma_start3A_143 = tpu.memref_slice %arg6[%dma_start3A_141, %dma_start3A_142] : memref<84x128xi32, #tpu.memory_space<vmem>> -> memref<1x128xi32, #tpu.memory_space<vmem>>
    %dma_start3A_144 = tpu.memref_squeeze %dma_start3A_143 : memref<1x128xi32, #tpu.memory_space<vmem>> -> memref<128xi32, #tpu.memory_space<vmem>>
    %dma_start3A_145 = arith.constant 0 : i32
    %dma_start3A_146 = arith.constant 0 : i32
    %dma_start3A_147 = tpu.memref_slice %arg12[%dma_start3A_145, %dma_start3A_146] : memref<10240x48xf32, #tpu.memory_space<vmem_shared>> -> memref<10240x48xf32, #tpu.memory_space<vmem_shared>>
    tpu.enqueue_indirect_dma source(%dma_start3A_147 : memref<10240x48xf32, #tpu.memory_space<vmem_shared>>) target(%arg10 : memref<128x48xf32, #tpu.memory_space<vmem>>) offsets(%dma_start3A_144 : memref<128xi32, #tpu.memory_space<vmem>>) semaphore(%arg16 : memref<!tpu.dma_semaphore, #tpu.memory_space<semaphore_mem>>)
    %dma_start3A_148 = arith.constant 3 : i32
    %dma_start3A_149 = arith.constant 0 : i32
    %dma_start3A_150 = tpu.memref_slice %arg6[%dma_start3A_148, %dma_start3A_149] : memref<84x128xi32, #tpu.memory_space<vmem>> -> memref<1x128xi32, #tpu.memory_space<vmem>>
    %dma_start3A_151 = tpu.memref_squeeze %dma_start3A_150 : memref<1x128xi32, #tpu.memory_space<vmem>> -> memref<128xi32, #tpu.memory_space<vmem>>
    %dma_start3A_152 = arith.constant 0 : i32
    %dma_start3A_153 = arith.constant 0 : i32
    %dma_start3A_154 = tpu.memref_slice %arg12[%dma_start3A_152, %dma_start3A_153] : memref<10240x48xf32, #tpu.memory_space<vmem_shared>> -> memref<10240x48xf32, #tpu.memory_space<vmem_shared>>
    tpu.enqueue_indirect_dma source(%dma_start3A_154 : memref<10240x48xf32, #tpu.memory_space<vmem_shared>>) target(%arg11 : memref<128x48xf32, #tpu.memory_space<vmem>>) offsets(%dma_start3A_151 : memref<128xi32, #tpu.memory_space<vmem>>) semaphore(%arg17 : memref<!tpu.dma_semaphore, #tpu.memory_space<semaphore_mem>>)
    %scan3A_155 = arith.constant 0 : i32
    %scan3A_156 = arith.constant 20 : i32
    %scan3A_157 = arith.addi %scan3A_155, %scan3A_156 : i32
    %scan3A_158 = arith.constant 1 : i32
    scf.for %scan3A_299 = %scan3A_155 to %scan3A_157 step %scan3A_158  : i32 {
      %mul3A_300 = arith.constant 4 : i32
      %mul3A_301 = arith.muli %scan3A_299, %mul3A_300 : i32
      %add3A_302 = arith.constant 0 : i32
      %add3A_303 = arith.addi %add3A_302, %mul3A_301 : i32
      %add3A_304 = arith.constant 0 : i32
      %add3A_305 = arith.addi %add3A_303, %add3A_304 : i32
      %dma_wait3A_306 = arith.constant 0 : i32
      %dma_wait3A_307 = tpu.memref_slice %arg6[%add3A_305, %dma_wait3A_306] : memref<84x128xi32, #tpu.memory_space<vmem>> -> memref<1x128xi32, #tpu.memory_space<vmem>>
      %dma_wait3A_308 = tpu.memref_squeeze %dma_wait3A_307 : memref<1x128xi32, #tpu.memory_space<vmem>> -> memref<128xi32, #tpu.memory_space<vmem>>
      %dma_wait3A_309 = arith.constant 0 : i32
      %dma_wait3A_310 = arith.constant 0 : i32
      %dma_wait3A_311 = tpu.memref_slice %arg12[%dma_wait3A_309, %dma_wait3A_310] : memref<10240x48xf32, #tpu.memory_space<vmem_shared>> -> memref<10240x48xf32, #tpu.memory_space<vmem_shared>>
      tpu.wait_indirect_dma semaphore(%arg14 : memref<!tpu.dma_semaphore, #tpu.memory_space<semaphore_mem>>) src(%dma_wait3A_311 : memref<10240x48xf32, #tpu.memory_space<vmem_shared>>) dst(%arg8 : memref<128x48xf32, #tpu.memory_space<vmem>>)
      %add3A_312 = arith.constant 0 : i32
      %add3A_313 = arith.addi %add3A_303, %add3A_312 : i32
      %dma_start3A_314 = arith.constant 0 : i32
      %dma_start3A_315 = tpu.memref_slice %arg7[%add3A_313, %dma_start3A_314] : memref<84x128xi32, #tpu.memory_space<vmem>> -> memref<1x128xi32, #tpu.memory_space<vmem>>
      %dma_start3A_316 = tpu.memref_squeeze %dma_start3A_315 : memref<1x128xi32, #tpu.memory_space<vmem>> -> memref<128xi32, #tpu.memory_space<vmem>>
      %dma_start3A_317 = arith.constant 0 : i32
      %dma_start3A_318 = arith.constant 0 : i32
      %dma_start3A_319 = tpu.memref_slice %arg13[%dma_start3A_317, %dma_start3A_318] : memref<10240x48xf32, #tpu.memory_space<vmem_shared>> -> memref<10240x48xf32, #tpu.memory_space<vmem_shared>>
      tpu.enqueue_indirect_dma source(%arg8 : memref<128x48xf32, #tpu.memory_space<vmem>>) target(%dma_start3A_319 : memref<10240x48xf32, #tpu.memory_space<vmem_shared>>) offsets(%dma_start3A_316 : memref<128xi32, #tpu.memory_space<vmem>>) semaphore(%arg18 : memref<!tpu.dma_semaphore, #tpu.memory_space<semaphore_mem>>) {add = true}
      %add3A_320 = arith.constant 0 : i32
      %add3A_321 = arith.addi %add3A_303, %add3A_320 : i32
      %dma_wait3A_322 = arith.constant 0 : i32
      %dma_wait3A_323 = tpu.memref_slice %arg7[%add3A_321, %dma_wait3A_322] : memref<84x128xi32, #tpu.memory_space<vmem>> -> memref<1x128xi32, #tpu.memory_space<vmem>>
      %dma_wait3A_324 = tpu.memref_squeeze %dma_wait3A_323 : memref<1x128xi32, #tpu.memory_space<vmem>> -> memref<128xi32, #tpu.memory_space<vmem>>
      %dma_wait3A_325 = arith.constant 0 : i32
      %dma_wait3A_326 = arith.constant 0 : i32
      %dma_wait3A_327 = tpu.memref_slice %arg13[%dma_wait3A_325, %dma_wait3A_326] : memref<10240x48xf32, #tpu.memory_space<vmem_shared>> -> memref<10240x48xf32, #tpu.memory_space<vmem_shared>>
      tpu.wait_indirect_dma semaphore(%arg18 : memref<!tpu.dma_semaphore, #tpu.memory_space<semaphore_mem>>) src(%arg8 : memref<128x48xf32, #tpu.memory_space<vmem>>) dst(%dma_wait3A_327 : memref<10240x48xf32, #tpu.memory_space<vmem_shared>>)
      %add3A_328 = arith.constant 0 : i32
      %add3A_329 = arith.addi %add3A_303, %add3A_328 : i32
      %add3A_330 = arith.constant 4 : i32
      %add3A_331 = arith.addi %add3A_329, %add3A_330 : i32
      %dma_start3A_332 = arith.constant 0 : i32
      %dma_start3A_333 = tpu.memref_slice %arg6[%add3A_331, %dma_start3A_332] : memref<84x128xi32, #tpu.memory_space<vmem>> -> memref<1x128xi32, #tpu.memory_space<vmem>>
      %dma_start3A_334 = tpu.memref_squeeze %dma_start3A_333 : memref<1x128xi32, #tpu.memory_space<vmem>> -> memref<128xi32, #tpu.memory_space<vmem>>
      %dma_start3A_335 = arith.constant 0 : i32
      %dma_start3A_336 = arith.constant 0 : i32
      %dma_start3A_337 = tpu.memref_slice %arg12[%dma_start3A_335, %dma_start3A_336] : memref<10240x48xf32, #tpu.memory_space<vmem_shared>> -> memref<10240x48xf32, #tpu.memory_space<vmem_shared>>
      tpu.enqueue_indirect_dma source(%dma_start3A_337 : memref<10240x48xf32, #tpu.memory_space<vmem_shared>>) target(%arg8 : memref<128x48xf32, #tpu.memory_space<vmem>>) offsets(%dma_start3A_334 : memref<128xi32, #tpu.memory_space<vmem>>) semaphore(%arg14 : memref<!tpu.dma_semaphore, #tpu.memory_space<semaphore_mem>>)
      %add3A_338 = arith.constant 1 : i32
      %add3A_339 = arith.addi %add3A_303, %add3A_338 : i32
      %dma_wait3A_340 = arith.constant 0 : i32
      %dma_wait3A_341 = tpu.memref_slice %arg6[%add3A_339, %dma_wait3A_340] : memref<84x128xi32, #tpu.memory_space<vmem>> -> memref<1x128xi32, #tpu.memory_space<vmem>>
      %dma_wait3A_342 = tpu.memref_squeeze %dma_wait3A_341 : memref<1x128xi32, #tpu.memory_space<vmem>> -> memref<128xi32, #tpu.memory_space<vmem>>
      %dma_wait3A_343 = arith.constant 0 : i32
      %dma_wait3A_344 = arith.constant 0 : i32
      %dma_wait3A_345 = tpu.memref_slice %arg12[%dma_wait3A_343, %dma_wait3A_344] : memref<10240x48xf32, #tpu.memory_space<vmem_shared>> -> memref<10240x48xf32, #tpu.memory_space<vmem_shared>>
      tpu.wait_indirect_dma semaphore(%arg15 : memref<!tpu.dma_semaphore, #tpu.memory_space<semaphore_mem>>) src(%dma_wait3A_345 : memref<10240x48xf32, #tpu.memory_space<vmem_shared>>) dst(%arg9 : memref<128x48xf32, #tpu.memory_space<vmem>>)
      %add3A_346 = arith.constant 1 : i32
      %add3A_347 = arith.addi %add3A_303, %add3A_346 : i32
      %dma_start3A_348 = arith.constant 0 : i32
      %dma_start3A_349 = tpu.memref_slice %arg7[%add3A_347, %dma_start3A_348] : memref<84x128xi32, #tpu.memory_space<vmem>> -> memref<1x128xi32, #tpu.memory_space<vmem>>
      %dma_start3A_350 = tpu.memref_squeeze %dma_start3A_349 : memref<1x128xi32, #tpu.memory_space<vmem>> -> memref<128xi32, #tpu.memory_space<vmem>>
      %dma_start3A_351 = arith.constant 0 : i32
      %dma_start3A_352 = arith.constant 0 : i32
      %dma_start3A_353 = tpu.memref_slice %arg13[%dma_start3A_351, %dma_start3A_352] : memref<10240x48xf32, #tpu.memory_space<vmem_shared>> -> memref<10240x48xf32, #tpu.memory_space<vmem_shared>>
      tpu.enqueue_indirect_dma source(%arg9 : memref<128x48xf32, #tpu.memory_space<vmem>>) target(%dma_start3A_353 : memref<10240x48xf32, #tpu.memory_space<vmem_shared>>) offsets(%dma_start3A_350 : memref<128xi32, #tpu.memory_space<vmem>>) semaphore(%arg19 : memref<!tpu.dma_semaphore, #tpu.memory_space<semaphore_mem>>) {add = true}
      %add3A_354 = arith.constant 1 : i32
      %add3A_355 = arith.addi %add3A_303, %add3A_354 : i32
      %dma_wait3A_356 = arith.constant 0 : i32
      %dma_wait3A_357 = tpu.memref_slice %arg7[%add3A_355, %dma_wait3A_356] : memref<84x128xi32, #tpu.memory_space<vmem>> -> memref<1x128xi32, #tpu.memory_space<vmem>>
      %dma_wait3A_358 = tpu.memref_squeeze %dma_wait3A_357 : memref<1x128xi32, #tpu.memory_space<vmem>> -> memref<128xi32, #tpu.memory_space<vmem>>
      %dma_wait3A_359 = arith.constant 0 : i32
      %dma_wait3A_360 = arith.constant 0 : i32
      %dma_wait3A_361 = tpu.memref_slice %arg13[%dma_wait3A_359, %dma_wait3A_360] : memref<10240x48xf32, #tpu.memory_space<vmem_shared>> -> memref<10240x48xf32, #tpu.memory_space<vmem_shared>>
      tpu.wait_indirect_dma semaphore(%arg19 : memref<!tpu.dma_semaphore, #tpu.memory_space<semaphore_mem>>) src(%arg9 : memref<128x48xf32, #tpu.memory_space<vmem>>) dst(%dma_wait3A_361 : memref<10240x48xf32, #tpu.memory_space<vmem_shared>>)
      %add3A_362 = arith.constant 1 : i32
      %add3A_363 = arith.addi %add3A_303, %add3A_362 : i32
      %add3A_364 = arith.constant 4 : i32
      %add3A_365 = arith.addi %add3A_363, %add3A_364 : i32
      %dma_start3A_366 = arith.constant 0 : i32
      %dma_start3A_367 = tpu.memref_slice %arg6[%add3A_365, %dma_start3A_366] : memref<84x128xi32, #tpu.memory_space<vmem>> -> memref<1x128xi32, #tpu.memory_space<vmem>>
      %dma_start3A_368 = tpu.memref_squeeze %dma_start3A_367 : memref<1x128xi32, #tpu.memory_space<vmem>> -> memref<128xi32, #tpu.memory_space<vmem>>
      %dma_start3A_369 = arith.constant 0 : i32
      %dma_start3A_370 = arith.constant 0 : i32
      %dma_start3A_371 = tpu.memref_slice %arg12[%dma_start3A_369, %dma_start3A_370] : memref<10240x48xf32, #tpu.memory_space<vmem_shared>> -> memref<10240x48xf32, #tpu.memory_space<vmem_shared>>
      tpu.enqueue_indirect_dma source(%dma_start3A_371 : memref<10240x48xf32, #tpu.memory_space<vmem_shared>>) target(%arg9 : memref<128x48xf32, #tpu.memory_space<vmem>>) offsets(%dma_start3A_368 : memref<128xi32, #tpu.memory_space<vmem>>) semaphore(%arg15 : memref<!tpu.dma_semaphore, #tpu.memory_space<semaphore_mem>>)
      %add3A_372 = arith.constant 2 : i32
      %add3A_373 = arith.addi %add3A_303, %add3A_372 : i32
      %dma_wait3A_374 = arith.constant 0 : i32
      %dma_wait3A_375 = tpu.memref_slice %arg6[%add3A_373, %dma_wait3A_374] : memref<84x128xi32, #tpu.memory_space<vmem>> -> memref<1x128xi32, #tpu.memory_space<vmem>>
      %dma_wait3A_376 = tpu.memref_squeeze %dma_wait3A_375 : memref<1x128xi32, #tpu.memory_space<vmem>> -> memref<128xi32, #tpu.memory_space<vmem>>
      %dma_wait3A_377 = arith.constant 0 : i32
      %dma_wait3A_378 = arith.constant 0 : i32
      %dma_wait3A_379 = tpu.memref_slice %arg12[%dma_wait3A_377, %dma_wait3A_378] : memref<10240x48xf32, #tpu.memory_space<vmem_shared>> -> memref<10240x48xf32, #tpu.memory_space<vmem_shared>>
      tpu.wait_indirect_dma semaphore(%arg16 : memref<!tpu.dma_semaphore, #tpu.memory_space<semaphore_mem>>) src(%dma_wait3A_379 : memref<10240x48xf32, #tpu.memory_space<vmem_shared>>) dst(%arg10 : memref<128x48xf32, #tpu.memory_space<vmem>>)
      %add3A_380 = arith.constant 2 : i32
      %add3A_381 = arith.addi %add3A_303, %add3A_380 : i32
      %dma_start3A_382 = arith.constant 0 : i32
      %dma_start3A_383 = tpu.memref_slice %arg7[%add3A_381, %dma_start3A_382] : memref<84x128xi32, #tpu.memory_space<vmem>> -> memref<1x128xi32, #tpu.memory_space<vmem>>
      %dma_start3A_384 = tpu.memref_squeeze %dma_start3A_383 : memref<1x128xi32, #tpu.memory_space<vmem>> -> memref<128xi32, #tpu.memory_space<vmem>>
      %dma_start3A_385 = arith.constant 0 : i32
      %dma_start3A_386 = arith.constant 0 : i32
      %dma_start3A_387 = tpu.memref_slice %arg13[%dma_start3A_385, %dma_start3A_386] : memref<10240x48xf32, #tpu.memory_space<vmem_shared>> -> memref<10240x48xf32, #tpu.memory_space<vmem_shared>>
      tpu.enqueue_indirect_dma source(%arg10 : memref<128x48xf32, #tpu.memory_space<vmem>>) target(%dma_start3A_387 : memref<10240x48xf32, #tpu.memory_space<vmem_shared>>) offsets(%dma_start3A_384 : memref<128xi32, #tpu.memory_space<vmem>>) semaphore(%arg20 : memref<!tpu.dma_semaphore, #tpu.memory_space<semaphore_mem>>) {add = true}
      %add3A_388 = arith.constant 2 : i32
      %add3A_389 = arith.addi %add3A_303, %add3A_388 : i32
      %dma_wait3A_390 = arith.constant 0 : i32
      %dma_wait3A_391 = tpu.memref_slice %arg7[%add3A_389, %dma_wait3A_390] : memref<84x128xi32, #tpu.memory_space<vmem>> -> memref<1x128xi32, #tpu.memory_space<vmem>>
      %dma_wait3A_392 = tpu.memref_squeeze %dma_wait3A_391 : memref<1x128xi32, #tpu.memory_space<vmem>> -> memref<128xi32, #tpu.memory_space<vmem>>
      %dma_wait3A_393 = arith.constant 0 : i32
      %dma_wait3A_394 = arith.constant 0 : i32
      %dma_wait3A_395 = tpu.memref_slice %arg13[%dma_wait3A_393, %dma_wait3A_394] : memref<10240x48xf32, #tpu.memory_space<vmem_shared>> -> memref<10240x48xf32, #tpu.memory_space<vmem_shared>>
      tpu.wait_indirect_dma semaphore(%arg20 : memref<!tpu.dma_semaphore, #tpu.memory_space<semaphore_mem>>) src(%arg10 : memref<128x48xf32, #tpu.memory_space<vmem>>) dst(%dma_wait3A_395 : memref<10240x48xf32, #tpu.memory_space<vmem_shared>>)
      %add3A_396 = arith.constant 2 : i32
      %add3A_397 = arith.addi %add3A_303, %add3A_396 : i32
      %add3A_398 = arith.constant 4 : i32
      %add3A_399 = arith.addi %add3A_397, %add3A_398 : i32
      %dma_start3A_400 = arith.constant 0 : i32
      %dma_start3A_401 = tpu.memref_slice %arg6[%add3A_399, %dma_start3A_400] : memref<84x128xi32, #tpu.memory_space<vmem>> -> memref<1x128xi32, #tpu.memory_space<vmem>>
      %dma_start3A_402 = tpu.memref_squeeze %dma_start3A_401 : memref<1x128xi32, #tpu.memory_space<vmem>> -> memref<128xi32, #tpu.memory_space<vmem>>
      %dma_start3A_403 = arith.constant 0 : i32
      %dma_start3A_404 = arith.constant 0 : i32
      %dma_start3A_405 = tpu.memref_slice %arg12[%dma_start3A_403, %dma_start3A_404] : memref<10240x48xf32, #tpu.memory_space<vmem_shared>> -> memref<10240x48xf32, #tpu.memory_space<vmem_shared>>
      tpu.enqueue_indirect_dma source(%dma_start3A_405 : memref<10240x48xf32, #tpu.memory_space<vmem_shared>>) target(%arg10 : memref<128x48xf32, #tpu.memory_space<vmem>>) offsets(%dma_start3A_402 : memref<128xi32, #tpu.memory_space<vmem>>) semaphore(%arg16 : memref<!tpu.dma_semaphore, #tpu.memory_space<semaphore_mem>>)
      %add3A_406 = arith.constant 3 : i32
      %add3A_407 = arith.addi %add3A_303, %add3A_406 : i32
      %dma_wait3A_408 = arith.constant 0 : i32
      %dma_wait3A_409 = tpu.memref_slice %arg6[%add3A_407, %dma_wait3A_408] : memref<84x128xi32, #tpu.memory_space<vmem>> -> memref<1x128xi32, #tpu.memory_space<vmem>>
      %dma_wait3A_410 = tpu.memref_squeeze %dma_wait3A_409 : memref<1x128xi32, #tpu.memory_space<vmem>> -> memref<128xi32, #tpu.memory_space<vmem>>
      %dma_wait3A_411 = arith.constant 0 : i32
      %dma_wait3A_412 = arith.constant 0 : i32
      %dma_wait3A_413 = tpu.memref_slice %arg12[%dma_wait3A_411, %dma_wait3A_412] : memref<10240x48xf32, #tpu.memory_space<vmem_shared>> -> memref<10240x48xf32, #tpu.memory_space<vmem_shared>>
      tpu.wait_indirect_dma semaphore(%arg17 : memref<!tpu.dma_semaphore, #tpu.memory_space<semaphore_mem>>) src(%dma_wait3A_413 : memref<10240x48xf32, #tpu.memory_space<vmem_shared>>) dst(%arg11 : memref<128x48xf32, #tpu.memory_space<vmem>>)
      %add3A_414 = arith.constant 3 : i32
      %add3A_415 = arith.addi %add3A_303, %add3A_414 : i32
      %dma_start3A_416 = arith.constant 0 : i32
      %dma_start3A_417 = tpu.memref_slice %arg7[%add3A_415, %dma_start3A_416] : memref<84x128xi32, #tpu.memory_space<vmem>> -> memref<1x128xi32, #tpu.memory_space<vmem>>
      %dma_start3A_418 = tpu.memref_squeeze %dma_start3A_417 : memref<1x128xi32, #tpu.memory_space<vmem>> -> memref<128xi32, #tpu.memory_space<vmem>>
      %dma_start3A_419 = arith.constant 0 : i32
      %dma_start3A_420 = arith.constant 0 : i32
      %dma_start3A_421 = tpu.memref_slice %arg13[%dma_start3A_419, %dma_start3A_420] : memref<10240x48xf32, #tpu.memory_space<vmem_shared>> -> memref<10240x48xf32, #tpu.memory_space<vmem_shared>>
      tpu.enqueue_indirect_dma source(%arg11 : memref<128x48xf32, #tpu.memory_space<vmem>>) target(%dma_start3A_421 : memref<10240x48xf32, #tpu.memory_space<vmem_shared>>) offsets(%dma_start3A_418 : memref<128xi32, #tpu.memory_space<vmem>>) semaphore(%arg21 : memref<!tpu.dma_semaphore, #tpu.memory_space<semaphore_mem>>) {add = true}
      %add3A_422 = arith.constant 3 : i32
      %add3A_423 = arith.addi %add3A_303, %add3A_422 : i32
      %dma_wait3A_424 = arith.constant 0 : i32
      %dma_wait3A_425 = tpu.memref_slice %arg7[%add3A_423, %dma_wait3A_424] : memref<84x128xi32, #tpu.memory_space<vmem>> -> memref<1x128xi32, #tpu.memory_space<vmem>>
      %dma_wait3A_426 = tpu.memref_squeeze %dma_wait3A_425 : memref<1x128xi32, #tpu.memory_space<vmem>> -> memref<128xi32, #tpu.memory_space<vmem>>
      %dma_wait3A_427 = arith.constant 0 : i32
      %dma_wait3A_428 = arith.constant 0 : i32
      %dma_wait3A_429 = tpu.memref_slice %arg13[%dma_wait3A_427, %dma_wait3A_428] : memref<10240x48xf32, #tpu.memory_space<vmem_shared>> -> memref<10240x48xf32, #tpu.memory_space<vmem_shared>>
      tpu.wait_indirect_dma semaphore(%arg21 : memref<!tpu.dma_semaphore, #tpu.memory_space<semaphore_mem>>) src(%arg11 : memref<128x48xf32, #tpu.memory_space<vmem>>) dst(%dma_wait3A_429 : memref<10240x48xf32, #tpu.memory_space<vmem_shared>>)
      %add3A_430 = arith.constant 3 : i32
      %add3A_431 = arith.addi %add3A_303, %add3A_430 : i32
      %add3A_432 = arith.constant 4 : i32
      %add3A_433 = arith.addi %add3A_431, %add3A_432 : i32
      %dma_start3A_434 = arith.constant 0 : i32
      %dma_start3A_435 = tpu.memref_slice %arg6[%add3A_433, %dma_start3A_434] : memref<84x128xi32, #tpu.memory_space<vmem>> -> memref<1x128xi32, #tpu.memory_space<vmem>>
      %dma_start3A_436 = tpu.memref_squeeze %dma_start3A_435 : memref<1x128xi32, #tpu.memory_space<vmem>> -> memref<128xi32, #tpu.memory_space<vmem>>
      %dma_start3A_437 = arith.constant 0 : i32
      %dma_start3A_438 = arith.constant 0 : i32
      %dma_start3A_439 = tpu.memref_slice %arg12[%dma_start3A_437, %dma_start3A_438] : memref<10240x48xf32, #tpu.memory_space<vmem_shared>> -> memref<10240x48xf32, #tpu.memory_space<vmem_shared>>
      tpu.enqueue_indirect_dma source(%dma_start3A_439 : memref<10240x48xf32, #tpu.memory_space<vmem_shared>>) target(%arg11 : memref<128x48xf32, #tpu.memory_space<vmem>>) offsets(%dma_start3A_436 : memref<128xi32, #tpu.memory_space<vmem>>) semaphore(%arg17 : memref<!tpu.dma_semaphore, #tpu.memory_space<semaphore_mem>>)
    }
    %scan3A_159 = arith.constant 20 : i32
    %dma_wait3A_160 = arith.constant 80 : i32
    %dma_wait3A_161 = arith.constant 0 : i32
    %dma_wait3A_162 = tpu.memref_slice %arg6[%dma_wait3A_160, %dma_wait3A_161] : memref<84x128xi32, #tpu.memory_space<vmem>> -> memref<1x128xi32, #tpu.memory_space<vmem>>
    %dma_wait3A_163 = tpu.memref_squeeze %dma_wait3A_162 : memref<1x128xi32, #tpu.memory_space<vmem>> -> memref<128xi32, #tpu.memory_space<vmem>>
    %dma_wait3A_164 = arith.constant 0 : i32
    %dma_wait3A_165 = arith.constant 0 : i32
    %dma_wait3A_166 = tpu.memref_slice %arg12[%dma_wait3A_164, %dma_wait3A_165] : memref<10240x48xf32, #tpu.memory_space<vmem_shared>> -> memref<10240x48xf32, #tpu.memory_space<vmem_shared>>
    tpu.wait_indirect_dma semaphore(%arg14 : memref<!tpu.dma_semaphore, #tpu.memory_space<semaphore_mem>>) src(%dma_wait3A_166 : memref<10240x48xf32, #tpu.memory_space<vmem_shared>>) dst(%arg8 : memref<128x48xf32, #tpu.memory_space<vmem>>)
    %run_scoped3A_167 = arith.constant 80 : i32
    "tpu.region"() ({
      %run_scoped3A_299 = tpu.sem_alloc : memref<!tpu.dma_semaphore, #tpu.memory_space<semaphore_mem>>
      %dma_start3A_300 = arith.constant 0 : i32
      %dma_start3A_301 = tpu.memref_slice %arg7[%run_scoped3A_167, %dma_start3A_300] : memref<84x128xi32, #tpu.memory_space<vmem>> -> memref<1x128xi32, #tpu.memory_space<vmem>>
      %dma_start3A_302 = tpu.memref_squeeze %dma_start3A_301 : memref<1x128xi32, #tpu.memory_space<vmem>> -> memref<128xi32, #tpu.memory_space<vmem>>
      %dma_start3A_303 = arith.constant 0 : i32
      %dma_start3A_304 = arith.constant 0 : i32
      %dma_start3A_305 = tpu.memref_slice %arg13[%dma_start3A_303, %dma_start3A_304] : memref<10240x48xf32, #tpu.memory_space<vmem_shared>> -> memref<10240x48xf32, #tpu.memory_space<vmem_shared>>
      tpu.enqueue_indirect_dma source(%arg8 : memref<128x48xf32, #tpu.memory_space<vmem>>) target(%dma_start3A_305 : memref<10240x48xf32, #tpu.memory_space<vmem_shared>>) offsets(%dma_start3A_302 : memref<128xi32, #tpu.memory_space<vmem>>) semaphore(%run_scoped3A_299 : memref<!tpu.dma_semaphore, #tpu.memory_space<semaphore_mem>>) {add = true}
      %dma_wait3A_306 = arith.constant 0 : i32
      %dma_wait3A_307 = tpu.memref_slice %arg7[%run_scoped3A_167, %dma_wait3A_306] : memref<84x128xi32, #tpu.memory_space<vmem>> -> memref<1x128xi32, #tpu.memory_space<vmem>>
      %dma_wait3A_308 = tpu.memref_squeeze %dma_wait3A_307 : memref<1x128xi32, #tpu.memory_space<vmem>> -> memref<128xi32, #tpu.memory_space<vmem>>
      %dma_wait3A_309 = arith.constant 0 : i32
      %dma_wait3A_310 = arith.constant 0 : i32
      %dma_wait3A_311 = tpu.memref_slice %arg13[%dma_wait3A_309, %dma_wait3A_310] : memref<10240x48xf32, #tpu.memory_space<vmem_shared>> -> memref<10240x48xf32, #tpu.memory_space<vmem_shared>>
      tpu.wait_indirect_dma semaphore(%run_scoped3A_299 : memref<!tpu.dma_semaphore, #tpu.memory_space<semaphore_mem>>) src(%arg8 : memref<128x48xf32, #tpu.memory_space<vmem>>) dst(%dma_wait3A_311 : memref<10240x48xf32, #tpu.memory_space<vmem_shared>>)
      tpu.yield
    }) : () -> ()
    %dma_wait3A_168 = arith.constant 81 : i32
    %dma_wait3A_169 = arith.constant 0 : i32
    %dma_wait3A_170 = tpu.memref_slice %arg6[%dma_wait3A_168, %dma_wait3A_169] : memref<84x128xi32, #tpu.memory_space<vmem>> -> memref<1x128xi32, #tpu.memory_space<vmem>>
    %dma_wait3A_171 = tpu.memref_squeeze %dma_wait3A_170 : memref<1x128xi32, #tpu.memory_space<vmem>> -> memref<128xi32, #tpu.memory_space<vmem>>
    %dma_wait3A_172 = arith.constant 0 : i32
    %dma_wait3A_173 = arith.constant 0 : i32
    %dma_wait3A_174 = tpu.memref_slice %arg12[%dma_wait3A_172, %dma_wait3A_173] : memref<10240x48xf32, #tpu.memory_space<vmem_shared>> -> memref<10240x48xf32, #tpu.memory_space<vmem_shared>>
    tpu.wait_indirect_dma semaphore(%arg15 : memref<!tpu.dma_semaphore, #tpu.memory_space<semaphore_mem>>) src(%dma_wait3A_174 : memref<10240x48xf32, #tpu.memory_space<vmem_shared>>) dst(%arg9 : memref<128x48xf32, #tpu.memory_space<vmem>>)
    %run_scoped3A_175 = arith.constant 81 : i32
    "tpu.region"() ({
      %run_scoped3A_299 = tpu.sem_alloc : memref<!tpu.dma_semaphore, #tpu.memory_space<semaphore_mem>>
      %dma_start3A_300 = arith.constant 0 : i32
      %dma_start3A_301 = tpu.memref_slice %arg7[%run_scoped3A_175, %dma_start3A_300] : memref<84x128xi32, #tpu.memory_space<vmem>> -> memref<1x128xi32, #tpu.memory_space<vmem>>
      %dma_start3A_302 = tpu.memref_squeeze %dma_start3A_301 : memref<1x128xi32, #tpu.memory_space<vmem>> -> memref<128xi32, #tpu.memory_space<vmem>>
      %dma_start3A_303 = arith.constant 0 : i32
      %dma_start3A_304 = arith.constant 0 : i32
      %dma_start3A_305 = tpu.memref_slice %arg13[%dma_start3A_303, %dma_start3A_304] : memref<10240x48xf32, #tpu.memory_space<vmem_shared>> -> memref<10240x48xf32, #tpu.memory_space<vmem_shared>>
      tpu.enqueue_indirect_dma source(%arg9 : memref<128x48xf32, #tpu.memory_space<vmem>>) target(%dma_start3A_305 : memref<10240x48xf32, #tpu.memory_space<vmem_shared>>) offsets(%dma_start3A_302 : memref<128xi32, #tpu.memory_space<vmem>>) semaphore(%run_scoped3A_299 : memref<!tpu.dma_semaphore, #tpu.memory_space<semaphore_mem>>) {add = true}
      %dma_wait3A_306 = arith.constant 0 : i32
      %dma_wait3A_307 = tpu.memref_slice %arg7[%run_scoped3A_175, %dma_wait3A_306] : memref<84x128xi32, #tpu.memory_space<vmem>> -> memref<1x128xi32, #tpu.memory_space<vmem>>
      %dma_wait3A_308 = tpu.memref_squeeze %dma_wait3A_307 : memref<1x128xi32, #tpu.memory_space<vmem>> -> memref<128xi32, #tpu.memory_space<vmem>>
      %dma_wait3A_309 = arith.constant 0 : i32
      %dma_wait3A_310 = arith.constant 0 : i32
      %dma_wait3A_311 = tpu.memref_slice %arg13[%dma_wait3A_309, %dma_wait3A_310] : memref<10240x48xf32, #tpu.memory_space<vmem_shared>> -> memref<10240x48xf32, #tpu.memory_space<vmem_shared>>
      tpu.wait_indirect_dma semaphore(%run_scoped3A_299 : memref<!tpu.dma_semaphore, #tpu.memory_space<semaphore_mem>>) src(%arg9 : memref<128x48xf32, #tpu.memory_space<vmem>>) dst(%dma_wait3A_311 : memref<10240x48xf32, #tpu.memory_space<vmem_shared>>)
      tpu.yield
    }) : () -> ()
    %dma_wait3A_176 = arith.constant 82 : i32
    %dma_wait3A_177 = arith.constant 0 : i32
    %dma_wait3A_178 = tpu.memref_slice %arg6[%dma_wait3A_176, %dma_wait3A_177] : memref<84x128xi32, #tpu.memory_space<vmem>> -> memref<1x128xi32, #tpu.memory_space<vmem>>
    %dma_wait3A_179 = tpu.memref_squeeze %dma_wait3A_178 : memref<1x128xi32, #tpu.memory_space<vmem>> -> memref<128xi32, #tpu.memory_space<vmem>>
    %dma_wait3A_180 = arith.constant 0 : i32
    %dma_wait3A_181 = arith.constant 0 : i32
    %dma_wait3A_182 = tpu.memref_slice %arg12[%dma_wait3A_180, %dma_wait3A_181] : memref<10240x48xf32, #tpu.memory_space<vmem_shared>> -> memref<10240x48xf32, #tpu.memory_space<vmem_shared>>
    tpu.wait_indirect_dma semaphore(%arg16 : memref<!tpu.dma_semaphore, #tpu.memory_space<semaphore_mem>>) src(%dma_wait3A_182 : memref<10240x48xf32, #tpu.memory_space<vmem_shared>>) dst(%arg10 : memref<128x48xf32, #tpu.memory_space<vmem>>)
    %run_scoped3A_183 = arith.constant 82 : i32
    "tpu.region"() ({
      %run_scoped3A_299 = tpu.sem_alloc : memref<!tpu.dma_semaphore, #tpu.memory_space<semaphore_mem>>
      %dma_start3A_300 = arith.constant 0 : i32
      %dma_start3A_301 = tpu.memref_slice %arg7[%run_scoped3A_183, %dma_start3A_300] : memref<84x128xi32, #tpu.memory_space<vmem>> -> memref<1x128xi32, #tpu.memory_space<vmem>>
      %dma_start3A_302 = tpu.memref_squeeze %dma_start3A_301 : memref<1x128xi32, #tpu.memory_space<vmem>> -> memref<128xi32, #tpu.memory_space<vmem>>
      %dma_start3A_303 = arith.constant 0 : i32
      %dma_start3A_304 = arith.constant 0 : i32
      %dma_start3A_305 = tpu.memref_slice %arg13[%dma_start3A_303, %dma_start3A_304] : memref<10240x48xf32, #tpu.memory_space<vmem_shared>> -> memref<10240x48xf32, #tpu.memory_space<vmem_shared>>
      tpu.enqueue_indirect_dma source(%arg10 : memref<128x48xf32, #tpu.memory_space<vmem>>) target(%dma_start3A_305 : memref<10240x48xf32, #tpu.memory_space<vmem_shared>>) offsets(%dma_start3A_302 : memref<128xi32, #tpu.memory_space<vmem>>) semaphore(%run_scoped3A_299 : memref<!tpu.dma_semaphore, #tpu.memory_space<semaphore_mem>>) {add = true}
      %dma_wait3A_306 = arith.constant 0 : i32
      %dma_wait3A_307 = tpu.memref_slice %arg7[%run_scoped3A_183, %dma_wait3A_306] : memref<84x128xi32, #tpu.memory_space<vmem>> -> memref<1x128xi32, #tpu.memory_space<vmem>>
      %dma_wait3A_308 = tpu.memref_squeeze %dma_wait3A_307 : memref<1x128xi32, #tpu.memory_space<vmem>> -> memref<128xi32, #tpu.memory_space<vmem>>
      %dma_wait3A_309 = arith.constant 0 : i32
      %dma_wait3A_310 = arith.constant 0 : i32
      %dma_wait3A_311 = tpu.memref_slice %arg13[%dma_wait3A_309, %dma_wait3A_310] : memref<10240x48xf32, #tpu.memory_space<vmem_shared>> -> memref<10240x48xf32, #tpu.memory_space<vmem_shared>>
      tpu.wait_indirect_dma semaphore(%run_scoped3A_299 : memref<!tpu.dma_semaphore, #tpu.memory_space<semaphore_mem>>) src(%arg10 : memref<128x48xf32, #tpu.memory_space<vmem>>) dst(%dma_wait3A_311 : memref<10240x48xf32, #tpu.memory_space<vmem_shared>>)
      tpu.yield
    }) : () -> ()
    %dma_wait3A_184 = arith.constant 83 : i32
    %dma_wait3A_185 = arith.constant 0 : i32
    %dma_wait3A_186 = tpu.memref_slice %arg6[%dma_wait3A_184, %dma_wait3A_185] : memref<84x128xi32, #tpu.memory_space<vmem>> -> memref<1x128xi32, #tpu.memory_space<vmem>>
    %dma_wait3A_187 = tpu.memref_squeeze %dma_wait3A_186 : memref<1x128xi32, #tpu.memory_space<vmem>> -> memref<128xi32, #tpu.memory_space<vmem>>
    %dma_wait3A_188 = arith.constant 0 : i32
    %dma_wait3A_189 = arith.constant 0 : i32
    %dma_wait3A_190 = tpu.memref_slice %arg12[%dma_wait3A_188, %dma_wait3A_189] : memref<10240x48xf32, #tpu.memory_space<vmem_shared>> -> memref<10240x48xf32, #tpu.memory_space<vmem_shared>>
    tpu.wait_indirect_dma semaphore(%arg17 : memref<!tpu.dma_semaphore, #tpu.memory_space<semaphore_mem>>) src(%dma_wait3A_190 : memref<10240x48xf32, #tpu.memory_space<vmem_shared>>) dst(%arg11 : memref<128x48xf32, #tpu.memory_space<vmem>>)
    %run_scoped3A_191 = arith.constant 83 : i32
    "tpu.region"() ({
      %run_scoped3A_299 = tpu.sem_alloc : memref<!tpu.dma_semaphore, #tpu.memory_space<semaphore_mem>>
      %dma_start3A_300 = arith.constant 0 : i32
      %dma_start3A_301 = tpu.memref_slice %arg7[%run_scoped3A_191, %dma_start3A_300] : memref<84x128xi32, #tpu.memory_space<vmem>> -> memref<1x128xi32, #tpu.memory_space<vmem>>
      %dma_start3A_302 = tpu.memref_squeeze %dma_start3A_301 : memref<1x128xi32, #tpu.memory_space<vmem>> -> memref<128xi32, #tpu.memory_space<vmem>>
      %dma_start3A_303 = arith.constant 0 : i32
      %dma_start3A_304 = arith.constant 0 : i32
      %dma_start3A_305 = tpu.memref_slice %arg13[%dma_start3A_303, %dma_start3A_304] : memref<10240x48xf32, #tpu.memory_space<vmem_shared>> -> memref<10240x48xf32, #tpu.memory_space<vmem_shared>>
      tpu.enqueue_indirect_dma source(%arg11 : memref<128x48xf32, #tpu.memory_space<vmem>>) target(%dma_start3A_305 : memref<10240x48xf32, #tpu.memory_space<vmem_shared>>) offsets(%dma_start3A_302 : memref<128xi32, #tpu.memory_space<vmem>>) semaphore(%run_scoped3A_299 : memref<!tpu.dma_semaphore, #tpu.memory_space<semaphore_mem>>) {add = true}
      %dma_wait3A_306 = arith.constant 0 : i32
      %dma_wait3A_307 = tpu.memref_slice %arg7[%run_scoped3A_191, %dma_wait3A_306] : memref<84x128xi32, #tpu.memory_space<vmem>> -> memref<1x128xi32, #tpu.memory_space<vmem>>
      %dma_wait3A_308 = tpu.memref_squeeze %dma_wait3A_307 : memref<1x128xi32, #tpu.memory_space<vmem>> -> memref<128xi32, #tpu.memory_space<vmem>>
      %dma_wait3A_309 = arith.constant 0 : i32
      %dma_wait3A_310 = arith.constant 0 : i32
      %dma_wait3A_311 = tpu.memref_slice %arg13[%dma_wait3A_309, %dma_wait3A_310] : memref<10240x48xf32, #tpu.memory_space<vmem_shared>> -> memref<10240x48xf32, #tpu.memory_space<vmem_shared>>
      tpu.wait_indirect_dma semaphore(%run_scoped3A_299 : memref<!tpu.dma_semaphore, #tpu.memory_space<semaphore_mem>>) src(%arg11 : memref<128x48xf32, #tpu.memory_space<vmem>>) dst(%dma_wait3A_311 : memref<10240x48xf32, #tpu.memory_space<vmem_shared>>)
      tpu.yield
    }) : () -> ()
    %barrier3A_192 = arith.constant 0 : index
    tpu.barrier barrier_id(%barrier3A_192)
    %mul3A_193 = arith.constant 640 : i32
    %mul3A_194 = arith.muli %arg1, %mul3A_193 : i32
    %mul3A_195 = arith.constant 640 : i32
    %mul3A_196 = arith.muli %arg1, %mul3A_195 : i32
    %run_scoped3A_197 = arith.constant 1 : i32
    "tpu.region"() ({
      %run_scoped3A_299 = tpu.sem_alloc : memref<!tpu.dma_semaphore, #tpu.memory_space<semaphore_mem>>
      %dma_start3A_300 = arith.constant 0 : i32
      %dma_start3A_301 = tpu.memref_slice %arg5[%arg0, %run_scoped3A_197, %mul3A_196, %dma_start3A_300] : memref<2x3x10240x48xf32, #tpu.memory_space<hbm>> -> memref<1x1x640x48xf32, #tpu.memory_space<hbm>>
      %dma_start3A_302 = tpu.memref_squeeze %dma_start3A_301 : memref<1x1x640x48xf32, #tpu.memory_space<hbm>> -> memref<640x48xf32, #tpu.memory_space<hbm>>
      %dma_start3A_303 = arith.constant 0 : i32
      %dma_start3A_304 = tpu.memref_slice %arg13[%mul3A_194, %dma_start3A_303] : memref<10240x48xf32, #tpu.memory_space<vmem_shared>> -> memref<640x48xf32, #tpu.memory_space<vmem_shared>>
      tpu.enqueue_dma source(%dma_start3A_304 : memref<640x48xf32, #tpu.memory_space<vmem_shared>>) target(%dma_start3A_302 : memref<640x48xf32, #tpu.memory_space<hbm>>) target_semaphore(%run_scoped3A_299 : memref<!tpu.dma_semaphore, #tpu.memory_space<semaphore_mem>>)
      %dma_wait3A_305 = arith.constant 0 : i32
      %dma_wait3A_306 = tpu.memref_slice %arg5[%arg0, %run_scoped3A_197, %mul3A_196, %dma_wait3A_305] : memref<2x3x10240x48xf32, #tpu.memory_space<hbm>> -> memref<1x1x640x48xf32, #tpu.memory_space<hbm>>
      %dma_wait3A_307 = tpu.memref_squeeze %dma_wait3A_306 : memref<1x1x640x48xf32, #tpu.memory_space<hbm>> -> memref<640x48xf32, #tpu.memory_space<hbm>>
      %dma_wait3A_308 = arith.constant 0 : i32
      %dma_wait3A_309 = tpu.memref_slice %arg13[%mul3A_194, %dma_wait3A_308] : memref<10240x48xf32, #tpu.memory_space<vmem_shared>> -> memref<640x48xf32, #tpu.memory_space<vmem_shared>>
      tpu.wait_dma2 semaphore(%run_scoped3A_299 : memref<!tpu.dma_semaphore, #tpu.memory_space<semaphore_mem>>) src(%dma_wait3A_309 : memref<640x48xf32, #tpu.memory_space<vmem_shared>>) dst(%dma_wait3A_307 : memref<640x48xf32, #tpu.memory_space<hbm>>)
      tpu.yield
    }) : () -> ()
    %mul3A_198 = arith.constant 640 : i32
    %mul3A_199 = arith.muli %arg1, %mul3A_198 : i32
    %mul3A_200 = arith.constant 640 : i32
    %mul3A_201 = arith.muli %arg1, %mul3A_200 : i32
    "tpu.region"() ({
      %run_scoped3A_299 = tpu.sem_alloc : memref<!tpu.dma_semaphore, #tpu.memory_space<semaphore_mem>>
      %dma_start3A_300 = arith.constant 0 : i32
      %dma_start3A_301 = tpu.memref_slice %arg12[%mul3A_201, %dma_start3A_300] : memref<10240x48xf32, #tpu.memory_space<vmem_shared>> -> memref<640x48xf32, #tpu.memory_space<vmem_shared>>
      %dma_start3A_302 = arith.constant 96 : i32
      %dma_start3A_303 = tpu.memref_slice %arg2[%mul3A_199, %dma_start3A_302] : memref<10240x144xf32, #tpu.memory_space<hbm>> -> memref<640x48xf32, #tpu.memory_space<hbm>>
      tpu.enqueue_dma source(%dma_start3A_303 : memref<640x48xf32, #tpu.memory_space<hbm>>) target(%dma_start3A_301 : memref<640x48xf32, #tpu.memory_space<vmem_shared>>) target_semaphore(%run_scoped3A_299 : memref<!tpu.dma_semaphore, #tpu.memory_space<semaphore_mem>>)
      %dma_wait3A_304 = arith.constant 0 : i32
      %dma_wait3A_305 = tpu.memref_slice %arg12[%mul3A_201, %dma_wait3A_304] : memref<10240x48xf32, #tpu.memory_space<vmem_shared>> -> memref<640x48xf32, #tpu.memory_space<vmem_shared>>
      %dma_wait3A_306 = arith.constant 96 : i32
      %dma_wait3A_307 = tpu.memref_slice %arg2[%mul3A_199, %dma_wait3A_306] : memref<10240x144xf32, #tpu.memory_space<hbm>> -> memref<640x48xf32, #tpu.memory_space<hbm>>
      tpu.wait_dma2 semaphore(%run_scoped3A_299 : memref<!tpu.dma_semaphore, #tpu.memory_space<semaphore_mem>>) src(%dma_wait3A_307 : memref<640x48xf32, #tpu.memory_space<hbm>>) dst(%dma_wait3A_305 : memref<640x48xf32, #tpu.memory_space<vmem_shared>>)
      tpu.yield
    }) : () -> ()
    %scan3A_202 = arith.constant 0 : i32
    %scan3A_203 = arith.constant 128 : i32
    %scan3A_204 = arith.addi %scan3A_202, %scan3A_203 : i32
    %scan3A_205 = arith.constant 1 : i32
    scf.for %scan3A_299 = %scan3A_202 to %scan3A_204 step %scan3A_205  : i32 {
      %mul3A_300 = arith.constant 1 : i32
      %mul3A_301 = arith.muli %scan3A_299, %mul3A_300 : i32
      %add3A_302 = arith.constant 0 : i32
      %add3A_303 = arith.addi %add3A_302, %mul3A_301 : i32
      %broadcast_in_dim3A = arith.constant 0.000000e+00 : f32
      %broadcast_in_dim3A_304 = vector.broadcast %broadcast_in_dim3A : f32 to vector<16xf32>
      %swap3A = arith.index_cast %add3A_303 : i32 to index
      %swap3A_305 = arith.constant 0 : index
      %swap3A_306 = tpu.vector_load %arg8[%swap3A, %swap3A_305] {strides = array<i32>} : memref<128x48xf32, #tpu.memory_space<vmem>>, vector<1x16xf32>,
      %swap3A_307 = vector.shape_cast %swap3A_306 : vector<1x16xf32> to vector<16xf32>
      %swap3A_308 = vector.shape_cast %broadcast_in_dim3A_304 : vector<16xf32> to vector<1x16xf32>
      tpu.vector_store %arg8[%swap3A, %swap3A_305], %swap3A_308 {strides = array<i32>} : memref<128x48xf32, #tpu.memory_space<vmem>>, vector<1x16xf32>,
      %broadcast_in_dim3A_309 = arith.constant 0.000000e+00 : f32
      %broadcast_in_dim3A_310 = vector.broadcast %broadcast_in_dim3A_309 : f32 to vector<16xf32>
      %swap3A_311 = arith.index_cast %add3A_303 : i32 to index
      %swap3A_312 = arith.constant 16 : index
      %swap3A_313 = tpu.vector_load %arg8[%swap3A_311, %swap3A_312] {strides = array<i32>} : memref<128x48xf32, #tpu.memory_space<vmem>>, vector<1x16xf32>,
      %swap3A_314 = vector.shape_cast %swap3A_313 : vector<1x16xf32> to vector<16xf32>
      %swap3A_315 = vector.shape_cast %broadcast_in_dim3A_310 : vector<16xf32> to vector<1x16xf32>
      tpu.vector_store %arg8[%swap3A_311, %swap3A_312], %swap3A_315 {strides = array<i32>} : memref<128x48xf32, #tpu.memory_space<vmem>>, vector<1x16xf32>,
      %broadcast_in_dim3A_316 = arith.constant 0.000000e+00 : f32
      %broadcast_in_dim3A_317 = vector.broadcast %broadcast_in_dim3A_316 : f32 to vector<16xf32>
      %swap3A_318 = arith.index_cast %add3A_303 : i32 to index
      %swap3A_319 = arith.constant 32 : index
      %swap3A_320 = tpu.vector_load %arg8[%swap3A_318, %swap3A_319] {strides = array<i32>} : memref<128x48xf32, #tpu.memory_space<vmem>>, vector<1x16xf32>,
      %swap3A_321 = vector.shape_cast %swap3A_320 : vector<1x16xf32> to vector<16xf32>
      %swap3A_322 = vector.shape_cast %broadcast_in_dim3A_317 : vector<16xf32> to vector<1x16xf32>
      tpu.vector_store %arg8[%swap3A_318, %swap3A_319], %swap3A_322 {strides = array<i32>} : memref<128x48xf32, #tpu.memory_space<vmem>>, vector<1x16xf32>,
    }
    %scan3A_206 = arith.constant 128 : i32
    %mul3A_207 = arith.constant 640 : i32
    %mul3A_208 = arith.muli %arg1, %mul3A_207 : i32
    %add3A_209 = arith.constant 0 : i32
    %add3A_210 = arith.addi %mul3A_208, %add3A_209 : i32
    "tpu.region"() ({
      %run_scoped3A_299 = tpu.sem_alloc : memref<!tpu.dma_semaphore, #tpu.memory_space<semaphore_mem>>
      %dma_start3A_300 = arith.constant 0 : i32
      %dma_start3A_301 = tpu.memref_slice %arg13[%add3A_210, %dma_start3A_300] : memref<10240x48xf32, #tpu.memory_space<vmem_shared>> -> memref<128x48xf32, #tpu.memory_space<vmem_shared>>
      %dma_start3A_302 = arith.constant 0 : i32
      %dma_start3A_303 = tpu.memref_slice %arg13[%add3A_210, %dma_start3A_302] : memref<10240x48xf32, #tpu.memory_space<vmem_shared>> -> memref<128x48xf32, #tpu.memory_space<vmem_shared>>
      tpu.enqueue_dma source(%arg8 : memref<128x48xf32, #tpu.memory_space<vmem>>) target(%dma_start3A_303 : memref<128x48xf32, #tpu.memory_space<vmem_shared>>) target_semaphore(%run_scoped3A_299 : memref<!tpu.dma_semaphore, #tpu.memory_space<semaphore_mem>>)
      %dma_wait3A_304 = arith.constant 0 : i32
      %dma_wait3A_305 = tpu.memref_slice %arg13[%add3A_210, %dma_wait3A_304] : memref<10240x48xf32, #tpu.memory_space<vmem_shared>> -> memref<128x48xf32, #tpu.memory_space<vmem_shared>>
      %dma_wait3A_306 = arith.constant 0 : i32
      %dma_wait3A_307 = tpu.memref_slice %arg13[%add3A_210, %dma_wait3A_306] : memref<10240x48xf32, #tpu.memory_space<vmem_shared>> -> memref<128x48xf32, #tpu.memory_space<vmem_shared>>
      tpu.wait_dma2 semaphore(%run_scoped3A_299 : memref<!tpu.dma_semaphore, #tpu.memory_space<semaphore_mem>>) src(%arg8 : memref<128x48xf32, #tpu.memory_space<vmem>>) dst(%dma_wait3A_307 : memref<128x48xf32, #tpu.memory_space<vmem_shared>>)
      tpu.yield
    }) : () -> ()
    %mul3A_211 = arith.constant 640 : i32
    %mul3A_212 = arith.muli %arg1, %mul3A_211 : i32
    %add3A_213 = arith.constant 128 : i32
    %add3A_214 = arith.addi %mul3A_212, %add3A_213 : i32
    "tpu.region"() ({
      %run_scoped3A_299 = tpu.sem_alloc : memref<!tpu.dma_semaphore, #tpu.memory_space<semaphore_mem>>
      %dma_start3A_300 = arith.constant 0 : i32
      %dma_start3A_301 = tpu.memref_slice %arg13[%add3A_214, %dma_start3A_300] : memref<10240x48xf32, #tpu.memory_space<vmem_shared>> -> memref<128x48xf32, #tpu.memory_space<vmem_shared>>
      %dma_start3A_302 = arith.constant 0 : i32
      %dma_start3A_303 = tpu.memref_slice %arg13[%add3A_214, %dma_start3A_302] : memref<10240x48xf32, #tpu.memory_space<vmem_shared>> -> memref<128x48xf32, #tpu.memory_space<vmem_shared>>
      tpu.enqueue_dma source(%arg8 : memref<128x48xf32, #tpu.memory_space<vmem>>) target(%dma_start3A_303 : memref<128x48xf32, #tpu.memory_space<vmem_shared>>) target_semaphore(%run_scoped3A_299 : memref<!tpu.dma_semaphore, #tpu.memory_space<semaphore_mem>>)
      %dma_wait3A_304 = arith.constant 0 : i32
      %dma_wait3A_305 = tpu.memref_slice %arg13[%add3A_214, %dma_wait3A_304] : memref<10240x48xf32, #tpu.memory_space<vmem_shared>> -> memref<128x48xf32, #tpu.memory_space<vmem_shared>>
      %dma_wait3A_306 = arith.constant 0 : i32
      %dma_wait3A_307 = tpu.memref_slice %arg13[%add3A_214, %dma_wait3A_306] : memref<10240x48xf32, #tpu.memory_space<vmem_shared>> -> memref<128x48xf32, #tpu.memory_space<vmem_shared>>
      tpu.wait_dma2 semaphore(%run_scoped3A_299 : memref<!tpu.dma_semaphore, #tpu.memory_space<semaphore_mem>>) src(%arg8 : memref<128x48xf32, #tpu.memory_space<vmem>>) dst(%dma_wait3A_307 : memref<128x48xf32, #tpu.memory_space<vmem_shared>>)
      tpu.yield
    }) : () -> ()
    %mul3A_215 = arith.constant 640 : i32
    %mul3A_216 = arith.muli %arg1, %mul3A_215 : i32
    %add3A_217 = arith.constant 256 : i32
    %add3A_218 = arith.addi %mul3A_216, %add3A_217 : i32
    "tpu.region"() ({
      %run_scoped3A_299 = tpu.sem_alloc : memref<!tpu.dma_semaphore, #tpu.memory_space<semaphore_mem>>
      %dma_start3A_300 = arith.constant 0 : i32
      %dma_start3A_301 = tpu.memref_slice %arg13[%add3A_218, %dma_start3A_300] : memref<10240x48xf32, #tpu.memory_space<vmem_shared>> -> memref<128x48xf32, #tpu.memory_space<vmem_shared>>
      %dma_start3A_302 = arith.constant 0 : i32
      %dma_start3A_303 = tpu.memref_slice %arg13[%add3A_218, %dma_start3A_302] : memref<10240x48xf32, #tpu.memory_space<vmem_shared>> -> memref<128x48xf32, #tpu.memory_space<vmem_shared>>
      tpu.enqueue_dma source(%arg8 : memref<128x48xf32, #tpu.memory_space<vmem>>) target(%dma_start3A_303 : memref<128x48xf32, #tpu.memory_space<vmem_shared>>) target_semaphore(%run_scoped3A_299 : memref<!tpu.dma_semaphore, #tpu.memory_space<semaphore_mem>>)
      %dma_wait3A_304 = arith.constant 0 : i32
      %dma_wait3A_305 = tpu.memref_slice %arg13[%add3A_218, %dma_wait3A_304] : memref<10240x48xf32, #tpu.memory_space<vmem_shared>> -> memref<128x48xf32, #tpu.memory_space<vmem_shared>>
      %dma_wait3A_306 = arith.constant 0 : i32
      %dma_wait3A_307 = tpu.memref_slice %arg13[%add3A_218, %dma_wait3A_306] : memref<10240x48xf32, #tpu.memory_space<vmem_shared>> -> memref<128x48xf32, #tpu.memory_space<vmem_shared>>
      tpu.wait_dma2 semaphore(%run_scoped3A_299 : memref<!tpu.dma_semaphore, #tpu.memory_space<semaphore_mem>>) src(%arg8 : memref<128x48xf32, #tpu.memory_space<vmem>>) dst(%dma_wait3A_307 : memref<128x48xf32, #tpu.memory_space<vmem_shared>>)
      tpu.yield
    }) : () -> ()
    %mul3A_219 = arith.constant 640 : i32
    %mul3A_220 = arith.muli %arg1, %mul3A_219 : i32
    %add3A_221 = arith.constant 384 : i32
    %add3A_222 = arith.addi %mul3A_220, %add3A_221 : i32
    "tpu.region"() ({
      %run_scoped3A_299 = tpu.sem_alloc : memref<!tpu.dma_semaphore, #tpu.memory_space<semaphore_mem>>
      %dma_start3A_300 = arith.constant 0 : i32
      %dma_start3A_301 = tpu.memref_slice %arg13[%add3A_222, %dma_start3A_300] : memref<10240x48xf32, #tpu.memory_space<vmem_shared>> -> memref<128x48xf32, #tpu.memory_space<vmem_shared>>
      %dma_start3A_302 = arith.constant 0 : i32
      %dma_start3A_303 = tpu.memref_slice %arg13[%add3A_222, %dma_start3A_302] : memref<10240x48xf32, #tpu.memory_space<vmem_shared>> -> memref<128x48xf32, #tpu.memory_space<vmem_shared>>
      tpu.enqueue_dma source(%arg8 : memref<128x48xf32, #tpu.memory_space<vmem>>) target(%dma_start3A_303 : memref<128x48xf32, #tpu.memory_space<vmem_shared>>) target_semaphore(%run_scoped3A_299 : memref<!tpu.dma_semaphore, #tpu.memory_space<semaphore_mem>>)
      %dma_wait3A_304 = arith.constant 0 : i32
      %dma_wait3A_305 = tpu.memref_slice %arg13[%add3A_222, %dma_wait3A_304] : memref<10240x48xf32, #tpu.memory_space<vmem_shared>> -> memref<128x48xf32, #tpu.memory_space<vmem_shared>>
      %dma_wait3A_306 = arith.constant 0 : i32
      %dma_wait3A_307 = tpu.memref_slice %arg13[%add3A_222, %dma_wait3A_306] : memref<10240x48xf32, #tpu.memory_space<vmem_shared>> -> memref<128x48xf32, #tpu.memory_space<vmem_shared>>
      tpu.wait_dma2 semaphore(%run_scoped3A_299 : memref<!tpu.dma_semaphore, #tpu.memory_space<semaphore_mem>>) src(%arg8 : memref<128x48xf32, #tpu.memory_space<vmem>>) dst(%dma_wait3A_307 : memref<128x48xf32, #tpu.memory_space<vmem_shared>>)
      tpu.yield
    }) : () -> ()
    %mul3A_223 = arith.constant 640 : i32
    %mul3A_224 = arith.muli %arg1, %mul3A_223 : i32
    %add3A_225 = arith.constant 512 : i32
    %add3A_226 = arith.addi %mul3A_224, %add3A_225 : i32
    "tpu.region"() ({
      %run_scoped3A_299 = tpu.sem_alloc : memref<!tpu.dma_semaphore, #tpu.memory_space<semaphore_mem>>
      %dma_start3A_300 = arith.constant 0 : i32
      %dma_start3A_301 = tpu.memref_slice %arg13[%add3A_226, %dma_start3A_300] : memref<10240x48xf32, #tpu.memory_space<vmem_shared>> -> memref<128x48xf32, #tpu.memory_space<vmem_shared>>
      %dma_start3A_302 = arith.constant 0 : i32
      %dma_start3A_303 = tpu.memref_slice %arg13[%add3A_226, %dma_start3A_302] : memref<10240x48xf32, #tpu.memory_space<vmem_shared>> -> memref<128x48xf32, #tpu.memory_space<vmem_shared>>
      tpu.enqueue_dma source(%arg8 : memref<128x48xf32, #tpu.memory_space<vmem>>) target(%dma_start3A_303 : memref<128x48xf32, #tpu.memory_space<vmem_shared>>) target_semaphore(%run_scoped3A_299 : memref<!tpu.dma_semaphore, #tpu.memory_space<semaphore_mem>>)
      %dma_wait3A_304 = arith.constant 0 : i32
      %dma_wait3A_305 = tpu.memref_slice %arg13[%add3A_226, %dma_wait3A_304] : memref<10240x48xf32, #tpu.memory_space<vmem_shared>> -> memref<128x48xf32, #tpu.memory_space<vmem_shared>>
      %dma_wait3A_306 = arith.constant 0 : i32
      %dma_wait3A_307 = tpu.memref_slice %arg13[%add3A_226, %dma_wait3A_306] : memref<10240x48xf32, #tpu.memory_space<vmem_shared>> -> memref<128x48xf32, #tpu.memory_space<vmem_shared>>
      tpu.wait_dma2 semaphore(%run_scoped3A_299 : memref<!tpu.dma_semaphore, #tpu.memory_space<semaphore_mem>>) src(%arg8 : memref<128x48xf32, #tpu.memory_space<vmem>>) dst(%dma_wait3A_307 : memref<128x48xf32, #tpu.memory_space<vmem_shared>>)
      tpu.yield
    }) : () -> ()
    %barrier3A_227 = arith.constant 0 : index
    tpu.barrier barrier_id(%barrier3A_227)
    %dma_start3A_228 = arith.constant 0 : i32
    %dma_start3A_229 = arith.constant 0 : i32
    %dma_start3A_230 = tpu.memref_slice %arg6[%dma_start3A_228, %dma_start3A_229] : memref<84x128xi32, #tpu.memory_space<vmem>> -> memref<1x128xi32, #tpu.memory_space<vmem>>
    %dma_start3A_231 = tpu.memref_squeeze %dma_start3A_230 : memref<1x128xi32, #tpu.memory_space<vmem>> -> memref<128xi32, #tpu.memory_space<vmem>>
    %dma_start3A_232 = arith.constant 0 : i32
    %dma_start3A_233 = arith.constant 0 : i32
    %dma_start3A_234 = tpu.memref_slice %arg12[%dma_start3A_232, %dma_start3A_233] : memref<10240x48xf32, #tpu.memory_space<vmem_shared>> -> memref<10240x48xf32, #tpu.memory_space<vmem_shared>>
    tpu.enqueue_indirect_dma source(%dma_start3A_234 : memref<10240x48xf32, #tpu.memory_space<vmem_shared>>) target(%arg8 : memref<128x48xf32, #tpu.memory_space<vmem>>) offsets(%dma_start3A_231 : memref<128xi32, #tpu.memory_space<vmem>>) semaphore(%arg14 : memref<!tpu.dma_semaphore, #tpu.memory_space<semaphore_mem>>)
    %dma_start3A_235 = arith.constant 1 : i32
    %dma_start3A_236 = arith.constant 0 : i32
    %dma_start3A_237 = tpu.memref_slice %arg6[%dma_start3A_235, %dma_start3A_236] : memref<84x128xi32, #tpu.memory_space<vmem>> -> memref<1x128xi32, #tpu.memory_space<vmem>>
    %dma_start3A_238 = tpu.memref_squeeze %dma_start3A_237 : memref<1x128xi32, #tpu.memory_space<vmem>> -> memref<128xi32, #tpu.memory_space<vmem>>
    %dma_start3A_239 = arith.constant 0 : i32
    %dma_start3A_240 = arith.constant 0 : i32
    %dma_start3A_241 = tpu.memref_slice %arg12[%dma_start3A_239, %dma_start3A_240] : memref<10240x48xf32, #tpu.memory_space<vmem_shared>> -> memref<10240x48xf32, #tpu.memory_space<vmem_shared>>
    tpu.enqueue_indirect_dma source(%dma_start3A_241 : memref<10240x48xf32, #tpu.memory_space<vmem_shared>>) target(%arg9 : memref<128x48xf32, #tpu.memory_space<vmem>>) offsets(%dma_start3A_238 : memref<128xi32, #tpu.memory_space<vmem>>) semaphore(%arg15 : memref<!tpu.dma_semaphore, #tpu.memory_space<semaphore_mem>>)
    %dma_start3A_242 = arith.constant 2 : i32
    %dma_start3A_243 = arith.constant 0 : i32
    %dma_start3A_244 = tpu.memref_slice %arg6[%dma_start3A_242, %dma_start3A_243] : memref<84x128xi32, #tpu.memory_space<vmem>> -> memref<1x128xi32, #tpu.memory_space<vmem>>
    %dma_start3A_245 = tpu.memref_squeeze %dma_start3A_244 : memref<1x128xi32, #tpu.memory_space<vmem>> -> memref<128xi32, #tpu.memory_space<vmem>>
    %dma_start3A_246 = arith.constant 0 : i32
    %dma_start3A_247 = arith.constant 0 : i32
    %dma_start3A_248 = tpu.memref_slice %arg12[%dma_start3A_246, %dma_start3A_247] : memref<10240x48xf32, #tpu.memory_space<vmem_shared>> -> memref<10240x48xf32, #tpu.memory_space<vmem_shared>>
    tpu.enqueue_indirect_dma source(%dma_start3A_248 : memref<10240x48xf32, #tpu.memory_space<vmem_shared>>) target(%arg10 : memref<128x48xf32, #tpu.memory_space<vmem>>) offsets(%dma_start3A_245 : memref<128xi32, #tpu.memory_space<vmem>>) semaphore(%arg16 : memref<!tpu.dma_semaphore, #tpu.memory_space<semaphore_mem>>)
    %dma_start3A_249 = arith.constant 3 : i32
    %dma_start3A_250 = arith.constant 0 : i32
    %dma_start3A_251 = tpu.memref_slice %arg6[%dma_start3A_249, %dma_start3A_250] : memref<84x128xi32, #tpu.memory_space<vmem>> -> memref<1x128xi32, #tpu.memory_space<vmem>>
    %dma_start3A_252 = tpu.memref_squeeze %dma_start3A_251 : memref<1x128xi32, #tpu.memory_space<vmem>> -> memref<128xi32, #tpu.memory_space<vmem>>
    %dma_start3A_253 = arith.constant 0 : i32
    %dma_start3A_254 = arith.constant 0 : i32
    %dma_start3A_255 = tpu.memref_slice %arg12[%dma_start3A_253, %dma_start3A_254] : memref<10240x48xf32, #tpu.memory_space<vmem_shared>> -> memref<10240x48xf32, #tpu.memory_space<vmem_shared>>
    tpu.enqueue_indirect_dma source(%dma_start3A_255 : memref<10240x48xf32, #tpu.memory_space<vmem_shared>>) target(%arg11 : memref<128x48xf32, #tpu.memory_space<vmem>>) offsets(%dma_start3A_252 : memref<128xi32, #tpu.memory_space<vmem>>) semaphore(%arg17 : memref<!tpu.dma_semaphore, #tpu.memory_space<semaphore_mem>>)
    %scan3A_256 = arith.constant 0 : i32
    %scan3A_257 = arith.constant 20 : i32
    %scan3A_258 = arith.addi %scan3A_256, %scan3A_257 : i32
    %scan3A_259 = arith.constant 1 : i32
    scf.for %scan3A_299 = %scan3A_256 to %scan3A_258 step %scan3A_259  : i32 {
      %mul3A_300 = arith.constant 4 : i32
      %mul3A_301 = arith.muli %scan3A_299, %mul3A_300 : i32
      %add3A_302 = arith.constant 0 : i32
      %add3A_303 = arith.addi %add3A_302, %mul3A_301 : i32
      %add3A_304 = arith.constant 0 : i32
      %add3A_305 = arith.addi %add3A_303, %add3A_304 : i32
      %dma_wait3A_306 = arith.constant 0 : i32
      %dma_wait3A_307 = tpu.memref_slice %arg6[%add3A_305, %dma_wait3A_306] : memref<84x128xi32, #tpu.memory_space<vmem>> -> memref<1x128xi32, #tpu.memory_space<vmem>>
      %dma_wait3A_308 = tpu.memref_squeeze %dma_wait3A_307 : memref<1x128xi32, #tpu.memory_space<vmem>> -> memref<128xi32, #tpu.memory_space<vmem>>
      %dma_wait3A_309 = arith.constant 0 : i32
      %dma_wait3A_310 = arith.constant 0 : i32
      %dma_wait3A_311 = tpu.memref_slice %arg12[%dma_wait3A_309, %dma_wait3A_310] : memref<10240x48xf32, #tpu.memory_space<vmem_shared>> -> memref<10240x48xf32, #tpu.memory_space<vmem_shared>>
      tpu.wait_indirect_dma semaphore(%arg14 : memref<!tpu.dma_semaphore, #tpu.memory_space<semaphore_mem>>) src(%dma_wait3A_311 : memref<10240x48xf32, #tpu.memory_space<vmem_shared>>) dst(%arg8 : memref<128x48xf32, #tpu.memory_space<vmem>>)
      %add3A_312 = arith.constant 0 : i32
      %add3A_313 = arith.addi %add3A_303, %add3A_312 : i32
      %dma_start3A_314 = arith.constant 0 : i32
      %dma_start3A_315 = tpu.memref_slice %arg7[%add3A_313, %dma_start3A_314] : memref<84x128xi32, #tpu.memory_space<vmem>> -> memref<1x128xi32, #tpu.memory_space<vmem>>
      %dma_start3A_316 = tpu.memref_squeeze %dma_start3A_315 : memref<1x128xi32, #tpu.memory_space<vmem>> -> memref<128xi32, #tpu.memory_space<vmem>>
      %dma_start3A_317 = arith.constant 0 : i32
      %dma_start3A_318 = arith.constant 0 : i32
      %dma_start3A_319 = tpu.memref_slice %arg13[%dma_start3A_317, %dma_start3A_318] : memref<10240x48xf32, #tpu.memory_space<vmem_shared>> -> memref<10240x48xf32, #tpu.memory_space<vmem_shared>>
      tpu.enqueue_indirect_dma source(%arg8 : memref<128x48xf32, #tpu.memory_space<vmem>>) target(%dma_start3A_319 : memref<10240x48xf32, #tpu.memory_space<vmem_shared>>) offsets(%dma_start3A_316 : memref<128xi32, #tpu.memory_space<vmem>>) semaphore(%arg18 : memref<!tpu.dma_semaphore, #tpu.memory_space<semaphore_mem>>) {add = true}
      %add3A_320 = arith.constant 0 : i32
      %add3A_321 = arith.addi %add3A_303, %add3A_320 : i32
      %dma_wait3A_322 = arith.constant 0 : i32
      %dma_wait3A_323 = tpu.memref_slice %arg7[%add3A_321, %dma_wait3A_322] : memref<84x128xi32, #tpu.memory_space<vmem>> -> memref<1x128xi32, #tpu.memory_space<vmem>>
      %dma_wait3A_324 = tpu.memref_squeeze %dma_wait3A_323 : memref<1x128xi32, #tpu.memory_space<vmem>> -> memref<128xi32, #tpu.memory_space<vmem>>
      %dma_wait3A_325 = arith.constant 0 : i32
      %dma_wait3A_326 = arith.constant 0 : i32
      %dma_wait3A_327 = tpu.memref_slice %arg13[%dma_wait3A_325, %dma_wait3A_326] : memref<10240x48xf32, #tpu.memory_space<vmem_shared>> -> memref<10240x48xf32, #tpu.memory_space<vmem_shared>>
      tpu.wait_indirect_dma semaphore(%arg18 : memref<!tpu.dma_semaphore, #tpu.memory_space<semaphore_mem>>) src(%arg8 : memref<128x48xf32, #tpu.memory_space<vmem>>) dst(%dma_wait3A_327 : memref<10240x48xf32, #tpu.memory_space<vmem_shared>>)
      %add3A_328 = arith.constant 0 : i32
      %add3A_329 = arith.addi %add3A_303, %add3A_328 : i32
      %add3A_330 = arith.constant 4 : i32
      %add3A_331 = arith.addi %add3A_329, %add3A_330 : i32
      %dma_start3A_332 = arith.constant 0 : i32
      %dma_start3A_333 = tpu.memref_slice %arg6[%add3A_331, %dma_start3A_332] : memref<84x128xi32, #tpu.memory_space<vmem>> -> memref<1x128xi32, #tpu.memory_space<vmem>>
      %dma_start3A_334 = tpu.memref_squeeze %dma_start3A_333 : memref<1x128xi32, #tpu.memory_space<vmem>> -> memref<128xi32, #tpu.memory_space<vmem>>
      %dma_start3A_335 = arith.constant 0 : i32
      %dma_start3A_336 = arith.constant 0 : i32
      %dma_start3A_337 = tpu.memref_slice %arg12[%dma_start3A_335, %dma_start3A_336] : memref<10240x48xf32, #tpu.memory_space<vmem_shared>> -> memref<10240x48xf32, #tpu.memory_space<vmem_shared>>
      tpu.enqueue_indirect_dma source(%dma_start3A_337 : memref<10240x48xf32, #tpu.memory_space<vmem_shared>>) target(%arg8 : memref<128x48xf32, #tpu.memory_space<vmem>>) offsets(%dma_start3A_334 : memref<128xi32, #tpu.memory_space<vmem>>) semaphore(%arg14 : memref<!tpu.dma_semaphore, #tpu.memory_space<semaphore_mem>>)
      %add3A_338 = arith.constant 1 : i32
      %add3A_339 = arith.addi %add3A_303, %add3A_338 : i32
      %dma_wait3A_340 = arith.constant 0 : i32
      %dma_wait3A_341 = tpu.memref_slice %arg6[%add3A_339, %dma_wait3A_340] : memref<84x128xi32, #tpu.memory_space<vmem>> -> memref<1x128xi32, #tpu.memory_space<vmem>>
      %dma_wait3A_342 = tpu.memref_squeeze %dma_wait3A_341 : memref<1x128xi32, #tpu.memory_space<vmem>> -> memref<128xi32, #tpu.memory_space<vmem>>
      %dma_wait3A_343 = arith.constant 0 : i32
      %dma_wait3A_344 = arith.constant 0 : i32
      %dma_wait3A_345 = tpu.memref_slice %arg12[%dma_wait3A_343, %dma_wait3A_344] : memref<10240x48xf32, #tpu.memory_space<vmem_shared>> -> memref<10240x48xf32, #tpu.memory_space<vmem_shared>>
      tpu.wait_indirect_dma semaphore(%arg15 : memref<!tpu.dma_semaphore, #tpu.memory_space<semaphore_mem>>) src(%dma_wait3A_345 : memref<10240x48xf32, #tpu.memory_space<vmem_shared>>) dst(%arg9 : memref<128x48xf32, #tpu.memory_space<vmem>>)
      %add3A_346 = arith.constant 1 : i32
      %add3A_347 = arith.addi %add3A_303, %add3A_346 : i32
      %dma_start3A_348 = arith.constant 0 : i32
      %dma_start3A_349 = tpu.memref_slice %arg7[%add3A_347, %dma_start3A_348] : memref<84x128xi32, #tpu.memory_space<vmem>> -> memref<1x128xi32, #tpu.memory_space<vmem>>
      %dma_start3A_350 = tpu.memref_squeeze %dma_start3A_349 : memref<1x128xi32, #tpu.memory_space<vmem>> -> memref<128xi32, #tpu.memory_space<vmem>>
      %dma_start3A_351 = arith.constant 0 : i32
      %dma_start3A_352 = arith.constant 0 : i32
      %dma_start3A_353 = tpu.memref_slice %arg13[%dma_start3A_351, %dma_start3A_352] : memref<10240x48xf32, #tpu.memory_space<vmem_shared>> -> memref<10240x48xf32, #tpu.memory_space<vmem_shared>>
      tpu.enqueue_indirect_dma source(%arg9 : memref<128x48xf32, #tpu.memory_space<vmem>>) target(%dma_start3A_353 : memref<10240x48xf32, #tpu.memory_space<vmem_shared>>) offsets(%dma_start3A_350 : memref<128xi32, #tpu.memory_space<vmem>>) semaphore(%arg19 : memref<!tpu.dma_semaphore, #tpu.memory_space<semaphore_mem>>) {add = true}
      %add3A_354 = arith.constant 1 : i32
      %add3A_355 = arith.addi %add3A_303, %add3A_354 : i32
      %dma_wait3A_356 = arith.constant 0 : i32
      %dma_wait3A_357 = tpu.memref_slice %arg7[%add3A_355, %dma_wait3A_356] : memref<84x128xi32, #tpu.memory_space<vmem>> -> memref<1x128xi32, #tpu.memory_space<vmem>>
      %dma_wait3A_358 = tpu.memref_squeeze %dma_wait3A_357 : memref<1x128xi32, #tpu.memory_space<vmem>> -> memref<128xi32, #tpu.memory_space<vmem>>
      %dma_wait3A_359 = arith.constant 0 : i32
      %dma_wait3A_360 = arith.constant 0 : i32
      %dma_wait3A_361 = tpu.memref_slice %arg13[%dma_wait3A_359, %dma_wait3A_360] : memref<10240x48xf32, #tpu.memory_space<vmem_shared>> -> memref<10240x48xf32, #tpu.memory_space<vmem_shared>>
      tpu.wait_indirect_dma semaphore(%arg19 : memref<!tpu.dma_semaphore, #tpu.memory_space<semaphore_mem>>) src(%arg9 : memref<128x48xf32, #tpu.memory_space<vmem>>) dst(%dma_wait3A_361 : memref<10240x48xf32, #tpu.memory_space<vmem_shared>>)
      %add3A_362 = arith.constant 1 : i32
      %add3A_363 = arith.addi %add3A_303, %add3A_362 : i32
      %add3A_364 = arith.constant 4 : i32
      %add3A_365 = arith.addi %add3A_363, %add3A_364 : i32
      %dma_start3A_366 = arith.constant 0 : i32
      %dma_start3A_367 = tpu.memref_slice %arg6[%add3A_365, %dma_start3A_366] : memref<84x128xi32, #tpu.memory_space<vmem>> -> memref<1x128xi32, #tpu.memory_space<vmem>>
      %dma_start3A_368 = tpu.memref_squeeze %dma_start3A_367 : memref<1x128xi32, #tpu.memory_space<vmem>> -> memref<128xi32, #tpu.memory_space<vmem>>
      %dma_start3A_369 = arith.constant 0 : i32
      %dma_start3A_370 = arith.constant 0 : i32
      %dma_start3A_371 = tpu.memref_slice %arg12[%dma_start3A_369, %dma_start3A_370] : memref<10240x48xf32, #tpu.memory_space<vmem_shared>> -> memref<10240x48xf32, #tpu.memory_space<vmem_shared>>
      tpu.enqueue_indirect_dma source(%dma_start3A_371 : memref<10240x48xf32, #tpu.memory_space<vmem_shared>>) target(%arg9 : memref<128x48xf32, #tpu.memory_space<vmem>>) offsets(%dma_start3A_368 : memref<128xi32, #tpu.memory_space<vmem>>) semaphore(%arg15 : memref<!tpu.dma_semaphore, #tpu.memory_space<semaphore_mem>>)
      %add3A_372 = arith.constant 2 : i32
      %add3A_373 = arith.addi %add3A_303, %add3A_372 : i32
      %dma_wait3A_374 = arith.constant 0 : i32
      %dma_wait3A_375 = tpu.memref_slice %arg6[%add3A_373, %dma_wait3A_374] : memref<84x128xi32, #tpu.memory_space<vmem>> -> memref<1x128xi32, #tpu.memory_space<vmem>>
      %dma_wait3A_376 = tpu.memref_squeeze %dma_wait3A_375 : memref<1x128xi32, #tpu.memory_space<vmem>> -> memref<128xi32, #tpu.memory_space<vmem>>
      %dma_wait3A_377 = arith.constant 0 : i32
      %dma_wait3A_378 = arith.constant 0 : i32
      %dma_wait3A_379 = tpu.memref_slice %arg12[%dma_wait3A_377, %dma_wait3A_378] : memref<10240x48xf32, #tpu.memory_space<vmem_shared>> -> memref<10240x48xf32, #tpu.memory_space<vmem_shared>>
      tpu.wait_indirect_dma semaphore(%arg16 : memref<!tpu.dma_semaphore, #tpu.memory_space<semaphore_mem>>) src(%dma_wait3A_379 : memref<10240x48xf32, #tpu.memory_space<vmem_shared>>) dst(%arg10 : memref<128x48xf32, #tpu.memory_space<vmem>>)
      %add3A_380 = arith.constant 2 : i32
      %add3A_381 = arith.addi %add3A_303, %add3A_380 : i32
      %dma_start3A_382 = arith.constant 0 : i32
      %dma_start3A_383 = tpu.memref_slice %arg7[%add3A_381, %dma_start3A_382] : memref<84x128xi32, #tpu.memory_space<vmem>> -> memref<1x128xi32, #tpu.memory_space<vmem>>
      %dma_start3A_384 = tpu.memref_squeeze %dma_start3A_383 : memref<1x128xi32, #tpu.memory_space<vmem>> -> memref<128xi32, #tpu.memory_space<vmem>>
      %dma_start3A_385 = arith.constant 0 : i32
      %dma_start3A_386 = arith.constant 0 : i32
      %dma_start3A_387 = tpu.memref_slice %arg13[%dma_start3A_385, %dma_start3A_386] : memref<10240x48xf32, #tpu.memory_space<vmem_shared>> -> memref<10240x48xf32, #tpu.memory_space<vmem_shared>>
      tpu.enqueue_indirect_dma source(%arg10 : memref<128x48xf32, #tpu.memory_space<vmem>>) target(%dma_start3A_387 : memref<10240x48xf32, #tpu.memory_space<vmem_shared>>) offsets(%dma_start3A_384 : memref<128xi32, #tpu.memory_space<vmem>>) semaphore(%arg20 : memref<!tpu.dma_semaphore, #tpu.memory_space<semaphore_mem>>) {add = true}
      %add3A_388 = arith.constant 2 : i32
      %add3A_389 = arith.addi %add3A_303, %add3A_388 : i32
      %dma_wait3A_390 = arith.constant 0 : i32
      %dma_wait3A_391 = tpu.memref_slice %arg7[%add3A_389, %dma_wait3A_390] : memref<84x128xi32, #tpu.memory_space<vmem>> -> memref<1x128xi32, #tpu.memory_space<vmem>>
      %dma_wait3A_392 = tpu.memref_squeeze %dma_wait3A_391 : memref<1x128xi32, #tpu.memory_space<vmem>> -> memref<128xi32, #tpu.memory_space<vmem>>
      %dma_wait3A_393 = arith.constant 0 : i32
      %dma_wait3A_394 = arith.constant 0 : i32
      %dma_wait3A_395 = tpu.memref_slice %arg13[%dma_wait3A_393, %dma_wait3A_394] : memref<10240x48xf32, #tpu.memory_space<vmem_shared>> -> memref<10240x48xf32, #tpu.memory_space<vmem_shared>>
      tpu.wait_indirect_dma semaphore(%arg20 : memref<!tpu.dma_semaphore, #tpu.memory_space<semaphore_mem>>) src(%arg10 : memref<128x48xf32, #tpu.memory_space<vmem>>) dst(%dma_wait3A_395 : memref<10240x48xf32, #tpu.memory_space<vmem_shared>>)
      %add3A_396 = arith.constant 2 : i32
      %add3A_397 = arith.addi %add3A_303, %add3A_396 : i32
      %add3A_398 = arith.constant 4 : i32
      %add3A_399 = arith.addi %add3A_397, %add3A_398 : i32
      %dma_start3A_400 = arith.constant 0 : i32
      %dma_start3A_401 = tpu.memref_slice %arg6[%add3A_399, %dma_start3A_400] : memref<84x128xi32, #tpu.memory_space<vmem>> -> memref<1x128xi32, #tpu.memory_space<vmem>>
      %dma_start3A_402 = tpu.memref_squeeze %dma_start3A_401 : memref<1x128xi32, #tpu.memory_space<vmem>> -> memref<128xi32, #tpu.memory_space<vmem>>
      %dma_start3A_403 = arith.constant 0 : i32
      %dma_start3A_404 = arith.constant 0 : i32
      %dma_start3A_405 = tpu.memref_slice %arg12[%dma_start3A_403, %dma_start3A_404] : memref<10240x48xf32, #tpu.memory_space<vmem_shared>> -> memref<10240x48xf32, #tpu.memory_space<vmem_shared>>
      tpu.enqueue_indirect_dma source(%dma_start3A_405 : memref<10240x48xf32, #tpu.memory_space<vmem_shared>>) target(%arg10 : memref<128x48xf32, #tpu.memory_space<vmem>>) offsets(%dma_start3A_402 : memref<128xi32, #tpu.memory_space<vmem>>) semaphore(%arg16 : memref<!tpu.dma_semaphore, #tpu.memory_space<semaphore_mem>>)
      %add3A_406 = arith.constant 3 : i32
      %add3A_407 = arith.addi %add3A_303, %add3A_406 : i32
      %dma_wait3A_408 = arith.constant 0 : i32
      %dma_wait3A_409 = tpu.memref_slice %arg6[%add3A_407, %dma_wait3A_408] : memref<84x128xi32, #tpu.memory_space<vmem>> -> memref<1x128xi32, #tpu.memory_space<vmem>>
      %dma_wait3A_410 = tpu.memref_squeeze %dma_wait3A_409 : memref<1x128xi32, #tpu.memory_space<vmem>> -> memref<128xi32, #tpu.memory_space<vmem>>
      %dma_wait3A_411 = arith.constant 0 : i32
      %dma_wait3A_412 = arith.constant 0 : i32
      %dma_wait3A_413 = tpu.memref_slice %arg12[%dma_wait3A_411, %dma_wait3A_412] : memref<10240x48xf32, #tpu.memory_space<vmem_shared>> -> memref<10240x48xf32, #tpu.memory_space<vmem_shared>>
      tpu.wait_indirect_dma semaphore(%arg17 : memref<!tpu.dma_semaphore, #tpu.memory_space<semaphore_mem>>) src(%dma_wait3A_413 : memref<10240x48xf32, #tpu.memory_space<vmem_shared>>) dst(%arg11 : memref<128x48xf32, #tpu.memory_space<vmem>>)
      %add3A_414 = arith.constant 3 : i32
      %add3A_415 = arith.addi %add3A_303, %add3A_414 : i32
      %dma_start3A_416 = arith.constant 0 : i32
      %dma_start3A_417 = tpu.memref_slice %arg7[%add3A_415, %dma_start3A_416] : memref<84x128xi32, #tpu.memory_space<vmem>> -> memref<1x128xi32, #tpu.memory_space<vmem>>
      %dma_start3A_418 = tpu.memref_squeeze %dma_start3A_417 : memref<1x128xi32, #tpu.memory_space<vmem>> -> memref<128xi32, #tpu.memory_space<vmem>>
      %dma_start3A_419 = arith.constant 0 : i32
      %dma_start3A_420 = arith.constant 0 : i32
      %dma_start3A_421 = tpu.memref_slice %arg13[%dma_start3A_419, %dma_start3A_420] : memref<10240x48xf32, #tpu.memory_space<vmem_shared>> -> memref<10240x48xf32, #tpu.memory_space<vmem_shared>>
      tpu.enqueue_indirect_dma source(%arg11 : memref<128x48xf32, #tpu.memory_space<vmem>>) target(%dma_start3A_421 : memref<10240x48xf32, #tpu.memory_space<vmem_shared>>) offsets(%dma_start3A_418 : memref<128xi32, #tpu.memory_space<vmem>>) semaphore(%arg21 : memref<!tpu.dma_semaphore, #tpu.memory_space<semaphore_mem>>) {add = true}
      %add3A_422 = arith.constant 3 : i32
      %add3A_423 = arith.addi %add3A_303, %add3A_422 : i32
      %dma_wait3A_424 = arith.constant 0 : i32
      %dma_wait3A_425 = tpu.memref_slice %arg7[%add3A_423, %dma_wait3A_424] : memref<84x128xi32, #tpu.memory_space<vmem>> -> memref<1x128xi32, #tpu.memory_space<vmem>>
      %dma_wait3A_426 = tpu.memref_squeeze %dma_wait3A_425 : memref<1x128xi32, #tpu.memory_space<vmem>> -> memref<128xi32, #tpu.memory_space<vmem>>
      %dma_wait3A_427 = arith.constant 0 : i32
      %dma_wait3A_428 = arith.constant 0 : i32
      %dma_wait3A_429 = tpu.memref_slice %arg13[%dma_wait3A_427, %dma_wait3A_428] : memref<10240x48xf32, #tpu.memory_space<vmem_shared>> -> memref<10240x48xf32, #tpu.memory_space<vmem_shared>>
      tpu.wait_indirect_dma semaphore(%arg21 : memref<!tpu.dma_semaphore, #tpu.memory_space<semaphore_mem>>) src(%arg11 : memref<128x48xf32, #tpu.memory_space<vmem>>) dst(%dma_wait3A_429 : memref<10240x48xf32, #tpu.memory_space<vmem_shared>>)
      %add3A_430 = arith.constant 3 : i32
      %add3A_431 = arith.addi %add3A_303, %add3A_430 : i32
      %add3A_432 = arith.constant 4 : i32
      %add3A_433 = arith.addi %add3A_431, %add3A_432 : i32
      %dma_start3A_434 = arith.constant 0 : i32
      %dma_start3A_435 = tpu.memref_slice %arg6[%add3A_433, %dma_start3A_434] : memref<84x128xi32, #tpu.memory_space<vmem>> -> memref<1x128xi32, #tpu.memory_space<vmem>>
      %dma_start3A_436 = tpu.memref_squeeze %dma_start3A_435 : memref<1x128xi32, #tpu.memory_space<vmem>> -> memref<128xi32, #tpu.memory_space<vmem>>
      %dma_start3A_437 = arith.constant 0 : i32
      %dma_start3A_438 = arith.constant 0 : i32
      %dma_start3A_439 = tpu.memref_slice %arg12[%dma_start3A_437, %dma_start3A_438] : memref<10240x48xf32, #tpu.memory_space<vmem_shared>> -> memref<10240x48xf32, #tpu.memory_space<vmem_shared>>
      tpu.enqueue_indirect_dma source(%dma_start3A_439 : memref<10240x48xf32, #tpu.memory_space<vmem_shared>>) target(%arg11 : memref<128x48xf32, #tpu.memory_space<vmem>>) offsets(%dma_start3A_436 : memref<128xi32, #tpu.memory_space<vmem>>) semaphore(%arg17 : memref<!tpu.dma_semaphore, #tpu.memory_space<semaphore_mem>>)
    }
    %scan3A_260 = arith.constant 20 : i32
    %dma_wait3A_261 = arith.constant 80 : i32
    %dma_wait3A_262 = arith.constant 0 : i32
    %dma_wait3A_263 = tpu.memref_slice %arg6[%dma_wait3A_261, %dma_wait3A_262] : memref<84x128xi32, #tpu.memory_space<vmem>> -> memref<1x128xi32, #tpu.memory_space<vmem>>
    %dma_wait3A_264 = tpu.memref_squeeze %dma_wait3A_263 : memref<1x128xi32, #tpu.memory_space<vmem>> -> memref<128xi32, #tpu.memory_space<vmem>>
    %dma_wait3A_265 = arith.constant 0 : i32
    %dma_wait3A_266 = arith.constant 0 : i32
    %dma_wait3A_267 = tpu.memref_slice %arg12[%dma_wait3A_265, %dma_wait3A_266] : memref<10240x48xf32, #tpu.memory_space<vmem_shared>> -> memref<10240x48xf32, #tpu.memory_space<vmem_shared>>
    tpu.wait_indirect_dma semaphore(%arg14 : memref<!tpu.dma_semaphore, #tpu.memory_space<semaphore_mem>>) src(%dma_wait3A_267 : memref<10240x48xf32, #tpu.memory_space<vmem_shared>>) dst(%arg8 : memref<128x48xf32, #tpu.memory_space<vmem>>)
    %run_scoped3A_268 = arith.constant 80 : i32
    "tpu.region"() ({
      %run_scoped3A_299 = tpu.sem_alloc : memref<!tpu.dma_semaphore, #tpu.memory_space<semaphore_mem>>
      %dma_start3A_300 = arith.constant 0 : i32
      %dma_start3A_301 = tpu.memref_slice %arg7[%run_scoped3A_268, %dma_start3A_300] : memref<84x128xi32, #tpu.memory_space<vmem>> -> memref<1x128xi32, #tpu.memory_space<vmem>>
      %dma_start3A_302 = tpu.memref_squeeze %dma_start3A_301 : memref<1x128xi32, #tpu.memory_space<vmem>> -> memref<128xi32, #tpu.memory_space<vmem>>
      %dma_start3A_303 = arith.constant 0 : i32
      %dma_start3A_304 = arith.constant 0 : i32
      %dma_start3A_305 = tpu.memref_slice %arg13[%dma_start3A_303, %dma_start3A_304] : memref<10240x48xf32, #tpu.memory_space<vmem_shared>> -> memref<10240x48xf32, #tpu.memory_space<vmem_shared>>
      tpu.enqueue_indirect_dma source(%arg8 : memref<128x48xf32, #tpu.memory_space<vmem>>) target(%dma_start3A_305 : memref<10240x48xf32, #tpu.memory_space<vmem_shared>>) offsets(%dma_start3A_302 : memref<128xi32, #tpu.memory_space<vmem>>) semaphore(%run_scoped3A_299 : memref<!tpu.dma_semaphore, #tpu.memory_space<semaphore_mem>>) {add = true}
      %dma_wait3A_306 = arith.constant 0 : i32
      %dma_wait3A_307 = tpu.memref_slice %arg7[%run_scoped3A_268, %dma_wait3A_306] : memref<84x128xi32, #tpu.memory_space<vmem>> -> memref<1x128xi32, #tpu.memory_space<vmem>>
      %dma_wait3A_308 = tpu.memref_squeeze %dma_wait3A_307 : memref<1x128xi32, #tpu.memory_space<vmem>> -> memref<128xi32, #tpu.memory_space<vmem>>
      %dma_wait3A_309 = arith.constant 0 : i32
      %dma_wait3A_310 = arith.constant 0 : i32
      %dma_wait3A_311 = tpu.memref_slice %arg13[%dma_wait3A_309, %dma_wait3A_310] : memref<10240x48xf32, #tpu.memory_space<vmem_shared>> -> memref<10240x48xf32, #tpu.memory_space<vmem_shared>>
      tpu.wait_indirect_dma semaphore(%run_scoped3A_299 : memref<!tpu.dma_semaphore, #tpu.memory_space<semaphore_mem>>) src(%arg8 : memref<128x48xf32, #tpu.memory_space<vmem>>) dst(%dma_wait3A_311 : memref<10240x48xf32, #tpu.memory_space<vmem_shared>>)
      tpu.yield
    }) : () -> ()
    %dma_wait3A_269 = arith.constant 81 : i32
    %dma_wait3A_270 = arith.constant 0 : i32
    %dma_wait3A_271 = tpu.memref_slice %arg6[%dma_wait3A_269, %dma_wait3A_270] : memref<84x128xi32, #tpu.memory_space<vmem>> -> memref<1x128xi32, #tpu.memory_space<vmem>>
    %dma_wait3A_272 = tpu.memref_squeeze %dma_wait3A_271 : memref<1x128xi32, #tpu.memory_space<vmem>> -> memref<128xi32, #tpu.memory_space<vmem>>
    %dma_wait3A_273 = arith.constant 0 : i32
    %dma_wait3A_274 = arith.constant 0 : i32
    %dma_wait3A_275 = tpu.memref_slice %arg12[%dma_wait3A_273, %dma_wait3A_274] : memref<10240x48xf32, #tpu.memory_space<vmem_shared>> -> memref<10240x48xf32, #tpu.memory_space<vmem_shared>>
    tpu.wait_indirect_dma semaphore(%arg15 : memref<!tpu.dma_semaphore, #tpu.memory_space<semaphore_mem>>) src(%dma_wait3A_275 : memref<10240x48xf32, #tpu.memory_space<vmem_shared>>) dst(%arg9 : memref<128x48xf32, #tpu.memory_space<vmem>>)
    %run_scoped3A_276 = arith.constant 81 : i32
    "tpu.region"() ({
      %run_scoped3A_299 = tpu.sem_alloc : memref<!tpu.dma_semaphore, #tpu.memory_space<semaphore_mem>>
      %dma_start3A_300 = arith.constant 0 : i32
      %dma_start3A_301 = tpu.memref_slice %arg7[%run_scoped3A_276, %dma_start3A_300] : memref<84x128xi32, #tpu.memory_space<vmem>> -> memref<1x128xi32, #tpu.memory_space<vmem>>
      %dma_start3A_302 = tpu.memref_squeeze %dma_start3A_301 : memref<1x128xi32, #tpu.memory_space<vmem>> -> memref<128xi32, #tpu.memory_space<vmem>>
      %dma_start3A_303 = arith.constant 0 : i32
      %dma_start3A_304 = arith.constant 0 : i32
      %dma_start3A_305 = tpu.memref_slice %arg13[%dma_start3A_303, %dma_start3A_304] : memref<10240x48xf32, #tpu.memory_space<vmem_shared>> -> memref<10240x48xf32, #tpu.memory_space<vmem_shared>>
      tpu.enqueue_indirect_dma source(%arg9 : memref<128x48xf32, #tpu.memory_space<vmem>>) target(%dma_start3A_305 : memref<10240x48xf32, #tpu.memory_space<vmem_shared>>) offsets(%dma_start3A_302 : memref<128xi32, #tpu.memory_space<vmem>>) semaphore(%run_scoped3A_299 : memref<!tpu.dma_semaphore, #tpu.memory_space<semaphore_mem>>) {add = true}
      %dma_wait3A_306 = arith.constant 0 : i32
      %dma_wait3A_307 = tpu.memref_slice %arg7[%run_scoped3A_276, %dma_wait3A_306] : memref<84x128xi32, #tpu.memory_space<vmem>> -> memref<1x128xi32, #tpu.memory_space<vmem>>
      %dma_wait3A_308 = tpu.memref_squeeze %dma_wait3A_307 : memref<1x128xi32, #tpu.memory_space<vmem>> -> memref<128xi32, #tpu.memory_space<vmem>>
      %dma_wait3A_309 = arith.constant 0 : i32
      %dma_wait3A_310 = arith.constant 0 : i32
      %dma_wait3A_311 = tpu.memref_slice %arg13[%dma_wait3A_309, %dma_wait3A_310] : memref<10240x48xf32, #tpu.memory_space<vmem_shared>> -> memref<10240x48xf32, #tpu.memory_space<vmem_shared>>
      tpu.wait_indirect_dma semaphore(%run_scoped3A_299 : memref<!tpu.dma_semaphore, #tpu.memory_space<semaphore_mem>>) src(%arg9 : memref<128x48xf32, #tpu.memory_space<vmem>>) dst(%dma_wait3A_311 : memref<10240x48xf32, #tpu.memory_space<vmem_shared>>)
      tpu.yield
    }) : () -> ()
    %dma_wait3A_277 = arith.constant 82 : i32
    %dma_wait3A_278 = arith.constant 0 : i32
    %dma_wait3A_279 = tpu.memref_slice %arg6[%dma_wait3A_277, %dma_wait3A_278] : memref<84x128xi32, #tpu.memory_space<vmem>> -> memref<1x128xi32, #tpu.memory_space<vmem>>
    %dma_wait3A_280 = tpu.memref_squeeze %dma_wait3A_279 : memref<1x128xi32, #tpu.memory_space<vmem>> -> memref<128xi32, #tpu.memory_space<vmem>>
    %dma_wait3A_281 = arith.constant 0 : i32
    %dma_wait3A_282 = arith.constant 0 : i32
    %dma_wait3A_283 = tpu.memref_slice %arg12[%dma_wait3A_281, %dma_wait3A_282] : memref<10240x48xf32, #tpu.memory_space<vmem_shared>> -> memref<10240x48xf32, #tpu.memory_space<vmem_shared>>
    tpu.wait_indirect_dma semaphore(%arg16 : memref<!tpu.dma_semaphore, #tpu.memory_space<semaphore_mem>>) src(%dma_wait3A_283 : memref<10240x48xf32, #tpu.memory_space<vmem_shared>>) dst(%arg10 : memref<128x48xf32, #tpu.memory_space<vmem>>)
    %run_scoped3A_284 = arith.constant 82 : i32
    "tpu.region"() ({
      %run_scoped3A_299 = tpu.sem_alloc : memref<!tpu.dma_semaphore, #tpu.memory_space<semaphore_mem>>
      %dma_start3A_300 = arith.constant 0 : i32
      %dma_start3A_301 = tpu.memref_slice %arg7[%run_scoped3A_284, %dma_start3A_300] : memref<84x128xi32, #tpu.memory_space<vmem>> -> memref<1x128xi32, #tpu.memory_space<vmem>>
      %dma_start3A_302 = tpu.memref_squeeze %dma_start3A_301 : memref<1x128xi32, #tpu.memory_space<vmem>> -> memref<128xi32, #tpu.memory_space<vmem>>
      %dma_start3A_303 = arith.constant 0 : i32
      %dma_start3A_304 = arith.constant 0 : i32
      %dma_start3A_305 = tpu.memref_slice %arg13[%dma_start3A_303, %dma_start3A_304] : memref<10240x48xf32, #tpu.memory_space<vmem_shared>> -> memref<10240x48xf32, #tpu.memory_space<vmem_shared>>
      tpu.enqueue_indirect_dma source(%arg10 : memref<128x48xf32, #tpu.memory_space<vmem>>) target(%dma_start3A_305 : memref<10240x48xf32, #tpu.memory_space<vmem_shared>>) offsets(%dma_start3A_302 : memref<128xi32, #tpu.memory_space<vmem>>) semaphore(%run_scoped3A_299 : memref<!tpu.dma_semaphore, #tpu.memory_space<semaphore_mem>>) {add = true}
      %dma_wait3A_306 = arith.constant 0 : i32
      %dma_wait3A_307 = tpu.memref_slice %arg7[%run_scoped3A_284, %dma_wait3A_306] : memref<84x128xi32, #tpu.memory_space<vmem>> -> memref<1x128xi32, #tpu.memory_space<vmem>>
      %dma_wait3A_308 = tpu.memref_squeeze %dma_wait3A_307 : memref<1x128xi32, #tpu.memory_space<vmem>> -> memref<128xi32, #tpu.memory_space<vmem>>
      %dma_wait3A_309 = arith.constant 0 : i32
      %dma_wait3A_310 = arith.constant 0 : i32
      %dma_wait3A_311 = tpu.memref_slice %arg13[%dma_wait3A_309, %dma_wait3A_310] : memref<10240x48xf32, #tpu.memory_space<vmem_shared>> -> memref<10240x48xf32, #tpu.memory_space<vmem_shared>>
      tpu.wait_indirect_dma semaphore(%run_scoped3A_299 : memref<!tpu.dma_semaphore, #tpu.memory_space<semaphore_mem>>) src(%arg10 : memref<128x48xf32, #tpu.memory_space<vmem>>) dst(%dma_wait3A_311 : memref<10240x48xf32, #tpu.memory_space<vmem_shared>>)
      tpu.yield
    }) : () -> ()
    %dma_wait3A_285 = arith.constant 83 : i32
    %dma_wait3A_286 = arith.constant 0 : i32
    %dma_wait3A_287 = tpu.memref_slice %arg6[%dma_wait3A_285, %dma_wait3A_286] : memref<84x128xi32, #tpu.memory_space<vmem>> -> memref<1x128xi32, #tpu.memory_space<vmem>>
    %dma_wait3A_288 = tpu.memref_squeeze %dma_wait3A_287 : memref<1x128xi32, #tpu.memory_space<vmem>> -> memref<128xi32, #tpu.memory_space<vmem>>
    %dma_wait3A_289 = arith.constant 0 : i32
    %dma_wait3A_290 = arith.constant 0 : i32
    %dma_wait3A_291 = tpu.memref_slice %arg12[%dma_wait3A_289, %dma_wait3A_290] : memref<10240x48xf32, #tpu.memory_space<vmem_shared>> -> memref<10240x48xf32, #tpu.memory_space<vmem_shared>>
    tpu.wait_indirect_dma semaphore(%arg17 : memref<!tpu.dma_semaphore, #tpu.memory_space<semaphore_mem>>) src(%dma_wait3A_291 : memref<10240x48xf32, #tpu.memory_space<vmem_shared>>) dst(%arg11 : memref<128x48xf32, #tpu.memory_space<vmem>>)
    %run_scoped3A_292 = arith.constant 83 : i32
    "tpu.region"() ({
      %run_scoped3A_299 = tpu.sem_alloc : memref<!tpu.dma_semaphore, #tpu.memory_space<semaphore_mem>>
      %dma_start3A_300 = arith.constant 0 : i32
      %dma_start3A_301 = tpu.memref_slice %arg7[%run_scoped3A_292, %dma_start3A_300] : memref<84x128xi32, #tpu.memory_space<vmem>> -> memref<1x128xi32, #tpu.memory_space<vmem>>
      %dma_start3A_302 = tpu.memref_squeeze %dma_start3A_301 : memref<1x128xi32, #tpu.memory_space<vmem>> -> memref<128xi32, #tpu.memory_space<vmem>>
      %dma_start3A_303 = arith.constant 0 : i32
      %dma_start3A_304 = arith.constant 0 : i32
      %dma_start3A_305 = tpu.memref_slice %arg13[%dma_start3A_303, %dma_start3A_304] : memref<10240x48xf32, #tpu.memory_space<vmem_shared>> -> memref<10240x48xf32, #tpu.memory_space<vmem_shared>>
      tpu.enqueue_indirect_dma source(%arg11 : memref<128x48xf32, #tpu.memory_space<vmem>>) target(%dma_start3A_305 : memref<10240x48xf32, #tpu.memory_space<vmem_shared>>) offsets(%dma_start3A_302 : memref<128xi32, #tpu.memory_space<vmem>>) semaphore(%run_scoped3A_299 : memref<!tpu.dma_semaphore, #tpu.memory_space<semaphore_mem>>) {add = true}
      %dma_wait3A_306 = arith.constant 0 : i32
      %dma_wait3A_307 = tpu.memref_slice %arg7[%run_scoped3A_292, %dma_wait3A_306] : memref<84x128xi32, #tpu.memory_space<vmem>> -> memref<1x128xi32, #tpu.memory_space<vmem>>
      %dma_wait3A_308 = tpu.memref_squeeze %dma_wait3A_307 : memref<1x128xi32, #tpu.memory_space<vmem>> -> memref<128xi32, #tpu.memory_space<vmem>>
      %dma_wait3A_309 = arith.constant 0 : i32
      %dma_wait3A_310 = arith.constant 0 : i32
      %dma_wait3A_311 = tpu.memref_slice %arg13[%dma_wait3A_309, %dma_wait3A_310] : memref<10240x48xf32, #tpu.memory_space<vmem_shared>> -> memref<10240x48xf32, #tpu.memory_space<vmem_shared>>
      tpu.wait_indirect_dma semaphore(%run_scoped3A_299 : memref<!tpu.dma_semaphore, #tpu.memory_space<semaphore_mem>>) src(%arg11 : memref<128x48xf32, #tpu.memory_space<vmem>>) dst(%dma_wait3A_311 : memref<10240x48xf32, #tpu.memory_space<vmem_shared>>)
      tpu.yield
    }) : () -> ()
    %barrier3A_293 = arith.constant 0 : index
    tpu.barrier barrier_id(%barrier3A_293)
    %mul3A_294 = arith.constant 640 : i32
    %mul3A_295 = arith.muli %arg1, %mul3A_294 : i32
    %mul3A_296 = arith.constant 640 : i32
    %mul3A_297 = arith.muli %arg1, %mul3A_296 : i32
    %run_scoped3A_298 = arith.constant 2 : i32
    "tpu.region"() ({
      %run_scoped3A_299 = tpu.sem_alloc : memref<!tpu.dma_semaphore, #tpu.memory_space<semaphore_mem>>
      %dma_start3A_300 = arith.constant 0 : i32
      %dma_start3A_301 = tpu.memref_slice %arg5[%arg0, %run_scoped3A_298, %mul3A_297, %dma_start3A_300] : memref<2x3x10240x48xf32, #tpu.memory_space<hbm>> -> memref<1x1x640x48xf32, #tpu.memory_space<hbm>>
      %dma_start3A_302 = tpu.memref_squeeze %dma_start3A_301 : memref<1x1x640x48xf32, #tpu.memory_space<hbm>> -> memref<640x48xf32, #tpu.memory_space<hbm>>
      %dma_start3A_303 = arith.constant 0 : i32
      %dma_start3A_304 = tpu.memref_slice %arg13[%mul3A_295, %dma_start3A_303] : memref<10240x48xf32, #tpu.memory_space<vmem_shared>> -> memref<640x48xf32, #tpu.memory_space<vmem_shared>>
      tpu.enqueue_dma source(%dma_start3A_304 : memref<640x48xf32, #tpu.memory_space<vmem_shared>>) target(%dma_start3A_302 : memref<640x48xf32, #tpu.memory_space<hbm>>) target_semaphore(%run_scoped3A_299 : memref<!tpu.dma_semaphore, #tpu.memory_space<semaphore_mem>>)
      %dma_wait3A_305 = arith.constant 0 : i32
      %dma_wait3A_306 = tpu.memref_slice %arg5[%arg0, %run_scoped3A_298, %mul3A_297, %dma_wait3A_305] : memref<2x3x10240x48xf32, #tpu.memory_space<hbm>> -> memref<1x1x640x48xf32, #tpu.memory_space<hbm>>
      %dma_wait3A_307 = tpu.memref_squeeze %dma_wait3A_306 : memref<1x1x640x48xf32, #tpu.memory_space<hbm>> -> memref<640x48xf32, #tpu.memory_space<hbm>>
      %dma_wait3A_308 = arith.constant 0 : i32
      %dma_wait3A_309 = tpu.memref_slice %arg13[%mul3A_295, %dma_wait3A_308] : memref<10240x48xf32, #tpu.memory_space<vmem_shared>> -> memref<640x48xf32, #tpu.memory_space<vmem_shared>>
      tpu.wait_dma2 semaphore(%run_scoped3A_299 : memref<!tpu.dma_semaphore, #tpu.memory_space<semaphore_mem>>) src(%dma_wait3A_309 : memref<640x48xf32, #tpu.memory_space<vmem_shared>>) dst(%dma_wait3A_307 : memref<640x48xf32, #tpu.memory_space<hbm>>)
      tpu.yield
    }) : () -> ()
    return
  }
}

#map = affine_map<(d0, d1) -> (0, 0)>
#map1 = affine_map<(d0, d1) -> (0, 0, 0)>
#map2 = affine_map<(d0, d1) -> (0, 0, 0, 0)>
module attributes {stable_mosaic.version = 14 : i64} {
  func.func @_prop_body(%arg0: i32, %arg1: i32, %arg2: memref<10240x144xf32, #tpu.memory_space<hbm>>, %arg3: memref<32x84x128xi32, #tpu.memory_space<hbm>>, %arg4: memref<32x84x128xi32, #tpu.memory_space<hbm>>, %arg5: memref<2x3x10240x48xf32, #tpu.memory_space<hbm>>, %arg6: memref<84x128xi32, #tpu.memory_space<vmem>>, %arg7: memref<84x128xi32, #tpu.memory_space<vmem>>, %arg8: memref<128x48xf32, #tpu.memory_space<vmem>>, %arg9: memref<128x48xf32, #tpu.memory_space<vmem>>, %arg10: memref<128x48xf32, #tpu.memory_space<vmem>>, %arg11: memref<128x48xf32, #tpu.memory_space<vmem>>, %arg12: memref<10240x48xf32, #tpu.memory_space<vmem_shared>>, %arg13: memref<10240x48xf32, #tpu.memory_space<vmem_shared>>, %arg14: memref<!tpu.dma_semaphore, #tpu.memory_space<semaphore_mem>>, %arg15: memref<!tpu.dma_semaphore, #tpu.memory_space<semaphore_mem>>, %arg16: memref<!tpu.dma_semaphore, #tpu.memory_space<semaphore_mem>>, %arg17: memref<!tpu.dma_semaphore, #tpu.memory_space<semaphore_mem>>, %arg18: memref<!tpu.dma_semaphore, #tpu.memory_space<semaphore_mem>>, %arg19: memref<!tpu.dma_semaphore, #tpu.memory_space<semaphore_mem>>, %arg20: memref<!tpu.dma_semaphore, #tpu.memory_space<semaphore_mem>>, %arg21: memref<!tpu.dma_semaphore, #tpu.memory_space<semaphore_mem>>) attributes {dimension_semantics = [#tpu.dimension_semantics<core_parallel>, #tpu.dimension_semantics<subcore_parallel>], iteration_bounds = array<i64: 2, 16>, scalar_prefetch = 0 : i64, scratch_operands = 16 : i64, tpu.core_type = #tpu.core_type<sc_vector_subcore>, window_params = [{transform_indices = #map}, {transform_indices = #map1}, {transform_indices = #map1}, {transform_indices = #map2}]} {
    %mul3A = arith.constant 2 : i32
    %mul3A_0 = arith.muli %arg1, %mul3A : i32
    %add3A = arith.addi %mul3A_0, %arg0 : i32
    "tpu.region"() ({
      %run_scoped3A_299 = tpu.sem_alloc : memref<!tpu.dma_semaphore, #tpu.memory_space<semaphore_mem>>
      %dma_start3A_300 = arith.constant 0 : i32
      %dma_start3A_301 = arith.constant 0 : i32
      %dma_start3A_302 = tpu.memref_slice %arg3[%add3A, %dma_start3A_300, %dma_start3A_301] : memref<32x84x128xi32, #tpu.memory_space<hbm>> -> memref<1x84x128xi32, #tpu.memory_space<hbm>>
      %dma_start3A_303 = tpu.memref_squeeze %dma_start3A_302 : memref<1x84x128xi32, #tpu.memory_space<hbm>> -> memref<84x128xi32, #tpu.memory_space<hbm>>
      %dma_start3A_304 = arith.constant 0 : i32
      %dma_start3A_305 = arith.constant 0 : i32
      %dma_start3A_306 = tpu.memref_slice %arg3[%add3A, %dma_start3A_304, %dma_start3A_305] : memref<32x84x128xi32, #tpu.memory_space<hbm>> -> memref<1x84x128xi32, #tpu.memory_space<hbm>>
      %dma_start3A_307 = tpu.memref_squeeze %dma_start3A_306 : memref<1x84x128xi32, #tpu.memory_space<hbm>> -> memref<84x128xi32, #tpu.memory_space<hbm>>
      tpu.enqueue_dma source(%dma_start3A_307 : memref<84x128xi32, #tpu.memory_space<hbm>>) target(%arg6 : memref<84x128xi32, #tpu.memory_space<vmem>>) target_semaphore(%run_scoped3A_299 : memref<!tpu.dma_semaphore, #tpu.memory_space<semaphore_mem>>)
      %dma_wait3A_308 = arith.constant 0 : i32
      %dma_wait3A_309 = arith.constant 0 : i32
      %dma_wait3A_310 = tpu.memref_slice %arg3[%add3A, %dma_wait3A_308, %dma_wait3A_309] : memref<32x84x128xi32, #tpu.memory_space<hbm>> -> memref<1x84x128xi32, #tpu.memory_space<hbm>>
      %dma_wait3A_311 = tpu.memref_squeeze %dma_wait3A_310 : memref<1x84x128xi32, #tpu.memory_space<hbm>> -> memref<84x128xi32, #tpu.memory_space<hbm>>
      %dma_wait3A_312 = arith.constant 0 : i32
      %dma_wait3A_313 = arith.constant 0 : i32
      %dma_wait3A_314 = tpu.memref_slice %arg3[%add3A, %dma_wait3A_312, %dma_wait3A_313] : memref<32x84x128xi32, #tpu.memory_space<hbm>> -> memref<1x84x128xi32, #tpu.memory_space<hbm>>
      %dma_wait3A_315 = tpu.memref_squeeze %dma_wait3A_314 : memref<1x84x128xi32, #tpu.memory_space<hbm>> -> memref<84x128xi32, #tpu.memory_space<hbm>>
      tpu.wait_dma2 semaphore(%run_scoped3A_299 : memref<!tpu.dma_semaphore, #tpu.memory_space<semaphore_mem>>) src(%dma_wait3A_315 : memref<84x128xi32, #tpu.memory_space<hbm>>) dst(%arg6 : memref<84x128xi32, #tpu.memory_space<vmem>>)
      tpu.yield
    }) : () -> ()
    "tpu.region"() ({
      %run_scoped3A_299 = tpu.sem_alloc : memref<!tpu.dma_semaphore, #tpu.memory_space<semaphore_mem>>
      %dma_start3A_300 = arith.constant 0 : i32
      %dma_start3A_301 = arith.constant 0 : i32
      %dma_start3A_302 = tpu.memref_slice %arg4[%add3A, %dma_start3A_300, %dma_start3A_301] : memref<32x84x128xi32, #tpu.memory_space<hbm>> -> memref<1x84x128xi32, #tpu.memory_space<hbm>>
      %dma_start3A_303 = tpu.memref_squeeze %dma_start3A_302 : memref<1x84x128xi32, #tpu.memory_space<hbm>> -> memref<84x128xi32, #tpu.memory_space<hbm>>
      %dma_start3A_304 = arith.constant 0 : i32
      %dma_start3A_305 = arith.constant 0 : i32
      %dma_start3A_306 = tpu.memref_slice %arg4[%add3A, %dma_start3A_304, %dma_start3A_305] : memref<32x84x128xi32, #tpu.memory_space<hbm>> -> memref<1x84x128xi32, #tpu.memory_space<hbm>>
      %dma_start3A_307 = tpu.memref_squeeze %dma_start3A_306 : memref<1x84x128xi32, #tpu.memory_space<hbm>> -> memref<84x128xi32, #tpu.memory_space<hbm>>
      tpu.enqueue_dma source(%dma_start3A_307 : memref<84x128xi32, #tpu.memory_space<hbm>>) target(%arg7 : memref<84x128xi32, #tpu.memory_space<vmem>>) target_semaphore(%run_scoped3A_299 : memref<!tpu.dma_semaphore, #tpu.memory_space<semaphore_mem>>)
      %dma_wait3A_308 = arith.constant 0 : i32
      %dma_wait3A_309 = arith.constant 0 : i32
      %dma_wait3A_310 = tpu.memref_slice %arg4[%add3A, %dma_wait3A_308, %dma_wait3A_309] : memref<32x84x128xi32, #tpu.memory_space<hbm>> -> memref<1x84x128xi32, #tpu.memory_space<hbm>>
      %dma_wait3A_311 = tpu.memref_squeeze %dma_wait3A_310 : memref<1x84x128xi32, #tpu.memory_space<hbm>> -> memref<84x128xi32, #tpu.memory_space<hbm>>
      %dma_wait3A_312 = arith.constant 0 : i32
      %dma_wait3A_313 = arith.constant 0 : i32
      %dma_wait3A_314 = tpu.memref_slice %arg4[%add3A, %dma_wait3A_312, %dma_wait3A_313] : memref<32x84x128xi32, #tpu.memory_space<hbm>> -> memref<1x84x128xi32, #tpu.memory_space<hbm>>
      %dma_wait3A_315 = tpu.memref_squeeze %dma_wait3A_314 : memref<1x84x128xi32, #tpu.memory_space<hbm>> -> memref<84x128xi32, #tpu.memory_space<hbm>>
      tpu.wait_dma2 semaphore(%run_scoped3A_299 : memref<!tpu.dma_semaphore, #tpu.memory_space<semaphore_mem>>) src(%dma_wait3A_315 : memref<84x128xi32, #tpu.memory_space<hbm>>) dst(%arg7 : memref<84x128xi32, #tpu.memory_space<vmem>>)
      tpu.yield
    }) : () -> ()
    %mul3A_1 = arith.constant 640 : i32
    %mul3A_2 = arith.muli %arg1, %mul3A_1 : i32
    %mul3A_3 = arith.constant 640 : i32
    %mul3A_4 = arith.muli %arg1, %mul3A_3 : i32
    "tpu.region"() ({
      %run_scoped3A_299 = tpu.sem_alloc : memref<!tpu.dma_semaphore, #tpu.memory_space<semaphore_mem>>
      %dma_start3A_300 = arith.constant 0 : i32
      %dma_start3A_301 = tpu.memref_slice %arg12[%mul3A_4, %dma_start3A_300] : memref<10240x48xf32, #tpu.memory_space<vmem_shared>> -> memref<640x48xf32, #tpu.memory_space<vmem_shared>>
      %dma_start3A_302 = arith.constant 0 : i32
      %dma_start3A_303 = tpu.memref_slice %arg2[%mul3A_2, %dma_start3A_302] : memref<10240x144xf32, #tpu.memory_space<hbm>> -> memref<640x48xf32, #tpu.memory_space<hbm>>
      tpu.enqueue_dma source(%dma_start3A_303 : memref<640x48xf32, #tpu.memory_space<hbm>>) target(%dma_start3A_301 : memref<640x48xf32, #tpu.memory_space<vmem_shared>>) target_semaphore(%run_scoped3A_299 : memref<!tpu.dma_semaphore, #tpu.memory_space<semaphore_mem>>)
      %dma_wait3A_304 = arith.constant 0 : i32
      %dma_wait3A_305 = tpu.memref_slice %arg12[%mul3A_4, %dma_wait3A_304] : memref<10240x48xf32, #tpu.memory_space<vmem_shared>> -> memref<640x48xf32, #tpu.memory_space<vmem_shared>>
      %dma_wait3A_306 = arith.constant 0 : i32
      %dma_wait3A_307 = tpu.memref_slice %arg2[%mul3A_2, %dma_wait3A_306] : memref<10240x144xf32, #tpu.memory_space<hbm>> -> memref<640x48xf32, #tpu.memory_space<hbm>>
      tpu.wait_dma2 semaphore(%run_scoped3A_299 : memref<!tpu.dma_semaphore, #tpu.memory_space<semaphore_mem>>) src(%dma_wait3A_307 : memref<640x48xf32, #tpu.memory_space<hbm>>) dst(%dma_wait3A_305 : memref<640x48xf32, #tpu.memory_space<vmem_shared>>)
      tpu.yield
    }) : () -> ()
    %scan3A = arith.constant 0 : i32
    %scan3A_5 = arith.constant 128 : i32
    %scan3A_6 = arith.addi %scan3A, %scan3A_5 : i32
    %scan3A_7 = arith.constant 1 : i32
    scf.for %scan3A_299 = %scan3A to %scan3A_6 step %scan3A_7  : i32 {
      %mul3A_300 = arith.constant 1 : i32
      %mul3A_301 = arith.muli %scan3A_299, %mul3A_300 : i32
      %add3A_302 = arith.constant 0 : i32
      %add3A_303 = arith.addi %add3A_302, %mul3A_301 : i32
      %broadcast_in_dim3A = arith.constant 0.000000e+00 : f32
      %broadcast_in_dim3A_304 = vector.broadcast %broadcast_in_dim3A : f32 to vector<16xf32>
      %swap3A = arith.index_cast %add3A_303 : i32 to index
      %swap3A_305 = arith.constant 0 : index
      %swap3A_306 = tpu.vector_load %arg8[%swap3A, %swap3A_305] {strides = array<i32>} : memref<128x48xf32, #tpu.memory_space<vmem>>, vector<1x16xf32>,
      %swap3A_307 = vector.shape_cast %swap3A_306 : vector<1x16xf32> to vector<16xf32>
      %swap3A_308 = vector.shape_cast %broadcast_in_dim3A_304 : vector<16xf32> to vector<1x16xf32>
      tpu.vector_store %arg8[%swap3A, %swap3A_305], %swap3A_308 {strides = array<i32>} : memref<128x48xf32, #tpu.memory_space<vmem>>, vector<1x16xf32>,
      %broadcast_in_dim3A_309 = arith.constant 0.000000e+00 : f32
      %broadcast_in_dim3A_310 = vector.broadcast %broadcast_in_dim3A_309 : f32 to vector<16xf32>
      %swap3A_311 = arith.index_cast %add3A_303 : i32 to index
      %swap3A_312 = arith.constant 16 : index
      %swap3A_313 = tpu.vector_load %arg8[%swap3A_311, %swap3A_312] {strides = array<i32>} : memref<128x48xf32, #tpu.memory_space<vmem>>, vector<1x16xf32>,
      %swap3A_314 = vector.shape_cast %swap3A_313 : vector<1x16xf32> to vector<16xf32>
      %swap3A_315 = vector.shape_cast %broadcast_in_dim3A_310 : vector<16xf32> to vector<1x16xf32>
      tpu.vector_store %arg8[%swap3A_311, %swap3A_312], %swap3A_315 {strides = array<i32>} : memref<128x48xf32, #tpu.memory_space<vmem>>, vector<1x16xf32>,
      %broadcast_in_dim3A_316 = arith.constant 0.000000e+00 : f32
      %broadcast_in_dim3A_317 = vector.broadcast %broadcast_in_dim3A_316 : f32 to vector<16xf32>
      %swap3A_318 = arith.index_cast %add3A_303 : i32 to index
      %swap3A_319 = arith.constant 32 : index
      %swap3A_320 = tpu.vector_load %arg8[%swap3A_318, %swap3A_319] {strides = array<i32>} : memref<128x48xf32, #tpu.memory_space<vmem>>, vector<1x16xf32>,
      %swap3A_321 = vector.shape_cast %swap3A_320 : vector<1x16xf32> to vector<16xf32>
      %swap3A_322 = vector.shape_cast %broadcast_in_dim3A_317 : vector<16xf32> to vector<1x16xf32>
      tpu.vector_store %arg8[%swap3A_318, %swap3A_319], %swap3A_322 {strides = array<i32>} : memref<128x48xf32, #tpu.memory_space<vmem>>, vector<1x16xf32>,
    }
    %scan3A_8 = arith.constant 128 : i32
    %mul3A_9 = arith.constant 640 : i32
    %mul3A_10 = arith.muli %arg1, %mul3A_9 : i32
    %add3A_11 = arith.constant 0 : i32
    %add3A_12 = arith.addi %mul3A_10, %add3A_11 : i32
    "tpu.region"() ({
      %run_scoped3A_299 = tpu.sem_alloc : memref<!tpu.dma_semaphore, #tpu.memory_space<semaphore_mem>>
      %dma_start3A_300 = arith.constant 0 : i32
      %dma_start3A_301 = tpu.memref_slice %arg13[%add3A_12, %dma_start3A_300] : memref<10240x48xf32, #tpu.memory_space<vmem_shared>> -> memref<128x48xf32, #tpu.memory_space<vmem_shared>>
      %dma_start3A_302 = arith.constant 0 : i32
      %dma_start3A_303 = tpu.memref_slice %arg13[%add3A_12, %dma_start3A_302] : memref<10240x48xf32, #tpu.memory_space<vmem_shared>> -> memref<128x48xf32, #tpu.memory_space<vmem_shared>>
      tpu.enqueue_dma source(%arg8 : memref<128x48xf32, #tpu.memory_space<vmem>>) target(%dma_start3A_303 : memref<128x48xf32, #tpu.memory_space<vmem_shared>>) target_semaphore(%run_scoped3A_299 : memref<!tpu.dma_semaphore, #tpu.memory_space<semaphore_mem>>)
      %dma_wait3A_304 = arith.constant 0 : i32
      %dma_wait3A_305 = tpu.memref_slice %arg13[%add3A_12, %dma_wait3A_304] : memref<10240x48xf32, #tpu.memory_space<vmem_shared>> -> memref<128x48xf32, #tpu.memory_space<vmem_shared>>
      %dma_wait3A_306 = arith.constant 0 : i32
      %dma_wait3A_307 = tpu.memref_slice %arg13[%add3A_12, %dma_wait3A_306] : memref<10240x48xf32, #tpu.memory_space<vmem_shared>> -> memref<128x48xf32, #tpu.memory_space<vmem_shared>>
      tpu.wait_dma2 semaphore(%run_scoped3A_299 : memref<!tpu.dma_semaphore, #tpu.memory_space<semaphore_mem>>) src(%arg8 : memref<128x48xf32, #tpu.memory_space<vmem>>) dst(%dma_wait3A_307 : memref<128x48xf32, #tpu.memory_space<vmem_shared>>)
      tpu.yield
    }) : () -> ()
    %mul3A_13 = arith.constant 640 : i32
    %mul3A_14 = arith.muli %arg1, %mul3A_13 : i32
    %add3A_15 = arith.constant 128 : i32
    %add3A_16 = arith.addi %mul3A_14, %add3A_15 : i32
    "tpu.region"() ({
      %run_scoped3A_299 = tpu.sem_alloc : memref<!tpu.dma_semaphore, #tpu.memory_space<semaphore_mem>>
      %dma_start3A_300 = arith.constant 0 : i32
      %dma_start3A_301 = tpu.memref_slice %arg13[%add3A_16, %dma_start3A_300] : memref<10240x48xf32, #tpu.memory_space<vmem_shared>> -> memref<128x48xf32, #tpu.memory_space<vmem_shared>>
      %dma_start3A_302 = arith.constant 0 : i32
      %dma_start3A_303 = tpu.memref_slice %arg13[%add3A_16, %dma_start3A_302] : memref<10240x48xf32, #tpu.memory_space<vmem_shared>> -> memref<128x48xf32, #tpu.memory_space<vmem_shared>>
      tpu.enqueue_dma source(%arg8 : memref<128x48xf32, #tpu.memory_space<vmem>>) target(%dma_start3A_303 : memref<128x48xf32, #tpu.memory_space<vmem_shared>>) target_semaphore(%run_scoped3A_299 : memref<!tpu.dma_semaphore, #tpu.memory_space<semaphore_mem>>)
      %dma_wait3A_304 = arith.constant 0 : i32
      %dma_wait3A_305 = tpu.memref_slice %arg13[%add3A_16, %dma_wait3A_304] : memref<10240x48xf32, #tpu.memory_space<vmem_shared>> -> memref<128x48xf32, #tpu.memory_space<vmem_shared>>
      %dma_wait3A_306 = arith.constant 0 : i32
      %dma_wait3A_307 = tpu.memref_slice %arg13[%add3A_16, %dma_wait3A_306] : memref<10240x48xf32, #tpu.memory_space<vmem_shared>> -> memref<128x48xf32, #tpu.memory_space<vmem_shared>>
      tpu.wait_dma2 semaphore(%run_scoped3A_299 : memref<!tpu.dma_semaphore, #tpu.memory_space<semaphore_mem>>) src(%arg8 : memref<128x48xf32, #tpu.memory_space<vmem>>) dst(%dma_wait3A_307 : memref<128x48xf32, #tpu.memory_space<vmem_shared>>)
      tpu.yield
    }) : () -> ()
    %mul3A_17 = arith.constant 640 : i32
    %mul3A_18 = arith.muli %arg1, %mul3A_17 : i32
    %add3A_19 = arith.constant 256 : i32
    %add3A_20 = arith.addi %mul3A_18, %add3A_19 : i32
    "tpu.region"() ({
      %run_scoped3A_299 = tpu.sem_alloc : memref<!tpu.dma_semaphore, #tpu.memory_space<semaphore_mem>>
      %dma_start3A_300 = arith.constant 0 : i32
      %dma_start3A_301 = tpu.memref_slice %arg13[%add3A_20, %dma_start3A_300] : memref<10240x48xf32, #tpu.memory_space<vmem_shared>> -> memref<128x48xf32, #tpu.memory_space<vmem_shared>>
      %dma_start3A_302 = arith.constant 0 : i32
      %dma_start3A_303 = tpu.memref_slice %arg13[%add3A_20, %dma_start3A_302] : memref<10240x48xf32, #tpu.memory_space<vmem_shared>> -> memref<128x48xf32, #tpu.memory_space<vmem_shared>>
      tpu.enqueue_dma source(%arg8 : memref<128x48xf32, #tpu.memory_space<vmem>>) target(%dma_start3A_303 : memref<128x48xf32, #tpu.memory_space<vmem_shared>>) target_semaphore(%run_scoped3A_299 : memref<!tpu.dma_semaphore, #tpu.memory_space<semaphore_mem>>)
      %dma_wait3A_304 = arith.constant 0 : i32
      %dma_wait3A_305 = tpu.memref_slice %arg13[%add3A_20, %dma_wait3A_304] : memref<10240x48xf32, #tpu.memory_space<vmem_shared>> -> memref<128x48xf32, #tpu.memory_space<vmem_shared>>
      %dma_wait3A_306 = arith.constant 0 : i32
      %dma_wait3A_307 = tpu.memref_slice %arg13[%add3A_20, %dma_wait3A_306] : memref<10240x48xf32, #tpu.memory_space<vmem_shared>> -> memref<128x48xf32, #tpu.memory_space<vmem_shared>>
      tpu.wait_dma2 semaphore(%run_scoped3A_299 : memref<!tpu.dma_semaphore, #tpu.memory_space<semaphore_mem>>) src(%arg8 : memref<128x48xf32, #tpu.memory_space<vmem>>) dst(%dma_wait3A_307 : memref<128x48xf32, #tpu.memory_space<vmem_shared>>)
      tpu.yield
    }) : () -> ()
    %mul3A_21 = arith.constant 640 : i32
    %mul3A_22 = arith.muli %arg1, %mul3A_21 : i32
    %add3A_23 = arith.constant 384 : i32
    %add3A_24 = arith.addi %mul3A_22, %add3A_23 : i32
    "tpu.region"() ({
      %run_scoped3A_299 = tpu.sem_alloc : memref<!tpu.dma_semaphore, #tpu.memory_space<semaphore_mem>>
      %dma_start3A_300 = arith.constant 0 : i32
      %dma_start3A_301 = tpu.memref_slice %arg13[%add3A_24, %dma_start3A_300] : memref<10240x48xf32, #tpu.memory_space<vmem_shared>> -> memref<128x48xf32, #tpu.memory_space<vmem_shared>>
      %dma_start3A_302 = arith.constant 0 : i32
      %dma_start3A_303 = tpu.memref_slice %arg13[%add3A_24, %dma_start3A_302] : memref<10240x48xf32, #tpu.memory_space<vmem_shared>> -> memref<128x48xf32, #tpu.memory_space<vmem_shared>>
      tpu.enqueue_dma source(%arg8 : memref<128x48xf32, #tpu.memory_space<vmem>>) target(%dma_start3A_303 : memref<128x48xf32, #tpu.memory_space<vmem_shared>>) target_semaphore(%run_scoped3A_299 : memref<!tpu.dma_semaphore, #tpu.memory_space<semaphore_mem>>)
      %dma_wait3A_304 = arith.constant 0 : i32
      %dma_wait3A_305 = tpu.memref_slice %arg13[%add3A_24, %dma_wait3A_304] : memref<10240x48xf32, #tpu.memory_space<vmem_shared>> -> memref<128x48xf32, #tpu.memory_space<vmem_shared>>
      %dma_wait3A_306 = arith.constant 0 : i32
      %dma_wait3A_307 = tpu.memref_slice %arg13[%add3A_24, %dma_wait3A_306] : memref<10240x48xf32, #tpu.memory_space<vmem_shared>> -> memref<128x48xf32, #tpu.memory_space<vmem_shared>>
      tpu.wait_dma2 semaphore(%run_scoped3A_299 : memref<!tpu.dma_semaphore, #tpu.memory_space<semaphore_mem>>) src(%arg8 : memref<128x48xf32, #tpu.memory_space<vmem>>) dst(%dma_wait3A_307 : memref<128x48xf32, #tpu.memory_space<vmem_shared>>)
      tpu.yield
    }) : () -> ()
    %mul3A_25 = arith.constant 640 : i32
    %mul3A_26 = arith.muli %arg1, %mul3A_25 : i32
    %add3A_27 = arith.constant 512 : i32
    %add3A_28 = arith.addi %mul3A_26, %add3A_27 : i32
    "tpu.region"() ({
      %run_scoped3A_299 = tpu.sem_alloc : memref<!tpu.dma_semaphore, #tpu.memory_space<semaphore_mem>>
      %dma_start3A_300 = arith.constant 0 : i32
      %dma_start3A_301 = tpu.memref_slice %arg13[%add3A_28, %dma_start3A_300] : memref<10240x48xf32, #tpu.memory_space<vmem_shared>> -> memref<128x48xf32, #tpu.memory_space<vmem_shared>>
      %dma_start3A_302 = arith.constant 0 : i32
      %dma_start3A_303 = tpu.memref_slice %arg13[%add3A_28, %dma_start3A_302] : memref<10240x48xf32, #tpu.memory_space<vmem_shared>> -> memref<128x48xf32, #tpu.memory_space<vmem_shared>>
      tpu.enqueue_dma source(%arg8 : memref<128x48xf32, #tpu.memory_space<vmem>>) target(%dma_start3A_303 : memref<128x48xf32, #tpu.memory_space<vmem_shared>>) target_semaphore(%run_scoped3A_299 : memref<!tpu.dma_semaphore, #tpu.memory_space<semaphore_mem>>)
      %dma_wait3A_304 = arith.constant 0 : i32
      %dma_wait3A_305 = tpu.memref_slice %arg13[%add3A_28, %dma_wait3A_304] : memref<10240x48xf32, #tpu.memory_space<vmem_shared>> -> memref<128x48xf32, #tpu.memory_space<vmem_shared>>
      %dma_wait3A_306 = arith.constant 0 : i32
      %dma_wait3A_307 = tpu.memref_slice %arg13[%add3A_28, %dma_wait3A_306] : memref<10240x48xf32, #tpu.memory_space<vmem_shared>> -> memref<128x48xf32, #tpu.memory_space<vmem_shared>>
      tpu.wait_dma2 semaphore(%run_scoped3A_299 : memref<!tpu.dma_semaphore, #tpu.memory_space<semaphore_mem>>) src(%arg8 : memref<128x48xf32, #tpu.memory_space<vmem>>) dst(%dma_wait3A_307 : memref<128x48xf32, #tpu.memory_space<vmem_shared>>)
      tpu.yield
    }) : () -> ()
    %barrier3A = arith.constant 0 : index
    tpu.barrier barrier_id(%barrier3A)
    %dma_start3A = arith.constant 0 : i32
    %dma_start3A_29 = arith.constant 0 : i32
    %dma_start3A_30 = tpu.memref_slice %arg6[%dma_start3A, %dma_start3A_29] : memref<84x128xi32, #tpu.memory_space<vmem>> -> memref<1x128xi32, #tpu.memory_space<vmem>>
    %dma_start3A_31 = tpu.memref_squeeze %dma_start3A_30 : memref<1x128xi32, #tpu.memory_space<vmem>> -> memref<128xi32, #tpu.memory_space<vmem>>
    %dma_start3A_32 = arith.constant 0 : i32
    %dma_start3A_33 = arith.constant 0 : i32
    %dma_start3A_34 = tpu.memref_slice %arg12[%dma_start3A_32, %dma_start3A_33] : memref<10240x48xf32, #tpu.memory_space<vmem_shared>> -> memref<10240x48xf32, #tpu.memory_space<vmem_shared>>
    tpu.enqueue_indirect_dma source(%dma_start3A_34 : memref<10240x48xf32, #tpu.memory_space<vmem_shared>>) target(%arg8 : memref<128x48xf32, #tpu.memory_space<vmem>>) offsets(%dma_start3A_31 : memref<128xi32, #tpu.memory_space<vmem>>) semaphore(%arg14 : memref<!tpu.dma_semaphore, #tpu.memory_space<semaphore_mem>>)
    %dma_start3A_35 = arith.constant 1 : i32
    %dma_start3A_36 = arith.constant 0 : i32
    %dma_start3A_37 = tpu.memref_slice %arg6[%dma_start3A_35, %dma_start3A_36] : memref<84x128xi32, #tpu.memory_space<vmem>> -> memref<1x128xi32, #tpu.memory_space<vmem>>
    %dma_start3A_38 = tpu.memref_squeeze %dma_start3A_37 : memref<1x128xi32, #tpu.memory_space<vmem>> -> memref<128xi32, #tpu.memory_space<vmem>>
    %dma_start3A_39 = arith.constant 0 : i32
    %dma_start3A_40 = arith.constant 0 : i32
    %dma_start3A_41 = tpu.memref_slice %arg12[%dma_start3A_39, %dma_start3A_40] : memref<10240x48xf32, #tpu.memory_space<vmem_shared>> -> memref<10240x48xf32, #tpu.memory_space<vmem_shared>>
    tpu.enqueue_indirect_dma source(%dma_start3A_41 : memref<10240x48xf32, #tpu.memory_space<vmem_shared>>) target(%arg9 : memref<128x48xf32, #tpu.memory_space<vmem>>) offsets(%dma_start3A_38 : memref<128xi32, #tpu.memory_space<vmem>>) semaphore(%arg15 : memref<!tpu.dma_semaphore, #tpu.memory_space<semaphore_mem>>)
    %dma_start3A_42 = arith.constant 2 : i32
    %dma_start3A_43 = arith.constant 0 : i32
    %dma_start3A_44 = tpu.memref_slice %arg6[%dma_start3A_42, %dma_start3A_43] : memref<84x128xi32, #tpu.memory_space<vmem>> -> memref<1x128xi32, #tpu.memory_space<vmem>>
    %dma_start3A_45 = tpu.memref_squeeze %dma_start3A_44 : memref<1x128xi32, #tpu.memory_space<vmem>> -> memref<128xi32, #tpu.memory_space<vmem>>
    %dma_start3A_46 = arith.constant 0 : i32
    %dma_start3A_47 = arith.constant 0 : i32
    %dma_start3A_48 = tpu.memref_slice %arg12[%dma_start3A_46, %dma_start3A_47] : memref<10240x48xf32, #tpu.memory_space<vmem_shared>> -> memref<10240x48xf32, #tpu.memory_space<vmem_shared>>
    tpu.enqueue_indirect_dma source(%dma_start3A_48 : memref<10240x48xf32, #tpu.memory_space<vmem_shared>>) target(%arg10 : memref<128x48xf32, #tpu.memory_space<vmem>>) offsets(%dma_start3A_45 : memref<128xi32, #tpu.memory_space<vmem>>) semaphore(%arg16 : memref<!tpu.dma_semaphore, #tpu.memory_space<semaphore_mem>>)
    %dma_start3A_49 = arith.constant 3 : i32
    %dma_start3A_50 = arith.constant 0 : i32
    %dma_start3A_51 = tpu.memref_slice %arg6[%dma_start3A_49, %dma_start3A_50] : memref<84x128xi32, #tpu.memory_space<vmem>> -> memref<1x128xi32, #tpu.memory_space<vmem>>
    %dma_start3A_52 = tpu.memref_squeeze %dma_start3A_51 : memref<1x128xi32, #tpu.memory_space<vmem>> -> memref<128xi32, #tpu.memory_space<vmem>>
    %dma_start3A_53 = arith.constant 0 : i32
    %dma_start3A_54 = arith.constant 0 : i32
    %dma_start3A_55 = tpu.memref_slice %arg12[%dma_start3A_53, %dma_start3A_54] : memref<10240x48xf32, #tpu.memory_space<vmem_shared>> -> memref<10240x48xf32, #tpu.memory_space<vmem_shared>>
    tpu.enqueue_indirect_dma source(%dma_start3A_55 : memref<10240x48xf32, #tpu.memory_space<vmem_shared>>) target(%arg11 : memref<128x48xf32, #tpu.memory_space<vmem>>) offsets(%dma_start3A_52 : memref<128xi32, #tpu.memory_space<vmem>>) semaphore(%arg17 : memref<!tpu.dma_semaphore, #tpu.memory_space<semaphore_mem>>)
    %scan3A_56 = arith.constant 0 : i32
    %scan3A_57 = arith.constant 20 : i32
    %scan3A_58 = arith.addi %scan3A_56, %scan3A_57 : i32
    %scan3A_59 = arith.constant 1 : i32
    scf.for %scan3A_299 = %scan3A_56 to %scan3A_58 step %scan3A_59  : i32 {
      %mul3A_300 = arith.constant 4 : i32
      %mul3A_301 = arith.muli %scan3A_299, %mul3A_300 : i32
      %add3A_302 = arith.constant 0 : i32
      %add3A_303 = arith.addi %add3A_302, %mul3A_301 : i32
      %add3A_304 = arith.constant 0 : i32
      %add3A_305 = arith.addi %add3A_303, %add3A_304 : i32
      %dma_wait3A_306 = arith.constant 0 : i32
      %dma_wait3A_307 = tpu.memref_slice %arg6[%add3A_305, %dma_wait3A_306] : memref<84x128xi32, #tpu.memory_space<vmem>> -> memref<1x128xi32, #tpu.memory_space<vmem>>
      %dma_wait3A_308 = tpu.memref_squeeze %dma_wait3A_307 : memref<1x128xi32, #tpu.memory_space<vmem>> -> memref<128xi32, #tpu.memory_space<vmem>>
      %dma_wait3A_309 = arith.constant 0 : i32
      %dma_wait3A_310 = arith.constant 0 : i32
      %dma_wait3A_311 = tpu.memref_slice %arg12[%dma_wait3A_309, %dma_wait3A_310] : memref<10240x48xf32, #tpu.memory_space<vmem_shared>> -> memref<10240x48xf32, #tpu.memory_space<vmem_shared>>
      tpu.wait_indirect_dma semaphore(%arg14 : memref<!tpu.dma_semaphore, #tpu.memory_space<semaphore_mem>>) src(%dma_wait3A_311 : memref<10240x48xf32, #tpu.memory_space<vmem_shared>>) dst(%arg8 : memref<128x48xf32, #tpu.memory_space<vmem>>)
      %add3A_312 = arith.constant 0 : i32
      %add3A_313 = arith.addi %add3A_303, %add3A_312 : i32
      %dma_start3A_314 = arith.constant 0 : i32
      %dma_start3A_315 = tpu.memref_slice %arg7[%add3A_313, %dma_start3A_314] : memref<84x128xi32, #tpu.memory_space<vmem>> -> memref<1x128xi32, #tpu.memory_space<vmem>>
      %dma_start3A_316 = tpu.memref_squeeze %dma_start3A_315 : memref<1x128xi32, #tpu.memory_space<vmem>> -> memref<128xi32, #tpu.memory_space<vmem>>
      %dma_start3A_317 = arith.constant 0 : i32
      %dma_start3A_318 = arith.constant 0 : i32
      %dma_start3A_319 = tpu.memref_slice %arg13[%dma_start3A_317, %dma_start3A_318] : memref<10240x48xf32, #tpu.memory_space<vmem_shared>> -> memref<10240x48xf32, #tpu.memory_space<vmem_shared>>
      tpu.enqueue_indirect_dma source(%arg8 : memref<128x48xf32, #tpu.memory_space<vmem>>) target(%dma_start3A_319 : memref<10240x48xf32, #tpu.memory_space<vmem_shared>>) offsets(%dma_start3A_316 : memref<128xi32, #tpu.memory_space<vmem>>) semaphore(%arg18 : memref<!tpu.dma_semaphore, #tpu.memory_space<semaphore_mem>>) {add = true}
      %add3A_320 = arith.constant 0 : i32
      %add3A_321 = arith.addi %add3A_303, %add3A_320 : i32
      %dma_wait3A_322 = arith.constant 0 : i32
      %dma_wait3A_323 = tpu.memref_slice %arg7[%add3A_321, %dma_wait3A_322] : memref<84x128xi32, #tpu.memory_space<vmem>> -> memref<1x128xi32, #tpu.memory_space<vmem>>
      %dma_wait3A_324 = tpu.memref_squeeze %dma_wait3A_323 : memref<1x128xi32, #tpu.memory_space<vmem>> -> memref<128xi32, #tpu.memory_space<vmem>>
      %dma_wait3A_325 = arith.constant 0 : i32
      %dma_wait3A_326 = arith.constant 0 : i32
      %dma_wait3A_327 = tpu.memref_slice %arg13[%dma_wait3A_325, %dma_wait3A_326] : memref<10240x48xf32, #tpu.memory_space<vmem_shared>> -> memref<10240x48xf32, #tpu.memory_space<vmem_shared>>
      tpu.wait_indirect_dma semaphore(%arg18 : memref<!tpu.dma_semaphore, #tpu.memory_space<semaphore_mem>>) src(%arg8 : memref<128x48xf32, #tpu.memory_space<vmem>>) dst(%dma_wait3A_327 : memref<10240x48xf32, #tpu.memory_space<vmem_shared>>)
      %add3A_328 = arith.constant 0 : i32
      %add3A_329 = arith.addi %add3A_303, %add3A_328 : i32
      %add3A_330 = arith.constant 4 : i32
      %add3A_331 = arith.addi %add3A_329, %add3A_330 : i32
      %dma_start3A_332 = arith.constant 0 : i32
      %dma_start3A_333 = tpu.memref_slice %arg6[%add3A_331, %dma_start3A_332] : memref<84x128xi32, #tpu.memory_space<vmem>> -> memref<1x128xi32, #tpu.memory_space<vmem>>
      %dma_start3A_334 = tpu.memref_squeeze %dma_start3A_333 : memref<1x128xi32, #tpu.memory_space<vmem>> -> memref<128xi32, #tpu.memory_space<vmem>>
      %dma_start3A_335 = arith.constant 0 : i32
      %dma_start3A_336 = arith.constant 0 : i32
      %dma_start3A_337 = tpu.memref_slice %arg12[%dma_start3A_335, %dma_start3A_336] : memref<10240x48xf32, #tpu.memory_space<vmem_shared>> -> memref<10240x48xf32, #tpu.memory_space<vmem_shared>>
      tpu.enqueue_indirect_dma source(%dma_start3A_337 : memref<10240x48xf32, #tpu.memory_space<vmem_shared>>) target(%arg8 : memref<128x48xf32, #tpu.memory_space<vmem>>) offsets(%dma_start3A_334 : memref<128xi32, #tpu.memory_space<vmem>>) semaphore(%arg14 : memref<!tpu.dma_semaphore, #tpu.memory_space<semaphore_mem>>)
      %add3A_338 = arith.constant 1 : i32
      %add3A_339 = arith.addi %add3A_303, %add3A_338 : i32
      %dma_wait3A_340 = arith.constant 0 : i32
      %dma_wait3A_341 = tpu.memref_slice %arg6[%add3A_339, %dma_wait3A_340] : memref<84x128xi32, #tpu.memory_space<vmem>> -> memref<1x128xi32, #tpu.memory_space<vmem>>
      %dma_wait3A_342 = tpu.memref_squeeze %dma_wait3A_341 : memref<1x128xi32, #tpu.memory_space<vmem>> -> memref<128xi32, #tpu.memory_space<vmem>>
      %dma_wait3A_343 = arith.constant 0 : i32
      %dma_wait3A_344 = arith.constant 0 : i32
      %dma_wait3A_345 = tpu.memref_slice %arg12[%dma_wait3A_343, %dma_wait3A_344] : memref<10240x48xf32, #tpu.memory_space<vmem_shared>> -> memref<10240x48xf32, #tpu.memory_space<vmem_shared>>
      tpu.wait_indirect_dma semaphore(%arg15 : memref<!tpu.dma_semaphore, #tpu.memory_space<semaphore_mem>>) src(%dma_wait3A_345 : memref<10240x48xf32, #tpu.memory_space<vmem_shared>>) dst(%arg9 : memref<128x48xf32, #tpu.memory_space<vmem>>)
      %add3A_346 = arith.constant 1 : i32
      %add3A_347 = arith.addi %add3A_303, %add3A_346 : i32
      %dma_start3A_348 = arith.constant 0 : i32
      %dma_start3A_349 = tpu.memref_slice %arg7[%add3A_347, %dma_start3A_348] : memref<84x128xi32, #tpu.memory_space<vmem>> -> memref<1x128xi32, #tpu.memory_space<vmem>>
      %dma_start3A_350 = tpu.memref_squeeze %dma_start3A_349 : memref<1x128xi32, #tpu.memory_space<vmem>> -> memref<128xi32, #tpu.memory_space<vmem>>
      %dma_start3A_351 = arith.constant 0 : i32
      %dma_start3A_352 = arith.constant 0 : i32
      %dma_start3A_353 = tpu.memref_slice %arg13[%dma_start3A_351, %dma_start3A_352] : memref<10240x48xf32, #tpu.memory_space<vmem_shared>> -> memref<10240x48xf32, #tpu.memory_space<vmem_shared>>
      tpu.enqueue_indirect_dma source(%arg9 : memref<128x48xf32, #tpu.memory_space<vmem>>) target(%dma_start3A_353 : memref<10240x48xf32, #tpu.memory_space<vmem_shared>>) offsets(%dma_start3A_350 : memref<128xi32, #tpu.memory_space<vmem>>) semaphore(%arg19 : memref<!tpu.dma_semaphore, #tpu.memory_space<semaphore_mem>>) {add = true}
      %add3A_354 = arith.constant 1 : i32
      %add3A_355 = arith.addi %add3A_303, %add3A_354 : i32
      %dma_wait3A_356 = arith.constant 0 : i32
      %dma_wait3A_357 = tpu.memref_slice %arg7[%add3A_355, %dma_wait3A_356] : memref<84x128xi32, #tpu.memory_space<vmem>> -> memref<1x128xi32, #tpu.memory_space<vmem>>
      %dma_wait3A_358 = tpu.memref_squeeze %dma_wait3A_357 : memref<1x128xi32, #tpu.memory_space<vmem>> -> memref<128xi32, #tpu.memory_space<vmem>>
      %dma_wait3A_359 = arith.constant 0 : i32
      %dma_wait3A_360 = arith.constant 0 : i32
      %dma_wait3A_361 = tpu.memref_slice %arg13[%dma_wait3A_359, %dma_wait3A_360] : memref<10240x48xf32, #tpu.memory_space<vmem_shared>> -> memref<10240x48xf32, #tpu.memory_space<vmem_shared>>
      tpu.wait_indirect_dma semaphore(%arg19 : memref<!tpu.dma_semaphore, #tpu.memory_space<semaphore_mem>>) src(%arg9 : memref<128x48xf32, #tpu.memory_space<vmem>>) dst(%dma_wait3A_361 : memref<10240x48xf32, #tpu.memory_space<vmem_shared>>)
      %add3A_362 = arith.constant 1 : i32
      %add3A_363 = arith.addi %add3A_303, %add3A_362 : i32
      %add3A_364 = arith.constant 4 : i32
      %add3A_365 = arith.addi %add3A_363, %add3A_364 : i32
      %dma_start3A_366 = arith.constant 0 : i32
      %dma_start3A_367 = tpu.memref_slice %arg6[%add3A_365, %dma_start3A_366] : memref<84x128xi32, #tpu.memory_space<vmem>> -> memref<1x128xi32, #tpu.memory_space<vmem>>
      %dma_start3A_368 = tpu.memref_squeeze %dma_start3A_367 : memref<1x128xi32, #tpu.memory_space<vmem>> -> memref<128xi32, #tpu.memory_space<vmem>>
      %dma_start3A_369 = arith.constant 0 : i32
      %dma_start3A_370 = arith.constant 0 : i32
      %dma_start3A_371 = tpu.memref_slice %arg12[%dma_start3A_369, %dma_start3A_370] : memref<10240x48xf32, #tpu.memory_space<vmem_shared>> -> memref<10240x48xf32, #tpu.memory_space<vmem_shared>>
      tpu.enqueue_indirect_dma source(%dma_start3A_371 : memref<10240x48xf32, #tpu.memory_space<vmem_shared>>) target(%arg9 : memref<128x48xf32, #tpu.memory_space<vmem>>) offsets(%dma_start3A_368 : memref<128xi32, #tpu.memory_space<vmem>>) semaphore(%arg15 : memref<!tpu.dma_semaphore, #tpu.memory_space<semaphore_mem>>)
      %add3A_372 = arith.constant 2 : i32
      %add3A_373 = arith.addi %add3A_303, %add3A_372 : i32
      %dma_wait3A_374 = arith.constant 0 : i32
      %dma_wait3A_375 = tpu.memref_slice %arg6[%add3A_373, %dma_wait3A_374] : memref<84x128xi32, #tpu.memory_space<vmem>> -> memref<1x128xi32, #tpu.memory_space<vmem>>
      %dma_wait3A_376 = tpu.memref_squeeze %dma_wait3A_375 : memref<1x128xi32, #tpu.memory_space<vmem>> -> memref<128xi32, #tpu.memory_space<vmem>>
      %dma_wait3A_377 = arith.constant 0 : i32
      %dma_wait3A_378 = arith.constant 0 : i32
      %dma_wait3A_379 = tpu.memref_slice %arg12[%dma_wait3A_377, %dma_wait3A_378] : memref<10240x48xf32, #tpu.memory_space<vmem_shared>> -> memref<10240x48xf32, #tpu.memory_space<vmem_shared>>
      tpu.wait_indirect_dma semaphore(%arg16 : memref<!tpu.dma_semaphore, #tpu.memory_space<semaphore_mem>>) src(%dma_wait3A_379 : memref<10240x48xf32, #tpu.memory_space<vmem_shared>>) dst(%arg10 : memref<128x48xf32, #tpu.memory_space<vmem>>)
      %add3A_380 = arith.constant 2 : i32
      %add3A_381 = arith.addi %add3A_303, %add3A_380 : i32
      %dma_start3A_382 = arith.constant 0 : i32
      %dma_start3A_383 = tpu.memref_slice %arg7[%add3A_381, %dma_start3A_382] : memref<84x128xi32, #tpu.memory_space<vmem>> -> memref<1x128xi32, #tpu.memory_space<vmem>>
      %dma_start3A_384 = tpu.memref_squeeze %dma_start3A_383 : memref<1x128xi32, #tpu.memory_space<vmem>> -> memref<128xi32, #tpu.memory_space<vmem>>
      %dma_start3A_385 = arith.constant 0 : i32
      %dma_start3A_386 = arith.constant 0 : i32
      %dma_start3A_387 = tpu.memref_slice %arg13[%dma_start3A_385, %dma_start3A_386] : memref<10240x48xf32, #tpu.memory_space<vmem_shared>> -> memref<10240x48xf32, #tpu.memory_space<vmem_shared>>
      tpu.enqueue_indirect_dma source(%arg10 : memref<128x48xf32, #tpu.memory_space<vmem>>) target(%dma_start3A_387 : memref<10240x48xf32, #tpu.memory_space<vmem_shared>>) offsets(%dma_start3A_384 : memref<128xi32, #tpu.memory_space<vmem>>) semaphore(%arg20 : memref<!tpu.dma_semaphore, #tpu.memory_space<semaphore_mem>>) {add = true}
      %add3A_388 = arith.constant 2 : i32
      %add3A_389 = arith.addi %add3A_303, %add3A_388 : i32
      %dma_wait3A_390 = arith.constant 0 : i32
      %dma_wait3A_391 = tpu.memref_slice %arg7[%add3A_389, %dma_wait3A_390] : memref<84x128xi32, #tpu.memory_space<vmem>> -> memref<1x128xi32, #tpu.memory_space<vmem>>
      %dma_wait3A_392 = tpu.memref_squeeze %dma_wait3A_391 : memref<1x128xi32, #tpu.memory_space<vmem>> -> memref<128xi32, #tpu.memory_space<vmem>>
      %dma_wait3A_393 = arith.constant 0 : i32
      %dma_wait3A_394 = arith.constant 0 : i32
      %dma_wait3A_395 = tpu.memref_slice %arg13[%dma_wait3A_393, %dma_wait3A_394] : memref<10240x48xf32, #tpu.memory_space<vmem_shared>> -> memref<10240x48xf32, #tpu.memory_space<vmem_shared>>
      tpu.wait_indirect_dma semaphore(%arg20 : memref<!tpu.dma_semaphore, #tpu.memory_space<semaphore_mem>>) src(%arg10 : memref<128x48xf32, #tpu.memory_space<vmem>>) dst(%dma_wait3A_395 : memref<10240x48xf32, #tpu.memory_space<vmem_shared>>)
      %add3A_396 = arith.constant 2 : i32
      %add3A_397 = arith.addi %add3A_303, %add3A_396 : i32
      %add3A_398 = arith.constant 4 : i32
      %add3A_399 = arith.addi %add3A_397, %add3A_398 : i32
      %dma_start3A_400 = arith.constant 0 : i32
      %dma_start3A_401 = tpu.memref_slice %arg6[%add3A_399, %dma_start3A_400] : memref<84x128xi32, #tpu.memory_space<vmem>> -> memref<1x128xi32, #tpu.memory_space<vmem>>
      %dma_start3A_402 = tpu.memref_squeeze %dma_start3A_401 : memref<1x128xi32, #tpu.memory_space<vmem>> -> memref<128xi32, #tpu.memory_space<vmem>>
      %dma_start3A_403 = arith.constant 0 : i32
      %dma_start3A_404 = arith.constant 0 : i32
      %dma_start3A_405 = tpu.memref_slice %arg12[%dma_start3A_403, %dma_start3A_404] : memref<10240x48xf32, #tpu.memory_space<vmem_shared>> -> memref<10240x48xf32, #tpu.memory_space<vmem_shared>>
      tpu.enqueue_indirect_dma source(%dma_start3A_405 : memref<10240x48xf32, #tpu.memory_space<vmem_shared>>) target(%arg10 : memref<128x48xf32, #tpu.memory_space<vmem>>) offsets(%dma_start3A_402 : memref<128xi32, #tpu.memory_space<vmem>>) semaphore(%arg16 : memref<!tpu.dma_semaphore, #tpu.memory_space<semaphore_mem>>)
      %add3A_406 = arith.constant 3 : i32
      %add3A_407 = arith.addi %add3A_303, %add3A_406 : i32
      %dma_wait3A_408 = arith.constant 0 : i32
      %dma_wait3A_409 = tpu.memref_slice %arg6[%add3A_407, %dma_wait3A_408] : memref<84x128xi32, #tpu.memory_space<vmem>> -> memref<1x128xi32, #tpu.memory_space<vmem>>
      %dma_wait3A_410 = tpu.memref_squeeze %dma_wait3A_409 : memref<1x128xi32, #tpu.memory_space<vmem>> -> memref<128xi32, #tpu.memory_space<vmem>>
      %dma_wait3A_411 = arith.constant 0 : i32
      %dma_wait3A_412 = arith.constant 0 : i32
      %dma_wait3A_413 = tpu.memref_slice %arg12[%dma_wait3A_411, %dma_wait3A_412] : memref<10240x48xf32, #tpu.memory_space<vmem_shared>> -> memref<10240x48xf32, #tpu.memory_space<vmem_shared>>
      tpu.wait_indirect_dma semaphore(%arg17 : memref<!tpu.dma_semaphore, #tpu.memory_space<semaphore_mem>>) src(%dma_wait3A_413 : memref<10240x48xf32, #tpu.memory_space<vmem_shared>>) dst(%arg11 : memref<128x48xf32, #tpu.memory_space<vmem>>)
      %add3A_414 = arith.constant 3 : i32
      %add3A_415 = arith.addi %add3A_303, %add3A_414 : i32
      %dma_start3A_416 = arith.constant 0 : i32
      %dma_start3A_417 = tpu.memref_slice %arg7[%add3A_415, %dma_start3A_416] : memref<84x128xi32, #tpu.memory_space<vmem>> -> memref<1x128xi32, #tpu.memory_space<vmem>>
      %dma_start3A_418 = tpu.memref_squeeze %dma_start3A_417 : memref<1x128xi32, #tpu.memory_space<vmem>> -> memref<128xi32, #tpu.memory_space<vmem>>
      %dma_start3A_419 = arith.constant 0 : i32
      %dma_start3A_420 = arith.constant 0 : i32
      %dma_start3A_421 = tpu.memref_slice %arg13[%dma_start3A_419, %dma_start3A_420] : memref<10240x48xf32, #tpu.memory_space<vmem_shared>> -> memref<10240x48xf32, #tpu.memory_space<vmem_shared>>
      tpu.enqueue_indirect_dma source(%arg11 : memref<128x48xf32, #tpu.memory_space<vmem>>) target(%dma_start3A_421 : memref<10240x48xf32, #tpu.memory_space<vmem_shared>>) offsets(%dma_start3A_418 : memref<128xi32, #tpu.memory_space<vmem>>) semaphore(%arg21 : memref<!tpu.dma_semaphore, #tpu.memory_space<semaphore_mem>>) {add = true}
      %add3A_422 = arith.constant 3 : i32
      %add3A_423 = arith.addi %add3A_303, %add3A_422 : i32
      %dma_wait3A_424 = arith.constant 0 : i32
      %dma_wait3A_425 = tpu.memref_slice %arg7[%add3A_423, %dma_wait3A_424] : memref<84x128xi32, #tpu.memory_space<vmem>> -> memref<1x128xi32, #tpu.memory_space<vmem>>
      %dma_wait3A_426 = tpu.memref_squeeze %dma_wait3A_425 : memref<1x128xi32, #tpu.memory_space<vmem>> -> memref<128xi32, #tpu.memory_space<vmem>>
      %dma_wait3A_427 = arith.constant 0 : i32
      %dma_wait3A_428 = arith.constant 0 : i32
      %dma_wait3A_429 = tpu.memref_slice %arg13[%dma_wait3A_427, %dma_wait3A_428] : memref<10240x48xf32, #tpu.memory_space<vmem_shared>> -> memref<10240x48xf32, #tpu.memory_space<vmem_shared>>
      tpu.wait_indirect_dma semaphore(%arg21 : memref<!tpu.dma_semaphore, #tpu.memory_space<semaphore_mem>>) src(%arg11 : memref<128x48xf32, #tpu.memory_space<vmem>>) dst(%dma_wait3A_429 : memref<10240x48xf32, #tpu.memory_space<vmem_shared>>)
      %add3A_430 = arith.constant 3 : i32
      %add3A_431 = arith.addi %add3A_303, %add3A_430 : i32
      %add3A_432 = arith.constant 4 : i32
      %add3A_433 = arith.addi %add3A_431, %add3A_432 : i32
      %dma_start3A_434 = arith.constant 0 : i32
      %dma_start3A_435 = tpu.memref_slice %arg6[%add3A_433, %dma_start3A_434] : memref<84x128xi32, #tpu.memory_space<vmem>> -> memref<1x128xi32, #tpu.memory_space<vmem>>
      %dma_start3A_436 = tpu.memref_squeeze %dma_start3A_435 : memref<1x128xi32, #tpu.memory_space<vmem>> -> memref<128xi32, #tpu.memory_space<vmem>>
      %dma_start3A_437 = arith.constant 0 : i32
      %dma_start3A_438 = arith.constant 0 : i32
      %dma_start3A_439 = tpu.memref_slice %arg12[%dma_start3A_437, %dma_start3A_438] : memref<10240x48xf32, #tpu.memory_space<vmem_shared>> -> memref<10240x48xf32, #tpu.memory_space<vmem_shared>>
      tpu.enqueue_indirect_dma source(%dma_start3A_439 : memref<10240x48xf32, #tpu.memory_space<vmem_shared>>) target(%arg11 : memref<128x48xf32, #tpu.memory_space<vmem>>) offsets(%dma_start3A_436 : memref<128xi32, #tpu.memory_space<vmem>>) semaphore(%arg17 : memref<!tpu.dma_semaphore, #tpu.memory_space<semaphore_mem>>)
    }
    %scan3A_60 = arith.constant 20 : i32
    %dma_wait3A = arith.constant 80 : i32
    %dma_wait3A_61 = arith.constant 0 : i32
    %dma_wait3A_62 = tpu.memref_slice %arg6[%dma_wait3A, %dma_wait3A_61] : memref<84x128xi32, #tpu.memory_space<vmem>> -> memref<1x128xi32, #tpu.memory_space<vmem>>
    %dma_wait3A_63 = tpu.memref_squeeze %dma_wait3A_62 : memref<1x128xi32, #tpu.memory_space<vmem>> -> memref<128xi32, #tpu.memory_space<vmem>>
    %dma_wait3A_64 = arith.constant 0 : i32
    %dma_wait3A_65 = arith.constant 0 : i32
    %dma_wait3A_66 = tpu.memref_slice %arg12[%dma_wait3A_64, %dma_wait3A_65] : memref<10240x48xf32, #tpu.memory_space<vmem_shared>> -> memref<10240x48xf32, #tpu.memory_space<vmem_shared>>
    tpu.wait_indirect_dma semaphore(%arg14 : memref<!tpu.dma_semaphore, #tpu.memory_space<semaphore_mem>>) src(%dma_wait3A_66 : memref<10240x48xf32, #tpu.memory_space<vmem_shared>>) dst(%arg8 : memref<128x48xf32, #tpu.memory_space<vmem>>)
    %run_scoped3A = arith.constant 80 : i32
    "tpu.region"() ({
      %run_scoped3A_299 = tpu.sem_alloc : memref<!tpu.dma_semaphore, #tpu.memory_space<semaphore_mem>>
      %dma_start3A_300 = arith.constant 0 : i32
      %dma_start3A_301 = tpu.memref_slice %arg7[%run_scoped3A, %dma_start3A_300] : memref<84x128xi32, #tpu.memory_space<vmem>> -> memref<1x128xi32, #tpu.memory_space<vmem>>
      %dma_start3A_302 = tpu.memref_squeeze %dma_start3A_301 : memref<1x128xi32, #tpu.memory_space<vmem>> -> memref<128xi32, #tpu.memory_space<vmem>>
      %dma_start3A_303 = arith.constant 0 : i32
      %dma_start3A_304 = arith.constant 0 : i32
      %dma_start3A_305 = tpu.memref_slice %arg13[%dma_start3A_303, %dma_start3A_304] : memref<10240x48xf32, #tpu.memory_space<vmem_shared>> -> memref<10240x48xf32, #tpu.memory_space<vmem_shared>>
      tpu.enqueue_indirect_dma source(%arg8 : memref<128x48xf32, #tpu.memory_space<vmem>>) target(%dma_start3A_305 : memref<10240x48xf32, #tpu.memory_space<vmem_shared>>) offsets(%dma_start3A_302 : memref<128xi32, #tpu.memory_space<vmem>>) semaphore(%run_scoped3A_299 : memref<!tpu.dma_semaphore, #tpu.memory_space<semaphore_mem>>) {add = true}
      %dma_wait3A_306 = arith.constant 0 : i32
      %dma_wait3A_307 = tpu.memref_slice %arg7[%run_scoped3A, %dma_wait3A_306] : memref<84x128xi32, #tpu.memory_space<vmem>> -> memref<1x128xi32, #tpu.memory_space<vmem>>
      %dma_wait3A_308 = tpu.memref_squeeze %dma_wait3A_307 : memref<1x128xi32, #tpu.memory_space<vmem>> -> memref<128xi32, #tpu.memory_space<vmem>>
      %dma_wait3A_309 = arith.constant 0 : i32
      %dma_wait3A_310 = arith.constant 0 : i32
      %dma_wait3A_311 = tpu.memref_slice %arg13[%dma_wait3A_309, %dma_wait3A_310] : memref<10240x48xf32, #tpu.memory_space<vmem_shared>> -> memref<10240x48xf32, #tpu.memory_space<vmem_shared>>
      tpu.wait_indirect_dma semaphore(%run_scoped3A_299 : memref<!tpu.dma_semaphore, #tpu.memory_space<semaphore_mem>>) src(%arg8 : memref<128x48xf32, #tpu.memory_space<vmem>>) dst(%dma_wait3A_311 : memref<10240x48xf32, #tpu.memory_space<vmem_shared>>)
      tpu.yield
    }) : () -> ()
    %dma_wait3A_67 = arith.constant 81 : i32
    %dma_wait3A_68 = arith.constant 0 : i32
    %dma_wait3A_69 = tpu.memref_slice %arg6[%dma_wait3A_67, %dma_wait3A_68] : memref<84x128xi32, #tpu.memory_space<vmem>> -> memref<1x128xi32, #tpu.memory_space<vmem>>
    %dma_wait3A_70 = tpu.memref_squeeze %dma_wait3A_69 : memref<1x128xi32, #tpu.memory_space<vmem>> -> memref<128xi32, #tpu.memory_space<vmem>>
    %dma_wait3A_71 = arith.constant 0 : i32
    %dma_wait3A_72 = arith.constant 0 : i32
    %dma_wait3A_73 = tpu.memref_slice %arg12[%dma_wait3A_71, %dma_wait3A_72] : memref<10240x48xf32, #tpu.memory_space<vmem_shared>> -> memref<10240x48xf32, #tpu.memory_space<vmem_shared>>
    tpu.wait_indirect_dma semaphore(%arg15 : memref<!tpu.dma_semaphore, #tpu.memory_space<semaphore_mem>>) src(%dma_wait3A_73 : memref<10240x48xf32, #tpu.memory_space<vmem_shared>>) dst(%arg9 : memref<128x48xf32, #tpu.memory_space<vmem>>)
    %run_scoped3A_74 = arith.constant 81 : i32
    "tpu.region"() ({
      %run_scoped3A_299 = tpu.sem_alloc : memref<!tpu.dma_semaphore, #tpu.memory_space<semaphore_mem>>
      %dma_start3A_300 = arith.constant 0 : i32
      %dma_start3A_301 = tpu.memref_slice %arg7[%run_scoped3A_74, %dma_start3A_300] : memref<84x128xi32, #tpu.memory_space<vmem>> -> memref<1x128xi32, #tpu.memory_space<vmem>>
      %dma_start3A_302 = tpu.memref_squeeze %dma_start3A_301 : memref<1x128xi32, #tpu.memory_space<vmem>> -> memref<128xi32, #tpu.memory_space<vmem>>
      %dma_start3A_303 = arith.constant 0 : i32
      %dma_start3A_304 = arith.constant 0 : i32
      %dma_start3A_305 = tpu.memref_slice %arg13[%dma_start3A_303, %dma_start3A_304] : memref<10240x48xf32, #tpu.memory_space<vmem_shared>> -> memref<10240x48xf32, #tpu.memory_space<vmem_shared>>
      tpu.enqueue_indirect_dma source(%arg9 : memref<128x48xf32, #tpu.memory_space<vmem>>) target(%dma_start3A_305 : memref<10240x48xf32, #tpu.memory_space<vmem_shared>>) offsets(%dma_start3A_302 : memref<128xi32, #tpu.memory_space<vmem>>) semaphore(%run_scoped3A_299 : memref<!tpu.dma_semaphore, #tpu.memory_space<semaphore_mem>>) {add = true}
      %dma_wait3A_306 = arith.constant 0 : i32
      %dma_wait3A_307 = tpu.memref_slice %arg7[%run_scoped3A_74, %dma_wait3A_306] : memref<84x128xi32, #tpu.memory_space<vmem>> -> memref<1x128xi32, #tpu.memory_space<vmem>>
      %dma_wait3A_308 = tpu.memref_squeeze %dma_wait3A_307 : memref<1x128xi32, #tpu.memory_space<vmem>> -> memref<128xi32, #tpu.memory_space<vmem>>
      %dma_wait3A_309 = arith.constant 0 : i32
      %dma_wait3A_310 = arith.constant 0 : i32
      %dma_wait3A_311 = tpu.memref_slice %arg13[%dma_wait3A_309, %dma_wait3A_310] : memref<10240x48xf32, #tpu.memory_space<vmem_shared>> -> memref<10240x48xf32, #tpu.memory_space<vmem_shared>>
      tpu.wait_indirect_dma semaphore(%run_scoped3A_299 : memref<!tpu.dma_semaphore, #tpu.memory_space<semaphore_mem>>) src(%arg9 : memref<128x48xf32, #tpu.memory_space<vmem>>) dst(%dma_wait3A_311 : memref<10240x48xf32, #tpu.memory_space<vmem_shared>>)
      tpu.yield
    }) : () -> ()
    %dma_wait3A_75 = arith.constant 82 : i32
    %dma_wait3A_76 = arith.constant 0 : i32
    %dma_wait3A_77 = tpu.memref_slice %arg6[%dma_wait3A_75, %dma_wait3A_76] : memref<84x128xi32, #tpu.memory_space<vmem>> -> memref<1x128xi32, #tpu.memory_space<vmem>>
    %dma_wait3A_78 = tpu.memref_squeeze %dma_wait3A_77 : memref<1x128xi32, #tpu.memory_space<vmem>> -> memref<128xi32, #tpu.memory_space<vmem>>
    %dma_wait3A_79 = arith.constant 0 : i32
    %dma_wait3A_80 = arith.constant 0 : i32
    %dma_wait3A_81 = tpu.memref_slice %arg12[%dma_wait3A_79, %dma_wait3A_80] : memref<10240x48xf32, #tpu.memory_space<vmem_shared>> -> memref<10240x48xf32, #tpu.memory_space<vmem_shared>>
    tpu.wait_indirect_dma semaphore(%arg16 : memref<!tpu.dma_semaphore, #tpu.memory_space<semaphore_mem>>) src(%dma_wait3A_81 : memref<10240x48xf32, #tpu.memory_space<vmem_shared>>) dst(%arg10 : memref<128x48xf32, #tpu.memory_space<vmem>>)
    %run_scoped3A_82 = arith.constant 82 : i32
    "tpu.region"() ({
      %run_scoped3A_299 = tpu.sem_alloc : memref<!tpu.dma_semaphore, #tpu.memory_space<semaphore_mem>>
      %dma_start3A_300 = arith.constant 0 : i32
      %dma_start3A_301 = tpu.memref_slice %arg7[%run_scoped3A_82, %dma_start3A_300] : memref<84x128xi32, #tpu.memory_space<vmem>> -> memref<1x128xi32, #tpu.memory_space<vmem>>
      %dma_start3A_302 = tpu.memref_squeeze %dma_start3A_301 : memref<1x128xi32, #tpu.memory_space<vmem>> -> memref<128xi32, #tpu.memory_space<vmem>>
      %dma_start3A_303 = arith.constant 0 : i32
      %dma_start3A_304 = arith.constant 0 : i32
      %dma_start3A_305 = tpu.memref_slice %arg13[%dma_start3A_303, %dma_start3A_304] : memref<10240x48xf32, #tpu.memory_space<vmem_shared>> -> memref<10240x48xf32, #tpu.memory_space<vmem_shared>>
      tpu.enqueue_indirect_dma source(%arg10 : memref<128x48xf32, #tpu.memory_space<vmem>>) target(%dma_start3A_305 : memref<10240x48xf32, #tpu.memory_space<vmem_shared>>) offsets(%dma_start3A_302 : memref<128xi32, #tpu.memory_space<vmem>>) semaphore(%run_scoped3A_299 : memref<!tpu.dma_semaphore, #tpu.memory_space<semaphore_mem>>) {add = true}
      %dma_wait3A_306 = arith.constant 0 : i32
      %dma_wait3A_307 = tpu.memref_slice %arg7[%run_scoped3A_82, %dma_wait3A_306] : memref<84x128xi32, #tpu.memory_space<vmem>> -> memref<1x128xi32, #tpu.memory_space<vmem>>
      %dma_wait3A_308 = tpu.memref_squeeze %dma_wait3A_307 : memref<1x128xi32, #tpu.memory_space<vmem>> -> memref<128xi32, #tpu.memory_space<vmem>>
      %dma_wait3A_309 = arith.constant 0 : i32
      %dma_wait3A_310 = arith.constant 0 : i32
      %dma_wait3A_311 = tpu.memref_slice %arg13[%dma_wait3A_309, %dma_wait3A_310] : memref<10240x48xf32, #tpu.memory_space<vmem_shared>> -> memref<10240x48xf32, #tpu.memory_space<vmem_shared>>
      tpu.wait_indirect_dma semaphore(%run_scoped3A_299 : memref<!tpu.dma_semaphore, #tpu.memory_space<semaphore_mem>>) src(%arg10 : memref<128x48xf32, #tpu.memory_space<vmem>>) dst(%dma_wait3A_311 : memref<10240x48xf32, #tpu.memory_space<vmem_shared>>)
      tpu.yield
    }) : () -> ()
    %dma_wait3A_83 = arith.constant 83 : i32
    %dma_wait3A_84 = arith.constant 0 : i32
    %dma_wait3A_85 = tpu.memref_slice %arg6[%dma_wait3A_83, %dma_wait3A_84] : memref<84x128xi32, #tpu.memory_space<vmem>> -> memref<1x128xi32, #tpu.memory_space<vmem>>
    %dma_wait3A_86 = tpu.memref_squeeze %dma_wait3A_85 : memref<1x128xi32, #tpu.memory_space<vmem>> -> memref<128xi32, #tpu.memory_space<vmem>>
    %dma_wait3A_87 = arith.constant 0 : i32
    %dma_wait3A_88 = arith.constant 0 : i32
    %dma_wait3A_89 = tpu.memref_slice %arg12[%dma_wait3A_87, %dma_wait3A_88] : memref<10240x48xf32, #tpu.memory_space<vmem_shared>> -> memref<10240x48xf32, #tpu.memory_space<vmem_shared>>
    tpu.wait_indirect_dma semaphore(%arg17 : memref<!tpu.dma_semaphore, #tpu.memory_space<semaphore_mem>>) src(%dma_wait3A_89 : memref<10240x48xf32, #tpu.memory_space<vmem_shared>>) dst(%arg11 : memref<128x48xf32, #tpu.memory_space<vmem>>)
    %run_scoped3A_90 = arith.constant 83 : i32
    "tpu.region"() ({
      %run_scoped3A_299 = tpu.sem_alloc : memref<!tpu.dma_semaphore, #tpu.memory_space<semaphore_mem>>
      %dma_start3A_300 = arith.constant 0 : i32
      %dma_start3A_301 = tpu.memref_slice %arg7[%run_scoped3A_90, %dma_start3A_300] : memref<84x128xi32, #tpu.memory_space<vmem>> -> memref<1x128xi32, #tpu.memory_space<vmem>>
      %dma_start3A_302 = tpu.memref_squeeze %dma_start3A_301 : memref<1x128xi32, #tpu.memory_space<vmem>> -> memref<128xi32, #tpu.memory_space<vmem>>
      %dma_start3A_303 = arith.constant 0 : i32
      %dma_start3A_304 = arith.constant 0 : i32
      %dma_start3A_305 = tpu.memref_slice %arg13[%dma_start3A_303, %dma_start3A_304] : memref<10240x48xf32, #tpu.memory_space<vmem_shared>> -> memref<10240x48xf32, #tpu.memory_space<vmem_shared>>
      tpu.enqueue_indirect_dma source(%arg11 : memref<128x48xf32, #tpu.memory_space<vmem>>) target(%dma_start3A_305 : memref<10240x48xf32, #tpu.memory_space<vmem_shared>>) offsets(%dma_start3A_302 : memref<128xi32, #tpu.memory_space<vmem>>) semaphore(%run_scoped3A_299 : memref<!tpu.dma_semaphore, #tpu.memory_space<semaphore_mem>>) {add = true}
      %dma_wait3A_306 = arith.constant 0 : i32
      %dma_wait3A_307 = tpu.memref_slice %arg7[%run_scoped3A_90, %dma_wait3A_306] : memref<84x128xi32, #tpu.memory_space<vmem>> -> memref<1x128xi32, #tpu.memory_space<vmem>>
      %dma_wait3A_308 = tpu.memref_squeeze %dma_wait3A_307 : memref<1x128xi32, #tpu.memory_space<vmem>> -> memref<128xi32, #tpu.memory_space<vmem>>
      %dma_wait3A_309 = arith.constant 0 : i32
      %dma_wait3A_310 = arith.constant 0 : i32
      %dma_wait3A_311 = tpu.memref_slice %arg13[%dma_wait3A_309, %dma_wait3A_310] : memref<10240x48xf32, #tpu.memory_space<vmem_shared>> -> memref<10240x48xf32, #tpu.memory_space<vmem_shared>>
      tpu.wait_indirect_dma semaphore(%run_scoped3A_299 : memref<!tpu.dma_semaphore, #tpu.memory_space<semaphore_mem>>) src(%arg11 : memref<128x48xf32, #tpu.memory_space<vmem>>) dst(%dma_wait3A_311 : memref<10240x48xf32, #tpu.memory_space<vmem_shared>>)
      tpu.yield
    }) : () -> ()
    %barrier3A_91 = arith.constant 0 : index
    tpu.barrier barrier_id(%barrier3A_91)
    %mul3A_92 = arith.constant 640 : i32
    %mul3A_93 = arith.muli %arg1, %mul3A_92 : i32
    %mul3A_94 = arith.constant 640 : i32
    %mul3A_95 = arith.muli %arg1, %mul3A_94 : i32
    %run_scoped3A_96 = arith.constant 0 : i32
    "tpu.region"() ({
      %run_scoped3A_299 = tpu.sem_alloc : memref<!tpu.dma_semaphore, #tpu.memory_space<semaphore_mem>>
      %dma_start3A_300 = arith.constant 0 : i32
      %dma_start3A_301 = tpu.memref_slice %arg5[%arg0, %run_scoped3A_96, %mul3A_95, %dma_start3A_300] : memref<2x3x10240x48xf32, #tpu.memory_space<hbm>> -> memref<1x1x640x48xf32, #tpu.memory_space<hbm>>
      %dma_start3A_302 = tpu.memref_squeeze %dma_start3A_301 : memref<1x1x640x48xf32, #tpu.memory_space<hbm>> -> memref<640x48xf32, #tpu.memory_space<hbm>>
      %dma_start3A_303 = arith.constant 0 : i32
      %dma_start3A_304 = tpu.memref_slice %arg13[%mul3A_93, %dma_start3A_303] : memref<10240x48xf32, #tpu.memory_space<vmem_shared>> -> memref<640x48xf32, #tpu.memory_space<vmem_shared>>
      tpu.enqueue_dma source(%dma_start3A_304 : memref<640x48xf32, #tpu.memory_space<vmem_shared>>) target(%dma_start3A_302 : memref<640x48xf32, #tpu.memory_space<hbm>>) target_semaphore(%run_scoped3A_299 : memref<!tpu.dma_semaphore, #tpu.memory_space<semaphore_mem>>)
      %dma_wait3A_305 = arith.constant 0 : i32
      %dma_wait3A_306 = tpu.memref_slice %arg5[%arg0, %run_scoped3A_96, %mul3A_95, %dma_wait3A_305] : memref<2x3x10240x48xf32, #tpu.memory_space<hbm>> -> memref<1x1x640x48xf32, #tpu.memory_space<hbm>>
      %dma_wait3A_307 = tpu.memref_squeeze %dma_wait3A_306 : memref<1x1x640x48xf32, #tpu.memory_space<hbm>> -> memref<640x48xf32, #tpu.memory_space<hbm>>
      %dma_wait3A_308 = arith.constant 0 : i32
      %dma_wait3A_309 = tpu.memref_slice %arg13[%mul3A_93, %dma_wait3A_308] : memref<10240x48xf32, #tpu.memory_space<vmem_shared>> -> memref<640x48xf32, #tpu.memory_space<vmem_shared>>
      tpu.wait_dma2 semaphore(%run_scoped3A_299 : memref<!tpu.dma_semaphore, #tpu.memory_space<semaphore_mem>>) src(%dma_wait3A_309 : memref<640x48xf32, #tpu.memory_space<vmem_shared>>) dst(%dma_wait3A_307 : memref<640x48xf32, #tpu.memory_space<hbm>>)
      tpu.yield
    }) : () -> ()
    %mul3A_97 = arith.constant 640 : i32
    %mul3A_98 = arith.muli %arg1, %mul3A_97 : i32
    %mul3A_99 = arith.constant 640 : i32
    %mul3A_100 = arith.muli %arg1, %mul3A_99 : i32
    "tpu.region"() ({
      %run_scoped3A_299 = tpu.sem_alloc : memref<!tpu.dma_semaphore, #tpu.memory_space<semaphore_mem>>
      %dma_start3A_300 = arith.constant 0 : i32
      %dma_start3A_301 = tpu.memref_slice %arg12[%mul3A_100, %dma_start3A_300] : memref<10240x48xf32, #tpu.memory_space<vmem_shared>> -> memref<640x48xf32, #tpu.memory_space<vmem_shared>>
      %dma_start3A_302 = arith.constant 48 : i32
      %dma_start3A_303 = tpu.memref_slice %arg2[%mul3A_98, %dma_start3A_302] : memref<10240x144xf32, #tpu.memory_space<hbm>> -> memref<640x48xf32, #tpu.memory_space<hbm>>
      tpu.enqueue_dma source(%dma_start3A_303 : memref<640x48xf32, #tpu.memory_space<hbm>>) target(%dma_start3A_301 : memref<640x48xf32, #tpu.memory_space<vmem_shared>>) target_semaphore(%run_scoped3A_299 : memref<!tpu.dma_semaphore, #tpu.memory_space<semaphore_mem>>)
      %dma_wait3A_304 = arith.constant 0 : i32
      %dma_wait3A_305 = tpu.memref_slice %arg12[%mul3A_100, %dma_wait3A_304] : memref<10240x48xf32, #tpu.memory_space<vmem_shared>> -> memref<640x48xf32, #tpu.memory_space<vmem_shared>>
      %dma_wait3A_306 = arith.constant 48 : i32
      %dma_wait3A_307 = tpu.memref_slice %arg2[%mul3A_98, %dma_wait3A_306] : memref<10240x144xf32, #tpu.memory_space<hbm>> -> memref<640x48xf32, #tpu.memory_space<hbm>>
      tpu.wait_dma2 semaphore(%run_scoped3A_299 : memref<!tpu.dma_semaphore, #tpu.memory_space<semaphore_mem>>) src(%dma_wait3A_307 : memref<640x48xf32, #tpu.memory_space<hbm>>) dst(%dma_wait3A_305 : memref<640x48xf32, #tpu.memory_space<vmem_shared>>)
      tpu.yield
    }) : () -> ()
    %scan3A_101 = arith.constant 0 : i32
    %scan3A_102 = arith.constant 128 : i32
    %scan3A_103 = arith.addi %scan3A_101, %scan3A_102 : i32
    %scan3A_104 = arith.constant 1 : i32
    scf.for %scan3A_299 = %scan3A_101 to %scan3A_103 step %scan3A_104  : i32 {
      %mul3A_300 = arith.constant 1 : i32
      %mul3A_301 = arith.muli %scan3A_299, %mul3A_300 : i32
      %add3A_302 = arith.constant 0 : i32
      %add3A_303 = arith.addi %add3A_302, %mul3A_301 : i32
      %broadcast_in_dim3A = arith.constant 0.000000e+00 : f32
      %broadcast_in_dim3A_304 = vector.broadcast %broadcast_in_dim3A : f32 to vector<16xf32>
      %swap3A = arith.index_cast %add3A_303 : i32 to index
      %swap3A_305 = arith.constant 0 : index
      %swap3A_306 = tpu.vector_load %arg8[%swap3A, %swap3A_305] {strides = array<i32>} : memref<128x48xf32, #tpu.memory_space<vmem>>, vector<1x16xf32>,
      %swap3A_307 = vector.shape_cast %swap3A_306 : vector<1x16xf32> to vector<16xf32>
      %swap3A_308 = vector.shape_cast %broadcast_in_dim3A_304 : vector<16xf32> to vector<1x16xf32>
      tpu.vector_store %arg8[%swap3A, %swap3A_305], %swap3A_308 {strides = array<i32>} : memref<128x48xf32, #tpu.memory_space<vmem>>, vector<1x16xf32>,
      %broadcast_in_dim3A_309 = arith.constant 0.000000e+00 : f32
      %broadcast_in_dim3A_310 = vector.broadcast %broadcast_in_dim3A_309 : f32 to vector<16xf32>
      %swap3A_311 = arith.index_cast %add3A_303 : i32 to index
      %swap3A_312 = arith.constant 16 : index
      %swap3A_313 = tpu.vector_load %arg8[%swap3A_311, %swap3A_312] {strides = array<i32>} : memref<128x48xf32, #tpu.memory_space<vmem>>, vector<1x16xf32>,
      %swap3A_314 = vector.shape_cast %swap3A_313 : vector<1x16xf32> to vector<16xf32>
      %swap3A_315 = vector.shape_cast %broadcast_in_dim3A_310 : vector<16xf32> to vector<1x16xf32>
      tpu.vector_store %arg8[%swap3A_311, %swap3A_312], %swap3A_315 {strides = array<i32>} : memref<128x48xf32, #tpu.memory_space<vmem>>, vector<1x16xf32>,
      %broadcast_in_dim3A_316 = arith.constant 0.000000e+00 : f32
      %broadcast_in_dim3A_317 = vector.broadcast %broadcast_in_dim3A_316 : f32 to vector<16xf32>
      %swap3A_318 = arith.index_cast %add3A_303 : i32 to index
      %swap3A_319 = arith.constant 32 : index
      %swap3A_320 = tpu.vector_load %arg8[%swap3A_318, %swap3A_319] {strides = array<i32>} : memref<128x48xf32, #tpu.memory_space<vmem>>, vector<1x16xf32>,
      %swap3A_321 = vector.shape_cast %swap3A_320 : vector<1x16xf32> to vector<16xf32>
      %swap3A_322 = vector.shape_cast %broadcast_in_dim3A_317 : vector<16xf32> to vector<1x16xf32>
      tpu.vector_store %arg8[%swap3A_318, %swap3A_319], %swap3A_322 {strides = array<i32>} : memref<128x48xf32, #tpu.memory_space<vmem>>, vector<1x16xf32>,
    }
    %scan3A_105 = arith.constant 128 : i32
    %mul3A_106 = arith.constant 640 : i32
    %mul3A_107 = arith.muli %arg1, %mul3A_106 : i32
    %add3A_108 = arith.constant 0 : i32
    %add3A_109 = arith.addi %mul3A_107, %add3A_108 : i32
    "tpu.region"() ({
      %run_scoped3A_299 = tpu.sem_alloc : memref<!tpu.dma_semaphore, #tpu.memory_space<semaphore_mem>>
      %dma_start3A_300 = arith.constant 0 : i32
      %dma_start3A_301 = tpu.memref_slice %arg13[%add3A_109, %dma_start3A_300] : memref<10240x48xf32, #tpu.memory_space<vmem_shared>> -> memref<128x48xf32, #tpu.memory_space<vmem_shared>>
      %dma_start3A_302 = arith.constant 0 : i32
      %dma_start3A_303 = tpu.memref_slice %arg13[%add3A_109, %dma_start3A_302] : memref<10240x48xf32, #tpu.memory_space<vmem_shared>> -> memref<128x48xf32, #tpu.memory_space<vmem_shared>>
      tpu.enqueue_dma source(%arg8 : memref<128x48xf32, #tpu.memory_space<vmem>>) target(%dma_start3A_303 : memref<128x48xf32, #tpu.memory_space<vmem_shared>>) target_semaphore(%run_scoped3A_299 : memref<!tpu.dma_semaphore, #tpu.memory_space<semaphore_mem>>)
      %dma_wait3A_304 = arith.constant 0 : i32
      %dma_wait3A_305 = tpu.memref_slice %arg13[%add3A_109, %dma_wait3A_304] : memref<10240x48xf32, #tpu.memory_space<vmem_shared>> -> memref<128x48xf32, #tpu.memory_space<vmem_shared>>
      %dma_wait3A_306 = arith.constant 0 : i32
      %dma_wait3A_307 = tpu.memref_slice %arg13[%add3A_109, %dma_wait3A_306] : memref<10240x48xf32, #tpu.memory_space<vmem_shared>> -> memref<128x48xf32, #tpu.memory_space<vmem_shared>>
      tpu.wait_dma2 semaphore(%run_scoped3A_299 : memref<!tpu.dma_semaphore, #tpu.memory_space<semaphore_mem>>) src(%arg8 : memref<128x48xf32, #tpu.memory_space<vmem>>) dst(%dma_wait3A_307 : memref<128x48xf32, #tpu.memory_space<vmem_shared>>)
      tpu.yield
    }) : () -> ()
    %mul3A_110 = arith.constant 640 : i32
    %mul3A_111 = arith.muli %arg1, %mul3A_110 : i32
    %add3A_112 = arith.constant 128 : i32
    %add3A_113 = arith.addi %mul3A_111, %add3A_112 : i32
    "tpu.region"() ({
      %run_scoped3A_299 = tpu.sem_alloc : memref<!tpu.dma_semaphore, #tpu.memory_space<semaphore_mem>>
      %dma_start3A_300 = arith.constant 0 : i32
      %dma_start3A_301 = tpu.memref_slice %arg13[%add3A_113, %dma_start3A_300] : memref<10240x48xf32, #tpu.memory_space<vmem_shared>> -> memref<128x48xf32, #tpu.memory_space<vmem_shared>>
      %dma_start3A_302 = arith.constant 0 : i32
      %dma_start3A_303 = tpu.memref_slice %arg13[%add3A_113, %dma_start3A_302] : memref<10240x48xf32, #tpu.memory_space<vmem_shared>> -> memref<128x48xf32, #tpu.memory_space<vmem_shared>>
      tpu.enqueue_dma source(%arg8 : memref<128x48xf32, #tpu.memory_space<vmem>>) target(%dma_start3A_303 : memref<128x48xf32, #tpu.memory_space<vmem_shared>>) target_semaphore(%run_scoped3A_299 : memref<!tpu.dma_semaphore, #tpu.memory_space<semaphore_mem>>)
      %dma_wait3A_304 = arith.constant 0 : i32
      %dma_wait3A_305 = tpu.memref_slice %arg13[%add3A_113, %dma_wait3A_304] : memref<10240x48xf32, #tpu.memory_space<vmem_shared>> -> memref<128x48xf32, #tpu.memory_space<vmem_shared>>
      %dma_wait3A_306 = arith.constant 0 : i32
      %dma_wait3A_307 = tpu.memref_slice %arg13[%add3A_113, %dma_wait3A_306] : memref<10240x48xf32, #tpu.memory_space<vmem_shared>> -> memref<128x48xf32, #tpu.memory_space<vmem_shared>>
      tpu.wait_dma2 semaphore(%run_scoped3A_299 : memref<!tpu.dma_semaphore, #tpu.memory_space<semaphore_mem>>) src(%arg8 : memref<128x48xf32, #tpu.memory_space<vmem>>) dst(%dma_wait3A_307 : memref<128x48xf32, #tpu.memory_space<vmem_shared>>)
      tpu.yield
    }) : () -> ()
    %mul3A_114 = arith.constant 640 : i32
    %mul3A_115 = arith.muli %arg1, %mul3A_114 : i32
    %add3A_116 = arith.constant 256 : i32
    %add3A_117 = arith.addi %mul3A_115, %add3A_116 : i32
    "tpu.region"() ({
      %run_scoped3A_299 = tpu.sem_alloc : memref<!tpu.dma_semaphore, #tpu.memory_space<semaphore_mem>>
      %dma_start3A_300 = arith.constant 0 : i32
      %dma_start3A_301 = tpu.memref_slice %arg13[%add3A_117, %dma_start3A_300] : memref<10240x48xf32, #tpu.memory_space<vmem_shared>> -> memref<128x48xf32, #tpu.memory_space<vmem_shared>>
      %dma_start3A_302 = arith.constant 0 : i32
      %dma_start3A_303 = tpu.memref_slice %arg13[%add3A_117, %dma_start3A_302] : memref<10240x48xf32, #tpu.memory_space<vmem_shared>> -> memref<128x48xf32, #tpu.memory_space<vmem_shared>>
      tpu.enqueue_dma source(%arg8 : memref<128x48xf32, #tpu.memory_space<vmem>>) target(%dma_start3A_303 : memref<128x48xf32, #tpu.memory_space<vmem_shared>>) target_semaphore(%run_scoped3A_299 : memref<!tpu.dma_semaphore, #tpu.memory_space<semaphore_mem>>)
      %dma_wait3A_304 = arith.constant 0 : i32
      %dma_wait3A_305 = tpu.memref_slice %arg13[%add3A_117, %dma_wait3A_304] : memref<10240x48xf32, #tpu.memory_space<vmem_shared>> -> memref<128x48xf32, #tpu.memory_space<vmem_shared>>
      %dma_wait3A_306 = arith.constant 0 : i32
      %dma_wait3A_307 = tpu.memref_slice %arg13[%add3A_117, %dma_wait3A_306] : memref<10240x48xf32, #tpu.memory_space<vmem_shared>> -> memref<128x48xf32, #tpu.memory_space<vmem_shared>>
      tpu.wait_dma2 semaphore(%run_scoped3A_299 : memref<!tpu.dma_semaphore, #tpu.memory_space<semaphore_mem>>) src(%arg8 : memref<128x48xf32, #tpu.memory_space<vmem>>) dst(%dma_wait3A_307 : memref<128x48xf32, #tpu.memory_space<vmem_shared>>)
      tpu.yield
    }) : () -> ()
    %mul3A_118 = arith.constant 640 : i32
    %mul3A_119 = arith.muli %arg1, %mul3A_118 : i32
    %add3A_120 = arith.constant 384 : i32
    %add3A_121 = arith.addi %mul3A_119, %add3A_120 : i32
    "tpu.region"() ({
      %run_scoped3A_299 = tpu.sem_alloc : memref<!tpu.dma_semaphore, #tpu.memory_space<semaphore_mem>>
      %dma_start3A_300 = arith.constant 0 : i32
      %dma_start3A_301 = tpu.memref_slice %arg13[%add3A_121, %dma_start3A_300] : memref<10240x48xf32, #tpu.memory_space<vmem_shared>> -> memref<128x48xf32, #tpu.memory_space<vmem_shared>>
      %dma_start3A_302 = arith.constant 0 : i32
      %dma_start3A_303 = tpu.memref_slice %arg13[%add3A_121, %dma_start3A_302] : memref<10240x48xf32, #tpu.memory_space<vmem_shared>> -> memref<128x48xf32, #tpu.memory_space<vmem_shared>>
      tpu.enqueue_dma source(%arg8 : memref<128x48xf32, #tpu.memory_space<vmem>>) target(%dma_start3A_303 : memref<128x48xf32, #tpu.memory_space<vmem_shared>>) target_semaphore(%run_scoped3A_299 : memref<!tpu.dma_semaphore, #tpu.memory_space<semaphore_mem>>)
      %dma_wait3A_304 = arith.constant 0 : i32
      %dma_wait3A_305 = tpu.memref_slice %arg13[%add3A_121, %dma_wait3A_304] : memref<10240x48xf32, #tpu.memory_space<vmem_shared>> -> memref<128x48xf32, #tpu.memory_space<vmem_shared>>
      %dma_wait3A_306 = arith.constant 0 : i32
      %dma_wait3A_307 = tpu.memref_slice %arg13[%add3A_121, %dma_wait3A_306] : memref<10240x48xf32, #tpu.memory_space<vmem_shared>> -> memref<128x48xf32, #tpu.memory_space<vmem_shared>>
      tpu.wait_dma2 semaphore(%run_scoped3A_299 : memref<!tpu.dma_semaphore, #tpu.memory_space<semaphore_mem>>) src(%arg8 : memref<128x48xf32, #tpu.memory_space<vmem>>) dst(%dma_wait3A_307 : memref<128x48xf32, #tpu.memory_space<vmem_shared>>)
      tpu.yield
    }) : () -> ()
    %mul3A_122 = arith.constant 640 : i32
    %mul3A_123 = arith.muli %arg1, %mul3A_122 : i32
    %add3A_124 = arith.constant 512 : i32
    %add3A_125 = arith.addi %mul3A_123, %add3A_124 : i32
    "tpu.region"() ({
      %run_scoped3A_299 = tpu.sem_alloc : memref<!tpu.dma_semaphore, #tpu.memory_space<semaphore_mem>>
      %dma_start3A_300 = arith.constant 0 : i32
      %dma_start3A_301 = tpu.memref_slice %arg13[%add3A_125, %dma_start3A_300] : memref<10240x48xf32, #tpu.memory_space<vmem_shared>> -> memref<128x48xf32, #tpu.memory_space<vmem_shared>>
      %dma_start3A_302 = arith.constant 0 : i32
      %dma_start3A_303 = tpu.memref_slice %arg13[%add3A_125, %dma_start3A_302] : memref<10240x48xf32, #tpu.memory_space<vmem_shared>> -> memref<128x48xf32, #tpu.memory_space<vmem_shared>>
      tpu.enqueue_dma source(%arg8 : memref<128x48xf32, #tpu.memory_space<vmem>>) target(%dma_start3A_303 : memref<128x48xf32, #tpu.memory_space<vmem_shared>>) target_semaphore(%run_scoped3A_299 : memref<!tpu.dma_semaphore, #tpu.memory_space<semaphore_mem>>)
      %dma_wait3A_304 = arith.constant 0 : i32
      %dma_wait3A_305 = tpu.memref_slice %arg13[%add3A_125, %dma_wait3A_304] : memref<10240x48xf32, #tpu.memory_space<vmem_shared>> -> memref<128x48xf32, #tpu.memory_space<vmem_shared>>
      %dma_wait3A_306 = arith.constant 0 : i32
      %dma_wait3A_307 = tpu.memref_slice %arg13[%add3A_125, %dma_wait3A_306] : memref<10240x48xf32, #tpu.memory_space<vmem_shared>> -> memref<128x48xf32, #tpu.memory_space<vmem_shared>>
      tpu.wait_dma2 semaphore(%run_scoped3A_299 : memref<!tpu.dma_semaphore, #tpu.memory_space<semaphore_mem>>) src(%arg8 : memref<128x48xf32, #tpu.memory_space<vmem>>) dst(%dma_wait3A_307 : memref<128x48xf32, #tpu.memory_space<vmem_shared>>)
      tpu.yield
    }) : () -> ()
    %barrier3A_126 = arith.constant 0 : index
    tpu.barrier barrier_id(%barrier3A_126)
    %dma_start3A_127 = arith.constant 0 : i32
    %dma_start3A_128 = arith.constant 0 : i32
    %dma_start3A_129 = tpu.memref_slice %arg6[%dma_start3A_127, %dma_start3A_128] : memref<84x128xi32, #tpu.memory_space<vmem>> -> memref<1x128xi32, #tpu.memory_space<vmem>>
    %dma_start3A_130 = tpu.memref_squeeze %dma_start3A_129 : memref<1x128xi32, #tpu.memory_space<vmem>> -> memref<128xi32, #tpu.memory_space<vmem>>
    %dma_start3A_131 = arith.constant 0 : i32
    %dma_start3A_132 = arith.constant 0 : i32
    %dma_start3A_133 = tpu.memref_slice %arg12[%dma_start3A_131, %dma_start3A_132] : memref<10240x48xf32, #tpu.memory_space<vmem_shared>> -> memref<10240x48xf32, #tpu.memory_space<vmem_shared>>
    tpu.enqueue_indirect_dma source(%dma_start3A_133 : memref<10240x48xf32, #tpu.memory_space<vmem_shared>>) target(%arg8 : memref<128x48xf32, #tpu.memory_space<vmem>>) offsets(%dma_start3A_130 : memref<128xi32, #tpu.memory_space<vmem>>) semaphore(%arg14 : memref<!tpu.dma_semaphore, #tpu.memory_space<semaphore_mem>>)
    %dma_start3A_134 = arith.constant 1 : i32
    %dma_start3A_135 = arith.constant 0 : i32
    %dma_start3A_136 = tpu.memref_slice %arg6[%dma_start3A_134, %dma_start3A_135] : memref<84x128xi32, #tpu.memory_space<vmem>> -> memref<1x128xi32, #tpu.memory_space<vmem>>
    %dma_start3A_137 = tpu.memref_squeeze %dma_start3A_136 : memref<1x128xi32, #tpu.memory_space<vmem>> -> memref<128xi32, #tpu.memory_space<vmem>>
    %dma_start3A_138 = arith.constant 0 : i32
    %dma_start3A_139 = arith.constant 0 : i32
    %dma_start3A_140 = tpu.memref_slice %arg12[%dma_start3A_138, %dma_start3A_139] : memref<10240x48xf32, #tpu.memory_space<vmem_shared>> -> memref<10240x48xf32, #tpu.memory_space<vmem_shared>>
    tpu.enqueue_indirect_dma source(%dma_start3A_140 : memref<10240x48xf32, #tpu.memory_space<vmem_shared>>) target(%arg9 : memref<128x48xf32, #tpu.memory_space<vmem>>) offsets(%dma_start3A_137 : memref<128xi32, #tpu.memory_space<vmem>>) semaphore(%arg15 : memref<!tpu.dma_semaphore, #tpu.memory_space<semaphore_mem>>)
    %dma_start3A_141 = arith.constant 2 : i32
    %dma_start3A_142 = arith.constant 0 : i32
    %dma_start3A_143 = tpu.memref_slice %arg6[%dma_start3A_141, %dma_start3A_142] : memref<84x128xi32, #tpu.memory_space<vmem>> -> memref<1x128xi32, #tpu.memory_space<vmem>>
    %dma_start3A_144 = tpu.memref_squeeze %dma_start3A_143 : memref<1x128xi32, #tpu.memory_space<vmem>> -> memref<128xi32, #tpu.memory_space<vmem>>
    %dma_start3A_145 = arith.constant 0 : i32
    %dma_start3A_146 = arith.constant 0 : i32
    %dma_start3A_147 = tpu.memref_slice %arg12[%dma_start3A_145, %dma_start3A_146] : memref<10240x48xf32, #tpu.memory_space<vmem_shared>> -> memref<10240x48xf32, #tpu.memory_space<vmem_shared>>
    tpu.enqueue_indirect_dma source(%dma_start3A_147 : memref<10240x48xf32, #tpu.memory_space<vmem_shared>>) target(%arg10 : memref<128x48xf32, #tpu.memory_space<vmem>>) offsets(%dma_start3A_144 : memref<128xi32, #tpu.memory_space<vmem>>) semaphore(%arg16 : memref<!tpu.dma_semaphore, #tpu.memory_space<semaphore_mem>>)
    %dma_start3A_148 = arith.constant 3 : i32
    %dma_start3A_149 = arith.constant 0 : i32
    %dma_start3A_150 = tpu.memref_slice %arg6[%dma_start3A_148, %dma_start3A_149] : memref<84x128xi32, #tpu.memory_space<vmem>> -> memref<1x128xi32, #tpu.memory_space<vmem>>
    %dma_start3A_151 = tpu.memref_squeeze %dma_start3A_150 : memref<1x128xi32, #tpu.memory_space<vmem>> -> memref<128xi32, #tpu.memory_space<vmem>>
    %dma_start3A_152 = arith.constant 0 : i32
    %dma_start3A_153 = arith.constant 0 : i32
    %dma_start3A_154 = tpu.memref_slice %arg12[%dma_start3A_152, %dma_start3A_153] : memref<10240x48xf32, #tpu.memory_space<vmem_shared>> -> memref<10240x48xf32, #tpu.memory_space<vmem_shared>>
    tpu.enqueue_indirect_dma source(%dma_start3A_154 : memref<10240x48xf32, #tpu.memory_space<vmem_shared>>) target(%arg11 : memref<128x48xf32, #tpu.memory_space<vmem>>) offsets(%dma_start3A_151 : memref<128xi32, #tpu.memory_space<vmem>>) semaphore(%arg17 : memref<!tpu.dma_semaphore, #tpu.memory_space<semaphore_mem>>)
    %scan3A_155 = arith.constant 0 : i32
    %scan3A_156 = arith.constant 20 : i32
    %scan3A_157 = arith.addi %scan3A_155, %scan3A_156 : i32
    %scan3A_158 = arith.constant 1 : i32
    scf.for %scan3A_299 = %scan3A_155 to %scan3A_157 step %scan3A_158  : i32 {
      %mul3A_300 = arith.constant 4 : i32
      %mul3A_301 = arith.muli %scan3A_299, %mul3A_300 : i32
      %add3A_302 = arith.constant 0 : i32
      %add3A_303 = arith.addi %add3A_302, %mul3A_301 : i32
      %add3A_304 = arith.constant 0 : i32
      %add3A_305 = arith.addi %add3A_303, %add3A_304 : i32
      %dma_wait3A_306 = arith.constant 0 : i32
      %dma_wait3A_307 = tpu.memref_slice %arg6[%add3A_305, %dma_wait3A_306] : memref<84x128xi32, #tpu.memory_space<vmem>> -> memref<1x128xi32, #tpu.memory_space<vmem>>
      %dma_wait3A_308 = tpu.memref_squeeze %dma_wait3A_307 : memref<1x128xi32, #tpu.memory_space<vmem>> -> memref<128xi32, #tpu.memory_space<vmem>>
      %dma_wait3A_309 = arith.constant 0 : i32
      %dma_wait3A_310 = arith.constant 0 : i32
      %dma_wait3A_311 = tpu.memref_slice %arg12[%dma_wait3A_309, %dma_wait3A_310] : memref<10240x48xf32, #tpu.memory_space<vmem_shared>> -> memref<10240x48xf32, #tpu.memory_space<vmem_shared>>
      tpu.wait_indirect_dma semaphore(%arg14 : memref<!tpu.dma_semaphore, #tpu.memory_space<semaphore_mem>>) src(%dma_wait3A_311 : memref<10240x48xf32, #tpu.memory_space<vmem_shared>>) dst(%arg8 : memref<128x48xf32, #tpu.memory_space<vmem>>)
      %add3A_312 = arith.constant 0 : i32
      %add3A_313 = arith.addi %add3A_303, %add3A_312 : i32
      %dma_start3A_314 = arith.constant 0 : i32
      %dma_start3A_315 = tpu.memref_slice %arg7[%add3A_313, %dma_start3A_314] : memref<84x128xi32, #tpu.memory_space<vmem>> -> memref<1x128xi32, #tpu.memory_space<vmem>>
      %dma_start3A_316 = tpu.memref_squeeze %dma_start3A_315 : memref<1x128xi32, #tpu.memory_space<vmem>> -> memref<128xi32, #tpu.memory_space<vmem>>
      %dma_start3A_317 = arith.constant 0 : i32
      %dma_start3A_318 = arith.constant 0 : i32
      %dma_start3A_319 = tpu.memref_slice %arg13[%dma_start3A_317, %dma_start3A_318] : memref<10240x48xf32, #tpu.memory_space<vmem_shared>> -> memref<10240x48xf32, #tpu.memory_space<vmem_shared>>
      tpu.enqueue_indirect_dma source(%arg8 : memref<128x48xf32, #tpu.memory_space<vmem>>) target(%dma_start3A_319 : memref<10240x48xf32, #tpu.memory_space<vmem_shared>>) offsets(%dma_start3A_316 : memref<128xi32, #tpu.memory_space<vmem>>) semaphore(%arg18 : memref<!tpu.dma_semaphore, #tpu.memory_space<semaphore_mem>>) {add = true}
      %add3A_320 = arith.constant 0 : i32
      %add3A_321 = arith.addi %add3A_303, %add3A_320 : i32
      %dma_wait3A_322 = arith.constant 0 : i32
      %dma_wait3A_323 = tpu.memref_slice %arg7[%add3A_321, %dma_wait3A_322] : memref<84x128xi32, #tpu.memory_space<vmem>> -> memref<1x128xi32, #tpu.memory_space<vmem>>
      %dma_wait3A_324 = tpu.memref_squeeze %dma_wait3A_323 : memref<1x128xi32, #tpu.memory_space<vmem>> -> memref<128xi32, #tpu.memory_space<vmem>>
      %dma_wait3A_325 = arith.constant 0 : i32
      %dma_wait3A_326 = arith.constant 0 : i32
      %dma_wait3A_327 = tpu.memref_slice %arg13[%dma_wait3A_325, %dma_wait3A_326] : memref<10240x48xf32, #tpu.memory_space<vmem_shared>> -> memref<10240x48xf32, #tpu.memory_space<vmem_shared>>
      tpu.wait_indirect_dma semaphore(%arg18 : memref<!tpu.dma_semaphore, #tpu.memory_space<semaphore_mem>>) src(%arg8 : memref<128x48xf32, #tpu.memory_space<vmem>>) dst(%dma_wait3A_327 : memref<10240x48xf32, #tpu.memory_space<vmem_shared>>)
      %add3A_328 = arith.constant 0 : i32
      %add3A_329 = arith.addi %add3A_303, %add3A_328 : i32
      %add3A_330 = arith.constant 4 : i32
      %add3A_331 = arith.addi %add3A_329, %add3A_330 : i32
      %dma_start3A_332 = arith.constant 0 : i32
      %dma_start3A_333 = tpu.memref_slice %arg6[%add3A_331, %dma_start3A_332] : memref<84x128xi32, #tpu.memory_space<vmem>> -> memref<1x128xi32, #tpu.memory_space<vmem>>
      %dma_start3A_334 = tpu.memref_squeeze %dma_start3A_333 : memref<1x128xi32, #tpu.memory_space<vmem>> -> memref<128xi32, #tpu.memory_space<vmem>>
      %dma_start3A_335 = arith.constant 0 : i32
      %dma_start3A_336 = arith.constant 0 : i32
      %dma_start3A_337 = tpu.memref_slice %arg12[%dma_start3A_335, %dma_start3A_336] : memref<10240x48xf32, #tpu.memory_space<vmem_shared>> -> memref<10240x48xf32, #tpu.memory_space<vmem_shared>>
      tpu.enqueue_indirect_dma source(%dma_start3A_337 : memref<10240x48xf32, #tpu.memory_space<vmem_shared>>) target(%arg8 : memref<128x48xf32, #tpu.memory_space<vmem>>) offsets(%dma_start3A_334 : memref<128xi32, #tpu.memory_space<vmem>>) semaphore(%arg14 : memref<!tpu.dma_semaphore, #tpu.memory_space<semaphore_mem>>)
      %add3A_338 = arith.constant 1 : i32
      %add3A_339 = arith.addi %add3A_303, %add3A_338 : i32
      %dma_wait3A_340 = arith.constant 0 : i32
      %dma_wait3A_341 = tpu.memref_slice %arg6[%add3A_339, %dma_wait3A_340] : memref<84x128xi32, #tpu.memory_space<vmem>> -> memref<1x128xi32, #tpu.memory_space<vmem>>
      %dma_wait3A_342 = tpu.memref_squeeze %dma_wait3A_341 : memref<1x128xi32, #tpu.memory_space<vmem>> -> memref<128xi32, #tpu.memory_space<vmem>>
      %dma_wait3A_343 = arith.constant 0 : i32
      %dma_wait3A_344 = arith.constant 0 : i32
      %dma_wait3A_345 = tpu.memref_slice %arg12[%dma_wait3A_343, %dma_wait3A_344] : memref<10240x48xf32, #tpu.memory_space<vmem_shared>> -> memref<10240x48xf32, #tpu.memory_space<vmem_shared>>
      tpu.wait_indirect_dma semaphore(%arg15 : memref<!tpu.dma_semaphore, #tpu.memory_space<semaphore_mem>>) src(%dma_wait3A_345 : memref<10240x48xf32, #tpu.memory_space<vmem_shared>>) dst(%arg9 : memref<128x48xf32, #tpu.memory_space<vmem>>)
      %add3A_346 = arith.constant 1 : i32
      %add3A_347 = arith.addi %add3A_303, %add3A_346 : i32
      %dma_start3A_348 = arith.constant 0 : i32
      %dma_start3A_349 = tpu.memref_slice %arg7[%add3A_347, %dma_start3A_348] : memref<84x128xi32, #tpu.memory_space<vmem>> -> memref<1x128xi32, #tpu.memory_space<vmem>>
      %dma_start3A_350 = tpu.memref_squeeze %dma_start3A_349 : memref<1x128xi32, #tpu.memory_space<vmem>> -> memref<128xi32, #tpu.memory_space<vmem>>
      %dma_start3A_351 = arith.constant 0 : i32
      %dma_start3A_352 = arith.constant 0 : i32
      %dma_start3A_353 = tpu.memref_slice %arg13[%dma_start3A_351, %dma_start3A_352] : memref<10240x48xf32, #tpu.memory_space<vmem_shared>> -> memref<10240x48xf32, #tpu.memory_space<vmem_shared>>
      tpu.enqueue_indirect_dma source(%arg9 : memref<128x48xf32, #tpu.memory_space<vmem>>) target(%dma_start3A_353 : memref<10240x48xf32, #tpu.memory_space<vmem_shared>>) offsets(%dma_start3A_350 : memref<128xi32, #tpu.memory_space<vmem>>) semaphore(%arg19 : memref<!tpu.dma_semaphore, #tpu.memory_space<semaphore_mem>>) {add = true}
      %add3A_354 = arith.constant 1 : i32
      %add3A_355 = arith.addi %add3A_303, %add3A_354 : i32
      %dma_wait3A_356 = arith.constant 0 : i32
      %dma_wait3A_357 = tpu.memref_slice %arg7[%add3A_355, %dma_wait3A_356] : memref<84x128xi32, #tpu.memory_space<vmem>> -> memref<1x128xi32, #tpu.memory_space<vmem>>
      %dma_wait3A_358 = tpu.memref_squeeze %dma_wait3A_357 : memref<1x128xi32, #tpu.memory_space<vmem>> -> memref<128xi32, #tpu.memory_space<vmem>>
      %dma_wait3A_359 = arith.constant 0 : i32
      %dma_wait3A_360 = arith.constant 0 : i32
      %dma_wait3A_361 = tpu.memref_slice %arg13[%dma_wait3A_359, %dma_wait3A_360] : memref<10240x48xf32, #tpu.memory_space<vmem_shared>> -> memref<10240x48xf32, #tpu.memory_space<vmem_shared>>
      tpu.wait_indirect_dma semaphore(%arg19 : memref<!tpu.dma_semaphore, #tpu.memory_space<semaphore_mem>>) src(%arg9 : memref<128x48xf32, #tpu.memory_space<vmem>>) dst(%dma_wait3A_361 : memref<10240x48xf32, #tpu.memory_space<vmem_shared>>)
      %add3A_362 = arith.constant 1 : i32
      %add3A_363 = arith.addi %add3A_303, %add3A_362 : i32
      %add3A_364 = arith.constant 4 : i32
      %add3A_365 = arith.addi %add3A_363, %add3A_364 : i32
      %dma_start3A_366 = arith.constant 0 : i32
      %dma_start3A_367 = tpu.memref_slice %arg6[%add3A_365, %dma_start3A_366] : memref<84x128xi32, #tpu.memory_space<vmem>> -> memref<1x128xi32, #tpu.memory_space<vmem>>
      %dma_start3A_368 = tpu.memref_squeeze %dma_start3A_367 : memref<1x128xi32, #tpu.memory_space<vmem>> -> memref<128xi32, #tpu.memory_space<vmem>>
      %dma_start3A_369 = arith.constant 0 : i32
      %dma_start3A_370 = arith.constant 0 : i32
      %dma_start3A_371 = tpu.memref_slice %arg12[%dma_start3A_369, %dma_start3A_370] : memref<10240x48xf32, #tpu.memory_space<vmem_shared>> -> memref<10240x48xf32, #tpu.memory_space<vmem_shared>>
      tpu.enqueue_indirect_dma source(%dma_start3A_371 : memref<10240x48xf32, #tpu.memory_space<vmem_shared>>) target(%arg9 : memref<128x48xf32, #tpu.memory_space<vmem>>) offsets(%dma_start3A_368 : memref<128xi32, #tpu.memory_space<vmem>>) semaphore(%arg15 : memref<!tpu.dma_semaphore, #tpu.memory_space<semaphore_mem>>)
      %add3A_372 = arith.constant 2 : i32
      %add3A_373 = arith.addi %add3A_303, %add3A_372 : i32
      %dma_wait3A_374 = arith.constant 0 : i32
      %dma_wait3A_375 = tpu.memref_slice %arg6[%add3A_373, %dma_wait3A_374] : memref<84x128xi32, #tpu.memory_space<vmem>> -> memref<1x128xi32, #tpu.memory_space<vmem>>
      %dma_wait3A_376 = tpu.memref_squeeze %dma_wait3A_375 : memref<1x128xi32, #tpu.memory_space<vmem>> -> memref<128xi32, #tpu.memory_space<vmem>>
      %dma_wait3A_377 = arith.constant 0 : i32
      %dma_wait3A_378 = arith.constant 0 : i32
      %dma_wait3A_379 = tpu.memref_slice %arg12[%dma_wait3A_377, %dma_wait3A_378] : memref<10240x48xf32, #tpu.memory_space<vmem_shared>> -> memref<10240x48xf32, #tpu.memory_space<vmem_shared>>
      tpu.wait_indirect_dma semaphore(%arg16 : memref<!tpu.dma_semaphore, #tpu.memory_space<semaphore_mem>>) src(%dma_wait3A_379 : memref<10240x48xf32, #tpu.memory_space<vmem_shared>>) dst(%arg10 : memref<128x48xf32, #tpu.memory_space<vmem>>)
      %add3A_380 = arith.constant 2 : i32
      %add3A_381 = arith.addi %add3A_303, %add3A_380 : i32
      %dma_start3A_382 = arith.constant 0 : i32
      %dma_start3A_383 = tpu.memref_slice %arg7[%add3A_381, %dma_start3A_382] : memref<84x128xi32, #tpu.memory_space<vmem>> -> memref<1x128xi32, #tpu.memory_space<vmem>>
      %dma_start3A_384 = tpu.memref_squeeze %dma_start3A_383 : memref<1x128xi32, #tpu.memory_space<vmem>> -> memref<128xi32, #tpu.memory_space<vmem>>
      %dma_start3A_385 = arith.constant 0 : i32
      %dma_start3A_386 = arith.constant 0 : i32
      %dma_start3A_387 = tpu.memref_slice %arg13[%dma_start3A_385, %dma_start3A_386] : memref<10240x48xf32, #tpu.memory_space<vmem_shared>> -> memref<10240x48xf32, #tpu.memory_space<vmem_shared>>
      tpu.enqueue_indirect_dma source(%arg10 : memref<128x48xf32, #tpu.memory_space<vmem>>) target(%dma_start3A_387 : memref<10240x48xf32, #tpu.memory_space<vmem_shared>>) offsets(%dma_start3A_384 : memref<128xi32, #tpu.memory_space<vmem>>) semaphore(%arg20 : memref<!tpu.dma_semaphore, #tpu.memory_space<semaphore_mem>>) {add = true}
      %add3A_388 = arith.constant 2 : i32
      %add3A_389 = arith.addi %add3A_303, %add3A_388 : i32
      %dma_wait3A_390 = arith.constant 0 : i32
      %dma_wait3A_391 = tpu.memref_slice %arg7[%add3A_389, %dma_wait3A_390] : memref<84x128xi32, #tpu.memory_space<vmem>> -> memref<1x128xi32, #tpu.memory_space<vmem>>
      %dma_wait3A_392 = tpu.memref_squeeze %dma_wait3A_391 : memref<1x128xi32, #tpu.memory_space<vmem>> -> memref<128xi32, #tpu.memory_space<vmem>>
      %dma_wait3A_393 = arith.constant 0 : i32
      %dma_wait3A_394 = arith.constant 0 : i32
      %dma_wait3A_395 = tpu.memref_slice %arg13[%dma_wait3A_393, %dma_wait3A_394] : memref<10240x48xf32, #tpu.memory_space<vmem_shared>> -> memref<10240x48xf32, #tpu.memory_space<vmem_shared>>
      tpu.wait_indirect_dma semaphore(%arg20 : memref<!tpu.dma_semaphore, #tpu.memory_space<semaphore_mem>>) src(%arg10 : memref<128x48xf32, #tpu.memory_space<vmem>>) dst(%dma_wait3A_395 : memref<10240x48xf32, #tpu.memory_space<vmem_shared>>)
      %add3A_396 = arith.constant 2 : i32
      %add3A_397 = arith.addi %add3A_303, %add3A_396 : i32
      %add3A_398 = arith.constant 4 : i32
      %add3A_399 = arith.addi %add3A_397, %add3A_398 : i32
      %dma_start3A_400 = arith.constant 0 : i32
      %dma_start3A_401 = tpu.memref_slice %arg6[%add3A_399, %dma_start3A_400] : memref<84x128xi32, #tpu.memory_space<vmem>> -> memref<1x128xi32, #tpu.memory_space<vmem>>
      %dma_start3A_402 = tpu.memref_squeeze %dma_start3A_401 : memref<1x128xi32, #tpu.memory_space<vmem>> -> memref<128xi32, #tpu.memory_space<vmem>>
      %dma_start3A_403 = arith.constant 0 : i32
      %dma_start3A_404 = arith.constant 0 : i32
      %dma_start3A_405 = tpu.memref_slice %arg12[%dma_start3A_403, %dma_start3A_404] : memref<10240x48xf32, #tpu.memory_space<vmem_shared>> -> memref<10240x48xf32, #tpu.memory_space<vmem_shared>>
      tpu.enqueue_indirect_dma source(%dma_start3A_405 : memref<10240x48xf32, #tpu.memory_space<vmem_shared>>) target(%arg10 : memref<128x48xf32, #tpu.memory_space<vmem>>) offsets(%dma_start3A_402 : memref<128xi32, #tpu.memory_space<vmem>>) semaphore(%arg16 : memref<!tpu.dma_semaphore, #tpu.memory_space<semaphore_mem>>)
      %add3A_406 = arith.constant 3 : i32
      %add3A_407 = arith.addi %add3A_303, %add3A_406 : i32
      %dma_wait3A_408 = arith.constant 0 : i32
      %dma_wait3A_409 = tpu.memref_slice %arg6[%add3A_407, %dma_wait3A_408] : memref<84x128xi32, #tpu.memory_space<vmem>> -> memref<1x128xi32, #tpu.memory_space<vmem>>
      %dma_wait3A_410 = tpu.memref_squeeze %dma_wait3A_409 : memref<1x128xi32, #tpu.memory_space<vmem>> -> memref<128xi32, #tpu.memory_space<vmem>>
      %dma_wait3A_411 = arith.constant 0 : i32
      %dma_wait3A_412 = arith.constant 0 : i32
      %dma_wait3A_413 = tpu.memref_slice %arg12[%dma_wait3A_411, %dma_wait3A_412] : memref<10240x48xf32, #tpu.memory_space<vmem_shared>> -> memref<10240x48xf32, #tpu.memory_space<vmem_shared>>
      tpu.wait_indirect_dma semaphore(%arg17 : memref<!tpu.dma_semaphore, #tpu.memory_space<semaphore_mem>>) src(%dma_wait3A_413 : memref<10240x48xf32, #tpu.memory_space<vmem_shared>>) dst(%arg11 : memref<128x48xf32, #tpu.memory_space<vmem>>)
      %add3A_414 = arith.constant 3 : i32
      %add3A_415 = arith.addi %add3A_303, %add3A_414 : i32
      %dma_start3A_416 = arith.constant 0 : i32
      %dma_start3A_417 = tpu.memref_slice %arg7[%add3A_415, %dma_start3A_416] : memref<84x128xi32, #tpu.memory_space<vmem>> -> memref<1x128xi32, #tpu.memory_space<vmem>>
      %dma_start3A_418 = tpu.memref_squeeze %dma_start3A_417 : memref<1x128xi32, #tpu.memory_space<vmem>> -> memref<128xi32, #tpu.memory_space<vmem>>
      %dma_start3A_419 = arith.constant 0 : i32
      %dma_start3A_420 = arith.constant 0 : i32
      %dma_start3A_421 = tpu.memref_slice %arg13[%dma_start3A_419, %dma_start3A_420] : memref<10240x48xf32, #tpu.memory_space<vmem_shared>> -> memref<10240x48xf32, #tpu.memory_space<vmem_shared>>
      tpu.enqueue_indirect_dma source(%arg11 : memref<128x48xf32, #tpu.memory_space<vmem>>) target(%dma_start3A_421 : memref<10240x48xf32, #tpu.memory_space<vmem_shared>>) offsets(%dma_start3A_418 : memref<128xi32, #tpu.memory_space<vmem>>) semaphore(%arg21 : memref<!tpu.dma_semaphore, #tpu.memory_space<semaphore_mem>>) {add = true}
      %add3A_422 = arith.constant 3 : i32
      %add3A_423 = arith.addi %add3A_303, %add3A_422 : i32
      %dma_wait3A_424 = arith.constant 0 : i32
      %dma_wait3A_425 = tpu.memref_slice %arg7[%add3A_423, %dma_wait3A_424] : memref<84x128xi32, #tpu.memory_space<vmem>> -> memref<1x128xi32, #tpu.memory_space<vmem>>
      %dma_wait3A_426 = tpu.memref_squeeze %dma_wait3A_425 : memref<1x128xi32, #tpu.memory_space<vmem>> -> memref<128xi32, #tpu.memory_space<vmem>>
      %dma_wait3A_427 = arith.constant 0 : i32
      %dma_wait3A_428 = arith.constant 0 : i32
      %dma_wait3A_429 = tpu.memref_slice %arg13[%dma_wait3A_427, %dma_wait3A_428] : memref<10240x48xf32, #tpu.memory_space<vmem_shared>> -> memref<10240x48xf32, #tpu.memory_space<vmem_shared>>
      tpu.wait_indirect_dma semaphore(%arg21 : memref<!tpu.dma_semaphore, #tpu.memory_space<semaphore_mem>>) src(%arg11 : memref<128x48xf32, #tpu.memory_space<vmem>>) dst(%dma_wait3A_429 : memref<10240x48xf32, #tpu.memory_space<vmem_shared>>)
      %add3A_430 = arith.constant 3 : i32
      %add3A_431 = arith.addi %add3A_303, %add3A_430 : i32
      %add3A_432 = arith.constant 4 : i32
      %add3A_433 = arith.addi %add3A_431, %add3A_432 : i32
      %dma_start3A_434 = arith.constant 0 : i32
      %dma_start3A_435 = tpu.memref_slice %arg6[%add3A_433, %dma_start3A_434] : memref<84x128xi32, #tpu.memory_space<vmem>> -> memref<1x128xi32, #tpu.memory_space<vmem>>
      %dma_start3A_436 = tpu.memref_squeeze %dma_start3A_435 : memref<1x128xi32, #tpu.memory_space<vmem>> -> memref<128xi32, #tpu.memory_space<vmem>>
      %dma_start3A_437 = arith.constant 0 : i32
      %dma_start3A_438 = arith.constant 0 : i32
      %dma_start3A_439 = tpu.memref_slice %arg12[%dma_start3A_437, %dma_start3A_438] : memref<10240x48xf32, #tpu.memory_space<vmem_shared>> -> memref<10240x48xf32, #tpu.memory_space<vmem_shared>>
      tpu.enqueue_indirect_dma source(%dma_start3A_439 : memref<10240x48xf32, #tpu.memory_space<vmem_shared>>) target(%arg11 : memref<128x48xf32, #tpu.memory_space<vmem>>) offsets(%dma_start3A_436 : memref<128xi32, #tpu.memory_space<vmem>>) semaphore(%arg17 : memref<!tpu.dma_semaphore, #tpu.memory_space<semaphore_mem>>)
    }
    %scan3A_159 = arith.constant 20 : i32
    %dma_wait3A_160 = arith.constant 80 : i32
    %dma_wait3A_161 = arith.constant 0 : i32
    %dma_wait3A_162 = tpu.memref_slice %arg6[%dma_wait3A_160, %dma_wait3A_161] : memref<84x128xi32, #tpu.memory_space<vmem>> -> memref<1x128xi32, #tpu.memory_space<vmem>>
    %dma_wait3A_163 = tpu.memref_squeeze %dma_wait3A_162 : memref<1x128xi32, #tpu.memory_space<vmem>> -> memref<128xi32, #tpu.memory_space<vmem>>
    %dma_wait3A_164 = arith.constant 0 : i32
    %dma_wait3A_165 = arith.constant 0 : i32
    %dma_wait3A_166 = tpu.memref_slice %arg12[%dma_wait3A_164, %dma_wait3A_165] : memref<10240x48xf32, #tpu.memory_space<vmem_shared>> -> memref<10240x48xf32, #tpu.memory_space<vmem_shared>>
    tpu.wait_indirect_dma semaphore(%arg14 : memref<!tpu.dma_semaphore, #tpu.memory_space<semaphore_mem>>) src(%dma_wait3A_166 : memref<10240x48xf32, #tpu.memory_space<vmem_shared>>) dst(%arg8 : memref<128x48xf32, #tpu.memory_space<vmem>>)
    %run_scoped3A_167 = arith.constant 80 : i32
    "tpu.region"() ({
      %run_scoped3A_299 = tpu.sem_alloc : memref<!tpu.dma_semaphore, #tpu.memory_space<semaphore_mem>>
      %dma_start3A_300 = arith.constant 0 : i32
      %dma_start3A_301 = tpu.memref_slice %arg7[%run_scoped3A_167, %dma_start3A_300] : memref<84x128xi32, #tpu.memory_space<vmem>> -> memref<1x128xi32, #tpu.memory_space<vmem>>
      %dma_start3A_302 = tpu.memref_squeeze %dma_start3A_301 : memref<1x128xi32, #tpu.memory_space<vmem>> -> memref<128xi32, #tpu.memory_space<vmem>>
      %dma_start3A_303 = arith.constant 0 : i32
      %dma_start3A_304 = arith.constant 0 : i32
      %dma_start3A_305 = tpu.memref_slice %arg13[%dma_start3A_303, %dma_start3A_304] : memref<10240x48xf32, #tpu.memory_space<vmem_shared>> -> memref<10240x48xf32, #tpu.memory_space<vmem_shared>>
      tpu.enqueue_indirect_dma source(%arg8 : memref<128x48xf32, #tpu.memory_space<vmem>>) target(%dma_start3A_305 : memref<10240x48xf32, #tpu.memory_space<vmem_shared>>) offsets(%dma_start3A_302 : memref<128xi32, #tpu.memory_space<vmem>>) semaphore(%run_scoped3A_299 : memref<!tpu.dma_semaphore, #tpu.memory_space<semaphore_mem>>) {add = true}
      %dma_wait3A_306 = arith.constant 0 : i32
      %dma_wait3A_307 = tpu.memref_slice %arg7[%run_scoped3A_167, %dma_wait3A_306] : memref<84x128xi32, #tpu.memory_space<vmem>> -> memref<1x128xi32, #tpu.memory_space<vmem>>
      %dma_wait3A_308 = tpu.memref_squeeze %dma_wait3A_307 : memref<1x128xi32, #tpu.memory_space<vmem>> -> memref<128xi32, #tpu.memory_space<vmem>>
      %dma_wait3A_309 = arith.constant 0 : i32
      %dma_wait3A_310 = arith.constant 0 : i32
      %dma_wait3A_311 = tpu.memref_slice %arg13[%dma_wait3A_309, %dma_wait3A_310] : memref<10240x48xf32, #tpu.memory_space<vmem_shared>> -> memref<10240x48xf32, #tpu.memory_space<vmem_shared>>
      tpu.wait_indirect_dma semaphore(%run_scoped3A_299 : memref<!tpu.dma_semaphore, #tpu.memory_space<semaphore_mem>>) src(%arg8 : memref<128x48xf32, #tpu.memory_space<vmem>>) dst(%dma_wait3A_311 : memref<10240x48xf32, #tpu.memory_space<vmem_shared>>)
      tpu.yield
    }) : () -> ()
    %dma_wait3A_168 = arith.constant 81 : i32
    %dma_wait3A_169 = arith.constant 0 : i32
    %dma_wait3A_170 = tpu.memref_slice %arg6[%dma_wait3A_168, %dma_wait3A_169] : memref<84x128xi32, #tpu.memory_space<vmem>> -> memref<1x128xi32, #tpu.memory_space<vmem>>
    %dma_wait3A_171 = tpu.memref_squeeze %dma_wait3A_170 : memref<1x128xi32, #tpu.memory_space<vmem>> -> memref<128xi32, #tpu.memory_space<vmem>>
    %dma_wait3A_172 = arith.constant 0 : i32
    %dma_wait3A_173 = arith.constant 0 : i32
    %dma_wait3A_174 = tpu.memref_slice %arg12[%dma_wait3A_172, %dma_wait3A_173] : memref<10240x48xf32, #tpu.memory_space<vmem_shared>> -> memref<10240x48xf32, #tpu.memory_space<vmem_shared>>
    tpu.wait_indirect_dma semaphore(%arg15 : memref<!tpu.dma_semaphore, #tpu.memory_space<semaphore_mem>>) src(%dma_wait3A_174 : memref<10240x48xf32, #tpu.memory_space<vmem_shared>>) dst(%arg9 : memref<128x48xf32, #tpu.memory_space<vmem>>)
    %run_scoped3A_175 = arith.constant 81 : i32
    "tpu.region"() ({
      %run_scoped3A_299 = tpu.sem_alloc : memref<!tpu.dma_semaphore, #tpu.memory_space<semaphore_mem>>
      %dma_start3A_300 = arith.constant 0 : i32
      %dma_start3A_301 = tpu.memref_slice %arg7[%run_scoped3A_175, %dma_start3A_300] : memref<84x128xi32, #tpu.memory_space<vmem>> -> memref<1x128xi32, #tpu.memory_space<vmem>>
      %dma_start3A_302 = tpu.memref_squeeze %dma_start3A_301 : memref<1x128xi32, #tpu.memory_space<vmem>> -> memref<128xi32, #tpu.memory_space<vmem>>
      %dma_start3A_303 = arith.constant 0 : i32
      %dma_start3A_304 = arith.constant 0 : i32
      %dma_start3A_305 = tpu.memref_slice %arg13[%dma_start3A_303, %dma_start3A_304] : memref<10240x48xf32, #tpu.memory_space<vmem_shared>> -> memref<10240x48xf32, #tpu.memory_space<vmem_shared>>
      tpu.enqueue_indirect_dma source(%arg9 : memref<128x48xf32, #tpu.memory_space<vmem>>) target(%dma_start3A_305 : memref<10240x48xf32, #tpu.memory_space<vmem_shared>>) offsets(%dma_start3A_302 : memref<128xi32, #tpu.memory_space<vmem>>) semaphore(%run_scoped3A_299 : memref<!tpu.dma_semaphore, #tpu.memory_space<semaphore_mem>>) {add = true}
      %dma_wait3A_306 = arith.constant 0 : i32
      %dma_wait3A_307 = tpu.memref_slice %arg7[%run_scoped3A_175, %dma_wait3A_306] : memref<84x128xi32, #tpu.memory_space<vmem>> -> memref<1x128xi32, #tpu.memory_space<vmem>>
      %dma_wait3A_308 = tpu.memref_squeeze %dma_wait3A_307 : memref<1x128xi32, #tpu.memory_space<vmem>> -> memref<128xi32, #tpu.memory_space<vmem>>
      %dma_wait3A_309 = arith.constant 0 : i32
      %dma_wait3A_310 = arith.constant 0 : i32
      %dma_wait3A_311 = tpu.memref_slice %arg13[%dma_wait3A_309, %dma_wait3A_310] : memref<10240x48xf32, #tpu.memory_space<vmem_shared>> -> memref<10240x48xf32, #tpu.memory_space<vmem_shared>>
      tpu.wait_indirect_dma semaphore(%run_scoped3A_299 : memref<!tpu.dma_semaphore, #tpu.memory_space<semaphore_mem>>) src(%arg9 : memref<128x48xf32, #tpu.memory_space<vmem>>) dst(%dma_wait3A_311 : memref<10240x48xf32, #tpu.memory_space<vmem_shared>>)
      tpu.yield
    }) : () -> ()
    %dma_wait3A_176 = arith.constant 82 : i32
    %dma_wait3A_177 = arith.constant 0 : i32
    %dma_wait3A_178 = tpu.memref_slice %arg6[%dma_wait3A_176, %dma_wait3A_177] : memref<84x128xi32, #tpu.memory_space<vmem>> -> memref<1x128xi32, #tpu.memory_space<vmem>>
    %dma_wait3A_179 = tpu.memref_squeeze %dma_wait3A_178 : memref<1x128xi32, #tpu.memory_space<vmem>> -> memref<128xi32, #tpu.memory_space<vmem>>
    %dma_wait3A_180 = arith.constant 0 : i32
    %dma_wait3A_181 = arith.constant 0 : i32
    %dma_wait3A_182 = tpu.memref_slice %arg12[%dma_wait3A_180, %dma_wait3A_181] : memref<10240x48xf32, #tpu.memory_space<vmem_shared>> -> memref<10240x48xf32, #tpu.memory_space<vmem_shared>>
    tpu.wait_indirect_dma semaphore(%arg16 : memref<!tpu.dma_semaphore, #tpu.memory_space<semaphore_mem>>) src(%dma_wait3A_182 : memref<10240x48xf32, #tpu.memory_space<vmem_shared>>) dst(%arg10 : memref<128x48xf32, #tpu.memory_space<vmem>>)
    %run_scoped3A_183 = arith.constant 82 : i32
    "tpu.region"() ({
      %run_scoped3A_299 = tpu.sem_alloc : memref<!tpu.dma_semaphore, #tpu.memory_space<semaphore_mem>>
      %dma_start3A_300 = arith.constant 0 : i32
      %dma_start3A_301 = tpu.memref_slice %arg7[%run_scoped3A_183, %dma_start3A_300] : memref<84x128xi32, #tpu.memory_space<vmem>> -> memref<1x128xi32, #tpu.memory_space<vmem>>
      %dma_start3A_302 = tpu.memref_squeeze %dma_start3A_301 : memref<1x128xi32, #tpu.memory_space<vmem>> -> memref<128xi32, #tpu.memory_space<vmem>>
      %dma_start3A_303 = arith.constant 0 : i32
      %dma_start3A_304 = arith.constant 0 : i32
      %dma_start3A_305 = tpu.memref_slice %arg13[%dma_start3A_303, %dma_start3A_304] : memref<10240x48xf32, #tpu.memory_space<vmem_shared>> -> memref<10240x48xf32, #tpu.memory_space<vmem_shared>>
      tpu.enqueue_indirect_dma source(%arg10 : memref<128x48xf32, #tpu.memory_space<vmem>>) target(%dma_start3A_305 : memref<10240x48xf32, #tpu.memory_space<vmem_shared>>) offsets(%dma_start3A_302 : memref<128xi32, #tpu.memory_space<vmem>>) semaphore(%run_scoped3A_299 : memref<!tpu.dma_semaphore, #tpu.memory_space<semaphore_mem>>) {add = true}
      %dma_wait3A_306 = arith.constant 0 : i32
      %dma_wait3A_307 = tpu.memref_slice %arg7[%run_scoped3A_183, %dma_wait3A_306] : memref<84x128xi32, #tpu.memory_space<vmem>> -> memref<1x128xi32, #tpu.memory_space<vmem>>
      %dma_wait3A_308 = tpu.memref_squeeze %dma_wait3A_307 : memref<1x128xi32, #tpu.memory_space<vmem>> -> memref<128xi32, #tpu.memory_space<vmem>>
      %dma_wait3A_309 = arith.constant 0 : i32
      %dma_wait3A_310 = arith.constant 0 : i32
      %dma_wait3A_311 = tpu.memref_slice %arg13[%dma_wait3A_309, %dma_wait3A_310] : memref<10240x48xf32, #tpu.memory_space<vmem_shared>> -> memref<10240x48xf32, #tpu.memory_space<vmem_shared>>
      tpu.wait_indirect_dma semaphore(%run_scoped3A_299 : memref<!tpu.dma_semaphore, #tpu.memory_space<semaphore_mem>>) src(%arg10 : memref<128x48xf32, #tpu.memory_space<vmem>>) dst(%dma_wait3A_311 : memref<10240x48xf32, #tpu.memory_space<vmem_shared>>)
      tpu.yield
    }) : () -> ()
    %dma_wait3A_184 = arith.constant 83 : i32
    %dma_wait3A_185 = arith.constant 0 : i32
    %dma_wait3A_186 = tpu.memref_slice %arg6[%dma_wait3A_184, %dma_wait3A_185] : memref<84x128xi32, #tpu.memory_space<vmem>> -> memref<1x128xi32, #tpu.memory_space<vmem>>
    %dma_wait3A_187 = tpu.memref_squeeze %dma_wait3A_186 : memref<1x128xi32, #tpu.memory_space<vmem>> -> memref<128xi32, #tpu.memory_space<vmem>>
    %dma_wait3A_188 = arith.constant 0 : i32
    %dma_wait3A_189 = arith.constant 0 : i32
    %dma_wait3A_190 = tpu.memref_slice %arg12[%dma_wait3A_188, %dma_wait3A_189] : memref<10240x48xf32, #tpu.memory_space<vmem_shared>> -> memref<10240x48xf32, #tpu.memory_space<vmem_shared>>
    tpu.wait_indirect_dma semaphore(%arg17 : memref<!tpu.dma_semaphore, #tpu.memory_space<semaphore_mem>>) src(%dma_wait3A_190 : memref<10240x48xf32, #tpu.memory_space<vmem_shared>>) dst(%arg11 : memref<128x48xf32, #tpu.memory_space<vmem>>)
    %run_scoped3A_191 = arith.constant 83 : i32
    "tpu.region"() ({
      %run_scoped3A_299 = tpu.sem_alloc : memref<!tpu.dma_semaphore, #tpu.memory_space<semaphore_mem>>
      %dma_start3A_300 = arith.constant 0 : i32
      %dma_start3A_301 = tpu.memref_slice %arg7[%run_scoped3A_191, %dma_start3A_300] : memref<84x128xi32, #tpu.memory_space<vmem>> -> memref<1x128xi32, #tpu.memory_space<vmem>>
      %dma_start3A_302 = tpu.memref_squeeze %dma_start3A_301 : memref<1x128xi32, #tpu.memory_space<vmem>> -> memref<128xi32, #tpu.memory_space<vmem>>
      %dma_start3A_303 = arith.constant 0 : i32
      %dma_start3A_304 = arith.constant 0 : i32
      %dma_start3A_305 = tpu.memref_slice %arg13[%dma_start3A_303, %dma_start3A_304] : memref<10240x48xf32, #tpu.memory_space<vmem_shared>> -> memref<10240x48xf32, #tpu.memory_space<vmem_shared>>
      tpu.enqueue_indirect_dma source(%arg11 : memref<128x48xf32, #tpu.memory_space<vmem>>) target(%dma_start3A_305 : memref<10240x48xf32, #tpu.memory_space<vmem_shared>>) offsets(%dma_start3A_302 : memref<128xi32, #tpu.memory_space<vmem>>) semaphore(%run_scoped3A_299 : memref<!tpu.dma_semaphore, #tpu.memory_space<semaphore_mem>>) {add = true}
      %dma_wait3A_306 = arith.constant 0 : i32
      %dma_wait3A_307 = tpu.memref_slice %arg7[%run_scoped3A_191, %dma_wait3A_306] : memref<84x128xi32, #tpu.memory_space<vmem>> -> memref<1x128xi32, #tpu.memory_space<vmem>>
      %dma_wait3A_308 = tpu.memref_squeeze %dma_wait3A_307 : memref<1x128xi32, #tpu.memory_space<vmem>> -> memref<128xi32, #tpu.memory_space<vmem>>
      %dma_wait3A_309 = arith.constant 0 : i32
      %dma_wait3A_310 = arith.constant 0 : i32
      %dma_wait3A_311 = tpu.memref_slice %arg13[%dma_wait3A_309, %dma_wait3A_310] : memref<10240x48xf32, #tpu.memory_space<vmem_shared>> -> memref<10240x48xf32, #tpu.memory_space<vmem_shared>>
      tpu.wait_indirect_dma semaphore(%run_scoped3A_299 : memref<!tpu.dma_semaphore, #tpu.memory_space<semaphore_mem>>) src(%arg11 : memref<128x48xf32, #tpu.memory_space<vmem>>) dst(%dma_wait3A_311 : memref<10240x48xf32, #tpu.memory_space<vmem_shared>>)
      tpu.yield
    }) : () -> ()
    %barrier3A_192 = arith.constant 0 : index
    tpu.barrier barrier_id(%barrier3A_192)
    %mul3A_193 = arith.constant 640 : i32
    %mul3A_194 = arith.muli %arg1, %mul3A_193 : i32
    %mul3A_195 = arith.constant 640 : i32
    %mul3A_196 = arith.muli %arg1, %mul3A_195 : i32
    %run_scoped3A_197 = arith.constant 1 : i32
    "tpu.region"() ({
      %run_scoped3A_299 = tpu.sem_alloc : memref<!tpu.dma_semaphore, #tpu.memory_space<semaphore_mem>>
      %dma_start3A_300 = arith.constant 0 : i32
      %dma_start3A_301 = tpu.memref_slice %arg5[%arg0, %run_scoped3A_197, %mul3A_196, %dma_start3A_300] : memref<2x3x10240x48xf32, #tpu.memory_space<hbm>> -> memref<1x1x640x48xf32, #tpu.memory_space<hbm>>
      %dma_start3A_302 = tpu.memref_squeeze %dma_start3A_301 : memref<1x1x640x48xf32, #tpu.memory_space<hbm>> -> memref<640x48xf32, #tpu.memory_space<hbm>>
      %dma_start3A_303 = arith.constant 0 : i32
      %dma_start3A_304 = tpu.memref_slice %arg13[%mul3A_194, %dma_start3A_303] : memref<10240x48xf32, #tpu.memory_space<vmem_shared>> -> memref<640x48xf32, #tpu.memory_space<vmem_shared>>
      tpu.enqueue_dma source(%dma_start3A_304 : memref<640x48xf32, #tpu.memory_space<vmem_shared>>) target(%dma_start3A_302 : memref<640x48xf32, #tpu.memory_space<hbm>>) target_semaphore(%run_scoped3A_299 : memref<!tpu.dma_semaphore, #tpu.memory_space<semaphore_mem>>)
      %dma_wait3A_305 = arith.constant 0 : i32
      %dma_wait3A_306 = tpu.memref_slice %arg5[%arg0, %run_scoped3A_197, %mul3A_196, %dma_wait3A_305] : memref<2x3x10240x48xf32, #tpu.memory_space<hbm>> -> memref<1x1x640x48xf32, #tpu.memory_space<hbm>>
      %dma_wait3A_307 = tpu.memref_squeeze %dma_wait3A_306 : memref<1x1x640x48xf32, #tpu.memory_space<hbm>> -> memref<640x48xf32, #tpu.memory_space<hbm>>
      %dma_wait3A_308 = arith.constant 0 : i32
      %dma_wait3A_309 = tpu.memref_slice %arg13[%mul3A_194, %dma_wait3A_308] : memref<10240x48xf32, #tpu.memory_space<vmem_shared>> -> memref<640x48xf32, #tpu.memory_space<vmem_shared>>
      tpu.wait_dma2 semaphore(%run_scoped3A_299 : memref<!tpu.dma_semaphore, #tpu.memory_space<semaphore_mem>>) src(%dma_wait3A_309 : memref<640x48xf32, #tpu.memory_space<vmem_shared>>) dst(%dma_wait3A_307 : memref<640x48xf32, #tpu.memory_space<hbm>>)
      tpu.yield
    }) : () -> ()
    %mul3A_198 = arith.constant 640 : i32
    %mul3A_199 = arith.muli %arg1, %mul3A_198 : i32
    %mul3A_200 = arith.constant 640 : i32
    %mul3A_201 = arith.muli %arg1, %mul3A_200 : i32
    "tpu.region"() ({
      %run_scoped3A_299 = tpu.sem_alloc : memref<!tpu.dma_semaphore, #tpu.memory_space<semaphore_mem>>
      %dma_start3A_300 = arith.constant 0 : i32
      %dma_start3A_301 = tpu.memref_slice %arg12[%mul3A_201, %dma_start3A_300] : memref<10240x48xf32, #tpu.memory_space<vmem_shared>> -> memref<640x48xf32, #tpu.memory_space<vmem_shared>>
      %dma_start3A_302 = arith.constant 96 : i32
      %dma_start3A_303 = tpu.memref_slice %arg2[%mul3A_199, %dma_start3A_302] : memref<10240x144xf32, #tpu.memory_space<hbm>> -> memref<640x48xf32, #tpu.memory_space<hbm>>
      tpu.enqueue_dma source(%dma_start3A_303 : memref<640x48xf32, #tpu.memory_space<hbm>>) target(%dma_start3A_301 : memref<640x48xf32, #tpu.memory_space<vmem_shared>>) target_semaphore(%run_scoped3A_299 : memref<!tpu.dma_semaphore, #tpu.memory_space<semaphore_mem>>)
      %dma_wait3A_304 = arith.constant 0 : i32
      %dma_wait3A_305 = tpu.memref_slice %arg12[%mul3A_201, %dma_wait3A_304] : memref<10240x48xf32, #tpu.memory_space<vmem_shared>> -> memref<640x48xf32, #tpu.memory_space<vmem_shared>>
      %dma_wait3A_306 = arith.constant 96 : i32
      %dma_wait3A_307 = tpu.memref_slice %arg2[%mul3A_199, %dma_wait3A_306] : memref<10240x144xf32, #tpu.memory_space<hbm>> -> memref<640x48xf32, #tpu.memory_space<hbm>>
      tpu.wait_dma2 semaphore(%run_scoped3A_299 : memref<!tpu.dma_semaphore, #tpu.memory_space<semaphore_mem>>) src(%dma_wait3A_307 : memref<640x48xf32, #tpu.memory_space<hbm>>) dst(%dma_wait3A_305 : memref<640x48xf32, #tpu.memory_space<vmem_shared>>)
      tpu.yield
    }) : () -> ()
    %scan3A_202 = arith.constant 0 : i32
    %scan3A_203 = arith.constant 128 : i32
    %scan3A_204 = arith.addi %scan3A_202, %scan3A_203 : i32
    %scan3A_205 = arith.constant 1 : i32
    scf.for %scan3A_299 = %scan3A_202 to %scan3A_204 step %scan3A_205  : i32 {
      %mul3A_300 = arith.constant 1 : i32
      %mul3A_301 = arith.muli %scan3A_299, %mul3A_300 : i32
      %add3A_302 = arith.constant 0 : i32
      %add3A_303 = arith.addi %add3A_302, %mul3A_301 : i32
      %broadcast_in_dim3A = arith.constant 0.000000e+00 : f32
      %broadcast_in_dim3A_304 = vector.broadcast %broadcast_in_dim3A : f32 to vector<16xf32>
      %swap3A = arith.index_cast %add3A_303 : i32 to index
      %swap3A_305 = arith.constant 0 : index
      %swap3A_306 = tpu.vector_load %arg8[%swap3A, %swap3A_305] {strides = array<i32>} : memref<128x48xf32, #tpu.memory_space<vmem>>, vector<1x16xf32>,
      %swap3A_307 = vector.shape_cast %swap3A_306 : vector<1x16xf32> to vector<16xf32>
      %swap3A_308 = vector.shape_cast %broadcast_in_dim3A_304 : vector<16xf32> to vector<1x16xf32>
      tpu.vector_store %arg8[%swap3A, %swap3A_305], %swap3A_308 {strides = array<i32>} : memref<128x48xf32, #tpu.memory_space<vmem>>, vector<1x16xf32>,
      %broadcast_in_dim3A_309 = arith.constant 0.000000e+00 : f32
      %broadcast_in_dim3A_310 = vector.broadcast %broadcast_in_dim3A_309 : f32 to vector<16xf32>
      %swap3A_311 = arith.index_cast %add3A_303 : i32 to index
      %swap3A_312 = arith.constant 16 : index
      %swap3A_313 = tpu.vector_load %arg8[%swap3A_311, %swap3A_312] {strides = array<i32>} : memref<128x48xf32, #tpu.memory_space<vmem>>, vector<1x16xf32>,
      %swap3A_314 = vector.shape_cast %swap3A_313 : vector<1x16xf32> to vector<16xf32>
      %swap3A_315 = vector.shape_cast %broadcast_in_dim3A_310 : vector<16xf32> to vector<1x16xf32>
      tpu.vector_store %arg8[%swap3A_311, %swap3A_312], %swap3A_315 {strides = array<i32>} : memref<128x48xf32, #tpu.memory_space<vmem>>, vector<1x16xf32>,
      %broadcast_in_dim3A_316 = arith.constant 0.000000e+00 : f32
      %broadcast_in_dim3A_317 = vector.broadcast %broadcast_in_dim3A_316 : f32 to vector<16xf32>
      %swap3A_318 = arith.index_cast %add3A_303 : i32 to index
      %swap3A_319 = arith.constant 32 : index
      %swap3A_320 = tpu.vector_load %arg8[%swap3A_318, %swap3A_319] {strides = array<i32>} : memref<128x48xf32, #tpu.memory_space<vmem>>, vector<1x16xf32>,
      %swap3A_321 = vector.shape_cast %swap3A_320 : vector<1x16xf32> to vector<16xf32>
      %swap3A_322 = vector.shape_cast %broadcast_in_dim3A_317 : vector<16xf32> to vector<1x16xf32>
      tpu.vector_store %arg8[%swap3A_318, %swap3A_319], %swap3A_322 {strides = array<i32>} : memref<128x48xf32, #tpu.memory_space<vmem>>, vector<1x16xf32>,
    }
    %scan3A_206 = arith.constant 128 : i32
    %mul3A_207 = arith.constant 640 : i32
    %mul3A_208 = arith.muli %arg1, %mul3A_207 : i32
    %add3A_209 = arith.constant 0 : i32
    %add3A_210 = arith.addi %mul3A_208, %add3A_209 : i32
    "tpu.region"() ({
      %run_scoped3A_299 = tpu.sem_alloc : memref<!tpu.dma_semaphore, #tpu.memory_space<semaphore_mem>>
      %dma_start3A_300 = arith.constant 0 : i32
      %dma_start3A_301 = tpu.memref_slice %arg13[%add3A_210, %dma_start3A_300] : memref<10240x48xf32, #tpu.memory_space<vmem_shared>> -> memref<128x48xf32, #tpu.memory_space<vmem_shared>>
      %dma_start3A_302 = arith.constant 0 : i32
      %dma_start3A_303 = tpu.memref_slice %arg13[%add3A_210, %dma_start3A_302] : memref<10240x48xf32, #tpu.memory_space<vmem_shared>> -> memref<128x48xf32, #tpu.memory_space<vmem_shared>>
      tpu.enqueue_dma source(%arg8 : memref<128x48xf32, #tpu.memory_space<vmem>>) target(%dma_start3A_303 : memref<128x48xf32, #tpu.memory_space<vmem_shared>>) target_semaphore(%run_scoped3A_299 : memref<!tpu.dma_semaphore, #tpu.memory_space<semaphore_mem>>)
      %dma_wait3A_304 = arith.constant 0 : i32
      %dma_wait3A_305 = tpu.memref_slice %arg13[%add3A_210, %dma_wait3A_304] : memref<10240x48xf32, #tpu.memory_space<vmem_shared>> -> memref<128x48xf32, #tpu.memory_space<vmem_shared>>
      %dma_wait3A_306 = arith.constant 0 : i32
      %dma_wait3A_307 = tpu.memref_slice %arg13[%add3A_210, %dma_wait3A_306] : memref<10240x48xf32, #tpu.memory_space<vmem_shared>> -> memref<128x48xf32, #tpu.memory_space<vmem_shared>>
      tpu.wait_dma2 semaphore(%run_scoped3A_299 : memref<!tpu.dma_semaphore, #tpu.memory_space<semaphore_mem>>) src(%arg8 : memref<128x48xf32, #tpu.memory_space<vmem>>) dst(%dma_wait3A_307 : memref<128x48xf32, #tpu.memory_space<vmem_shared>>)
      tpu.yield
    }) : () -> ()
    %mul3A_211 = arith.constant 640 : i32
    %mul3A_212 = arith.muli %arg1, %mul3A_211 : i32
    %add3A_213 = arith.constant 128 : i32
    %add3A_214 = arith.addi %mul3A_212, %add3A_213 : i32
    "tpu.region"() ({
      %run_scoped3A_299 = tpu.sem_alloc : memref<!tpu.dma_semaphore, #tpu.memory_space<semaphore_mem>>
      %dma_start3A_300 = arith.constant 0 : i32
      %dma_start3A_301 = tpu.memref_slice %arg13[%add3A_214, %dma_start3A_300] : memref<10240x48xf32, #tpu.memory_space<vmem_shared>> -> memref<128x48xf32, #tpu.memory_space<vmem_shared>>
      %dma_start3A_302 = arith.constant 0 : i32
      %dma_start3A_303 = tpu.memref_slice %arg13[%add3A_214, %dma_start3A_302] : memref<10240x48xf32, #tpu.memory_space<vmem_shared>> -> memref<128x48xf32, #tpu.memory_space<vmem_shared>>
      tpu.enqueue_dma source(%arg8 : memref<128x48xf32, #tpu.memory_space<vmem>>) target(%dma_start3A_303 : memref<128x48xf32, #tpu.memory_space<vmem_shared>>) target_semaphore(%run_scoped3A_299 : memref<!tpu.dma_semaphore, #tpu.memory_space<semaphore_mem>>)
      %dma_wait3A_304 = arith.constant 0 : i32
      %dma_wait3A_305 = tpu.memref_slice %arg13[%add3A_214, %dma_wait3A_304] : memref<10240x48xf32, #tpu.memory_space<vmem_shared>> -> memref<128x48xf32, #tpu.memory_space<vmem_shared>>
      %dma_wait3A_306 = arith.constant 0 : i32
      %dma_wait3A_307 = tpu.memref_slice %arg13[%add3A_214, %dma_wait3A_306] : memref<10240x48xf32, #tpu.memory_space<vmem_shared>> -> memref<128x48xf32, #tpu.memory_space<vmem_shared>>
      tpu.wait_dma2 semaphore(%run_scoped3A_299 : memref<!tpu.dma_semaphore, #tpu.memory_space<semaphore_mem>>) src(%arg8 : memref<128x48xf32, #tpu.memory_space<vmem>>) dst(%dma_wait3A_307 : memref<128x48xf32, #tpu.memory_space<vmem_shared>>)
      tpu.yield
    }) : () -> ()
    %mul3A_215 = arith.constant 640 : i32
    %mul3A_216 = arith.muli %arg1, %mul3A_215 : i32
    %add3A_217 = arith.constant 256 : i32
    %add3A_218 = arith.addi %mul3A_216, %add3A_217 : i32
    "tpu.region"() ({
      %run_scoped3A_299 = tpu.sem_alloc : memref<!tpu.dma_semaphore, #tpu.memory_space<semaphore_mem>>
      %dma_start3A_300 = arith.constant 0 : i32
      %dma_start3A_301 = tpu.memref_slice %arg13[%add3A_218, %dma_start3A_300] : memref<10240x48xf32, #tpu.memory_space<vmem_shared>> -> memref<128x48xf32, #tpu.memory_space<vmem_shared>>
      %dma_start3A_302 = arith.constant 0 : i32
      %dma_start3A_303 = tpu.memref_slice %arg13[%add3A_218, %dma_start3A_302] : memref<10240x48xf32, #tpu.memory_space<vmem_shared>> -> memref<128x48xf32, #tpu.memory_space<vmem_shared>>
      tpu.enqueue_dma source(%arg8 : memref<128x48xf32, #tpu.memory_space<vmem>>) target(%dma_start3A_303 : memref<128x48xf32, #tpu.memory_space<vmem_shared>>) target_semaphore(%run_scoped3A_299 : memref<!tpu.dma_semaphore, #tpu.memory_space<semaphore_mem>>)
      %dma_wait3A_304 = arith.constant 0 : i32
      %dma_wait3A_305 = tpu.memref_slice %arg13[%add3A_218, %dma_wait3A_304] : memref<10240x48xf32, #tpu.memory_space<vmem_shared>> -> memref<128x48xf32, #tpu.memory_space<vmem_shared>>
      %dma_wait3A_306 = arith.constant 0 : i32
      %dma_wait3A_307 = tpu.memref_slice %arg13[%add3A_218, %dma_wait3A_306] : memref<10240x48xf32, #tpu.memory_space<vmem_shared>> -> memref<128x48xf32, #tpu.memory_space<vmem_shared>>
      tpu.wait_dma2 semaphore(%run_scoped3A_299 : memref<!tpu.dma_semaphore, #tpu.memory_space<semaphore_mem>>) src(%arg8 : memref<128x48xf32, #tpu.memory_space<vmem>>) dst(%dma_wait3A_307 : memref<128x48xf32, #tpu.memory_space<vmem_shared>>)
      tpu.yield
    }) : () -> ()
    %mul3A_219 = arith.constant 640 : i32
    %mul3A_220 = arith.muli %arg1, %mul3A_219 : i32
    %add3A_221 = arith.constant 384 : i32
    %add3A_222 = arith.addi %mul3A_220, %add3A_221 : i32
    "tpu.region"() ({
      %run_scoped3A_299 = tpu.sem_alloc : memref<!tpu.dma_semaphore, #tpu.memory_space<semaphore_mem>>
      %dma_start3A_300 = arith.constant 0 : i32
      %dma_start3A_301 = tpu.memref_slice %arg13[%add3A_222, %dma_start3A_300] : memref<10240x48xf32, #tpu.memory_space<vmem_shared>> -> memref<128x48xf32, #tpu.memory_space<vmem_shared>>
      %dma_start3A_302 = arith.constant 0 : i32
      %dma_start3A_303 = tpu.memref_slice %arg13[%add3A_222, %dma_start3A_302] : memref<10240x48xf32, #tpu.memory_space<vmem_shared>> -> memref<128x48xf32, #tpu.memory_space<vmem_shared>>
      tpu.enqueue_dma source(%arg8 : memref<128x48xf32, #tpu.memory_space<vmem>>) target(%dma_start3A_303 : memref<128x48xf32, #tpu.memory_space<vmem_shared>>) target_semaphore(%run_scoped3A_299 : memref<!tpu.dma_semaphore, #tpu.memory_space<semaphore_mem>>)
      %dma_wait3A_304 = arith.constant 0 : i32
      %dma_wait3A_305 = tpu.memref_slice %arg13[%add3A_222, %dma_wait3A_304] : memref<10240x48xf32, #tpu.memory_space<vmem_shared>> -> memref<128x48xf32, #tpu.memory_space<vmem_shared>>
      %dma_wait3A_306 = arith.constant 0 : i32
      %dma_wait3A_307 = tpu.memref_slice %arg13[%add3A_222, %dma_wait3A_306] : memref<10240x48xf32, #tpu.memory_space<vmem_shared>> -> memref<128x48xf32, #tpu.memory_space<vmem_shared>>
      tpu.wait_dma2 semaphore(%run_scoped3A_299 : memref<!tpu.dma_semaphore, #tpu.memory_space<semaphore_mem>>) src(%arg8 : memref<128x48xf32, #tpu.memory_space<vmem>>) dst(%dma_wait3A_307 : memref<128x48xf32, #tpu.memory_space<vmem_shared>>)
      tpu.yield
    }) : () -> ()
    %mul3A_223 = arith.constant 640 : i32
    %mul3A_224 = arith.muli %arg1, %mul3A_223 : i32
    %add3A_225 = arith.constant 512 : i32
    %add3A_226 = arith.addi %mul3A_224, %add3A_225 : i32
    "tpu.region"() ({
      %run_scoped3A_299 = tpu.sem_alloc : memref<!tpu.dma_semaphore, #tpu.memory_space<semaphore_mem>>
      %dma_start3A_300 = arith.constant 0 : i32
      %dma_start3A_301 = tpu.memref_slice %arg13[%add3A_226, %dma_start3A_300] : memref<10240x48xf32, #tpu.memory_space<vmem_shared>> -> memref<128x48xf32, #tpu.memory_space<vmem_shared>>
      %dma_start3A_302 = arith.constant 0 : i32
      %dma_start3A_303 = tpu.memref_slice %arg13[%add3A_226, %dma_start3A_302] : memref<10240x48xf32, #tpu.memory_space<vmem_shared>> -> memref<128x48xf32, #tpu.memory_space<vmem_shared>>
      tpu.enqueue_dma source(%arg8 : memref<128x48xf32, #tpu.memory_space<vmem>>) target(%dma_start3A_303 : memref<128x48xf32, #tpu.memory_space<vmem_shared>>) target_semaphore(%run_scoped3A_299 : memref<!tpu.dma_semaphore, #tpu.memory_space<semaphore_mem>>)
      %dma_wait3A_304 = arith.constant 0 : i32
      %dma_wait3A_305 = tpu.memref_slice %arg13[%add3A_226, %dma_wait3A_304] : memref<10240x48xf32, #tpu.memory_space<vmem_shared>> -> memref<128x48xf32, #tpu.memory_space<vmem_shared>>
      %dma_wait3A_306 = arith.constant 0 : i32
      %dma_wait3A_307 = tpu.memref_slice %arg13[%add3A_226, %dma_wait3A_306] : memref<10240x48xf32, #tpu.memory_space<vmem_shared>> -> memref<128x48xf32, #tpu.memory_space<vmem_shared>>
      tpu.wait_dma2 semaphore(%run_scoped3A_299 : memref<!tpu.dma_semaphore, #tpu.memory_space<semaphore_mem>>) src(%arg8 : memref<128x48xf32, #tpu.memory_space<vmem>>) dst(%dma_wait3A_307 : memref<128x48xf32, #tpu.memory_space<vmem_shared>>)
      tpu.yield
    }) : () -> ()
    %barrier3A_227 = arith.constant 0 : index
    tpu.barrier barrier_id(%barrier3A_227)
    %dma_start3A_228 = arith.constant 0 : i32
    %dma_start3A_229 = arith.constant 0 : i32
    %dma_start3A_230 = tpu.memref_slice %arg6[%dma_start3A_228, %dma_start3A_229] : memref<84x128xi32, #tpu.memory_space<vmem>> -> memref<1x128xi32, #tpu.memory_space<vmem>>
    %dma_start3A_231 = tpu.memref_squeeze %dma_start3A_230 : memref<1x128xi32, #tpu.memory_space<vmem>> -> memref<128xi32, #tpu.memory_space<vmem>>
    %dma_start3A_232 = arith.constant 0 : i32
    %dma_start3A_233 = arith.constant 0 : i32
    %dma_start3A_234 = tpu.memref_slice %arg12[%dma_start3A_232, %dma_start3A_233] : memref<10240x48xf32, #tpu.memory_space<vmem_shared>> -> memref<10240x48xf32, #tpu.memory_space<vmem_shared>>
    tpu.enqueue_indirect_dma source(%dma_start3A_234 : memref<10240x48xf32, #tpu.memory_space<vmem_shared>>) target(%arg8 : memref<128x48xf32, #tpu.memory_space<vmem>>) offsets(%dma_start3A_231 : memref<128xi32, #tpu.memory_space<vmem>>) semaphore(%arg14 : memref<!tpu.dma_semaphore, #tpu.memory_space<semaphore_mem>>)
    %dma_start3A_235 = arith.constant 1 : i32
    %dma_start3A_236 = arith.constant 0 : i32
    %dma_start3A_237 = tpu.memref_slice %arg6[%dma_start3A_235, %dma_start3A_236] : memref<84x128xi32, #tpu.memory_space<vmem>> -> memref<1x128xi32, #tpu.memory_space<vmem>>
    %dma_start3A_238 = tpu.memref_squeeze %dma_start3A_237 : memref<1x128xi32, #tpu.memory_space<vmem>> -> memref<128xi32, #tpu.memory_space<vmem>>
    %dma_start3A_239 = arith.constant 0 : i32
    %dma_start3A_240 = arith.constant 0 : i32
    %dma_start3A_241 = tpu.memref_slice %arg12[%dma_start3A_239, %dma_start3A_240] : memref<10240x48xf32, #tpu.memory_space<vmem_shared>> -> memref<10240x48xf32, #tpu.memory_space<vmem_shared>>
    tpu.enqueue_indirect_dma source(%dma_start3A_241 : memref<10240x48xf32, #tpu.memory_space<vmem_shared>>) target(%arg9 : memref<128x48xf32, #tpu.memory_space<vmem>>) offsets(%dma_start3A_238 : memref<128xi32, #tpu.memory_space<vmem>>) semaphore(%arg15 : memref<!tpu.dma_semaphore, #tpu.memory_space<semaphore_mem>>)
    %dma_start3A_242 = arith.constant 2 : i32
    %dma_start3A_243 = arith.constant 0 : i32
    %dma_start3A_244 = tpu.memref_slice %arg6[%dma_start3A_242, %dma_start3A_243] : memref<84x128xi32, #tpu.memory_space<vmem>> -> memref<1x128xi32, #tpu.memory_space<vmem>>
    %dma_start3A_245 = tpu.memref_squeeze %dma_start3A_244 : memref<1x128xi32, #tpu.memory_space<vmem>> -> memref<128xi32, #tpu.memory_space<vmem>>
    %dma_start3A_246 = arith.constant 0 : i32
    %dma_start3A_247 = arith.constant 0 : i32
    %dma_start3A_248 = tpu.memref_slice %arg12[%dma_start3A_246, %dma_start3A_247] : memref<10240x48xf32, #tpu.memory_space<vmem_shared>> -> memref<10240x48xf32, #tpu.memory_space<vmem_shared>>
    tpu.enqueue_indirect_dma source(%dma_start3A_248 : memref<10240x48xf32, #tpu.memory_space<vmem_shared>>) target(%arg10 : memref<128x48xf32, #tpu.memory_space<vmem>>) offsets(%dma_start3A_245 : memref<128xi32, #tpu.memory_space<vmem>>) semaphore(%arg16 : memref<!tpu.dma_semaphore, #tpu.memory_space<semaphore_mem>>)
    %dma_start3A_249 = arith.constant 3 : i32
    %dma_start3A_250 = arith.constant 0 : i32
    %dma_start3A_251 = tpu.memref_slice %arg6[%dma_start3A_249, %dma_start3A_250] : memref<84x128xi32, #tpu.memory_space<vmem>> -> memref<1x128xi32, #tpu.memory_space<vmem>>
    %dma_start3A_252 = tpu.memref_squeeze %dma_start3A_251 : memref<1x128xi32, #tpu.memory_space<vmem>> -> memref<128xi32, #tpu.memory_space<vmem>>
    %dma_start3A_253 = arith.constant 0 : i32
    %dma_start3A_254 = arith.constant 0 : i32
    %dma_start3A_255 = tpu.memref_slice %arg12[%dma_start3A_253, %dma_start3A_254] : memref<10240x48xf32, #tpu.memory_space<vmem_shared>> -> memref<10240x48xf32, #tpu.memory_space<vmem_shared>>
    tpu.enqueue_indirect_dma source(%dma_start3A_255 : memref<10240x48xf32, #tpu.memory_space<vmem_shared>>) target(%arg11 : memref<128x48xf32, #tpu.memory_space<vmem>>) offsets(%dma_start3A_252 : memref<128xi32, #tpu.memory_space<vmem>>) semaphore(%arg17 : memref<!tpu.dma_semaphore, #tpu.memory_space<semaphore_mem>>)
    %scan3A_256 = arith.constant 0 : i32
    %scan3A_257 = arith.constant 20 : i32
    %scan3A_258 = arith.addi %scan3A_256, %scan3A_257 : i32
    %scan3A_259 = arith.constant 1 : i32
    scf.for %scan3A_299 = %scan3A_256 to %scan3A_258 step %scan3A_259  : i32 {
      %mul3A_300 = arith.constant 4 : i32
      %mul3A_301 = arith.muli %scan3A_299, %mul3A_300 : i32
      %add3A_302 = arith.constant 0 : i32
      %add3A_303 = arith.addi %add3A_302, %mul3A_301 : i32
      %add3A_304 = arith.constant 0 : i32
      %add3A_305 = arith.addi %add3A_303, %add3A_304 : i32
      %dma_wait3A_306 = arith.constant 0 : i32
      %dma_wait3A_307 = tpu.memref_slice %arg6[%add3A_305, %dma_wait3A_306] : memref<84x128xi32, #tpu.memory_space<vmem>> -> memref<1x128xi32, #tpu.memory_space<vmem>>
      %dma_wait3A_308 = tpu.memref_squeeze %dma_wait3A_307 : memref<1x128xi32, #tpu.memory_space<vmem>> -> memref<128xi32, #tpu.memory_space<vmem>>
      %dma_wait3A_309 = arith.constant 0 : i32
      %dma_wait3A_310 = arith.constant 0 : i32
      %dma_wait3A_311 = tpu.memref_slice %arg12[%dma_wait3A_309, %dma_wait3A_310] : memref<10240x48xf32, #tpu.memory_space<vmem_shared>> -> memref<10240x48xf32, #tpu.memory_space<vmem_shared>>
      tpu.wait_indirect_dma semaphore(%arg14 : memref<!tpu.dma_semaphore, #tpu.memory_space<semaphore_mem>>) src(%dma_wait3A_311 : memref<10240x48xf32, #tpu.memory_space<vmem_shared>>) dst(%arg8 : memref<128x48xf32, #tpu.memory_space<vmem>>)
      %add3A_312 = arith.constant 0 : i32
      %add3A_313 = arith.addi %add3A_303, %add3A_312 : i32
      %dma_start3A_314 = arith.constant 0 : i32
      %dma_start3A_315 = tpu.memref_slice %arg7[%add3A_313, %dma_start3A_314] : memref<84x128xi32, #tpu.memory_space<vmem>> -> memref<1x128xi32, #tpu.memory_space<vmem>>
      %dma_start3A_316 = tpu.memref_squeeze %dma_start3A_315 : memref<1x128xi32, #tpu.memory_space<vmem>> -> memref<128xi32, #tpu.memory_space<vmem>>
      %dma_start3A_317 = arith.constant 0 : i32
      %dma_start3A_318 = arith.constant 0 : i32
      %dma_start3A_319 = tpu.memref_slice %arg13[%dma_start3A_317, %dma_start3A_318] : memref<10240x48xf32, #tpu.memory_space<vmem_shared>> -> memref<10240x48xf32, #tpu.memory_space<vmem_shared>>
      tpu.enqueue_indirect_dma source(%arg8 : memref<128x48xf32, #tpu.memory_space<vmem>>) target(%dma_start3A_319 : memref<10240x48xf32, #tpu.memory_space<vmem_shared>>) offsets(%dma_start3A_316 : memref<128xi32, #tpu.memory_space<vmem>>) semaphore(%arg18 : memref<!tpu.dma_semaphore, #tpu.memory_space<semaphore_mem>>) {add = true}
      %add3A_320 = arith.constant 0 : i32
      %add3A_321 = arith.addi %add3A_303, %add3A_320 : i32
      %dma_wait3A_322 = arith.constant 0 : i32
      %dma_wait3A_323 = tpu.memref_slice %arg7[%add3A_321, %dma_wait3A_322] : memref<84x128xi32, #tpu.memory_space<vmem>> -> memref<1x128xi32, #tpu.memory_space<vmem>>
      %dma_wait3A_324 = tpu.memref_squeeze %dma_wait3A_323 : memref<1x128xi32, #tpu.memory_space<vmem>> -> memref<128xi32, #tpu.memory_space<vmem>>
      %dma_wait3A_325 = arith.constant 0 : i32
      %dma_wait3A_326 = arith.constant 0 : i32
      %dma_wait3A_327 = tpu.memref_slice %arg13[%dma_wait3A_325, %dma_wait3A_326] : memref<10240x48xf32, #tpu.memory_space<vmem_shared>> -> memref<10240x48xf32, #tpu.memory_space<vmem_shared>>
      tpu.wait_indirect_dma semaphore(%arg18 : memref<!tpu.dma_semaphore, #tpu.memory_space<semaphore_mem>>) src(%arg8 : memref<128x48xf32, #tpu.memory_space<vmem>>) dst(%dma_wait3A_327 : memref<10240x48xf32, #tpu.memory_space<vmem_shared>>)
      %add3A_328 = arith.constant 0 : i32
      %add3A_329 = arith.addi %add3A_303, %add3A_328 : i32
      %add3A_330 = arith.constant 4 : i32
      %add3A_331 = arith.addi %add3A_329, %add3A_330 : i32
      %dma_start3A_332 = arith.constant 0 : i32
      %dma_start3A_333 = tpu.memref_slice %arg6[%add3A_331, %dma_start3A_332] : memref<84x128xi32, #tpu.memory_space<vmem>> -> memref<1x128xi32, #tpu.memory_space<vmem>>
      %dma_start3A_334 = tpu.memref_squeeze %dma_start3A_333 : memref<1x128xi32, #tpu.memory_space<vmem>> -> memref<128xi32, #tpu.memory_space<vmem>>
      %dma_start3A_335 = arith.constant 0 : i32
      %dma_start3A_336 = arith.constant 0 : i32
      %dma_start3A_337 = tpu.memref_slice %arg12[%dma_start3A_335, %dma_start3A_336] : memref<10240x48xf32, #tpu.memory_space<vmem_shared>> -> memref<10240x48xf32, #tpu.memory_space<vmem_shared>>
      tpu.enqueue_indirect_dma source(%dma_start3A_337 : memref<10240x48xf32, #tpu.memory_space<vmem_shared>>) target(%arg8 : memref<128x48xf32, #tpu.memory_space<vmem>>) offsets(%dma_start3A_334 : memref<128xi32, #tpu.memory_space<vmem>>) semaphore(%arg14 : memref<!tpu.dma_semaphore, #tpu.memory_space<semaphore_mem>>)
      %add3A_338 = arith.constant 1 : i32
      %add3A_339 = arith.addi %add3A_303, %add3A_338 : i32
      %dma_wait3A_340 = arith.constant 0 : i32
      %dma_wait3A_341 = tpu.memref_slice %arg6[%add3A_339, %dma_wait3A_340] : memref<84x128xi32, #tpu.memory_space<vmem>> -> memref<1x128xi32, #tpu.memory_space<vmem>>
      %dma_wait3A_342 = tpu.memref_squeeze %dma_wait3A_341 : memref<1x128xi32, #tpu.memory_space<vmem>> -> memref<128xi32, #tpu.memory_space<vmem>>
      %dma_wait3A_343 = arith.constant 0 : i32
      %dma_wait3A_344 = arith.constant 0 : i32
      %dma_wait3A_345 = tpu.memref_slice %arg12[%dma_wait3A_343, %dma_wait3A_344] : memref<10240x48xf32, #tpu.memory_space<vmem_shared>> -> memref<10240x48xf32, #tpu.memory_space<vmem_shared>>
      tpu.wait_indirect_dma semaphore(%arg15 : memref<!tpu.dma_semaphore, #tpu.memory_space<semaphore_mem>>) src(%dma_wait3A_345 : memref<10240x48xf32, #tpu.memory_space<vmem_shared>>) dst(%arg9 : memref<128x48xf32, #tpu.memory_space<vmem>>)
      %add3A_346 = arith.constant 1 : i32
      %add3A_347 = arith.addi %add3A_303, %add3A_346 : i32
      %dma_start3A_348 = arith.constant 0 : i32
      %dma_start3A_349 = tpu.memref_slice %arg7[%add3A_347, %dma_start3A_348] : memref<84x128xi32, #tpu.memory_space<vmem>> -> memref<1x128xi32, #tpu.memory_space<vmem>>
      %dma_start3A_350 = tpu.memref_squeeze %dma_start3A_349 : memref<1x128xi32, #tpu.memory_space<vmem>> -> memref<128xi32, #tpu.memory_space<vmem>>
      %dma_start3A_351 = arith.constant 0 : i32
      %dma_start3A_352 = arith.constant 0 : i32
      %dma_start3A_353 = tpu.memref_slice %arg13[%dma_start3A_351, %dma_start3A_352] : memref<10240x48xf32, #tpu.memory_space<vmem_shared>> -> memref<10240x48xf32, #tpu.memory_space<vmem_shared>>
      tpu.enqueue_indirect_dma source(%arg9 : memref<128x48xf32, #tpu.memory_space<vmem>>) target(%dma_start3A_353 : memref<10240x48xf32, #tpu.memory_space<vmem_shared>>) offsets(%dma_start3A_350 : memref<128xi32, #tpu.memory_space<vmem>>) semaphore(%arg19 : memref<!tpu.dma_semaphore, #tpu.memory_space<semaphore_mem>>) {add = true}
      %add3A_354 = arith.constant 1 : i32
      %add3A_355 = arith.addi %add3A_303, %add3A_354 : i32
      %dma_wait3A_356 = arith.constant 0 : i32
      %dma_wait3A_357 = tpu.memref_slice %arg7[%add3A_355, %dma_wait3A_356] : memref<84x128xi32, #tpu.memory_space<vmem>> -> memref<1x128xi32, #tpu.memory_space<vmem>>
      %dma_wait3A_358 = tpu.memref_squeeze %dma_wait3A_357 : memref<1x128xi32, #tpu.memory_space<vmem>> -> memref<128xi32, #tpu.memory_space<vmem>>
      %dma_wait3A_359 = arith.constant 0 : i32
      %dma_wait3A_360 = arith.constant 0 : i32
      %dma_wait3A_361 = tpu.memref_slice %arg13[%dma_wait3A_359, %dma_wait3A_360] : memref<10240x48xf32, #tpu.memory_space<vmem_shared>> -> memref<10240x48xf32, #tpu.memory_space<vmem_shared>>
      tpu.wait_indirect_dma semaphore(%arg19 : memref<!tpu.dma_semaphore, #tpu.memory_space<semaphore_mem>>) src(%arg9 : memref<128x48xf32, #tpu.memory_space<vmem>>) dst(%dma_wait3A_361 : memref<10240x48xf32, #tpu.memory_space<vmem_shared>>)
      %add3A_362 = arith.constant 1 : i32
      %add3A_363 = arith.addi %add3A_303, %add3A_362 : i32
      %add3A_364 = arith.constant 4 : i32
      %add3A_365 = arith.addi %add3A_363, %add3A_364 : i32
      %dma_start3A_366 = arith.constant 0 : i32
      %dma_start3A_367 = tpu.memref_slice %arg6[%add3A_365, %dma_start3A_366] : memref<84x128xi32, #tpu.memory_space<vmem>> -> memref<1x128xi32, #tpu.memory_space<vmem>>
      %dma_start3A_368 = tpu.memref_squeeze %dma_start3A_367 : memref<1x128xi32, #tpu.memory_space<vmem>> -> memref<128xi32, #tpu.memory_space<vmem>>
      %dma_start3A_369 = arith.constant 0 : i32
      %dma_start3A_370 = arith.constant 0 : i32
      %dma_start3A_371 = tpu.memref_slice %arg12[%dma_start3A_369, %dma_start3A_370] : memref<10240x48xf32, #tpu.memory_space<vmem_shared>> -> memref<10240x48xf32, #tpu.memory_space<vmem_shared>>
      tpu.enqueue_indirect_dma source(%dma_start3A_371 : memref<10240x48xf32, #tpu.memory_space<vmem_shared>>) target(%arg9 : memref<128x48xf32, #tpu.memory_space<vmem>>) offsets(%dma_start3A_368 : memref<128xi32, #tpu.memory_space<vmem>>) semaphore(%arg15 : memref<!tpu.dma_semaphore, #tpu.memory_space<semaphore_mem>>)
      %add3A_372 = arith.constant 2 : i32
      %add3A_373 = arith.addi %add3A_303, %add3A_372 : i32
      %dma_wait3A_374 = arith.constant 0 : i32
      %dma_wait3A_375 = tpu.memref_slice %arg6[%add3A_373, %dma_wait3A_374] : memref<84x128xi32, #tpu.memory_space<vmem>> -> memref<1x128xi32, #tpu.memory_space<vmem>>
      %dma_wait3A_376 = tpu.memref_squeeze %dma_wait3A_375 : memref<1x128xi32, #tpu.memory_space<vmem>> -> memref<128xi32, #tpu.memory_space<vmem>>
      %dma_wait3A_377 = arith.constant 0 : i32
      %dma_wait3A_378 = arith.constant 0 : i32
      %dma_wait3A_379 = tpu.memref_slice %arg12[%dma_wait3A_377, %dma_wait3A_378] : memref<10240x48xf32, #tpu.memory_space<vmem_shared>> -> memref<10240x48xf32, #tpu.memory_space<vmem_shared>>
      tpu.wait_indirect_dma semaphore(%arg16 : memref<!tpu.dma_semaphore, #tpu.memory_space<semaphore_mem>>) src(%dma_wait3A_379 : memref<10240x48xf32, #tpu.memory_space<vmem_shared>>) dst(%arg10 : memref<128x48xf32, #tpu.memory_space<vmem>>)
      %add3A_380 = arith.constant 2 : i32
      %add3A_381 = arith.addi %add3A_303, %add3A_380 : i32
      %dma_start3A_382 = arith.constant 0 : i32
      %dma_start3A_383 = tpu.memref_slice %arg7[%add3A_381, %dma_start3A_382] : memref<84x128xi32, #tpu.memory_space<vmem>> -> memref<1x128xi32, #tpu.memory_space<vmem>>
      %dma_start3A_384 = tpu.memref_squeeze %dma_start3A_383 : memref<1x128xi32, #tpu.memory_space<vmem>> -> memref<128xi32, #tpu.memory_space<vmem>>
      %dma_start3A_385 = arith.constant 0 : i32
      %dma_start3A_386 = arith.constant 0 : i32
      %dma_start3A_387 = tpu.memref_slice %arg13[%dma_start3A_385, %dma_start3A_386] : memref<10240x48xf32, #tpu.memory_space<vmem_shared>> -> memref<10240x48xf32, #tpu.memory_space<vmem_shared>>
      tpu.enqueue_indirect_dma source(%arg10 : memref<128x48xf32, #tpu.memory_space<vmem>>) target(%dma_start3A_387 : memref<10240x48xf32, #tpu.memory_space<vmem_shared>>) offsets(%dma_start3A_384 : memref<128xi32, #tpu.memory_space<vmem>>) semaphore(%arg20 : memref<!tpu.dma_semaphore, #tpu.memory_space<semaphore_mem>>) {add = true}
      %add3A_388 = arith.constant 2 : i32
      %add3A_389 = arith.addi %add3A_303, %add3A_388 : i32
      %dma_wait3A_390 = arith.constant 0 : i32
      %dma_wait3A_391 = tpu.memref_slice %arg7[%add3A_389, %dma_wait3A_390] : memref<84x128xi32, #tpu.memory_space<vmem>> -> memref<1x128xi32, #tpu.memory_space<vmem>>
      %dma_wait3A_392 = tpu.memref_squeeze %dma_wait3A_391 : memref<1x128xi32, #tpu.memory_space<vmem>> -> memref<128xi32, #tpu.memory_space<vmem>>
      %dma_wait3A_393 = arith.constant 0 : i32
      %dma_wait3A_394 = arith.constant 0 : i32
      %dma_wait3A_395 = tpu.memref_slice %arg13[%dma_wait3A_393, %dma_wait3A_394] : memref<10240x48xf32, #tpu.memory_space<vmem_shared>> -> memref<10240x48xf32, #tpu.memory_space<vmem_shared>>
      tpu.wait_indirect_dma semaphore(%arg20 : memref<!tpu.dma_semaphore, #tpu.memory_space<semaphore_mem>>) src(%arg10 : memref<128x48xf32, #tpu.memory_space<vmem>>) dst(%dma_wait3A_395 : memref<10240x48xf32, #tpu.memory_space<vmem_shared>>)
      %add3A_396 = arith.constant 2 : i32
      %add3A_397 = arith.addi %add3A_303, %add3A_396 : i32
      %add3A_398 = arith.constant 4 : i32
      %add3A_399 = arith.addi %add3A_397, %add3A_398 : i32
      %dma_start3A_400 = arith.constant 0 : i32
      %dma_start3A_401 = tpu.memref_slice %arg6[%add3A_399, %dma_start3A_400] : memref<84x128xi32, #tpu.memory_space<vmem>> -> memref<1x128xi32, #tpu.memory_space<vmem>>
      %dma_start3A_402 = tpu.memref_squeeze %dma_start3A_401 : memref<1x128xi32, #tpu.memory_space<vmem>> -> memref<128xi32, #tpu.memory_space<vmem>>
      %dma_start3A_403 = arith.constant 0 : i32
      %dma_start3A_404 = arith.constant 0 : i32
      %dma_start3A_405 = tpu.memref_slice %arg12[%dma_start3A_403, %dma_start3A_404] : memref<10240x48xf32, #tpu.memory_space<vmem_shared>> -> memref<10240x48xf32, #tpu.memory_space<vmem_shared>>
      tpu.enqueue_indirect_dma source(%dma_start3A_405 : memref<10240x48xf32, #tpu.memory_space<vmem_shared>>) target(%arg10 : memref<128x48xf32, #tpu.memory_space<vmem>>) offsets(%dma_start3A_402 : memref<128xi32, #tpu.memory_space<vmem>>) semaphore(%arg16 : memref<!tpu.dma_semaphore, #tpu.memory_space<semaphore_mem>>)
      %add3A_406 = arith.constant 3 : i32
      %add3A_407 = arith.addi %add3A_303, %add3A_406 : i32
      %dma_wait3A_408 = arith.constant 0 : i32
      %dma_wait3A_409 = tpu.memref_slice %arg6[%add3A_407, %dma_wait3A_408] : memref<84x128xi32, #tpu.memory_space<vmem>> -> memref<1x128xi32, #tpu.memory_space<vmem>>
      %dma_wait3A_410 = tpu.memref_squeeze %dma_wait3A_409 : memref<1x128xi32, #tpu.memory_space<vmem>> -> memref<128xi32, #tpu.memory_space<vmem>>
      %dma_wait3A_411 = arith.constant 0 : i32
      %dma_wait3A_412 = arith.constant 0 : i32
      %dma_wait3A_413 = tpu.memref_slice %arg12[%dma_wait3A_411, %dma_wait3A_412] : memref<10240x48xf32, #tpu.memory_space<vmem_shared>> -> memref<10240x48xf32, #tpu.memory_space<vmem_shared>>
      tpu.wait_indirect_dma semaphore(%arg17 : memref<!tpu.dma_semaphore, #tpu.memory_space<semaphore_mem>>) src(%dma_wait3A_413 : memref<10240x48xf32, #tpu.memory_space<vmem_shared>>) dst(%arg11 : memref<128x48xf32, #tpu.memory_space<vmem>>)
      %add3A_414 = arith.constant 3 : i32
      %add3A_415 = arith.addi %add3A_303, %add3A_414 : i32
      %dma_start3A_416 = arith.constant 0 : i32
      %dma_start3A_417 = tpu.memref_slice %arg7[%add3A_415, %dma_start3A_416] : memref<84x128xi32, #tpu.memory_space<vmem>> -> memref<1x128xi32, #tpu.memory_space<vmem>>
      %dma_start3A_418 = tpu.memref_squeeze %dma_start3A_417 : memref<1x128xi32, #tpu.memory_space<vmem>> -> memref<128xi32, #tpu.memory_space<vmem>>
      %dma_start3A_419 = arith.constant 0 : i32
      %dma_start3A_420 = arith.constant 0 : i32
      %dma_start3A_421 = tpu.memref_slice %arg13[%dma_start3A_419, %dma_start3A_420] : memref<10240x48xf32, #tpu.memory_space<vmem_shared>> -> memref<10240x48xf32, #tpu.memory_space<vmem_shared>>
      tpu.enqueue_indirect_dma source(%arg11 : memref<128x48xf32, #tpu.memory_space<vmem>>) target(%dma_start3A_421 : memref<10240x48xf32, #tpu.memory_space<vmem_shared>>) offsets(%dma_start3A_418 : memref<128xi32, #tpu.memory_space<vmem>>) semaphore(%arg21 : memref<!tpu.dma_semaphore, #tpu.memory_space<semaphore_mem>>) {add = true}
      %add3A_422 = arith.constant 3 : i32
      %add3A_423 = arith.addi %add3A_303, %add3A_422 : i32
      %dma_wait3A_424 = arith.constant 0 : i32
      %dma_wait3A_425 = tpu.memref_slice %arg7[%add3A_423, %dma_wait3A_424] : memref<84x128xi32, #tpu.memory_space<vmem>> -> memref<1x128xi32, #tpu.memory_space<vmem>>
      %dma_wait3A_426 = tpu.memref_squeeze %dma_wait3A_425 : memref<1x128xi32, #tpu.memory_space<vmem>> -> memref<128xi32, #tpu.memory_space<vmem>>
      %dma_wait3A_427 = arith.constant 0 : i32
      %dma_wait3A_428 = arith.constant 0 : i32
      %dma_wait3A_429 = tpu.memref_slice %arg13[%dma_wait3A_427, %dma_wait3A_428] : memref<10240x48xf32, #tpu.memory_space<vmem_shared>> -> memref<10240x48xf32, #tpu.memory_space<vmem_shared>>
      tpu.wait_indirect_dma semaphore(%arg21 : memref<!tpu.dma_semaphore, #tpu.memory_space<semaphore_mem>>) src(%arg11 : memref<128x48xf32, #tpu.memory_space<vmem>>) dst(%dma_wait3A_429 : memref<10240x48xf32, #tpu.memory_space<vmem_shared>>)
      %add3A_430 = arith.constant 3 : i32
      %add3A_431 = arith.addi %add3A_303, %add3A_430 : i32
      %add3A_432 = arith.constant 4 : i32
      %add3A_433 = arith.addi %add3A_431, %add3A_432 : i32
      %dma_start3A_434 = arith.constant 0 : i32
      %dma_start3A_435 = tpu.memref_slice %arg6[%add3A_433, %dma_start3A_434] : memref<84x128xi32, #tpu.memory_space<vmem>> -> memref<1x128xi32, #tpu.memory_space<vmem>>
      %dma_start3A_436 = tpu.memref_squeeze %dma_start3A_435 : memref<1x128xi32, #tpu.memory_space<vmem>> -> memref<128xi32, #tpu.memory_space<vmem>>
      %dma_start3A_437 = arith.constant 0 : i32
      %dma_start3A_438 = arith.constant 0 : i32
      %dma_start3A_439 = tpu.memref_slice %arg12[%dma_start3A_437, %dma_start3A_438] : memref<10240x48xf32, #tpu.memory_space<vmem_shared>> -> memref<10240x48xf32, #tpu.memory_space<vmem_shared>>
      tpu.enqueue_indirect_dma source(%dma_start3A_439 : memref<10240x48xf32, #tpu.memory_space<vmem_shared>>) target(%arg11 : memref<128x48xf32, #tpu.memory_space<vmem>>) offsets(%dma_start3A_436 : memref<128xi32, #tpu.memory_space<vmem>>) semaphore(%arg17 : memref<!tpu.dma_semaphore, #tpu.memory_space<semaphore_mem>>)
    }
    %scan3A_260 = arith.constant 20 : i32
    %dma_wait3A_261 = arith.constant 80 : i32
    %dma_wait3A_262 = arith.constant 0 : i32
    %dma_wait3A_263 = tpu.memref_slice %arg6[%dma_wait3A_261, %dma_wait3A_262] : memref<84x128xi32, #tpu.memory_space<vmem>> -> memref<1x128xi32, #tpu.memory_space<vmem>>
    %dma_wait3A_264 = tpu.memref_squeeze %dma_wait3A_263 : memref<1x128xi32, #tpu.memory_space<vmem>> -> memref<128xi32, #tpu.memory_space<vmem>>
    %dma_wait3A_265 = arith.constant 0 : i32
    %dma_wait3A_266 = arith.constant 0 : i32
    %dma_wait3A_267 = tpu.memref_slice %arg12[%dma_wait3A_265, %dma_wait3A_266] : memref<10240x48xf32, #tpu.memory_space<vmem_shared>> -> memref<10240x48xf32, #tpu.memory_space<vmem_shared>>
    tpu.wait_indirect_dma semaphore(%arg14 : memref<!tpu.dma_semaphore, #tpu.memory_space<semaphore_mem>>) src(%dma_wait3A_267 : memref<10240x48xf32, #tpu.memory_space<vmem_shared>>) dst(%arg8 : memref<128x48xf32, #tpu.memory_space<vmem>>)
    %run_scoped3A_268 = arith.constant 80 : i32
    "tpu.region"() ({
      %run_scoped3A_299 = tpu.sem_alloc : memref<!tpu.dma_semaphore, #tpu.memory_space<semaphore_mem>>
      %dma_start3A_300 = arith.constant 0 : i32
      %dma_start3A_301 = tpu.memref_slice %arg7[%run_scoped3A_268, %dma_start3A_300] : memref<84x128xi32, #tpu.memory_space<vmem>> -> memref<1x128xi32, #tpu.memory_space<vmem>>
      %dma_start3A_302 = tpu.memref_squeeze %dma_start3A_301 : memref<1x128xi32, #tpu.memory_space<vmem>> -> memref<128xi32, #tpu.memory_space<vmem>>
      %dma_start3A_303 = arith.constant 0 : i32
      %dma_start3A_304 = arith.constant 0 : i32
      %dma_start3A_305 = tpu.memref_slice %arg13[%dma_start3A_303, %dma_start3A_304] : memref<10240x48xf32, #tpu.memory_space<vmem_shared>> -> memref<10240x48xf32, #tpu.memory_space<vmem_shared>>
      tpu.enqueue_indirect_dma source(%arg8 : memref<128x48xf32, #tpu.memory_space<vmem>>) target(%dma_start3A_305 : memref<10240x48xf32, #tpu.memory_space<vmem_shared>>) offsets(%dma_start3A_302 : memref<128xi32, #tpu.memory_space<vmem>>) semaphore(%run_scoped3A_299 : memref<!tpu.dma_semaphore, #tpu.memory_space<semaphore_mem>>) {add = true}
      %dma_wait3A_306 = arith.constant 0 : i32
      %dma_wait3A_307 = tpu.memref_slice %arg7[%run_scoped3A_268, %dma_wait3A_306] : memref<84x128xi32, #tpu.memory_space<vmem>> -> memref<1x128xi32, #tpu.memory_space<vmem>>
      %dma_wait3A_308 = tpu.memref_squeeze %dma_wait3A_307 : memref<1x128xi32, #tpu.memory_space<vmem>> -> memref<128xi32, #tpu.memory_space<vmem>>
      %dma_wait3A_309 = arith.constant 0 : i32
      %dma_wait3A_310 = arith.constant 0 : i32
      %dma_wait3A_311 = tpu.memref_slice %arg13[%dma_wait3A_309, %dma_wait3A_310] : memref<10240x48xf32, #tpu.memory_space<vmem_shared>> -> memref<10240x48xf32, #tpu.memory_space<vmem_shared>>
      tpu.wait_indirect_dma semaphore(%run_scoped3A_299 : memref<!tpu.dma_semaphore, #tpu.memory_space<semaphore_mem>>) src(%arg8 : memref<128x48xf32, #tpu.memory_space<vmem>>) dst(%dma_wait3A_311 : memref<10240x48xf32, #tpu.memory_space<vmem_shared>>)
      tpu.yield
    }) : () -> ()
    %dma_wait3A_269 = arith.constant 81 : i32
    %dma_wait3A_270 = arith.constant 0 : i32
    %dma_wait3A_271 = tpu.memref_slice %arg6[%dma_wait3A_269, %dma_wait3A_270] : memref<84x128xi32, #tpu.memory_space<vmem>> -> memref<1x128xi32, #tpu.memory_space<vmem>>
    %dma_wait3A_272 = tpu.memref_squeeze %dma_wait3A_271 : memref<1x128xi32, #tpu.memory_space<vmem>> -> memref<128xi32, #tpu.memory_space<vmem>>
    %dma_wait3A_273 = arith.constant 0 : i32
    %dma_wait3A_274 = arith.constant 0 : i32
    %dma_wait3A_275 = tpu.memref_slice %arg12[%dma_wait3A_273, %dma_wait3A_274] : memref<10240x48xf32, #tpu.memory_space<vmem_shared>> -> memref<10240x48xf32, #tpu.memory_space<vmem_shared>>
    tpu.wait_indirect_dma semaphore(%arg15 : memref<!tpu.dma_semaphore, #tpu.memory_space<semaphore_mem>>) src(%dma_wait3A_275 : memref<10240x48xf32, #tpu.memory_space<vmem_shared>>) dst(%arg9 : memref<128x48xf32, #tpu.memory_space<vmem>>)
    %run_scoped3A_276 = arith.constant 81 : i32
    "tpu.region"() ({
      %run_scoped3A_299 = tpu.sem_alloc : memref<!tpu.dma_semaphore, #tpu.memory_space<semaphore_mem>>
      %dma_start3A_300 = arith.constant 0 : i32
      %dma_start3A_301 = tpu.memref_slice %arg7[%run_scoped3A_276, %dma_start3A_300] : memref<84x128xi32, #tpu.memory_space<vmem>> -> memref<1x128xi32, #tpu.memory_space<vmem>>
      %dma_start3A_302 = tpu.memref_squeeze %dma_start3A_301 : memref<1x128xi32, #tpu.memory_space<vmem>> -> memref<128xi32, #tpu.memory_space<vmem>>
      %dma_start3A_303 = arith.constant 0 : i32
      %dma_start3A_304 = arith.constant 0 : i32
      %dma_start3A_305 = tpu.memref_slice %arg13[%dma_start3A_303, %dma_start3A_304] : memref<10240x48xf32, #tpu.memory_space<vmem_shared>> -> memref<10240x48xf32, #tpu.memory_space<vmem_shared>>
      tpu.enqueue_indirect_dma source(%arg9 : memref<128x48xf32, #tpu.memory_space<vmem>>) target(%dma_start3A_305 : memref<10240x48xf32, #tpu.memory_space<vmem_shared>>) offsets(%dma_start3A_302 : memref<128xi32, #tpu.memory_space<vmem>>) semaphore(%run_scoped3A_299 : memref<!tpu.dma_semaphore, #tpu.memory_space<semaphore_mem>>) {add = true}
      %dma_wait3A_306 = arith.constant 0 : i32
      %dma_wait3A_307 = tpu.memref_slice %arg7[%run_scoped3A_276, %dma_wait3A_306] : memref<84x128xi32, #tpu.memory_space<vmem>> -> memref<1x128xi32, #tpu.memory_space<vmem>>
      %dma_wait3A_308 = tpu.memref_squeeze %dma_wait3A_307 : memref<1x128xi32, #tpu.memory_space<vmem>> -> memref<128xi32, #tpu.memory_space<vmem>>
      %dma_wait3A_309 = arith.constant 0 : i32
      %dma_wait3A_310 = arith.constant 0 : i32
      %dma_wait3A_311 = tpu.memref_slice %arg13[%dma_wait3A_309, %dma_wait3A_310] : memref<10240x48xf32, #tpu.memory_space<vmem_shared>> -> memref<10240x48xf32, #tpu.memory_space<vmem_shared>>
      tpu.wait_indirect_dma semaphore(%run_scoped3A_299 : memref<!tpu.dma_semaphore, #tpu.memory_space<semaphore_mem>>) src(%arg9 : memref<128x48xf32, #tpu.memory_space<vmem>>) dst(%dma_wait3A_311 : memref<10240x48xf32, #tpu.memory_space<vmem_shared>>)
      tpu.yield
    }) : () -> ()
    %dma_wait3A_277 = arith.constant 82 : i32
    %dma_wait3A_278 = arith.constant 0 : i32
    %dma_wait3A_279 = tpu.memref_slice %arg6[%dma_wait3A_277, %dma_wait3A_278] : memref<84x128xi32, #tpu.memory_space<vmem>> -> memref<1x128xi32, #tpu.memory_space<vmem>>
    %dma_wait3A_280 = tpu.memref_squeeze %dma_wait3A_279 : memref<1x128xi32, #tpu.memory_space<vmem>> -> memref<128xi32, #tpu.memory_space<vmem>>
    %dma_wait3A_281 = arith.constant 0 : i32
    %dma_wait3A_282 = arith.constant 0 : i32
    %dma_wait3A_283 = tpu.memref_slice %arg12[%dma_wait3A_281, %dma_wait3A_282] : memref<10240x48xf32, #tpu.memory_space<vmem_shared>> -> memref<10240x48xf32, #tpu.memory_space<vmem_shared>>
    tpu.wait_indirect_dma semaphore(%arg16 : memref<!tpu.dma_semaphore, #tpu.memory_space<semaphore_mem>>) src(%dma_wait3A_283 : memref<10240x48xf32, #tpu.memory_space<vmem_shared>>) dst(%arg10 : memref<128x48xf32, #tpu.memory_space<vmem>>)
    %run_scoped3A_284 = arith.constant 82 : i32
    "tpu.region"() ({
      %run_scoped3A_299 = tpu.sem_alloc : memref<!tpu.dma_semaphore, #tpu.memory_space<semaphore_mem>>
      %dma_start3A_300 = arith.constant 0 : i32
      %dma_start3A_301 = tpu.memref_slice %arg7[%run_scoped3A_284, %dma_start3A_300] : memref<84x128xi32, #tpu.memory_space<vmem>> -> memref<1x128xi32, #tpu.memory_space<vmem>>
      %dma_start3A_302 = tpu.memref_squeeze %dma_start3A_301 : memref<1x128xi32, #tpu.memory_space<vmem>> -> memref<128xi32, #tpu.memory_space<vmem>>
      %dma_start3A_303 = arith.constant 0 : i32
      %dma_start3A_304 = arith.constant 0 : i32
      %dma_start3A_305 = tpu.memref_slice %arg13[%dma_start3A_303, %dma_start3A_304] : memref<10240x48xf32, #tpu.memory_space<vmem_shared>> -> memref<10240x48xf32, #tpu.memory_space<vmem_shared>>
      tpu.enqueue_indirect_dma source(%arg10 : memref<128x48xf32, #tpu.memory_space<vmem>>) target(%dma_start3A_305 : memref<10240x48xf32, #tpu.memory_space<vmem_shared>>) offsets(%dma_start3A_302 : memref<128xi32, #tpu.memory_space<vmem>>) semaphore(%run_scoped3A_299 : memref<!tpu.dma_semaphore, #tpu.memory_space<semaphore_mem>>) {add = true}
      %dma_wait3A_306 = arith.constant 0 : i32
      %dma_wait3A_307 = tpu.memref_slice %arg7[%run_scoped3A_284, %dma_wait3A_306] : memref<84x128xi32, #tpu.memory_space<vmem>> -> memref<1x128xi32, #tpu.memory_space<vmem>>
      %dma_wait3A_308 = tpu.memref_squeeze %dma_wait3A_307 : memref<1x128xi32, #tpu.memory_space<vmem>> -> memref<128xi32, #tpu.memory_space<vmem>>
      %dma_wait3A_309 = arith.constant 0 : i32
      %dma_wait3A_310 = arith.constant 0 : i32
      %dma_wait3A_311 = tpu.memref_slice %arg13[%dma_wait3A_309, %dma_wait3A_310] : memref<10240x48xf32, #tpu.memory_space<vmem_shared>> -> memref<10240x48xf32, #tpu.memory_space<vmem_shared>>
      tpu.wait_indirect_dma semaphore(%run_scoped3A_299 : memref<!tpu.dma_semaphore, #tpu.memory_space<semaphore_mem>>) src(%arg10 : memref<128x48xf32, #tpu.memory_space<vmem>>) dst(%dma_wait3A_311 : memref<10240x48xf32, #tpu.memory_space<vmem_shared>>)
      tpu.yield
    }) : () -> ()
    %dma_wait3A_285 = arith.constant 83 : i32
    %dma_wait3A_286 = arith.constant 0 : i32
    %dma_wait3A_287 = tpu.memref_slice %arg6[%dma_wait3A_285, %dma_wait3A_286] : memref<84x128xi32, #tpu.memory_space<vmem>> -> memref<1x128xi32, #tpu.memory_space<vmem>>
    %dma_wait3A_288 = tpu.memref_squeeze %dma_wait3A_287 : memref<1x128xi32, #tpu.memory_space<vmem>> -> memref<128xi32, #tpu.memory_space<vmem>>
    %dma_wait3A_289 = arith.constant 0 : i32
    %dma_wait3A_290 = arith.constant 0 : i32
    %dma_wait3A_291 = tpu.memref_slice %arg12[%dma_wait3A_289, %dma_wait3A_290] : memref<10240x48xf32, #tpu.memory_space<vmem_shared>> -> memref<10240x48xf32, #tpu.memory_space<vmem_shared>>
    tpu.wait_indirect_dma semaphore(%arg17 : memref<!tpu.dma_semaphore, #tpu.memory_space<semaphore_mem>>) src(%dma_wait3A_291 : memref<10240x48xf32, #tpu.memory_space<vmem_shared>>) dst(%arg11 : memref<128x48xf32, #tpu.memory_space<vmem>>)
    %run_scoped3A_292 = arith.constant 83 : i32
    "tpu.region"() ({
      %run_scoped3A_299 = tpu.sem_alloc : memref<!tpu.dma_semaphore, #tpu.memory_space<semaphore_mem>>
      %dma_start3A_300 = arith.constant 0 : i32
      %dma_start3A_301 = tpu.memref_slice %arg7[%run_scoped3A_292, %dma_start3A_300] : memref<84x128xi32, #tpu.memory_space<vmem>> -> memref<1x128xi32, #tpu.memory_space<vmem>>
      %dma_start3A_302 = tpu.memref_squeeze %dma_start3A_301 : memref<1x128xi32, #tpu.memory_space<vmem>> -> memref<128xi32, #tpu.memory_space<vmem>>
      %dma_start3A_303 = arith.constant 0 : i32
      %dma_start3A_304 = arith.constant 0 : i32
      %dma_start3A_305 = tpu.memref_slice %arg13[%dma_start3A_303, %dma_start3A_304] : memref<10240x48xf32, #tpu.memory_space<vmem_shared>> -> memref<10240x48xf32, #tpu.memory_space<vmem_shared>>
      tpu.enqueue_indirect_dma source(%arg11 : memref<128x48xf32, #tpu.memory_space<vmem>>) target(%dma_start3A_305 : memref<10240x48xf32, #tpu.memory_space<vmem_shared>>) offsets(%dma_start3A_302 : memref<128xi32, #tpu.memory_space<vmem>>) semaphore(%run_scoped3A_299 : memref<!tpu.dma_semaphore, #tpu.memory_space<semaphore_mem>>) {add = true}
      %dma_wait3A_306 = arith.constant 0 : i32
      %dma_wait3A_307 = tpu.memref_slice %arg7[%run_scoped3A_292, %dma_wait3A_306] : memref<84x128xi32, #tpu.memory_space<vmem>> -> memref<1x128xi32, #tpu.memory_space<vmem>>
      %dma_wait3A_308 = tpu.memref_squeeze %dma_wait3A_307 : memref<1x128xi32, #tpu.memory_space<vmem>> -> memref<128xi32, #tpu.memory_space<vmem>>
      %dma_wait3A_309 = arith.constant 0 : i32
      %dma_wait3A_310 = arith.constant 0 : i32
      %dma_wait3A_311 = tpu.memref_slice %arg13[%dma_wait3A_309, %dma_wait3A_310] : memref<10240x48xf32, #tpu.memory_space<vmem_shared>> -> memref<10240x48xf32, #tpu.memory_space<vmem_shared>>
      tpu.wait_indirect_dma semaphore(%run_scoped3A_299 : memref<!tpu.dma_semaphore, #tpu.memory_space<semaphore_mem>>) src(%arg11 : memref<128x48xf32, #tpu.memory_space<vmem>>) dst(%dma_wait3A_311 : memref<10240x48xf32, #tpu.memory_space<vmem_shared>>)
      tpu.yield
    }) : () -> ()
    %barrier3A_293 = arith.constant 0 : index
    tpu.barrier barrier_id(%barrier3A_293)
    %mul3A_294 = arith.constant 640 : i32
    %mul3A_295 = arith.muli %arg1, %mul3A_294 : i32
    %mul3A_296 = arith.constant 640 : i32
    %mul3A_297 = arith.muli %arg1, %mul3A_296 : i32
    %run_scoped3A_298 = arith.constant 2 : i32
    "tpu.region"() ({
      %run_scoped3A_299 = tpu.sem_alloc : memref<!tpu.dma_semaphore, #tpu.memory_space<semaphore_mem>>
      %dma_start3A_300 = arith.constant 0 : i32
      %dma_start3A_301 = tpu.memref_slice %arg5[%arg0, %run_scoped3A_298, %mul3A_297, %dma_start3A_300] : memref<2x3x10240x48xf32, #tpu.memory_space<hbm>> -> memref<1x1x640x48xf32, #tpu.memory_space<hbm>>
      %dma_start3A_302 = tpu.memref_squeeze %dma_start3A_301 : memref<1x1x640x48xf32, #tpu.memory_space<hbm>> -> memref<640x48xf32, #tpu.memory_space<hbm>>
      %dma_start3A_303 = arith.constant 0 : i32
      %dma_start3A_304 = tpu.memref_slice %arg13[%mul3A_295, %dma_start3A_303] : memref<10240x48xf32, #tpu.memory_space<vmem_shared>> -> memref<640x48xf32, #tpu.memory_space<vmem_shared>>
      tpu.enqueue_dma source(%dma_start3A_304 : memref<640x48xf32, #tpu.memory_space<vmem_shared>>) target(%dma_start3A_302 : memref<640x48xf32, #tpu.memory_space<hbm>>) target_semaphore(%run_scoped3A_299 : memref<!tpu.dma_semaphore, #tpu.memory_space<semaphore_mem>>)
      %dma_wait3A_305 = arith.constant 0 : i32
      %dma_wait3A_306 = tpu.memref_slice %arg5[%arg0, %run_scoped3A_298, %mul3A_297, %dma_wait3A_305] : memref<2x3x10240x48xf32, #tpu.memory_space<hbm>> -> memref<1x1x640x48xf32, #tpu.memory_space<hbm>>
      %dma_wait3A_307 = tpu.memref_squeeze %dma_wait3A_306 : memref<1x1x640x48xf32, #tpu.memory_space<hbm>> -> memref<640x48xf32, #tpu.memory_space<hbm>>
      %dma_wait3A_308 = arith.constant 0 : i32
      %dma_wait3A_309 = tpu.memref_slice %arg13[%mul3A_295, %dma_wait3A_308] : memref<10240x48xf32, #tpu.memory_space<vmem_shared>> -> memref<640x48xf32, #tpu.memory_space<vmem_shared>>
      tpu.wait_dma2 semaphore(%run_scoped3A_299 : memref<!tpu.dma_semaphore, #tpu.memory_space<semaphore_mem>>) src(%dma_wait3A_309 : memref<640x48xf32, #tpu.memory_space<vmem_shared>>) dst(%dma_wait3A_307 : memref<640x48xf32, #tpu.memory_space<hbm>>)
      tpu.yield
    }) : () -> ()
    return
  }
}

module attributes {stable_mosaic.version = 14 : i64} {
  func.func @_tc1_body(%arg0: memref<2x10240x1xf32, #tpu.memory_space<vmem>>, %arg1: memref<10240x128xf32, #tpu.memory_space<vmem>>, %arg2: memref<10240x1xf32, #tpu.memory_space<vmem>>, %arg3: memref<10240x144xf32, #tpu.memory_space<vmem>>) attributes {dimension_semantics = [], scalar_prefetch = 0 : i64, scratch_operands = 0 : i64, tpu.core_type = #tpu.core_type<tc>} {
    %get3A = arith.constant 0 : index
    %get3A_0 = arith.constant 0 : index
    %get3A_1 = arith.constant 0 : index
    %get3A_2 = vector.load %arg0[%get3A, %get3A_0, %get3A_1] : memref<2x10240x1xf32, #tpu.memory_space<vmem>>, vector<1x10240x1xf32>
    %get3A_3 = vector.shape_cast %get3A_2 : vector<1x10240x1xf32> to vector<10240x1xf32>
    %get3A_4 = arith.constant 1 : index
    %get3A_5 = arith.constant 0 : index
    %get3A_6 = arith.constant 0 : index
    %get3A_7 = vector.load %arg0[%get3A_4, %get3A_5, %get3A_6] : memref<2x10240x1xf32, #tpu.memory_space<vmem>>, vector<1x10240x1xf32>
    %get3A_8 = vector.shape_cast %get3A_7 : vector<1x10240x1xf32> to vector<10240x1xf32>
    %add3A = arith.addf %get3A_3, %get3A_8 : vector<10240x1xf32>
    %add3A_9 = arith.constant 1.000000e+00 : f32
    %add3A_10 = vector.broadcast %add3A_9 : f32 to vector<10240x1xf32>
    %add3A_11 = arith.addf %add3A, %add3A_10 : vector<10240x1xf32>
    %rsqrt3A = math.rsqrt %add3A_11 : vector<10240x1xf32>
    %swap3A = arith.constant 0 : index
    %swap3A_12 = arith.constant 0 : index
    %swap3A_13 = vector.load %arg2[%swap3A, %swap3A_12] : memref<10240x1xf32, #tpu.memory_space<vmem>>, vector<10240x1xf32>
    tpu.vector_store %arg2[%swap3A, %swap3A_12], %rsqrt3A {strides = array<i32>} : memref<10240x1xf32, #tpu.memory_space<vmem>>, vector<10240x1xf32>,
    %get3A_14 = arith.constant 0 : index
    %get3A_15 = arith.constant 0 : index
    %get3A_16 = vector.load %arg1[%get3A_14, %get3A_15] : memref<10240x128xf32, #tpu.memory_space<vmem>>, vector<10240x128xf32>
    %mul3A = vector.broadcast %rsqrt3A : vector<10240x1xf32> to vector<10240x128xf32>
    %mul3A_17 = arith.mulf %get3A_16, %mul3A : vector<10240x128xf32>
    %broadcast_in_dim3A = arith.constant 0.000000e+00 : f32
    %broadcast_in_dim3A_18 = vector.broadcast %broadcast_in_dim3A : f32 to vector<10240x16xf32>
    %concatenate3A = tpu.concatenate %mul3A_17, %broadcast_in_dim3A_18 in 1 : vector<10240x128xf32>, vector<10240x16xf32> -> vector<10240x144xf32>
    %swap3A_19 = arith.constant 0 : index
    %swap3A_20 = arith.constant 0 : index
    %swap3A_21 = vector.load %arg3[%swap3A_19, %swap3A_20] : memref<10240x144xf32, #tpu.memory_space<vmem>>, vector<10240x144xf32>
    tpu.vector_store %arg3[%swap3A_19, %swap3A_20], %concatenate3A {strides = array<i32>} : memref<10240x144xf32, #tpu.memory_space<vmem>>, vector<10240x144xf32>,
    return
  }
}

module attributes {stable_mosaic.version = 14 : i64} {
  func.func @_tc2_body(%arg0: i32, %arg1: memref<2x3x2048x48xf32, #tpu.memory_space<vmem>>, %arg2: memref<2048x128xf32, #tpu.memory_space<vmem>>, %arg3: memref<2048x1xf32, #tpu.memory_space<vmem>>, %arg4: memref<128x256xf32, #tpu.memory_space<vmem>>, %arg5: memref<1x256xf32, #tpu.memory_space<vmem>>, %arg6: memref<256x128xf32, #tpu.memory_space<vmem>>, %arg7: memref<2048x128xf32, #tpu.memory_space<vmem>>, %arg8: memref<2048x144xf32, #tpu.memory_space<vmem>>) attributes {dimension_semantics = [#tpu.dimension_semantics<arbitrary>], iteration_bounds = array<i64: 5>, scalar_prefetch = 0 : i64, scratch_operands = 0 : i64, tpu.core_type = #tpu.core_type<tc>, window_params = [{transform_indices = @transform_0, window_bounds = array<i64: 2, 3, 2048, 48>}, {transform_indices = @transform_1, window_bounds = array<i64: 2048, 128>}, {transform_indices = @transform_2, window_bounds = array<i64: 2048, 1>}, {pipeline_mode = #tpu.pipeline_mode<synchronous>, transform_indices = @transform_3, window_bounds = array<i64: 128, 256>}, {pipeline_mode = #tpu.pipeline_mode<synchronous>, transform_indices = @transform_4, window_bounds = array<i64: 1, 256>}, {pipeline_mode = #tpu.pipeline_mode<synchronous>, transform_indices = @transform_5, window_bounds = array<i64: 256, 128>}, {transform_indices = @transform_6, window_bounds = array<i64: 2048, 128>}, {transform_indices = @transform_7, window_bounds = array<i64: 2048, 144>}]} {
    %get3A = arith.constant 0 : index
    %get3A_0 = arith.constant 0 : index
    %get3A_1 = vector.load %arg3[%get3A, %get3A_0] : memref<2048x1xf32, #tpu.memory_space<vmem>>, vector<2048x1xf32>
    %get3A_2 = arith.constant 0 : index
    %get3A_3 = arith.constant 2 : index
    %get3A_4 = arith.constant 0 : index
    %get3A_5 = arith.constant 0 : index
    %get3A_6 = vector.load %arg1[%get3A_2, %get3A_3, %get3A_4, %get3A_5] : memref<2x3x2048x48xf32, #tpu.memory_space<vmem>>, vector<1x1x2048x48xf32>
    %get3A_7 = vector.shape_cast %get3A_6 : vector<1x1x2048x48xf32> to vector<2048x48xf32>
    %get3A_8 = arith.constant 1 : index
    %get3A_9 = arith.constant 2 : index
    %get3A_10 = arith.constant 0 : index
    %get3A_11 = arith.constant 0 : index
    %get3A_12 = vector.load %arg1[%get3A_8, %get3A_9, %get3A_10, %get3A_11] : memref<2x3x2048x48xf32, #tpu.memory_space<vmem>>, vector<1x1x2048x48xf32>
    %get3A_13 = vector.shape_cast %get3A_12 : vector<1x1x2048x48xf32> to vector<2048x48xf32>
    %add3A = arith.addf %get3A_7, %get3A_13 : vector<2048x48xf32>
    %slice3A = vector.extract_strided_slice %add3A {offsets = [0, 0], sizes = [2048, 32], strides = [1, 1]} : vector<2048x48xf32> to vector<2048x32xf32>
    %get3A_14 = arith.constant 0 : index
    %get3A_15 = arith.constant 0 : index
    %get3A_16 = arith.constant 0 : index
    %get3A_17 = arith.constant 0 : index
    %get3A_18 = vector.load %arg1[%get3A_14, %get3A_15, %get3A_16, %get3A_17] : memref<2x3x2048x48xf32, #tpu.memory_space<vmem>>, vector<1x1x2048x48xf32>
    %get3A_19 = vector.shape_cast %get3A_18 : vector<1x1x2048x48xf32> to vector<2048x48xf32>
    %get3A_20 = arith.constant 1 : index
    %get3A_21 = arith.constant 0 : index
    %get3A_22 = arith.constant 0 : index
    %get3A_23 = arith.constant 0 : index
    %get3A_24 = vector.load %arg1[%get3A_20, %get3A_21, %get3A_22, %get3A_23] : memref<2x3x2048x48xf32, #tpu.memory_space<vmem>>, vector<1x1x2048x48xf32>
    %get3A_25 = vector.shape_cast %get3A_24 : vector<1x1x2048x48xf32> to vector<2048x48xf32>
    %add3A_26 = arith.addf %get3A_19, %get3A_25 : vector<2048x48xf32>
    %get3A_27 = arith.constant 0 : index
    %get3A_28 = arith.constant 1 : index
    %get3A_29 = arith.constant 0 : index
    %get3A_30 = arith.constant 0 : index
    %get3A_31 = vector.load %arg1[%get3A_27, %get3A_28, %get3A_29, %get3A_30] : memref<2x3x2048x48xf32, #tpu.memory_space<vmem>>, vector<1x1x2048x48xf32>
    %get3A_32 = vector.shape_cast %get3A_31 : vector<1x1x2048x48xf32> to vector<2048x48xf32>
    %get3A_33 = arith.constant 1 : index
    %get3A_34 = arith.constant 1 : index
    %get3A_35 = arith.constant 0 : index
    %get3A_36 = arith.constant 0 : index
    %get3A_37 = vector.load %arg1[%get3A_33, %get3A_34, %get3A_35, %get3A_36] : memref<2x3x2048x48xf32, #tpu.memory_space<vmem>>, vector<1x1x2048x48xf32>
    %get3A_38 = vector.shape_cast %get3A_37 : vector<1x1x2048x48xf32> to vector<2048x48xf32>
    %add3A_39 = arith.addf %get3A_32, %get3A_38 : vector<2048x48xf32>
    %concatenate3A = tpu.concatenate %add3A_26, %add3A_39, %slice3A in 1 : vector<2048x48xf32>, vector<2048x48xf32>, vector<2048x32xf32> -> vector<2048x128xf32>
    %mul3A = vector.broadcast %get3A_1 : vector<2048x1xf32> to vector<2048x128xf32>
    %mul3A_40 = arith.mulf %mul3A, %concatenate3A : vector<2048x128xf32>
    %mul3A_41 = arith.mulf %get3A_1, %get3A_1 : vector<2048x1xf32>
    %get3A_42 = arith.constant 0 : index
    %get3A_43 = arith.constant 0 : index
    %get3A_44 = vector.load %arg2[%get3A_42, %get3A_43] : memref<2048x128xf32, #tpu.memory_space<vmem>>, vector<2048x128xf32>
    %mul3A_45 = vector.broadcast %mul3A_41 : vector<2048x1xf32> to vector<2048x128xf32>
    %mul3A_46 = arith.mulf %mul3A_45, %get3A_44 : vector<2048x128xf32>
    %add3A_47 = arith.addf %mul3A_40, %mul3A_46 : vector<2048x128xf32>
    %get3A_48 = arith.constant 0 : index
    %get3A_49 = arith.constant 0 : index
    %get3A_50 = vector.load %arg4[%get3A_48, %get3A_49] : memref<128x256xf32, #tpu.memory_space<vmem>>, vector<128x256xf32>
    %dot_general3A = arith.constant dense<0.000000e+00> : vector<2048x256xf32>
    %dot_general3A_51 = tpu.matmul %add3A_47, %get3A_50, %dot_general3A {dimension_numbers = #tpu.dot_dimension_numbers<[1], [0], [0], [1], [0, 0, 1, 1], [], []>, transpose_lhs_hint = false} : vector<2048x128xf32>, vector<128x256xf32>, vector<2048x256xf32> -> vector<2048x256xf32>
    %get3A_52 = arith.constant 0 : index
    %get3A_53 = arith.constant 0 : index
    %get3A_54 = vector.load %arg5[%get3A_52, %get3A_53] : memref<1x256xf32, #tpu.memory_space<vmem>>, vector<1x256xf32>
    %add3A_55 = vector.broadcast %get3A_54 : vector<1x256xf32> to vector<2048x256xf32>
    %add3A_56 = arith.addf %dot_general3A_51, %add3A_55 : vector<2048x256xf32>
    %max3A = arith.constant 0.000000e+00 : f32
    %max3A_57 = vector.broadcast %max3A : f32 to vector<2048x256xf32>
    %max3A_58 = arith.maximumf %add3A_56, %max3A_57 : vector<2048x256xf32>
    %get3A_59 = arith.constant 0 : index
    %get3A_60 = arith.constant 0 : index
    %get3A_61 = vector.load %arg6[%get3A_59, %get3A_60] : memref<256x128xf32, #tpu.memory_space<vmem>>, vector<256x128xf32>
    %dot_general3A_62 = arith.constant dense<0.000000e+00> : vector<2048x128xf32>
    %dot_general3A_63 = tpu.matmul %max3A_58, %get3A_61, %dot_general3A_62 {dimension_numbers = #tpu.dot_dimension_numbers<[1], [0], [0], [1], [0, 0, 1, 1], [], []>, transpose_lhs_hint = false} : vector<2048x256xf32>, vector<256x128xf32>, vector<2048x128xf32> -> vector<2048x128xf32>
    %swap3A = arith.constant 0 : index
    %swap3A_64 = arith.constant 0 : index
    %swap3A_65 = vector.load %arg7[%swap3A, %swap3A_64] : memref<2048x128xf32, #tpu.memory_space<vmem>>, vector<2048x128xf32>
    tpu.vector_store %arg7[%swap3A, %swap3A_64], %dot_general3A_63 {strides = array<i32>} : memref<2048x128xf32, #tpu.memory_space<vmem>>, vector<2048x128xf32>,
    %mul3A_66 = vector.broadcast %get3A_1 : vector<2048x1xf32> to vector<2048x128xf32>
    %mul3A_67 = arith.mulf %dot_general3A_63, %mul3A_66 : vector<2048x128xf32>
    %broadcast_in_dim3A = arith.constant 0.000000e+00 : f32
    %broadcast_in_dim3A_68 = vector.broadcast %broadcast_in_dim3A : f32 to vector<2048x16xf32>
    %concatenate3A_69 = tpu.concatenate %mul3A_67, %broadcast_in_dim3A_68 in 1 : vector<2048x128xf32>, vector<2048x16xf32> -> vector<2048x144xf32>
    %swap3A_70 = arith.constant 0 : index
    %swap3A_71 = arith.constant 0 : index
    %swap3A_72 = vector.load %arg8[%swap3A_70, %swap3A_71] : memref<2048x144xf32, #tpu.memory_space<vmem>>, vector<2048x144xf32>
    tpu.vector_store %arg8[%swap3A_70, %swap3A_71], %concatenate3A_69 {strides = array<i32>} : memref<2048x144xf32, #tpu.memory_space<vmem>>, vector<2048x144xf32>,
    return
  }
  func.func @transform_0(%arg0: i32) -> (i32, i32, i32, i32) {
    %c0_i32 = arith.constant 0 : i32
    %c0_i32_0 = arith.constant 0 : i32
    %c0_i32_1 = arith.constant 0 : i32
    %c0_i32_2 = arith.constant 0 : i32
    return %c0_i32, %c0_i32_0, %arg0, %c0_i32_1 : i32, i32, i32, i32
  }
  func.func @transform_1(%arg0: i32) -> (i32, i32) {
    %c0_i32 = arith.constant 0 : i32
    %c0_i32_0 = arith.constant 0 : i32
    return %arg0, %c0_i32 : i32, i32
  }
  func.func @transform_2(%arg0: i32) -> (i32, i32) {
    %c0_i32 = arith.constant 0 : i32
    %c0_i32_0 = arith.constant 0 : i32
    return %arg0, %c0_i32 : i32, i32
  }
  func.func @transform_3(%arg0: i32) -> (i32, i32) {
    %c0_i32 = arith.constant 0 : i32
    %c0_i32_0 = arith.constant 0 : i32
    %c0_i32_1 = arith.constant 0 : i32
    return %c0_i32, %c0_i32_0 : i32, i32
  }
  func.func @transform_4(%arg0: i32) -> (i32, i32) {
    %c0_i32 = arith.constant 0 : i32
    %c0_i32_0 = arith.constant 0 : i32
    %c0_i32_1 = arith.constant 0 : i32
    return %c0_i32, %c0_i32_0 : i32, i32
  }
  func.func @transform_5(%arg0: i32) -> (i32, i32) {
    %c0_i32 = arith.constant 0 : i32
    %c0_i32_0 = arith.constant 0 : i32
    %c0_i32_1 = arith.constant 0 : i32
    return %c0_i32, %c0_i32_0 : i32, i32
  }
  func.func @transform_6(%arg0: i32) -> (i32, i32) {
    %c0_i32 = arith.constant 0 : i32
    %c0_i32_0 = arith.constant 0 : i32
    return %arg0, %c0_i32 : i32, i32
  }
  func.func @transform_7(%arg0: i32) -> (i32, i32) {
    %c0_i32 = arith.constant 0 : i32
    %c0_i32_0 = arith.constant 0 : i32
    return %arg0, %c0_i32 : i32, i32
  }
}

module attributes {stable_mosaic.version = 14 : i64} {
  func.func @_tc3_body(%arg0: i32, %arg1: memref<2x3x2048x48xf32, #tpu.memory_space<vmem>>, %arg2: memref<2048x128xf32, #tpu.memory_space<vmem>>, %arg3: memref<2048x1xf32, #tpu.memory_space<vmem>>, %arg4: memref<1x128xf32, #tpu.memory_space<vmem>>, %arg5: memref<2048x128xf32, #tpu.memory_space<vmem>>) attributes {dimension_semantics = [#tpu.dimension_semantics<arbitrary>], iteration_bounds = array<i64: 5>, scalar_prefetch = 0 : i64, scratch_operands = 0 : i64, tpu.core_type = #tpu.core_type<tc>, window_params = [{transform_indices = @transform_0, window_bounds = array<i64: 2, 3, 2048, 48>}, {transform_indices = @transform_1, window_bounds = array<i64: 2048, 128>}, {transform_indices = @transform_2, window_bounds = array<i64: 2048, 1>}, {pipeline_mode = #tpu.pipeline_mode<synchronous>, transform_indices = @transform_3, window_bounds = array<i64: 1, 128>}, {transform_indices = @transform_4, window_bounds = array<i64: 2048, 128>}]} {
    %get3A = arith.constant 0 : index
    %get3A_0 = arith.constant 0 : index
    %get3A_1 = vector.load %arg3[%get3A, %get3A_0] : memref<2048x1xf32, #tpu.memory_space<vmem>>, vector<2048x1xf32>
    %get3A_2 = arith.constant 0 : index
    %get3A_3 = arith.constant 2 : index
    %get3A_4 = arith.constant 0 : index
    %get3A_5 = arith.constant 0 : index
    %get3A_6 = vector.load %arg1[%get3A_2, %get3A_3, %get3A_4, %get3A_5] : memref<2x3x2048x48xf32, #tpu.memory_space<vmem>>, vector<1x1x2048x48xf32>
    %get3A_7 = vector.shape_cast %get3A_6 : vector<1x1x2048x48xf32> to vector<2048x48xf32>
    %get3A_8 = arith.constant 1 : index
    %get3A_9 = arith.constant 2 : index
    %get3A_10 = arith.constant 0 : index
    %get3A_11 = arith.constant 0 : index
    %get3A_12 = vector.load %arg1[%get3A_8, %get3A_9, %get3A_10, %get3A_11] : memref<2x3x2048x48xf32, #tpu.memory_space<vmem>>, vector<1x1x2048x48xf32>
    %get3A_13 = vector.shape_cast %get3A_12 : vector<1x1x2048x48xf32> to vector<2048x48xf32>
    %add3A = arith.addf %get3A_7, %get3A_13 : vector<2048x48xf32>
    %slice3A = vector.extract_strided_slice %add3A {offsets = [0, 0], sizes = [2048, 32], strides = [1, 1]} : vector<2048x48xf32> to vector<2048x32xf32>
    %get3A_14 = arith.constant 0 : index
    %get3A_15 = arith.constant 0 : index
    %get3A_16 = arith.constant 0 : index
    %get3A_17 = arith.constant 0 : index
    %get3A_18 = vector.load %arg1[%get3A_14, %get3A_15, %get3A_16, %get3A_17] : memref<2x3x2048x48xf32, #tpu.memory_space<vmem>>, vector<1x1x2048x48xf32>
    %get3A_19 = vector.shape_cast %get3A_18 : vector<1x1x2048x48xf32> to vector<2048x48xf32>
    %get3A_20 = arith.constant 1 : index
    %get3A_21 = arith.constant 0 : index
    %get3A_22 = arith.constant 0 : index
    %get3A_23 = arith.constant 0 : index
    %get3A_24 = vector.load %arg1[%get3A_20, %get3A_21, %get3A_22, %get3A_23] : memref<2x3x2048x48xf32, #tpu.memory_space<vmem>>, vector<1x1x2048x48xf32>
    %get3A_25 = vector.shape_cast %get3A_24 : vector<1x1x2048x48xf32> to vector<2048x48xf32>
    %add3A_26 = arith.addf %get3A_19, %get3A_25 : vector<2048x48xf32>
    %get3A_27 = arith.constant 0 : index
    %get3A_28 = arith.constant 1 : index
    %get3A_29 = arith.constant 0 : index
    %get3A_30 = arith.constant 0 : index
    %get3A_31 = vector.load %arg1[%get3A_27, %get3A_28, %get3A_29, %get3A_30] : memref<2x3x2048x48xf32, #tpu.memory_space<vmem>>, vector<1x1x2048x48xf32>
    %get3A_32 = vector.shape_cast %get3A_31 : vector<1x1x2048x48xf32> to vector<2048x48xf32>
    %get3A_33 = arith.constant 1 : index
    %get3A_34 = arith.constant 1 : index
    %get3A_35 = arith.constant 0 : index
    %get3A_36 = arith.constant 0 : index
    %get3A_37 = vector.load %arg1[%get3A_33, %get3A_34, %get3A_35, %get3A_36] : memref<2x3x2048x48xf32, #tpu.memory_space<vmem>>, vector<1x1x2048x48xf32>
    %get3A_38 = vector.shape_cast %get3A_37 : vector<1x1x2048x48xf32> to vector<2048x48xf32>
    %add3A_39 = arith.addf %get3A_32, %get3A_38 : vector<2048x48xf32>
    %concatenate3A = tpu.concatenate %add3A_26, %add3A_39, %slice3A in 1 : vector<2048x48xf32>, vector<2048x48xf32>, vector<2048x32xf32> -> vector<2048x128xf32>
    %mul3A = vector.broadcast %get3A_1 : vector<2048x1xf32> to vector<2048x128xf32>
    %mul3A_40 = arith.mulf %mul3A, %concatenate3A : vector<2048x128xf32>
    %mul3A_41 = arith.mulf %get3A_1, %get3A_1 : vector<2048x1xf32>
    %get3A_42 = arith.constant 0 : index
    %get3A_43 = arith.constant 0 : index
    %get3A_44 = vector.load %arg2[%get3A_42, %get3A_43] : memref<2048x128xf32, #tpu.memory_space<vmem>>, vector<2048x128xf32>
    %mul3A_45 = vector.broadcast %mul3A_41 : vector<2048x1xf32> to vector<2048x128xf32>
    %mul3A_46 = arith.mulf %mul3A_45, %get3A_44 : vector<2048x128xf32>
    %add3A_47 = arith.addf %mul3A_40, %mul3A_46 : vector<2048x128xf32>
    %get3A_48 = arith.constant 0 : index
    %get3A_49 = arith.constant 0 : index
    %get3A_50 = vector.load %arg4[%get3A_48, %get3A_49] : memref<1x128xf32, #tpu.memory_space<vmem>>, vector<1x128xf32>
    %add3A_51 = vector.broadcast %get3A_50 : vector<1x128xf32> to vector<2048x128xf32>
    %add3A_52 = arith.addf %add3A_47, %add3A_51 : vector<2048x128xf32>
    %swap3A = arith.constant 0 : index
    %swap3A_53 = arith.constant 0 : index
    %swap3A_54 = vector.load %arg5[%swap3A, %swap3A_53] : memref<2048x128xf32, #tpu.memory_space<vmem>>, vector<2048x128xf32>
    tpu.vector_store %arg5[%swap3A, %swap3A_53], %add3A_52 {strides = array<i32>} : memref<2048x128xf32, #tpu.memory_space<vmem>>, vector<2048x128xf32>,
    return
  }
  func.func @transform_0(%arg0: i32) -> (i32, i32, i32, i32) {
    %c0_i32 = arith.constant 0 : i32
    %c0_i32_0 = arith.constant 0 : i32
    %c0_i32_1 = arith.constant 0 : i32
    %c0_i32_2 = arith.constant 0 : i32
    return %c0_i32, %c0_i32_0, %arg0, %c0_i32_1 : i32, i32, i32, i32
  }
  func.func @transform_1(%arg0: i32) -> (i32, i32) {
    %c0_i32 = arith.constant 0 : i32
    %c0_i32_0 = arith.constant 0 : i32
    return %arg0, %c0_i32 : i32, i32
  }
  func.func @transform_2(%arg0: i32) -> (i32, i32) {
    %c0_i32 = arith.constant 0 : i32
    %c0_i32_0 = arith.constant 0 : i32
    return %arg0, %c0_i32 : i32, i32
  }
  func.func @transform_3(%arg0: i32) -> (i32, i32) {
    %c0_i32 = arith.constant 0 : i32
    %c0_i32_0 = arith.constant 0 : i32
    %c0_i32_1 = arith.constant 0 : i32
    return %c0_i32, %c0_i32_0 : i32, i32
  }
  func.func @transform_4(%arg0: i32) -> (i32, i32) {
    %c0_i32 = arith.constant 0 : i32
    %c0_i32_0 = arith.constant 0 : i32
    return %arg0, %c0_i32 : i32, i32
  }
}

</mosaic_0001>

<sc_bundles>
// kernel: kernel.11.cloned.1.call-start
scs
__scs_entry_jumppad:
0x0: {  	(pc) =	sbr.rel $0x88, $3  }
0x1: {  	(tag) =	ssettag $0x0;
	lr =	simm.s32 $0x1  }
0x2: {  	[smem:$0x3F9B] =	sst lr;
	_ =	strace $0xD0000000  }
0x3: {  	_ = 	snop  }
0x4: {  	_ = 	snop  }
0x5: {  	_ = 	snop  }
0x6: {  	_ = 	snop  }
0x7: {  	_ = 	snop  }
__scs_overlays_trampoline_lowered:
0x8: {  	[smem:$0x3FAA] =	sst s0  }
0x9: {  	[smem:$0x3FAB] =	sst s1  }
0xa: {  	[smem:$0x3FAC] =	sst s2  }
0xb: {  	[smem:$0x3FAD] =	sst s3  }
0xc: {  	[smem:$0x3FAE] =	sst s4  }
0xd: {  	[smem:$0x3FAF] =	sst s5  }
0xe: {  	[smem:$0x3FB0] =	sst s6  }
0xf: {  	[smem:$0x3FB1] =	sst s7  }
0x10: {  	[smem:$0x3FB2] =	sst s8  }
0x11: {  	[smem:$0x3FB3] =	sst s9;
	s0 =	simm.s32 @!p0 $0x0  }
0x12: {  	s1 =	sld [smem:$0x3F99];
	s0 =	simm.s32 @p0 $0x1  }
0x13: {  	[smem:$0x3FB4] =	sst s0;
	s0 =	simm.s32 @!p1 $0x0  }
0x14: {  	s2 =	sld [smem:$0x3F98];
	s0 =	simm.s32 @p1 $0x1  }
0x15: {  	[smem:$0x3FB5] =	sst s0;
	s0 =	simm.s32 @!p2 $0x0  }
0x16: {  	s3 =	sld [smem:$0x3FDB];
	s0 =	simm.s32 @p2 $0x1  }
0x17: {  	s4 =	simm.s32 $0x1BF5;
	[smem:$0x3FB7] =	sst s0  }
0x18: {  	s0 =	sld [smem:$0x3F9A];
	_ =	swait.ge [sflag:s4], $0x0  }
0x19: {  	s7 =	sld [smem:$0x3F9B]  }
0x1a: {  	s8 =	sadd.s32 $0xFFFFE003, lr  }
0x1b: {  	s9 =	sadd.s32 $0xFFFFFEF7, lr;
	s5 =	simm.s32 $0xFFFFFFFF;
	p2 =	slt.u32 s8, $0xFFFFF086  }
0x1c: {  	p1 =	slt.u32 s9, $0xF7A;
	s5 =	simm.s32 @!p2 $0x0  }
0x1d: {  	s5 =	simm.s32 @p1 $0x1;
	p0 =	seq.s32 s7, s2  }
0x1e: {  	s7 =	smul.u32 @!p0 $0xF7A, s2;
	p2 =	seq.s32 @!p0 s5, $0x0  }
0x1f: {  	s9 =	smul.u32 $0xF7A, s1;
	s8 =	simm.s32 @!p0 $0x1BF5;
	p2 =	por !p2, p0  }
0x20: {  	[sflag:s8] =	ssyncset.s32 @!p0 $0xFFFFF086;
	s6 =	sadd.s32 @!p0 s3, s7;
	s7 =	simm.s32 @!p0 $0x108  }
0x21: {  	s3 =	sadd.s32 s3, s9;
	s6 =	sadd.s32 @!p0 $0x88, s6;
	s7 =	simm.s32 @p2 $0x1082  }
0x22: {  	[simem:s7], [sflag:s8] =	dma.local @!p0 [hbm:s6], $0xF7A  }
0x23: {  	s9 =	sor.u32 $0xD0000000, s2;
	s6 =	simm.s32 $0x108;
	_ =	swait.ge @!p0 [sflag:s8], $0x0  }
0x24: {  	s3 =	sadd.s32 $0x88, s3;
	s6 =	simm.s32 @!p1 $0x1082;
	[sflag:s4] =	ssyncset.s32 $0xFFFFF086  }
0x25: {  	[simem:s6], [sflag:s4] =	dma.local [hbm:s3], $0xF7A  }
0x26: {  	[smem:$0x3F9B] =	sst s1;
	(tag) =	ssettag s2;
	_ =	strace s9  }
0x27: {  	s1 =	sld [smem:$0x3FAB]  }
0x28: {  	s2 =	sld [smem:$0x3FAC]  }
0x29: {  	s4 =	sld [smem:$0x3FAE]  }
0x2a: {  	p0 =	seq.s32 s5, $0x0;
	s5 =	sld [smem:$0x3FAF]  }
0x2b: {  	s6 =	sld [smem:$0x3FB0]  }
0x2c: {  	s7 =	sld [smem:$0x3FB1]  }
0x2d: {  	s3 =	simm.s32 $0x108;
	s8 =	sld [smem:$0x3FB2]  }
0x2e: {  	s3 =	simm.s32 @!p0 $0x1082;
	s9 =	sld [smem:$0x3FB3]  }
0x2f: {  	lr =	sadd.s32 s0, s3;
	s0 =	sld [smem:$0x3FAA]  }
0x30: {  	s3 =	sld [smem:$0x3FAD]  }
0x31: {  	[smem:$0x3FB6] =	sst s10  }
0x32: {  	s10 =	sld [smem:$0x3FB4];
	_ =	sdelay $0x3  }
0x33: {  	p0 =	seq.s32 s10, $0x1;
	s10 =	sld [smem:$0x3FB6];
	_ =	sdelay $0x3  }
0x34: {  	[smem:$0x3FB6] =	sst s10  }
0x35: {  	s10 =	sld [smem:$0x3FB5];
	_ =	sdelay $0x3  }
0x36: {  	p1 =	seq.s32 s10, $0x1;
	s10 =	sld [smem:$0x3FB6];
	_ =	sdelay $0x3  }
0x37: {  	[smem:$0x3FB6] =	sst s10  }
0x38: {  	s10 =	sld [smem:$0x3FB7]  }
0x39: {  	_ = 	snop;
	(pc) =	sbr.ind lr, $3  }
0x3a: {  	_ = 	snop  }
0x3b: {  	_ = 	snop  }
0x3c: {  	p2 =	seq.s32 s10, $0x1;
	s10 =	sld [smem:$0x3FB6]  }
0x3d: {  	_ =	shalt  }
0x3e: {  	_ =	shalt  }
0x3f: {  	_ =	shalt  }
0x40: {  	_ =	shalt  }
0x41: {  	_ =	shalt  }
0x42: {  	_ =	shalt  }
0x43: {  	_ =	shalt  }
0x44: {  	_ =	shalt  }
0x45: {  	_ =	shalt  }
0x46: {  	_ =	shalt  }
0x47: {  	_ =	shalt  }
0x48: {  	_ =	shalt  }
0x49: {  	_ =	shalt  }
0x4a: {  	_ =	shalt  }
0x4b: {  	_ =	shalt  }
0x4c: {  	_ =	shalt  }
0x4d: {  	_ =	shalt  }
0x4e: {  	_ =	shalt  }
0x4f: {  	_ =	shalt  }
0x50: {  	_ =	shalt  }
0x51: {  	_ =	shalt  }
0x52: {  	_ =	shalt  }
0x53: {  	_ =	shalt  }
0x54: {  	_ =	shalt  }
0x55: {  	_ =	shalt  }
0x56: {  	_ =	shalt  }
0x57: {  	_ =	shalt  }
0x58: {  	_ =	shalt  }
0x59: {  	_ =	shalt  }
0x5a: {  	_ =	shalt  }
0x5b: {  	_ =	shalt  }
0x5c: {  	_ =	shalt  }
0x5d: {  	_ =	shalt  }
0x5e: {  	_ =	shalt  }
0x5f: {  	_ =	shalt  }
0x60: {  	_ =	shalt  }
0x61: {  	_ =	shalt  }
0x62: {  	_ =	shalt  }
0x63: {  	_ =	shalt  }
0x64: {  	_ =	shalt  }
0x65: {  	_ =	shalt  }
0x66: {  	_ =	shalt  }
0x67: {  	_ =	shalt  }
0x68: {  	_ =	shalt  }
0x69: {  	_ =	shalt  }
0x6a: {  	_ =	shalt  }
0x6b: {  	_ =	shalt  }
0x6c: {  	_ =	shalt  }
0x6d: {  	_ =	shalt  }
0x6e: {  	_ =	shalt  }
0x6f: {  	_ =	shalt  }
0x70: {  	_ =	shalt  }
0x71: {  	_ =	shalt  }
0x72: {  	_ =	shalt  }
0x73: {  	_ =	shalt  }
0x74: {  	_ =	shalt  }
0x75: {  	_ =	shalt  }
0x76: {  	_ =	shalt  }
0x77: {  	_ =	shalt  }
0x78: {  	_ =	shalt  }
0x79: {  	_ =	shalt  }
0x7a: {  	_ =	shalt  }
0x7b: {  	_ =	shalt  }
0x7c: {  	_ =	shalt  }
0x7d: {  	_ =	shalt  }
0x7e: {  	_ =	shalt  }
0x7f: {  	_ =	shalt  }
0x80: {  	_ =	shalt  }
0x81: {  	_ =	shalt  }
0x82: {  	_ =	shalt  }
0x83: {  	_ =	shalt  }
0x84: {  	_ =	shalt  }
0x85: {  	_ =	shalt  }
0x86: {  	_ =	shalt  }
0x87: {  	_ =	shalt  }
.Lfunc_end0:
.L_simem_size_0:
called_computation.1_lowered:
.L_overlay_start_0:
0x88: {  	s2 =	sld [smem:$0x3FD9]  }
0x89: {  	s3 =	sld [smem:$0x3FFE];
	_ =	sdelay $0x1  }
0x8a: {  	s1 =	srdreg.scid  }
0x8b: {  	s0 =	sand.u32 $0x1, s1  }
0x8c: {  	s17 =	sshll.u32 s0, $0xA;
	s2 =	sadd.s32 s3, s2  }
0x8d: {  	s2 =	sadd.s32 s2, s17  }
0x8e: {  	[smem:$0x3FC2] =	sst s2  }
0x8f: {  	_ = 	snop  }
0x90: {  	s2 =	sld [smem:$0x3FD0];
	(tm) =	ssettm $0x1  }
0x91: {  	s18 =	sld [smem:$0x3FFB];
	_ =	sdelay $0x3  }
0x92: {  	_ =	strace s18  }
0x93: {  	s3 =	sld [smem:$0x3FFC];
	_ =	sdelay $0x3  }
0x94: {  	_ =	strace s3  }
0x95: {  	s3 =	sld [smem:$0x3FFD];
	_ =	sdelay $0x3  }
0x96: {  	_ =	strace s3  }
0x97: {  	_ =	strace $0x8FFFFFFF  }
0x98: {  	s19 =	sld [smem:$0x3FDB];
	_ =	sdelay $0x1  }
0x99: {  	s4 =	simm.s32 $_scs_section_size  }
0x9a: {  	s5 =	simm.s32 $_size__tile_overlayer_lowered;
	s6 =	simm.s32 $_tile_overlayer_lowered  }
0x9b: {  	s22 =	simm.s32 $0x1BFF;
	s21 =	sshll.u32 s6, $0x1;
	s3 =	sadd.s32 s4, s19  }
0x9c: {  	s7 =	simm.s32 $0x0;
	s20 =	sshll.u32 s5, $0x1;
	s5 =	sadd.s32 s21, s3  }
0x9d: {  	[timem:s7], [sflag:s22] =	dma.local [hbm:s5], s20  }
0x9e: {  	_ =	swait.ge [sflag:s22], s20  }
0x9f: {  	s4 =	ssub.s32 $0x0, s20;
	[sflag:s22] =	ssyncset.done $0x0  }
0xa0: {  	[sflag:s22] =	ssyncadd.s32 s4;
	_ =	sdelay $0x1  }
0xa1: {  	s23 =	simm.s32 $0x1B8B  }
0xa2: {  	_ =	swait.ge [sflag:s23], $0x1  }
0xa3: {  	[sflag:s23] =	ssyncset.done $0x0  }
0xa4: {  	s25 =	simm.s32 $0x1B8E;
	s24 =	sld [smem:$0x3FFE];
	[sflag:s23] =	ssyncadd.s32 $0xFFFFFFFF  }
0xa5: {  	s26 =	simm.s32 $execute0_lowered;
	[smem:$0x3FD2] =	sst s25  }
0xa6: {  	s5 =	sshll.u32 s26, $0x1;
	_ =	strace $0x80000049;
	[dreg:$0x1] =	wrdreg $0xFFFFFFFF  }
0xa7: {  	s28 =	simm.s32 $_size_execute0_lowered;
	s3 =	sadd.s32 s3, s5;
	[dreg:$0x0] =	wrdreg $0x0  }
0xa8: {  	s5 =	sshll.u32 s28, $0x1;
	[dreg:$0x2] =	wrdreg s3  }
0xa9: {  	[dreg:$0x3] =	wrdreg s5  }
0xaa: {  	[dreg:$0x4] =	wrdreg $0xC0  }
0xab: {  	_ =	task [dreg:s7], $0x5FFFF  }
0xac: {  	[dreg:$0x1] =	wrdreg $0xFFFFFFFF  }
0xad: {  	[dreg:$0x0] =	wrdreg $0x60  }
0xae: {  	[dreg:$0x2] =	wrdreg s24  }
0xaf: {  	[dreg:$0x3] =	wrdreg s2  }
0xb0: {  	[dreg:$0x4] =	wrdreg $0xB4000  }
0xb1: {  	[dreg:$0x5] =	wrdreg $0x12C000  }
0xb2: {  	[dreg:$0x6] =	wrdreg $0x9  }
0xb3: {  	_ =	task.clear_ibuf [dreg:s7], $0x7FFFF;
	_ =	strace $0x90000049  }
0xb4: {  	s29 =	simm.s32 $0x9;
	_ =	strace $0x8000004B  }
0xb5: {  	_ =	swait.ge [sflag:s29], $0x1  }
0xb6: {  	[sflag:s29] =	ssyncadd.s32 $0xFFFFFFFF  }
0xb7: {  	_ =	strace $0x9000004B  }
0xb8: {  	_ =	sfence  }
0xb9: {  	s30 =	sld [smem:$0x0];
	_ =	sdelay $0x2  }
0xba: {  	s31 =	sshll.u32 s1, $0xD;
	s1 =	sshrl.u32 s1, $0x2  }
0xbb: {  	s3 =	sand.u32 $0x4000, s31;
	s1 =	sadd.s32 s1, s30  }
0xbc: {  	s0 =	sor.u32 s3, s0;
	s1 =	sshll.u32 s1, $0x11  }
0xbd: {  	s0 =	sor.u32 s1, s0  }
0xbe: {  	s0 =	sadd.s32 $0x8F2B, s0  }
0xbf: {  	[sflag:s0] =	ssyncadd.remote.s32 $0x1  }
0xc0: {  	_ =	sfence.sel $0xFFFF  }
0xc1: {  	[dreg:$0x0] =	wrdreg $0xFFFFFFFF;
	(pc) =	sbr.abs _section_cstart, $3  }
0xc2: {  	[dreg:$0x1] =	wrdreg $0xFFFFFFFF  }
0xc3: {  	_ =	task.clear_ibuf [dreg:s7], $0x2FFFF;
	_ =	strace $0x9FFFFFFF  }
0xc4: {  	(tm) =	ssettm $0x7FFFFFFF  }
0xc5: {  	_ =	shalt  }
tec
execute0_lowered:
.L_overlay_start_1:
0x0: {  	(tag) =	ssettag $0x1  }
0x1: {  	s0 =	rddreg [dreg:$0x0]  }
0x2: {  	s1 =	rddreg [dreg:$0x1]  }
0x3: {  	s2 =	rddreg [dreg:$0x2]  }
0x4: {  	s3 =	rddreg [dreg:$0x3]  }
0x5: {  	s14 =	stileid.u32;
	s5 =	srdreg.scid  }
0x6: {  	s7 =	simm.s32 $0x0;
	s28 =	simm.s32 $0x80;
	s29 =	simm.s32 $0x6C00  }
0x7: {  	s31 =	simm.s32 $0x8400;
	s15 =	simm.s32 $0x5280;
	s4 =	smul.u32 $0x2D00, s14  }
0x8: {  	s16 =	simm.s32 $0x5300;
	s5 =	sand.u32 $0x1, s5;
	s6 =	smul.u32 $0x7800, s14  }
0x9: {  	[smem:$0x7FF] =	sst s7;
	s17 =	sshll.u32 s14, $0x1;
	s10 =	smul.u32 $0x1E000, s14  }
0xa: {  	s30 =	sshll.u32 s14, $0x6;
	s8 =	smul.u32 $0x168000, s5;
	_ =	strace $0x8000004A  }
0xb: {  	s7 =	sor.u32 s5, s17;
	s5 =	ssub.s32 $0x2, s5;
	s17 =	simm.s32 $0x5380  }
0xc: {  	s4 =	sadd.s32 s4, s0;
	s7 =	smul.u32 $0x540, s7;
	s9 =	sshrl.u32 s5, $0x1  }
0xd: {  	s19 =	sshrl.u32 s10, $0x2;
	s20 =	sadd.s32 s6, s2;
	s8 =	sadd.s32 s6, s8  }
0xe: {  	s5 =	ssub.s32 s5, s9;
	[dreg:$0x7] =	wrdreg s20;
	s21 =	sadd.s32 $0x16000, s4  }
0xf: {  	s9 =	sadd.s32 s6, s3;
	s23 =	sadd.s32 $0x16006, s4;
	s25 =	sadd.s32 $0x1600C, s4  }
0x10: {  	s20 =	simm.s32 $0x9;
	s4 =	simm.s32 $0x2;
	[dreg:$0x8] =	wrdreg s21  }
0x11: {  	s6 =	simm.s32 $0x7;
	s8 =	sshrl.u32 s8, $0x3;
	[dreg:$0xa] =	wrdreg s23  }
0x12: {  	s11 =	sadd.s32 s7, s0;
	s1 =	sadd.s32 s1, s7;
	[dreg:$0xc] =	wrdreg s25  }
0x13: {  	s26 =	smax.u32 s5, $0x1;
	s23 =	simm.s32 $0x1;
	s21 =	simm.s32 $0x5  }
0x14: {  	s5 =	simm.s32 $0x3;
	s7 =	simm.s32 $0x4;
	s0 =	sadd.s32 s8, s0  }
0x15: {  	s18 =	sadd.s32 $0xB800, s11;
	[dreg:$0x6] =	wrdreg s1;
	s1 =	sadd.s32 s19, s3  }
0x16: {  	[dreg:$0xe] =	wrdreg s26;
	s26 =	simm.s32 $0x5400;
	s8 =	simm.s32 $0x8  }
0x17: {  	[dreg:$0x5] =	wrdreg s18;
	s10 =	sadd.s32 $0x1800, s1;
	s11 =	sadd.s32 $0x3000, s1  }
0x18: {  	s12 =	sadd.s32 $0x4800, s1;
	s13 =	sadd.s32 $0x6000, s1;
	s22 =	sadd.s32 $0x43000, s0  }
0x19: {  	s24 =	sadd.s32 $0x52000, s0;
	s0 =	sadd.s32 $0x61000, s0;
	[dreg:$0x9] =	wrdreg s22  }
0x1a: {  	s1 =	simm.s32 $0x9C00;
	s18 =	simm.s32 $0x0;
	[dreg:$0xb] =	wrdreg s24  }
0x1b: {  	v0 =	vimm.f32 $0.0e+00;
	[dreg:$0xd] =	wrdreg s0;
	s22 =	sor.u32 $0x1C09, s30;
	s24 =	simm.s32 $0x6  }
.LBB2_1:
0x1c: {  	s0 =	simm.s32 $0x0;
	s14 =	rddreg [dreg:$0x5]  }
0x1d: {  	[tilespmem:s0], [sflag:$0x9] =	stream.linear.gather [hbm4b:s14+s0], $0x2A00, $0x38;
	[tilespmem:$0x1A400] =	vst v63  }
0x1e: {  	_ =	swait.ge [sflag:s20], $0x2A00  }
0x1f: {  	[sflag:s20] =	ssyncset.done $0x0  }
0x20: {  	s19 =	simm.s32 $0x2A00;
	s30 =	rddreg [dreg:$0x6];
	[sflag:s20] =	ssyncadd.s32 $0xFFFFD600  }
0x21: {  	[tilespmem:s19], [sflag:$0x9] =	stream.linear.gather [hbm4b:s30+s0], $0x2A00, $0x38;
	[tilespmem:$0x1A400] =	vst v63  }
0x22: {  	_ =	swait.ge [sflag:s20], $0x2A00  }
0x23: {  	s30 =	simm.s32 $0x12;
	[sflag:s20] =	ssyncset.done $0x0;
	s19 =	rddreg [dreg:$0x7]  }
0x24: {  	s25 =	rddreg [dreg:$0x8];
	[sflag:s20] =	ssyncadd.s32 $0xFFFFD600;
	s19 =	sshrl.u32 s19, $0x3  }
0x25: {  	[spmem:s19@s24], [sflag:s22] =	dma.strided [hbm:s25@s30], $0xF00, s23, $0x6   }
0x26: {  	_ =	swait.ge [sflag:s20], $0xF00  }
0x27: {  	[sflag:s20] =	ssyncset.done $0x0  }
0x28: {  	s0 =	simm.s32 $0xC0;
	s25 =	simm.s32 $0x0;
	[sflag:s20] =	ssyncadd.s32 $0xFFFFF100  }
.LBB2_2:
0x29: {  	p0 =	sne.s32 s0, $0x5F40;
	[tilespmem:s25+$0x5420] =	vst v0;
	s30 =	smov.u32 s0;
	s0 =	sadd.s32 $0xC0, s0  }
.Ltmp0:
0x2a: {  	[tilespmem:s25+$0x5400] =	vst v0;
	(pc) =	sbr.rel @p0 .LBB2_2-.Ltmp0, $2  }
0x2b: {  	[tilespmem:s25+$0x5410] =	vst v0;
	_ =	sdelay $0x2  }
0x2c: {  	s25 =	sshra.s32 s30, $0x2  }
0x2d: {  	[tilespmem:s25+$0x5420] =	vst v0  }
0x2e: {  	[tilespmem:s25+$0x5400] =	vst v0  }
0x2f: {  	[tilespmem:s25+$0x5410] =	vst v0  }
0x30: {  	[spmem:s9] =	stream.linear.scatter [tilespmem:s26], [sflag:$0x9], $0x1800, $0x38;
	[tilespmem:$0x1A400] =	vst v63  }
0x31: {  	_ =	swait.ge [sflag:s20], $0x1800  }
0x32: {  	[sflag:s20] =	ssyncset.done $0x0  }
0x33: {  	[sflag:s20] =	ssyncadd.s32 $0xFFFFE800  }
0x34: {  	[spmem:s10] =	stream.linear.scatter [tilespmem:s26], [sflag:$0x9], $0x1800, $0x38;
	[tilespmem:$0x1A400] =	vst v63  }
0x35: {  	_ =	swait.ge [sflag:s20], $0x1800  }
0x36: {  	[sflag:s20] =	ssyncset.done $0x0  }
0x37: {  	[sflag:s20] =	ssyncadd.s32 $0xFFFFE800  }
0x38: {  	[spmem:s11] =	stream.linear.scatter [tilespmem:s26], [sflag:$0x9], $0x1800, $0x38;
	[tilespmem:$0x1A400] =	vst v63  }
0x39: {  	_ =	swait.ge [sflag:s20], $0x1800  }
0x3a: {  	[sflag:s20] =	ssyncset.done $0x0  }
0x3b: {  	[sflag:s20] =	ssyncadd.s32 $0xFFFFE800  }
0x3c: {  	[spmem:s12] =	stream.linear.scatter [tilespmem:s26], [sflag:$0x9], $0x1800, $0x38;
	[tilespmem:$0x1A400] =	vst v63  }
0x3d: {  	_ =	swait.ge [sflag:s20], $0x1800  }
0x3e: {  	[sflag:s20] =	ssyncset.done $0x0  }
0x3f: {  	[sflag:s20] =	ssyncadd.s32 $0xFFFFE800  }
0x40: {  	[spmem:s13] =	stream.linear.scatter [tilespmem:s26], [sflag:$0x9], $0x1800, $0x38;
	[tilespmem:$0x1A400] =	vst v63  }
0x41: {  	_ =	swait.ge [sflag:s20], $0x1800  }
0x42: {  	[sflag:s20] =	ssyncset.done $0x0  }
0x43: {  	[sflag:s20] =	ssyncadd.s32 $0xFFFFE800  }
0x44: {  	s0 =	simm.s32 $0x0;
	[bflag:$0x0] =	sbarrier.arrive $0xFFFF  }
0x45: {  	[tilespmem:s26], [sflag:$0x1] =	stream.indirect.gather [spmem:s2], $0x30, s0, s28, $0xb8;
	[tilespmem:$0x1A400] =	vst v63  }
0x46: {  	_ = 	snop  }
0x47: {  	[tilespmem:s29], [sflag:$0x2] =	stream.indirect.gather [spmem:s2], $0x30, s28, s28, $0xb8;
	[tilespmem:$0x1A400] =	vst v63  }
0x48: {  	s14 =	simm.s32 $0x100  }
0x49: {  	[tilespmem:s31], [sflag:$0x3] =	stream.indirect.gather [spmem:s2], $0x30, s14, s28, $0xb8;
	[tilespmem:$0x1A400] =	vst v63  }
0x4a: {  	s25 =	simm.s32 $0x180  }
0x4b: {  	[tilespmem:s1], [sflag:$0x4] =	stream.indirect.gather [spmem:s2], $0x30, s25, s28, $0xb8;
	[tilespmem:$0x1A400] =	vst v63  }
0x4c: {  	_ =	swait.ge [sflag:s23], $0x1800  }
0x4d: {  	[sflag:s23] =	ssyncset.done $0x0  }
0x4e: {  	s30 =	simm.s32 $0x2A00;
	[sflag:s23] =	ssyncadd.s32 $0xFFFFE800  }
0x4f: {  	[spmem:s3] =	stream.indirect.scatter.add.f32 [tilespmem:s26], [sflag:$0x5], $0x30, s30, s28, $0xb8;
	[tilespmem:$0x1A400] =	vst v63  }
0x50: {  	_ =	swait.ge [sflag:s21], $0x1800  }
0x51: {  	[sflag:s21] =	ssyncset.done $0x0  }
0x52: {  	s14 =	simm.s32 $0x200;
	[sflag:s21] =	ssyncadd.s32 $0xFFFFE800  }
0x53: {  	[tilespmem:s26], [sflag:$0x1] =	stream.indirect.gather [spmem:s2], $0x30, s14, s28, $0xb8;
	[tilespmem:$0x1A400] =	vst v63  }
0x54: {  	_ =	swait.ge [sflag:s4], $0x1800  }
0x55: {  	[sflag:s4] =	ssyncset.done $0x0  }
0x56: {  	s25 =	simm.s32 $0x2A80;
	[sflag:s4] =	ssyncadd.s32 $0xFFFFE800  }
0x57: {  	[spmem:s3] =	stream.indirect.scatter.add.f32 [tilespmem:s29], [sflag:$0x6], $0x30, s25, s28, $0xb8;
	[tilespmem:$0x1A400] =	vst v63  }
0x58: {  	_ =	swait.ge [sflag:s24], $0x1800  }
0x59: {  	[sflag:s24] =	ssyncset.done $0x0  }
0x5a: {  	s30 =	simm.s32 $0x280;
	[sflag:s24] =	ssyncadd.s32 $0xFFFFE800  }
0x5b: {  	[tilespmem:s29], [sflag:$0x2] =	stream.indirect.gather [spmem:s2], $0x30, s30, s28, $0xb8;
	[tilespmem:$0x1A400] =	vst v63  }
0x5c: {  	_ =	swait.ge [sflag:s5], $0x1800  }
0x5d: {  	[sflag:s5] =	ssyncset.done $0x0  }
0x5e: {  	s14 =	simm.s32 $0x2B00;
	[sflag:s5] =	ssyncadd.s32 $0xFFFFE800  }
0x5f: {  	[spmem:s3] =	stream.indirect.scatter.add.f32 [tilespmem:s31], [sflag:$0x7], $0x30, s14, s28, $0xb8;
	[tilespmem:$0x1A400] =	vst v63  }
0x60: {  	_ =	swait.ge [sflag:s6], $0x1800  }
0x61: {  	[sflag:s6] =	ssyncset.done $0x0  }
0x62: {  	s25 =	simm.s32 $0x300;
	[sflag:s6] =	ssyncadd.s32 $0xFFFFE800  }
0x63: {  	[tilespmem:s31], [sflag:$0x3] =	stream.indirect.gather [spmem:s2], $0x30, s25, s28, $0xb8;
	[tilespmem:$0x1A400] =	vst v63  }
0x64: {  	_ =	swait.ge [sflag:s7], $0x1800  }
0x65: {  	[sflag:s7] =	ssyncset.done $0x0  }
0x66: {  	s30 =	simm.s32 $0x2B80;
	[sflag:s7] =	ssyncadd.s32 $0xFFFFE800  }
0x67: {  	[spmem:s3] =	stream.indirect.scatter.add.f32 [tilespmem:s1], [sflag:$0x8], $0x30, s30, s28, $0xb8;
	[tilespmem:$0x1A400] =	vst v63  }
0x68: {  	_ =	swait.ge [sflag:s8], $0x1800  }
0x69: {  	[sflag:s8] =	ssyncset.done $0x0  }
0x6a: {  	s0 =	simm.s32 $0x380;
	s25 =	simm.s32 $0x800;
	[sflag:s8] =	ssyncadd.s32 $0xFFFFE800  }
.LBB2_4:
0x6b: {  	[tilespmem:s1], [sflag:$0x4] =	stream.indirect.gather [spmem:s2], $0x30, s0, s28, $0xb8;
	[tilespmem:$0x1A400] =	vst v63  }
0x6c: {  	s0 =	smov.u32 s25  }
0x6d: {  	p0 =	sne.s32 s25, $0x9800;
	s25 =	sadd.s32 $0x800, s25;
	_ =	swait.ge [sflag:s23], $0x1800  }
0x6e: {  	s30 =	sshra.s32 s0, $0x2;
	[sflag:s23] =	ssyncset.done $0x0  }
0x6f: {  	s0 =	sadd.s32 $0x2A00, s30;
	[sflag:s23] =	ssyncadd.s32 $0xFFFFE800  }
0x70: {  	[spmem:s3] =	stream.indirect.scatter.add.f32 [tilespmem:s26], [sflag:$0x5], $0x30, s0, s28, $0xb8;
	[tilespmem:$0x1A400] =	vst v63  }
0x71: {  	_ =	swait.ge [sflag:s21], $0x1800  }
0x72: {  	[sflag:s21] =	ssyncset.done $0x0  }
0x73: {  	s0 =	sadd.s32 $0x200, s30;
	[sflag:s21] =	ssyncadd.s32 $0xFFFFE800  }
0x74: {  	[tilespmem:s26], [sflag:$0x1] =	stream.indirect.gather [spmem:s2], $0x30, s0, s28, $0xb8;
	[tilespmem:$0x1A400] =	vst v63  }
0x75: {  	_ =	swait.ge [sflag:s4], $0x1800  }
0x76: {  	[sflag:s4] =	ssyncset.done $0x0  }
0x77: {  	s0 =	sadd.s32 $0x2A80, s30;
	[sflag:s4] =	ssyncadd.s32 $0xFFFFE800  }
0x78: {  	[spmem:s3] =	stream.indirect.scatter.add.f32 [tilespmem:s29], [sflag:$0x6], $0x30, s0, s28, $0xb8;
	[tilespmem:$0x1A400] =	vst v63  }
0x79: {  	_ =	swait.ge [sflag:s24], $0x1800  }
0x7a: {  	[sflag:s24] =	ssyncset.done $0x0  }
0x7b: {  	s0 =	sadd.s32 $0x280, s30;
	[sflag:s24] =	ssyncadd.s32 $0xFFFFE800  }
0x7c: {  	[tilespmem:s29], [sflag:$0x2] =	stream.indirect.gather [spmem:s2], $0x30, s0, s28, $0xb8;
	[tilespmem:$0x1A400] =	vst v63  }
0x7d: {  	_ =	swait.ge [sflag:s5], $0x1800  }
0x7e: {  	[sflag:s5] =	ssyncset.done $0x0  }
0x7f: {  	s0 =	sadd.s32 $0x2B00, s30;
	[sflag:s5] =	ssyncadd.s32 $0xFFFFE800  }
0x80: {  	[spmem:s3] =	stream.indirect.scatter.add.f32 [tilespmem:s31], [sflag:$0x7], $0x30, s0, s28, $0xb8;
	[tilespmem:$0x1A400] =	vst v63  }
0x81: {  	_ =	swait.ge [sflag:s6], $0x1800  }
0x82: {  	[sflag:s6] =	ssyncset.done $0x0  }
0x83: {  	s0 =	sadd.s32 $0x300, s30;
	[sflag:s6] =	ssyncadd.s32 $0xFFFFE800  }
0x84: {  	[tilespmem:s31], [sflag:$0x3] =	stream.indirect.gather [spmem:s2], $0x30, s0, s28, $0xb8;
	[tilespmem:$0x1A400] =	vst v63  }
0x85: {  	_ =	swait.ge [sflag:s7], $0x1800  }
0x86: {  	[sflag:s7] =	ssyncset.done $0x0  }
.Ltmp1:
0x87: {  	s0 =	sadd.s32 $0x2B80, s30;
	[sflag:s7] =	ssyncadd.s32 $0xFFFFE800;
	(pc) =	sbr.rel @p0 .LBB2_4-.Ltmp1, $4  }
0x88: {  	[spmem:s3] =	stream.indirect.scatter.add.f32 [tilespmem:s1], [sflag:$0x8], $0x30, s0, s28, $0xb8;
	[tilespmem:$0x1A400] =	vst v63  }
0x89: {  	_ =	swait.ge [sflag:s8], $0x1800  }
0x8a: {  	[sflag:s8] =	ssyncset.done $0x0  }
0x8b: {  	s0 =	sadd.s32 $0x380, s30;
	[sflag:s8] =	ssyncadd.s32 $0xFFFFE800  }
0x8c: {  	[tilespmem:s1], [sflag:$0x4] =	stream.indirect.gather [spmem:s2], $0x30, s0, s28, $0xb8;
	[tilespmem:$0x1A400] =	vst v63  }
0x8d: {  	_ =	swait.ge [sflag:s23], $0x1800  }
0x8e: {  	[sflag:s23] =	ssyncset.done $0x0  }
0x8f: {  	s25 =	simm.s32 $0x5200;
	[sflag:s23] =	ssyncadd.s32 $0xFFFFE800  }
0x90: {  	[spmem:s3] =	stream.indirect.scatter.add.f32 [tilespmem:s26], [sflag:$0x9], $0x30, s25, s28, $0xb8;
	[tilespmem:$0x1A400] =	vst v63  }
0x91: {  	_ =	swait.ge [sflag:s20], $0x1800  }
0x92: {  	[sflag:s20] =	ssyncset.done $0x0  }
0x93: {  	[sflag:s20] =	ssyncadd.s32 $0xFFFFE800  }
0x94: {  	_ =	swait.ge [sflag:s4], $0x1800  }
0x95: {  	[sflag:s4] =	ssyncset.done $0x0  }
0x96: {  	[sflag:s4] =	ssyncadd.s32 $0xFFFFE800  }
0x97: {  	[spmem:s3] =	stream.indirect.scatter.add.f32 [tilespmem:s29], [sflag:$0x9], $0x30, s15, s28, $0xb8;
	[tilespmem:$0x1A400] =	vst v63  }
0x98: {  	_ =	swait.ge [sflag:s20], $0x1800  }
0x99: {  	[sflag:s20] =	ssyncset.done $0x0  }
0x9a: {  	[sflag:s20] =	ssyncadd.s32 $0xFFFFE800  }
0x9b: {  	_ =	swait.ge [sflag:s5], $0x1800  }
0x9c: {  	[sflag:s5] =	ssyncset.done $0x0  }
0x9d: {  	[sflag:s5] =	ssyncadd.s32 $0xFFFFE800  }
0x9e: {  	[spmem:s3] =	stream.indirect.scatter.add.f32 [tilespmem:s31], [sflag:$0x9], $0x30, s16, s28, $0xb8;
	[tilespmem:$0x1A400] =	vst v63  }
0x9f: {  	_ =	swait.ge [sflag:s20], $0x1800  }
0xa0: {  	[sflag:s20] =	ssyncset.done $0x0  }
0xa1: {  	[sflag:s20] =	ssyncadd.s32 $0xFFFFE800  }
0xa2: {  	_ =	swait.ge [sflag:s7], $0x1800  }
0xa3: {  	[sflag:s7] =	ssyncset.done $0x0  }
0xa4: {  	[sflag:s7] =	ssyncadd.s32 $0xFFFFE800  }
0xa5: {  	[spmem:s3] =	stream.indirect.scatter.add.f32 [tilespmem:s1], [sflag:$0x9], $0x30, s17, s28, $0xb8;
	[tilespmem:$0x1A400] =	vst v63  }
0xa6: {  	_ =	swait.ge [sflag:s20], $0x1800  }
0xa7: {  	[sflag:s20] =	ssyncset.done $0x0  }
0xa8: {  	[sflag:s20] =	ssyncadd.s32 $0xFFFFE800  }
0xa9: {  	[bflag:$0x0] =	sbarrier.arrive $0xFFFF  }
0xaa: {  	s25 =	sshrl.u32 s9, $0x3;
	s14 =	rddreg [dreg:$0x9]  }
0xab: {  	[hbm:s14], [sflag:s22] =	dma.local [spmem:s25], $0xF00  }
0xac: {  	_ =	swait.ge [sflag:s20], $0xF00  }
0xad: {  	[sflag:s20] =	ssyncset.done $0x0  }
0xae: {  	s14 =	simm.s32 $0x12;
	s0 =	rddreg [dreg:$0xa];
	[sflag:s20] =	ssyncadd.s32 $0xFFFFF100  }
0xaf: {  	[spmem:s19@s24], [sflag:s22] =	dma.strided [hbm:s0@s14], $0xF00, s23, $0x6   }
0xb0: {  	_ =	swait.ge [sflag:s20], $0xF00  }
0xb1: {  	[sflag:s20] =	ssyncset.done $0x0  }
0xb2: {  	s30 =	simm.s32 $0x0;
	s0 =	simm.s32 $0xC0;
	[sflag:s20] =	ssyncadd.s32 $0xFFFFF100  }
.LBB2_6:
0xb3: {  	p0 =	sne.s32 s0, $0x5F40;
	[tilespmem:s30+$0x5420] =	vst v0;
	s14 =	smov.u32 s0;
	s0 =	sadd.s32 $0xC0, s0  }
.Ltmp2:
0xb4: {  	[tilespmem:s30+$0x5400] =	vst v0;
	(pc) =	sbr.rel @p0 .LBB2_6-.Ltmp2, $2  }
0xb5: {  	[tilespmem:s30+$0x5410] =	vst v0;
	_ =	sdelay $0x2  }
0xb6: {  	s30 =	sshra.s32 s14, $0x2  }
0xb7: {  	[tilespmem:s30+$0x5420] =	vst v0  }
0xb8: {  	[tilespmem:s30+$0x5400] =	vst v0  }
0xb9: {  	[tilespmem:s30+$0x5410] =	vst v0  }
0xba: {  	[spmem:s9] =	stream.linear.scatter [tilespmem:s26], [sflag:$0x9], $0x1800, $0x38;
	[tilespmem:$0x1A400] =	vst v63  }
0xbb: {  	_ =	swait.ge [sflag:s20], $0x1800  }
0xbc: {  	[sflag:s20] =	ssyncset.done $0x0  }
0xbd: {  	[sflag:s20] =	ssyncadd.s32 $0xFFFFE800  }
0xbe: {  	[spmem:s10] =	stream.linear.scatter [tilespmem:s26], [sflag:$0x9], $0x1800, $0x38;
	[tilespmem:$0x1A400] =	vst v63  }
0xbf: {  	_ =	swait.ge [sflag:s20], $0x1800  }
0xc0: {  	[sflag:s20] =	ssyncset.done $0x0  }
0xc1: {  	[sflag:s20] =	ssyncadd.s32 $0xFFFFE800  }
0xc2: {  	[spmem:s11] =	stream.linear.scatter [tilespmem:s26], [sflag:$0x9], $0x1800, $0x38;
	[tilespmem:$0x1A400] =	vst v63  }
0xc3: {  	_ =	swait.ge [sflag:s20], $0x1800  }
0xc4: {  	[sflag:s20] =	ssyncset.done $0x0  }
0xc5: {  	[sflag:s20] =	ssyncadd.s32 $0xFFFFE800  }
0xc6: {  	[spmem:s12] =	stream.linear.scatter [tilespmem:s26], [sflag:$0x9], $0x1800, $0x38;
	[tilespmem:$0x1A400] =	vst v63  }
0xc7: {  	_ =	swait.ge [sflag:s20], $0x1800  }
0xc8: {  	[sflag:s20] =	ssyncset.done $0x0  }
0xc9: {  	[sflag:s20] =	ssyncadd.s32 $0xFFFFE800  }
0xca: {  	[spmem:s13] =	stream.linear.scatter [tilespmem:s26], [sflag:$0x9], $0x1800, $0x38;
	[tilespmem:$0x1A400] =	vst v63  }
0xcb: {  	_ =	swait.ge [sflag:s20], $0x1800  }
0xcc: {  	[sflag:s20] =	ssyncset.done $0x0  }
0xcd: {  	[sflag:s20] =	ssyncadd.s32 $0xFFFFE800  }
0xce: {  	s0 =	simm.s32 $0x0;
	[bflag:$0x0] =	sbarrier.arrive $0xFFFF  }
0xcf: {  	[tilespmem:s26], [sflag:$0x1] =	stream.indirect.gather [spmem:s2], $0x30, s0, s28, $0xb8;
	[tilespmem:$0x1A400] =	vst v63  }
0xd0: {  	_ = 	snop  }
0xd1: {  	[tilespmem:s29], [sflag:$0x2] =	stream.indirect.gather [spmem:s2], $0x30, s28, s28, $0xb8;
	[tilespmem:$0x1A400] =	vst v63  }
0xd2: {  	s14 =	simm.s32 $0x100  }
0xd3: {  	[tilespmem:s31], [sflag:$0x3] =	stream.indirect.gather [spmem:s2], $0x30, s14, s28, $0xb8;
	[tilespmem:$0x1A400] =	vst v63  }
0xd4: {  	s14 =	simm.s32 $0x180  }
0xd5: {  	[tilespmem:s1], [sflag:$0x4] =	stream.indirect.gather [spmem:s2], $0x30, s14, s28, $0xb8;
	[tilespmem:$0x1A400] =	vst v63  }
0xd6: {  	_ =	swait.ge [sflag:s23], $0x1800  }
0xd7: {  	[sflag:s23] =	ssyncset.done $0x0  }
0xd8: {  	s14 =	simm.s32 $0x2A00;
	[sflag:s23] =	ssyncadd.s32 $0xFFFFE800  }
0xd9: {  	[spmem:s3] =	stream.indirect.scatter.add.f32 [tilespmem:s26], [sflag:$0x5], $0x30, s14, s28, $0xb8;
	[tilespmem:$0x1A400] =	vst v63  }
0xda: {  	_ =	swait.ge [sflag:s21], $0x1800  }
0xdb: {  	[sflag:s21] =	ssyncset.done $0x0  }
0xdc: {  	s14 =	simm.s32 $0x200;
	[sflag:s21] =	ssyncadd.s32 $0xFFFFE800  }
0xdd: {  	[tilespmem:s26], [sflag:$0x1] =	stream.indirect.gather [spmem:s2], $0x30, s14, s28, $0xb8;
	[tilespmem:$0x1A400] =	vst v63  }
0xde: {  	_ =	swait.ge [sflag:s4], $0x1800  }
0xdf: {  	[sflag:s4] =	ssyncset.done $0x0  }
0xe0: {  	s14 =	simm.s32 $0x2A80;
	[sflag:s4] =	ssyncadd.s32 $0xFFFFE800  }
0xe1: {  	[spmem:s3] =	stream.indirect.scatter.add.f32 [tilespmem:s29], [sflag:$0x6], $0x30, s14, s28, $0xb8;
	[tilespmem:$0x1A400] =	vst v63  }
0xe2: {  	_ =	swait.ge [sflag:s24], $0x1800  }
0xe3: {  	[sflag:s24] =	ssyncset.done $0x0  }
0xe4: {  	s14 =	simm.s32 $0x280;
	[sflag:s24] =	ssyncadd.s32 $0xFFFFE800  }
0xe5: {  	[tilespmem:s29], [sflag:$0x2] =	stream.indirect.gather [spmem:s2], $0x30, s14, s28, $0xb8;
	[tilespmem:$0x1A400] =	vst v63  }
0xe6: {  	_ =	swait.ge [sflag:s5], $0x1800  }
0xe7: {  	[sflag:s5] =	ssyncset.done $0x0  }
0xe8: {  	s14 =	simm.s32 $0x2B00;
	[sflag:s5] =	ssyncadd.s32 $0xFFFFE800  }
0xe9: {  	[spmem:s3] =	stream.indirect.scatter.add.f32 [tilespmem:s31], [sflag:$0x7], $0x30, s14, s28, $0xb8;
	[tilespmem:$0x1A400] =	vst v63  }
0xea: {  	_ =	swait.ge [sflag:s6], $0x1800  }
0xeb: {  	[sflag:s6] =	ssyncset.done $0x0  }
0xec: {  	s14 =	simm.s32 $0x300;
	[sflag:s6] =	ssyncadd.s32 $0xFFFFE800  }
0xed: {  	[tilespmem:s31], [sflag:$0x3] =	stream.indirect.gather [spmem:s2], $0x30, s14, s28, $0xb8;
	[tilespmem:$0x1A400] =	vst v63  }
0xee: {  	_ =	swait.ge [sflag:s7], $0x1800  }
0xef: {  	[sflag:s7] =	ssyncset.done $0x0  }
0xf0: {  	s14 =	simm.s32 $0x2B80;
	[sflag:s7] =	ssyncadd.s32 $0xFFFFE800  }
0xf1: {  	[spmem:s3] =	stream.indirect.scatter.add.f32 [tilespmem:s1], [sflag:$0x8], $0x30, s14, s28, $0xb8;
	[tilespmem:$0x1A400] =	vst v63  }
0xf2: {  	_ =	swait.ge [sflag:s8], $0x1800  }
0xf3: {  	[sflag:s8] =	ssyncset.done $0x0  }
0xf4: {  	s30 =	simm.s32 $0x800;
	s0 =	simm.s32 $0x380;
	[sflag:s8] =	ssyncadd.s32 $0xFFFFE800  }
.LBB2_8:
0xf5: {  	[tilespmem:s1], [sflag:$0x4] =	stream.indirect.gather [spmem:s2], $0x30, s0, s28, $0xb8;
	[tilespmem:$0x1A400] =	vst v63  }
0xf6: {  	s0 =	smov.u32 s30  }
0xf7: {  	p0 =	sne.s32 s30, $0x9800;
	s30 =	sadd.s32 $0x800, s30;
	_ =	swait.ge [sflag:s23], $0x1800  }
0xf8: {  	s0 =	sshra.s32 s0, $0x2;
	[sflag:s23] =	ssyncset.done $0x0  }
0xf9: {  	s14 =	sadd.s32 $0x2A00, s0;
	[sflag:s23] =	ssyncadd.s32 $0xFFFFE800  }
0xfa: {  	[spmem:s3] =	stream.indirect.scatter.add.f32 [tilespmem:s26], [sflag:$0x5], $0x30, s14, s28, $0xb8;
	[tilespmem:$0x1A400] =	vst v63  }
0xfb: {  	_ =	swait.ge [sflag:s21], $0x1800  }
0xfc: {  	[sflag:s21] =	ssyncset.done $0x0  }
0xfd: {  	s14 =	sadd.s32 $0x200, s0;
	[sflag:s21] =	ssyncadd.s32 $0xFFFFE800  }
0xfe: {  	[tilespmem:s26], [sflag:$0x1] =	stream.indirect.gather [spmem:s2], $0x30, s14, s28, $0xb8;
	[tilespmem:$0x1A400] =	vst v63  }
0xff: {  	_ =	swait.ge [sflag:s4], $0x1800  }
0x100: {  	[sflag:s4] =	ssyncset.done $0x0  }
0x101: {  	s14 =	sadd.s32 $0x2A80, s0;
	[sflag:s4] =	ssyncadd.s32 $0xFFFFE800  }
0x102: {  	[spmem:s3] =	stream.indirect.scatter.add.f32 [tilespmem:s29], [sflag:$0x6], $0x30, s14, s28, $0xb8;
	[tilespmem:$0x1A400] =	vst v63  }
0x103: {  	_ =	swait.ge [sflag:s24], $0x1800  }
0x104: {  	[sflag:s24] =	ssyncset.done $0x0  }
0x105: {  	s14 =	sadd.s32 $0x280, s0;
	[sflag:s24] =	ssyncadd.s32 $0xFFFFE800  }
0x106: {  	[tilespmem:s29], [sflag:$0x2] =	stream.indirect.gather [spmem:s2], $0x30, s14, s28, $0xb8;
	[tilespmem:$0x1A400] =	vst v63  }
0x107: {  	_ =	swait.ge [sflag:s5], $0x1800  }
0x108: {  	[sflag:s5] =	ssyncset.done $0x0  }
0x109: {  	s14 =	sadd.s32 $0x2B00, s0;
	[sflag:s5] =	ssyncadd.s32 $0xFFFFE800  }
0x10a: {  	[spmem:s3] =	stream.indirect.scatter.add.f32 [tilespmem:s31], [sflag:$0x7], $0x30, s14, s28, $0xb8;
	[tilespmem:$0x1A400] =	vst v63  }
0x10b: {  	_ =	swait.ge [sflag:s6], $0x1800  }
0x10c: {  	[sflag:s6] =	ssyncset.done $0x0  }
0x10d: {  	s14 =	sadd.s32 $0x300, s0;
	[sflag:s6] =	ssyncadd.s32 $0xFFFFE800  }
0x10e: {  	[tilespmem:s31], [sflag:$0x3] =	stream.indirect.gather [spmem:s2], $0x30, s14, s28, $0xb8;
	[tilespmem:$0x1A400] =	vst v63  }
0x10f: {  	_ =	swait.ge [sflag:s7], $0x1800  }
0x110: {  	[sflag:s7] =	ssyncset.done $0x0  }
.Ltmp3:
0x111: {  	s14 =	sadd.s32 $0x2B80, s0;
	[sflag:s7] =	ssyncadd.s32 $0xFFFFE800;
	(pc) =	sbr.rel @p0 .LBB2_8-.Ltmp3, $4  }
0x112: {  	[spmem:s3] =	stream.indirect.scatter.add.f32 [tilespmem:s1], [sflag:$0x8], $0x30, s14, s28, $0xb8;
	[tilespmem:$0x1A400] =	vst v63  }
0x113: {  	_ =	swait.ge [sflag:s8], $0x1800  }
0x114: {  	[sflag:s8] =	ssyncset.done $0x0  }
0x115: {  	s0 =	sadd.s32 $0x380, s0;
	[sflag:s8] =	ssyncadd.s32 $0xFFFFE800  }
0x116: {  	[tilespmem:s1], [sflag:$0x4] =	stream.indirect.gather [spmem:s2], $0x30, s0, s28, $0xb8;
	[tilespmem:$0x1A400] =	vst v63  }
0x117: {  	_ =	swait.ge [sflag:s23], $0x1800  }
0x118: {  	[sflag:s23] =	ssyncset.done $0x0  }
0x119: {  	s30 =	simm.s32 $0x5200;
	[sflag:s23] =	ssyncadd.s32 $0xFFFFE800  }
0x11a: {  	[spmem:s3] =	stream.indirect.scatter.add.f32 [tilespmem:s26], [sflag:$0x9], $0x30, s30, s28, $0xb8;
	[tilespmem:$0x1A400] =	vst v63  }
0x11b: {  	_ =	swait.ge [sflag:s20], $0x1800  }
0x11c: {  	[sflag:s20] =	ssyncset.done $0x0  }
0x11d: {  	[sflag:s20] =	ssyncadd.s32 $0xFFFFE800  }
0x11e: {  	_ =	swait.ge [sflag:s4], $0x1800  }
0x11f: {  	[sflag:s4] =	ssyncset.done $0x0  }
0x120: {  	[sflag:s4] =	ssyncadd.s32 $0xFFFFE800  }
0x121: {  	[spmem:s3] =	stream.indirect.scatter.add.f32 [tilespmem:s29], [sflag:$0x9], $0x30, s15, s28, $0xb8;
	[tilespmem:$0x1A400] =	vst v63  }
0x122: {  	_ =	swait.ge [sflag:s20], $0x1800  }
0x123: {  	[sflag:s20] =	ssyncset.done $0x0  }
0x124: {  	[sflag:s20] =	ssyncadd.s32 $0xFFFFE800  }
0x125: {  	_ =	swait.ge [sflag:s5], $0x1800  }
0x126: {  	[sflag:s5] =	ssyncset.done $0x0  }
0x127: {  	[sflag:s5] =	ssyncadd.s32 $0xFFFFE800  }
0x128: {  	[spmem:s3] =	stream.indirect.scatter.add.f32 [tilespmem:s31], [sflag:$0x9], $0x30, s16, s28, $0xb8;
	[tilespmem:$0x1A400] =	vst v63  }
0x129: {  	_ =	swait.ge [sflag:s20], $0x1800  }
0x12a: {  	[sflag:s20] =	ssyncset.done $0x0  }
0x12b: {  	[sflag:s20] =	ssyncadd.s32 $0xFFFFE800  }
0x12c: {  	_ =	swait.ge [sflag:s7], $0x1800  }
0x12d: {  	[sflag:s7] =	ssyncset.done $0x0  }
0x12e: {  	[sflag:s7] =	ssyncadd.s32 $0xFFFFE800  }
0x12f: {  	[spmem:s3] =	stream.indirect.scatter.add.f32 [tilespmem:s1], [sflag:$0x9], $0x30, s17, s28, $0xb8;
	[tilespmem:$0x1A400] =	vst v63  }
0x130: {  	_ =	swait.ge [sflag:s20], $0x1800  }
0x131: {  	[sflag:s20] =	ssyncset.done $0x0  }
0x132: {  	[sflag:s20] =	ssyncadd.s32 $0xFFFFE800  }
0x133: {  	[bflag:$0x0] =	sbarrier.arrive $0xFFFF  }
0x134: {  	s14 =	rddreg [dreg:$0xb]  }
0x135: {  	[hbm:s14], [sflag:s22] =	dma.local [spmem:s25], $0xF00  }
0x136: {  	_ =	swait.ge [sflag:s20], $0xF00  }
0x137: {  	[sflag:s20] =	ssyncset.done $0x0  }
0x138: {  	s14 =	simm.s32 $0x12;
	s30 =	rddreg [dreg:$0xc];
	[sflag:s20] =	ssyncadd.s32 $0xFFFFF100  }
0x139: {  	[spmem:s19@s24], [sflag:s22] =	dma.strided [hbm:s30@s14], $0xF00, s23, $0x6   }
0x13a: {  	_ =	swait.ge [sflag:s20], $0xF00  }
0x13b: {  	[sflag:s20] =	ssyncset.done $0x0  }
0x13c: {  	s0 =	simm.s32 $0xC0;
	s19 =	simm.s32 $0x0;
	[sflag:s20] =	ssyncadd.s32 $0xFFFFF100  }
.LBB2_10:
0x13d: {  	p0 =	sne.s32 s0, $0x5F40;
	[tilespmem:s19+$0x5420] =	vst v0;
	s14 =	smov.u32 s0;
	s0 =	sadd.s32 $0xC0, s0  }
.Ltmp4:
0x13e: {  	[tilespmem:s19+$0x5400] =	vst v0;
	(pc) =	sbr.rel @p0 .LBB2_10-.Ltmp4, $2  }
0x13f: {  	[tilespmem:s19+$0x5410] =	vst v0;
	_ =	sdelay $0x2  }
0x140: {  	s19 =	sshra.s32 s14, $0x2  }
0x141: {  	[tilespmem:s19+$0x5420] =	vst v0  }
0x142: {  	[tilespmem:s19+$0x5400] =	vst v0  }
0x143: {  	[tilespmem:s19+$0x5410] =	vst v0  }
0x144: {  	[spmem:s9] =	stream.linear.scatter [tilespmem:s26], [sflag:$0x9], $0x1800, $0x38;
	[tilespmem:$0x1A400] =	vst v63  }
0x145: {  	_ =	swait.ge [sflag:s20], $0x1800  }
0x146: {  	[sflag:s20] =	ssyncset.done $0x0  }
0x147: {  	[sflag:s20] =	ssyncadd.s32 $0xFFFFE800  }
0x148: {  	[spmem:s10] =	stream.linear.scatter [tilespmem:s26], [sflag:$0x9], $0x1800, $0x38;
	[tilespmem:$0x1A400] =	vst v63  }
0x149: {  	_ =	swait.ge [sflag:s20], $0x1800  }
0x14a: {  	[sflag:s20] =	ssyncset.done $0x0  }
0x14b: {  	[sflag:s20] =	ssyncadd.s32 $0xFFFFE800  }
0x14c: {  	[spmem:s11] =	stream.linear.scatter [tilespmem:s26], [sflag:$0x9], $0x1800, $0x38;
	[tilespmem:$0x1A400] =	vst v63  }
0x14d: {  	_ =	swait.ge [sflag:s20], $0x1800  }
0x14e: {  	[sflag:s20] =	ssyncset.done $0x0  }
0x14f: {  	[sflag:s20] =	ssyncadd.s32 $0xFFFFE800  }
0x150: {  	[spmem:s12] =	stream.linear.scatter [tilespmem:s26], [sflag:$0x9], $0x1800, $0x38;
	[tilespmem:$0x1A400] =	vst v63  }
0x151: {  	_ =	swait.ge [sflag:s20], $0x1800  }
0x152: {  	[sflag:s20] =	ssyncset.done $0x0  }
0x153: {  	[sflag:s20] =	ssyncadd.s32 $0xFFFFE800  }
0x154: {  	[spmem:s13] =	stream.linear.scatter [tilespmem:s26], [sflag:$0x9], $0x1800, $0x38;
	[tilespmem:$0x1A400] =	vst v63  }
0x155: {  	_ =	swait.ge [sflag:s20], $0x1800  }
0x156: {  	[sflag:s20] =	ssyncset.done $0x0  }
0x157: {  	[sflag:s20] =	ssyncadd.s32 $0xFFFFE800  }
0x158: {  	s0 =	simm.s32 $0x0;
	[bflag:$0x0] =	sbarrier.arrive $0xFFFF  }
0x159: {  	[tilespmem:s26], [sflag:$0x1] =	stream.indirect.gather [spmem:s2], $0x30, s0, s28, $0xb8;
	[tilespmem:$0x1A400] =	vst v63  }
0x15a: {  	_ = 	snop  }
0x15b: {  	[tilespmem:s29], [sflag:$0x2] =	stream.indirect.gather [spmem:s2], $0x30, s28, s28, $0xb8;
	[tilespmem:$0x1A400] =	vst v63  }
0x15c: {  	s14 =	simm.s32 $0x100  }
0x15d: {  	[tilespmem:s31], [sflag:$0x3] =	stream.indirect.gather [spmem:s2], $0x30, s14, s28, $0xb8;
	[tilespmem:$0x1A400] =	vst v63  }
0x15e: {  	s19 =	simm.s32 $0x180  }
0x15f: {  	[tilespmem:s1], [sflag:$0x4] =	stream.indirect.gather [spmem:s2], $0x30, s19, s28, $0xb8;
	[tilespmem:$0x1A400] =	vst v63  }
0x160: {  	_ =	swait.ge [sflag:s23], $0x1800  }
0x161: {  	[sflag:s23] =	ssyncset.done $0x0  }
0x162: {  	s30 =	simm.s32 $0x2A00;
	[sflag:s23] =	ssyncadd.s32 $0xFFFFE800  }
0x163: {  	[spmem:s3] =	stream.indirect.scatter.add.f32 [tilespmem:s26], [sflag:$0x5], $0x30, s30, s28, $0xb8;
	[tilespmem:$0x1A400] =	vst v63  }
0x164: {  	_ =	swait.ge [sflag:s21], $0x1800  }
0x165: {  	[sflag:s21] =	ssyncset.done $0x0  }
0x166: {  	s14 =	simm.s32 $0x200;
	[sflag:s21] =	ssyncadd.s32 $0xFFFFE800  }
0x167: {  	[tilespmem:s26], [sflag:$0x1] =	stream.indirect.gather [spmem:s2], $0x30, s14, s28, $0xb8;
	[tilespmem:$0x1A400] =	vst v63  }
0x168: {  	_ =	swait.ge [sflag:s4], $0x1800  }
0x169: {  	[sflag:s4] =	ssyncset.done $0x0  }
0x16a: {  	s19 =	simm.s32 $0x2A80;
	[sflag:s4] =	ssyncadd.s32 $0xFFFFE800  }
0x16b: {  	[spmem:s3] =	stream.indirect.scatter.add.f32 [tilespmem:s29], [sflag:$0x6], $0x30, s19, s28, $0xb8;
	[tilespmem:$0x1A400] =	vst v63  }
0x16c: {  	_ =	swait.ge [sflag:s24], $0x1800  }
0x16d: {  	[sflag:s24] =	ssyncset.done $0x0  }
0x16e: {  	s30 =	simm.s32 $0x280;
	[sflag:s24] =	ssyncadd.s32 $0xFFFFE800  }
0x16f: {  	[tilespmem:s29], [sflag:$0x2] =	stream.indirect.gather [spmem:s2], $0x30, s30, s28, $0xb8;
	[tilespmem:$0x1A400] =	vst v63  }
0x170: {  	_ =	swait.ge [sflag:s5], $0x1800  }
0x171: {  	[sflag:s5] =	ssyncset.done $0x0  }
0x172: {  	s14 =	simm.s32 $0x2B00;
	[sflag:s5] =	ssyncadd.s32 $0xFFFFE800  }
0x173: {  	[spmem:s3] =	stream.indirect.scatter.add.f32 [tilespmem:s31], [sflag:$0x7], $0x30, s14, s28, $0xb8;
	[tilespmem:$0x1A400] =	vst v63  }
0x174: {  	_ =	swait.ge [sflag:s6], $0x1800  }
0x175: {  	[sflag:s6] =	ssyncset.done $0x0  }
0x176: {  	s19 =	simm.s32 $0x300;
	[sflag:s6] =	ssyncadd.s32 $0xFFFFE800  }
0x177: {  	[tilespmem:s31], [sflag:$0x3] =	stream.indirect.gather [spmem:s2], $0x30, s19, s28, $0xb8;
	[tilespmem:$0x1A400] =	vst v63  }
0x178: {  	_ =	swait.ge [sflag:s7], $0x1800  }
0x179: {  	[sflag:s7] =	ssyncset.done $0x0  }
0x17a: {  	s30 =	simm.s32 $0x2B80;
	[sflag:s7] =	ssyncadd.s32 $0xFFFFE800  }
0x17b: {  	[spmem:s3] =	stream.indirect.scatter.add.f32 [tilespmem:s1], [sflag:$0x8], $0x30, s30, s28, $0xb8;
	[tilespmem:$0x1A400] =	vst v63  }
0x17c: {  	_ =	swait.ge [sflag:s8], $0x1800  }
0x17d: {  	[sflag:s8] =	ssyncset.done $0x0  }
0x17e: {  	s0 =	simm.s32 $0x380;
	s19 =	simm.s32 $0x800;
	[sflag:s8] =	ssyncadd.s32 $0xFFFFE800  }
.LBB2_12:
0x17f: {  	[tilespmem:s1], [sflag:$0x4] =	stream.indirect.gather [spmem:s2], $0x30, s0, s28, $0xb8;
	[tilespmem:$0x1A400] =	vst v63  }
0x180: {  	s0 =	smov.u32 s19  }
0x181: {  	p0 =	sne.s32 s19, $0x9800;
	s19 =	sadd.s32 $0x800, s19;
	_ =	swait.ge [sflag:s23], $0x1800  }
0x182: {  	s0 =	sshra.s32 s0, $0x2;
	[sflag:s23] =	ssyncset.done $0x0  }
0x183: {  	s14 =	sadd.s32 $0x2A00, s0;
	[sflag:s23] =	ssyncadd.s32 $0xFFFFE800  }
0x184: {  	[spmem:s3] =	stream.indirect.scatter.add.f32 [tilespmem:s26], [sflag:$0x5], $0x30, s14, s28, $0xb8;
	[tilespmem:$0x1A400] =	vst v63  }
0x185: {  	_ =	swait.ge [sflag:s21], $0x1800  }
0x186: {  	[sflag:s21] =	ssyncset.done $0x0  }
0x187: {  	s14 =	sadd.s32 $0x200, s0;
	[sflag:s21] =	ssyncadd.s32 $0xFFFFE800  }
0x188: {  	[tilespmem:s26], [sflag:$0x1] =	stream.indirect.gather [spmem:s2], $0x30, s14, s28, $0xb8;
	[tilespmem:$0x1A400] =	vst v63  }
0x189: {  	_ =	swait.ge [sflag:s4], $0x1800  }
0x18a: {  	[sflag:s4] =	ssyncset.done $0x0  }
0x18b: {  	s14 =	sadd.s32 $0x2A80, s0;
	[sflag:s4] =	ssyncadd.s32 $0xFFFFE800  }
0x18c: {  	[spmem:s3] =	stream.indirect.scatter.add.f32 [tilespmem:s29], [sflag:$0x6], $0x30, s14, s28, $0xb8;
	[tilespmem:$0x1A400] =	vst v63  }
0x18d: {  	_ =	swait.ge [sflag:s24], $0x1800  }
0x18e: {  	[sflag:s24] =	ssyncset.done $0x0  }
0x18f: {  	s14 =	sadd.s32 $0x280, s0;
	[sflag:s24] =	ssyncadd.s32 $0xFFFFE800  }
0x190: {  	[tilespmem:s29], [sflag:$0x2] =	stream.indirect.gather [spmem:s2], $0x30, s14, s28, $0xb8;
	[tilespmem:$0x1A400] =	vst v63  }
0x191: {  	_ =	swait.ge [sflag:s5], $0x1800  }
0x192: {  	[sflag:s5] =	ssyncset.done $0x0  }
0x193: {  	s14 =	sadd.s32 $0x2B00, s0;
	[sflag:s5] =	ssyncadd.s32 $0xFFFFE800  }
0x194: {  	[spmem:s3] =	stream.indirect.scatter.add.f32 [tilespmem:s31], [sflag:$0x7], $0x30, s14, s28, $0xb8;
	[tilespmem:$0x1A400] =	vst v63  }
0x195: {  	_ =	swait.ge [sflag:s6], $0x1800  }
0x196: {  	[sflag:s6] =	ssyncset.done $0x0  }
0x197: {  	s14 =	sadd.s32 $0x300, s0;
	[sflag:s6] =	ssyncadd.s32 $0xFFFFE800  }
0x198: {  	[tilespmem:s31], [sflag:$0x3] =	stream.indirect.gather [spmem:s2], $0x30, s14, s28, $0xb8;
	[tilespmem:$0x1A400] =	vst v63  }
0x199: {  	_ =	swait.ge [sflag:s7], $0x1800  }
0x19a: {  	[sflag:s7] =	ssyncset.done $0x0  }
.Ltmp5:
0x19b: {  	s14 =	sadd.s32 $0x2B80, s0;
	[sflag:s7] =	ssyncadd.s32 $0xFFFFE800;
	(pc) =	sbr.rel @p0 .LBB2_12-.Ltmp5, $4  }
0x19c: {  	[spmem:s3] =	stream.indirect.scatter.add.f32 [tilespmem:s1], [sflag:$0x8], $0x30, s14, s28, $0xb8;
	[tilespmem:$0x1A400] =	vst v63  }
0x19d: {  	_ =	swait.ge [sflag:s8], $0x1800  }
0x19e: {  	[sflag:s8] =	ssyncset.done $0x0  }
0x19f: {  	s0 =	sadd.s32 $0x380, s0;
	[sflag:s8] =	ssyncadd.s32 $0xFFFFE800  }
0x1a0: {  	[tilespmem:s1], [sflag:$0x4] =	stream.indirect.gather [spmem:s2], $0x30, s0, s28, $0xb8;
	[tilespmem:$0x1A400] =	vst v63  }
0x1a1: {  	_ =	swait.ge [sflag:s23], $0x1800  }
0x1a2: {  	[sflag:s23] =	ssyncset.done $0x0  }
0x1a3: {  	s14 =	simm.s32 $0x5200;
	[sflag:s23] =	ssyncadd.s32 $0xFFFFE800  }
0x1a4: {  	[spmem:s3] =	stream.indirect.scatter.add.f32 [tilespmem:s26], [sflag:$0x9], $0x30, s14, s28, $0xb8;
	[tilespmem:$0x1A400] =	vst v63  }
0x1a5: {  	_ =	swait.ge [sflag:s20], $0x1800  }
0x1a6: {  	[sflag:s20] =	ssyncset.done $0x0  }
0x1a7: {  	[sflag:s20] =	ssyncadd.s32 $0xFFFFE800  }
0x1a8: {  	_ =	swait.ge [sflag:s4], $0x1800  }
0x1a9: {  	[sflag:s4] =	ssyncset.done $0x0  }
0x1aa: {  	[sflag:s4] =	ssyncadd.s32 $0xFFFFE800  }
0x1ab: {  	[spmem:s3] =	stream.indirect.scatter.add.f32 [tilespmem:s29], [sflag:$0x9], $0x30, s15, s28, $0xb8;
	[tilespmem:$0x1A400] =	vst v63  }
0x1ac: {  	_ =	swait.ge [sflag:s20], $0x1800  }
0x1ad: {  	[sflag:s20] =	ssyncset.done $0x0  }
0x1ae: {  	[sflag:s20] =	ssyncadd.s32 $0xFFFFE800  }
0x1af: {  	_ =	swait.ge [sflag:s5], $0x1800  }
0x1b0: {  	[sflag:s5] =	ssyncset.done $0x0  }
0x1b1: {  	[sflag:s5] =	ssyncadd.s32 $0xFFFFE800  }
0x1b2: {  	[spmem:s3] =	stream.indirect.scatter.add.f32 [tilespmem:s31], [sflag:$0x9], $0x30, s16, s28, $0xb8;
	[tilespmem:$0x1A400] =	vst v63  }
0x1b3: {  	_ =	swait.ge [sflag:s20], $0x1800  }
0x1b4: {  	[sflag:s20] =	ssyncset.done $0x0  }
0x1b5: {  	[sflag:s20] =	ssyncadd.s32 $0xFFFFE800  }
0x1b6: {  	_ =	swait.ge [sflag:s7], $0x1800  }
0x1b7: {  	[sflag:s7] =	ssyncset.done $0x0  }
0x1b8: {  	[sflag:s7] =	ssyncadd.s32 $0xFFFFE800  }
0x1b9: {  	[spmem:s3] =	stream.indirect.scatter.add.f32 [tilespmem:s1], [sflag:$0x9], $0x30, s17, s28, $0xb8;
	[tilespmem:$0x1A400] =	vst v63  }
0x1ba: {  	_ =	swait.ge [sflag:s20], $0x1800  }
0x1bb: {  	[sflag:s20] =	ssyncset.done $0x0  }
0x1bc: {  	[sflag:s20] =	ssyncadd.s32 $0xFFFFE800  }
0x1bd: {  	[bflag:$0x0] =	sbarrier.arrive $0xFFFF  }
0x1be: {  	s19 =	rddreg [dreg:$0xd]  }
0x1bf: {  	[hbm:s19], [sflag:s22] =	dma.local [spmem:s25], $0xF00  }
0x1c0: {  	_ =	swait.ge [sflag:s20], $0xF00  }
0x1c1: {  	s18 =	sadd.s32 $0x1, s18;
	s30 =	rddreg [dreg:$0xe]  }
0x1c2: {  	p0 =	sne.s32 s18, s30  }
.Ltmp6:
0x1c3: {  	_ = 	snop;
	(pc) =	sbr.rel @p0 .LBB2_1-.Ltmp6, $3  }
0x1c4: {  	_ =	sdelay $0x1  }
0x1c5: {  	[sflag:s20] =	ssyncset.done $0x0  }
0x1c6: {  	[sflag:s20] =	ssyncadd.s32 $0xFFFFF100  }
0x1c7: {  	_ =	sfence.sel $0x180000  }
0x1c8: {  	[bflag:$0x0] =	sbarrier.arrive $0xFFFF  }
0x1c9: {  	_ =	strace $0x9000004A  }
0x1ca: {  	s0 =	stileid.u32;
	[bflag:$0x2] =	sbarrier.arrive $0xFFFF  }
0x1cb: {  	p0 =	sne.s32 s0, $0x0;
	s0 =	rddreg [dreg:$0x4]  }
0x1cc: {  	s0 =	sadd.s32 @!p0 $0x100000, s0  }
0x1cd: {  	[sflag:s0] =	ssyncadd.tile.s32 @!p0 $0x1;
	_ =	shalt  }
.Lfunc_end2:
_tile_overlayer_lowered:
.L_overlay_start_2:
0x1ce: {  	(tag) =	ssettag $0x2  }
0x1cf: {  	s0 =	rddreg [dreg:$0x0];
	s2 =	stileid.u32  }
0x1d0: {  	s1 =	rddreg [dreg:$0x1];
	p0 =	sne.s32 s2, $0x0  }
0x1d1: {  	s3 =	rddreg [dreg:$0x2];
	[bflag:$0x3] =	sbarrier.arrive $0xFFFF;
	s2 =	simm.s32 @!p0 $0x1C09  }
0x1d2: {  	[timem:s3], [sflag:s2] =	dma.local @!p0 [hbm:s0], s1  }
0x1d3: {  	s0 =	simm.s32 @!p0 $0x9  }
0x1d4: {  	_ =	swait.ge @!p0 [sflag:s0], s1  }
0x1d5: {  	s1 =	ssub.s32 @!p0 $0x0, s1;
	[sflag:s0] =	ssyncset.done @!p0 $0x0  }
0x1d6: {  	[sflag:s0] =	ssyncadd.s32 @!p0 s1  }
0x1d7: {  	[bflag:$0x3] =	sbarrier.arrive $0xFFFF  }
0x1d8: {  	_ =	shalt  }

// kernel: kernel.14.cloned.1.call-start
scs
__scs_entry_jumppad:
0x0: {  	(pc) =	sbr.rel $0x88, $3  }
0x1: {  	(tag) =	ssettag $0x0;
	lr =	simm.s32 $0x1  }
0x2: {  	[smem:$0x3F9B] =	sst lr;
	_ =	strace $0xD0000000  }
0x3: {  	_ = 	snop  }
0x4: {  	_ = 	snop  }
0x5: {  	_ = 	snop  }
0x6: {  	_ = 	snop  }
0x7: {  	_ = 	snop  }
__scs_overlays_trampoline_lowered:
0x8: {  	[smem:$0x3FAA] =	sst s0  }
0x9: {  	[smem:$0x3FAB] =	sst s1  }
0xa: {  	[smem:$0x3FAC] =	sst s2  }
0xb: {  	[smem:$0x3FAD] =	sst s3  }
0xc: {  	[smem:$0x3FAE] =	sst s4  }
0xd: {  	[smem:$0x3FAF] =	sst s5  }
0xe: {  	[smem:$0x3FB0] =	sst s6  }
0xf: {  	[smem:$0x3FB1] =	sst s7  }
0x10: {  	[smem:$0x3FB2] =	sst s8  }
0x11: {  	[smem:$0x3FB3] =	sst s9;
	s0 =	simm.s32 @!p0 $0x0  }
0x12: {  	s1 =	sld [smem:$0x3F99];
	s0 =	simm.s32 @p0 $0x1  }
0x13: {  	[smem:$0x3FB4] =	sst s0;
	s0 =	simm.s32 @!p1 $0x0  }
0x14: {  	s2 =	sld [smem:$0x3F98];
	s0 =	simm.s32 @p1 $0x1  }
0x15: {  	[smem:$0x3FB5] =	sst s0;
	s0 =	simm.s32 @!p2 $0x0  }
0x16: {  	s3 =	sld [smem:$0x3FDB];
	s0 =	simm.s32 @p2 $0x1  }
0x17: {  	s4 =	simm.s32 $0x1BF5;
	[smem:$0x3FB7] =	sst s0  }
0x18: {  	s0 =	sld [smem:$0x3F9A];
	_ =	swait.ge [sflag:s4], $0x0  }
0x19: {  	s7 =	sld [smem:$0x3F9B]  }
0x1a: {  	s8 =	sadd.s32 $0xFFFFE003, lr  }
0x1b: {  	s9 =	sadd.s32 $0xFFFFFEF7, lr;
	s5 =	simm.s32 $0xFFFFFFFF;
	p2 =	slt.u32 s8, $0xFFFFF086  }
0x1c: {  	p1 =	slt.u32 s9, $0xF7A;
	s5 =	simm.s32 @!p2 $0x0  }
0x1d: {  	s5 =	simm.s32 @p1 $0x1;
	p0 =	seq.s32 s7, s2  }
0x1e: {  	s7 =	smul.u32 @!p0 $0xF7A, s2;
	p2 =	seq.s32 @!p0 s5, $0x0  }
0x1f: {  	s9 =	smul.u32 $0xF7A, s1;
	s8 =	simm.s32 @!p0 $0x1BF5;
	p2 =	por !p2, p0  }
0x20: {  	[sflag:s8] =	ssyncset.s32 @!p0 $0xFFFFF086;
	s6 =	sadd.s32 @!p0 s3, s7;
	s7 =	simm.s32 @!p0 $0x108  }
0x21: {  	s3 =	sadd.s32 s3, s9;
	s6 =	sadd.s32 @!p0 $0x88, s6;
	s7 =	simm.s32 @p2 $0x1082  }
0x22: {  	[simem:s7], [sflag:s8] =	dma.local @!p0 [hbm:s6], $0xF7A  }
0x23: {  	s9 =	sor.u32 $0xD0000000, s2;
	s6 =	simm.s32 $0x108;
	_ =	swait.ge @!p0 [sflag:s8], $0x0  }
0x24: {  	s3 =	sadd.s32 $0x88, s3;
	s6 =	simm.s32 @!p1 $0x1082;
	[sflag:s4] =	ssyncset.s32 $0xFFFFF086  }
0x25: {  	[simem:s6], [sflag:s4] =	dma.local [hbm:s3], $0xF7A  }
0x26: {  	[smem:$0x3F9B] =	sst s1;
	(tag) =	ssettag s2;
	_ =	strace s9  }
0x27: {  	s1 =	sld [smem:$0x3FAB]  }
0x28: {  	s2 =	sld [smem:$0x3FAC]  }
0x29: {  	s4 =	sld [smem:$0x3FAE]  }
0x2a: {  	p0 =	seq.s32 s5, $0x0;
	s5 =	sld [smem:$0x3FAF]  }
0x2b: {  	s6 =	sld [smem:$0x3FB0]  }
0x2c: {  	s7 =	sld [smem:$0x3FB1]  }
0x2d: {  	s3 =	simm.s32 $0x108;
	s8 =	sld [smem:$0x3FB2]  }
0x2e: {  	s3 =	simm.s32 @!p0 $0x1082;
	s9 =	sld [smem:$0x3FB3]  }
0x2f: {  	lr =	sadd.s32 s0, s3;
	s0 =	sld [smem:$0x3FAA]  }
0x30: {  	s3 =	sld [smem:$0x3FAD]  }
0x31: {  	[smem:$0x3FB6] =	sst s10  }
0x32: {  	s10 =	sld [smem:$0x3FB4];
	_ =	sdelay $0x3  }
0x33: {  	p0 =	seq.s32 s10, $0x1;
	s10 =	sld [smem:$0x3FB6];
	_ =	sdelay $0x3  }
0x34: {  	[smem:$0x3FB6] =	sst s10  }
0x35: {  	s10 =	sld [smem:$0x3FB5];
	_ =	sdelay $0x3  }
0x36: {  	p1 =	seq.s32 s10, $0x1;
	s10 =	sld [smem:$0x3FB6];
	_ =	sdelay $0x3  }
0x37: {  	[smem:$0x3FB6] =	sst s10  }
0x38: {  	s10 =	sld [smem:$0x3FB7]  }
0x39: {  	_ = 	snop;
	(pc) =	sbr.ind lr, $3  }
0x3a: {  	_ = 	snop  }
0x3b: {  	_ = 	snop  }
0x3c: {  	p2 =	seq.s32 s10, $0x1;
	s10 =	sld [smem:$0x3FB6]  }
0x3d: {  	_ =	shalt  }
0x3e: {  	_ =	shalt  }
0x3f: {  	_ =	shalt  }
0x40: {  	_ =	shalt  }
0x41: {  	_ =	shalt  }
0x42: {  	_ =	shalt  }
0x43: {  	_ =	shalt  }
0x44: {  	_ =	shalt  }
0x45: {  	_ =	shalt  }
0x46: {  	_ =	shalt  }
0x47: {  	_ =	shalt  }
0x48: {  	_ =	shalt  }
0x49: {  	_ =	shalt  }
0x4a: {  	_ =	shalt  }
0x4b: {  	_ =	shalt  }
0x4c: {  	_ =	shalt  }
0x4d: {  	_ =	shalt  }
0x4e: {  	_ =	shalt  }
0x4f: {  	_ =	shalt  }
0x50: {  	_ =	shalt  }
0x51: {  	_ =	shalt  }
0x52: {  	_ =	shalt  }
0x53: {  	_ =	shalt  }
0x54: {  	_ =	shalt  }
0x55: {  	_ =	shalt  }
0x56: {  	_ =	shalt  }
0x57: {  	_ =	shalt  }
0x58: {  	_ =	shalt  }
0x59: {  	_ =	shalt  }
0x5a: {  	_ =	shalt  }
0x5b: {  	_ =	shalt  }
0x5c: {  	_ =	shalt  }
0x5d: {  	_ =	shalt  }
0x5e: {  	_ =	shalt  }
0x5f: {  	_ =	shalt  }
0x60: {  	_ =	shalt  }
0x61: {  	_ =	shalt  }
0x62: {  	_ =	shalt  }
0x63: {  	_ =	shalt  }
0x64: {  	_ =	shalt  }
0x65: {  	_ =	shalt  }
0x66: {  	_ =	shalt  }
0x67: {  	_ =	shalt  }
0x68: {  	_ =	shalt  }
0x69: {  	_ =	shalt  }
0x6a: {  	_ =	shalt  }
0x6b: {  	_ =	shalt  }
0x6c: {  	_ =	shalt  }
0x6d: {  	_ =	shalt  }
0x6e: {  	_ =	shalt  }
0x6f: {  	_ =	shalt  }
0x70: {  	_ =	shalt  }
0x71: {  	_ =	shalt  }
0x72: {  	_ =	shalt  }
0x73: {  	_ =	shalt  }
0x74: {  	_ =	shalt  }
0x75: {  	_ =	shalt  }
0x76: {  	_ =	shalt  }
0x77: {  	_ =	shalt  }
0x78: {  	_ =	shalt  }
0x79: {  	_ =	shalt  }
0x7a: {  	_ =	shalt  }
0x7b: {  	_ =	shalt  }
0x7c: {  	_ =	shalt  }
0x7d: {  	_ =	shalt  }
0x7e: {  	_ =	shalt  }
0x7f: {  	_ =	shalt  }
0x80: {  	_ =	shalt  }
0x81: {  	_ =	shalt  }
0x82: {  	_ =	shalt  }
0x83: {  	_ =	shalt  }
0x84: {  	_ =	shalt  }
0x85: {  	_ =	shalt  }
0x86: {  	_ =	shalt  }
0x87: {  	_ =	shalt  }
.Lfunc_end0:
.L_simem_size_0:
called_computation.2_lowered:
.L_overlay_start_0:
0x88: {  	s2 =	sld [smem:$0x3FD9]  }
0x89: {  	s3 =	sld [smem:$0x3FFE];
	_ =	sdelay $0x1  }
0x8a: {  	s1 =	srdreg.scid  }
0x8b: {  	s0 =	sand.u32 $0x1, s1  }
0x8c: {  	s17 =	sshll.u32 s0, $0xA;
	s2 =	sadd.s32 s3, s2  }
0x8d: {  	s2 =	sadd.s32 s2, s17  }
0x8e: {  	[smem:$0x3FC2] =	sst s2  }
0x8f: {  	_ = 	snop  }
0x90: {  	s2 =	sld [smem:$0x3FD0];
	(tm) =	ssettm $0x1  }
0x91: {  	s18 =	sld [smem:$0x3FFB];
	_ =	sdelay $0x3  }
0x92: {  	_ =	strace s18  }
0x93: {  	s3 =	sld [smem:$0x3FFC];
	_ =	sdelay $0x3  }
0x94: {  	_ =	strace s3  }
0x95: {  	s3 =	sld [smem:$0x3FFD];
	_ =	sdelay $0x3  }
0x96: {  	_ =	strace s3  }
0x97: {  	_ =	strace $0x8FFFFFFF  }
0x98: {  	s19 =	sld [smem:$0x3FDB];
	_ =	sdelay $0x1  }
0x99: {  	s4 =	simm.s32 $_scs_section_size  }
0x9a: {  	s5 =	simm.s32 $_size__tile_overlayer_lowered;
	s6 =	simm.s32 $_tile_overlayer_lowered  }
0x9b: {  	s22 =	simm.s32 $0x1BFF;
	s21 =	sshll.u32 s6, $0x1;
	s3 =	sadd.s32 s4, s19  }
0x9c: {  	s7 =	simm.s32 $0x0;
	s20 =	sshll.u32 s5, $0x1;
	s5 =	sadd.s32 s21, s3  }
0x9d: {  	[timem:s7], [sflag:s22] =	dma.local [hbm:s5], s20  }
0x9e: {  	_ =	swait.ge [sflag:s22], s20  }
0x9f: {  	s4 =	ssub.s32 $0x0, s20;
	[sflag:s22] =	ssyncset.done $0x0  }
0xa0: {  	[sflag:s22] =	ssyncadd.s32 s4;
	_ =	sdelay $0x1  }
0xa1: {  	s23 =	simm.s32 $0x1B8B  }
0xa2: {  	_ =	swait.ge [sflag:s23], $0x1  }
0xa3: {  	[sflag:s23] =	ssyncset.done $0x0  }
0xa4: {  	s25 =	simm.s32 $0x1B8E;
	s24 =	sld [smem:$0x3FFE];
	[sflag:s23] =	ssyncadd.s32 $0xFFFFFFFF  }
0xa5: {  	s26 =	simm.s32 $execute0_lowered;
	[smem:$0x3FD2] =	sst s25  }
0xa6: {  	s5 =	sshll.u32 s26, $0x1;
	_ =	strace $0x8000004C;
	[dreg:$0x1] =	wrdreg $0xFFFFFFFF  }
0xa7: {  	s28 =	simm.s32 $_size_execute0_lowered;
	s3 =	sadd.s32 s3, s5;
	[dreg:$0x0] =	wrdreg $0x0  }
0xa8: {  	s5 =	sshll.u32 s28, $0x1;
	[dreg:$0x2] =	wrdreg s3  }
0xa9: {  	[dreg:$0x3] =	wrdreg s5  }
0xaa: {  	[dreg:$0x4] =	wrdreg $0xC0  }
0xab: {  	_ =	task [dreg:s7], $0x5FFFF  }
0xac: {  	[dreg:$0x1] =	wrdreg $0xFFFFFFFF  }
0xad: {  	[dreg:$0x0] =	wrdreg $0x60  }
0xae: {  	[dreg:$0x2] =	wrdreg s24  }
0xaf: {  	[dreg:$0x3] =	wrdreg s2  }
0xb0: {  	[dreg:$0x4] =	wrdreg $0xB4000  }
0xb1: {  	[dreg:$0x5] =	wrdreg $0x12C000  }
0xb2: {  	[dreg:$0x6] =	wrdreg $0x9  }
0xb3: {  	_ =	task.clear_ibuf [dreg:s7], $0x7FFFF;
	_ =	strace $0x9000004C  }
0xb4: {  	s29 =	simm.s32 $0x9;
	_ =	strace $0x8000004E  }
0xb5: {  	_ =	swait.ge [sflag:s29], $0x1  }
0xb6: {  	[sflag:s29] =	ssyncadd.s32 $0xFFFFFFFF  }
0xb7: {  	_ =	strace $0x9000004E  }
0xb8: {  	_ =	sfence  }
0xb9: {  	s30 =	sld [smem:$0x0];
	_ =	sdelay $0x2  }
0xba: {  	s31 =	sshll.u32 s1, $0xD;
	s1 =	sshrl.u32 s1, $0x2  }
0xbb: {  	s3 =	sand.u32 $0x4000, s31;
	s1 =	sadd.s32 s1, s30  }
0xbc: {  	s0 =	sor.u32 s3, s0;
	s1 =	sshll.u32 s1, $0x11  }
0xbd: {  	s0 =	sor.u32 s1, s0  }
0xbe: {  	s0 =	sadd.s32 $0x8F2B, s0  }
0xbf: {  	[sflag:s0] =	ssyncadd.remote.s32 $0x1  }
0xc0: {  	_ =	sfence.sel $0xFFFF  }
0xc1: {  	[dreg:$0x0] =	wrdreg $0xFFFFFFFF;
	(pc) =	sbr.abs _section_cstart, $3  }
0xc2: {  	[dreg:$0x1] =	wrdreg $0xFFFFFFFF  }
0xc3: {  	_ =	task.clear_ibuf [dreg:s7], $0x2FFFF;
	_ =	strace $0x9FFFFFFF  }
0xc4: {  	(tm) =	ssettm $0x7FFFFFFF  }
0xc5: {  	_ =	shalt  }
tec
execute0_lowered:
.L_overlay_start_1:
0x0: {  	(tag) =	ssettag $0x1  }
0x1: {  	s0 =	rddreg [dreg:$0x0]  }
0x2: {  	s1 =	rddreg [dreg:$0x1]  }
0x3: {  	s2 =	rddreg [dreg:$0x2]  }
0x4: {  	s3 =	rddreg [dreg:$0x3]  }
0x5: {  	s14 =	stileid.u32;
	s5 =	srdreg.scid  }
0x6: {  	s7 =	simm.s32 $0x0;
	s28 =	simm.s32 $0x80;
	s29 =	simm.s32 $0x6C00  }
0x7: {  	s31 =	simm.s32 $0x8400;
	s15 =	simm.s32 $0x5280;
	s4 =	smul.u32 $0x2D00, s14  }
0x8: {  	s16 =	simm.s32 $0x5300;
	s5 =	sand.u32 $0x1, s5;
	s6 =	smul.u32 $0x7800, s14  }
0x9: {  	[smem:$0x7FF] =	sst s7;
	s17 =	sshll.u32 s14, $0x1;
	s10 =	smul.u32 $0x1E000, s14  }
0xa: {  	s30 =	sshll.u32 s14, $0x6;
	s8 =	smul.u32 $0x168000, s5;
	_ =	strace $0x8000004D  }
0xb: {  	s7 =	sor.u32 s5, s17;
	s5 =	ssub.s32 $0x2, s5;
	s17 =	simm.s32 $0x5380  }
0xc: {  	s4 =	sadd.s32 s4, s0;
	s7 =	smul.u32 $0x540, s7;
	s9 =	sshrl.u32 s5, $0x1  }
0xd: {  	s19 =	sshrl.u32 s10, $0x2;
	s20 =	sadd.s32 s6, s2;
	s8 =	sadd.s32 s6, s8  }
0xe: {  	s5 =	ssub.s32 s5, s9;
	[dreg:$0x7] =	wrdreg s20;
	s21 =	sadd.s32 $0x66000, s4  }
0xf: {  	s9 =	sadd.s32 s6, s3;
	s23 =	sadd.s32 $0x66006, s4;
	s25 =	sadd.s32 $0x6600C, s4  }
0x10: {  	s20 =	simm.s32 $0x9;
	s4 =	simm.s32 $0x2;
	[dreg:$0x8] =	wrdreg s21  }
0x11: {  	s6 =	simm.s32 $0x7;
	s8 =	sshrl.u32 s8, $0x3;
	[dreg:$0xa] =	wrdreg s23  }
0x12: {  	s11 =	sadd.s32 s7, s0;
	s1 =	sadd.s32 s1, s7;
	[dreg:$0xc] =	wrdreg s25  }
0x13: {  	s26 =	smax.u32 s5, $0x1;
	s23 =	simm.s32 $0x1;
	s21 =	simm.s32 $0x5  }
0x14: {  	s5 =	simm.s32 $0x3;
	s7 =	simm.s32 $0x4;
	s0 =	sadd.s32 s8, s0  }
0x15: {  	s18 =	sadd.s32 $0xB800, s11;
	[dreg:$0x6] =	wrdreg s1;
	s1 =	sadd.s32 s19, s3  }
0x16: {  	[dreg:$0xe] =	wrdreg s26;
	s26 =	simm.s32 $0x5400;
	s8 =	simm.s32 $0x8  }
0x17: {  	[dreg:$0x5] =	wrdreg s18;
	s10 =	sadd.s32 $0x1800, s1;
	s11 =	sadd.s32 $0x3000, s1  }
0x18: {  	s12 =	sadd.s32 $0x4800, s1;
	s13 =	sadd.s32 $0x6000, s1;
	s22 =	sadd.s32 $0x93000, s0  }
0x19: {  	s24 =	sadd.s32 $0xA2000, s0;
	s0 =	sadd.s32 $0xB1000, s0;
	[dreg:$0x9] =	wrdreg s22  }
0x1a: {  	s1 =	simm.s32 $0x9C00;
	s18 =	simm.s32 $0x0;
	[dreg:$0xb] =	wrdreg s24  }
0x1b: {  	v0 =	vimm.f32 $0.0e+00;
	[dreg:$0xd] =	wrdreg s0;
	s22 =	sor.u32 $0x1C09, s30;
	s24 =	simm.s32 $0x6  }
.LBB2_1:
0x1c: {  	s0 =	simm.s32 $0x0;
	s14 =	rddreg [dreg:$0x5]  }
0x1d: {  	[tilespmem:s0], [sflag:$0x9] =	stream.linear.gather [hbm4b:s14+s0], $0x2A00, $0x38;
	[tilespmem:$0x1A400] =	vst v63  }
0x1e: {  	_ =	swait.ge [sflag:s20], $0x2A00  }
0x1f: {  	[sflag:s20] =	ssyncset.done $0x0  }
0x20: {  	s19 =	simm.s32 $0x2A00;
	s30 =	rddreg [dreg:$0x6];
	[sflag:s20] =	ssyncadd.s32 $0xFFFFD600  }
0x21: {  	[tilespmem:s19], [sflag:$0x9] =	stream.linear.gather [hbm4b:s30+s0], $0x2A00, $0x38;
	[tilespmem:$0x1A400] =	vst v63  }
0x22: {  	_ =	swait.ge [sflag:s20], $0x2A00  }
0x23: {  	s30 =	simm.s32 $0x12;
	[sflag:s20] =	ssyncset.done $0x0;
	s19 =	rddreg [dreg:$0x7]  }
0x24: {  	s25 =	rddreg [dreg:$0x8];
	[sflag:s20] =	ssyncadd.s32 $0xFFFFD600;
	s19 =	sshrl.u32 s19, $0x3  }
0x25: {  	[spmem:s19@s24], [sflag:s22] =	dma.strided [hbm:s25@s30], $0xF00, s23, $0x6   }
0x26: {  	_ =	swait.ge [sflag:s20], $0xF00  }
0x27: {  	[sflag:s20] =	ssyncset.done $0x0  }
0x28: {  	s0 =	simm.s32 $0xC0;
	s25 =	simm.s32 $0x0;
	[sflag:s20] =	ssyncadd.s32 $0xFFFFF100  }
.LBB2_2:
0x29: {  	p0 =	sne.s32 s0, $0x5F40;
	[tilespmem:s25+$0x5420] =	vst v0;
	s30 =	smov.u32 s0;
	s0 =	sadd.s32 $0xC0, s0  }
.Ltmp0:
0x2a: {  	[tilespmem:s25+$0x5400] =	vst v0;
	(pc) =	sbr.rel @p0 .LBB2_2-.Ltmp0, $2  }
0x2b: {  	[tilespmem:s25+$0x5410] =	vst v0;
	_ =	sdelay $0x2  }
0x2c: {  	s25 =	sshra.s32 s30, $0x2  }
0x2d: {  	[tilespmem:s25+$0x5420] =	vst v0  }
0x2e: {  	[tilespmem:s25+$0x5400] =	vst v0  }
0x2f: {  	[tilespmem:s25+$0x5410] =	vst v0  }
0x30: {  	[spmem:s9] =	stream.linear.scatter [tilespmem:s26], [sflag:$0x9], $0x1800, $0x38;
	[tilespmem:$0x1A400] =	vst v63  }
0x31: {  	_ =	swait.ge [sflag:s20], $0x1800  }
0x32: {  	[sflag:s20] =	ssyncset.done $0x0  }
0x33: {  	[sflag:s20] =	ssyncadd.s32 $0xFFFFE800  }
0x34: {  	[spmem:s10] =	stream.linear.scatter [tilespmem:s26], [sflag:$0x9], $0x1800, $0x38;
	[tilespmem:$0x1A400] =	vst v63  }
0x35: {  	_ =	swait.ge [sflag:s20], $0x1800  }
0x36: {  	[sflag:s20] =	ssyncset.done $0x0  }
0x37: {  	[sflag:s20] =	ssyncadd.s32 $0xFFFFE800  }
0x38: {  	[spmem:s11] =	stream.linear.scatter [tilespmem:s26], [sflag:$0x9], $0x1800, $0x38;
	[tilespmem:$0x1A400] =	vst v63  }
0x39: {  	_ =	swait.ge [sflag:s20], $0x1800  }
0x3a: {  	[sflag:s20] =	ssyncset.done $0x0  }
0x3b: {  	[sflag:s20] =	ssyncadd.s32 $0xFFFFE800  }
0x3c: {  	[spmem:s12] =	stream.linear.scatter [tilespmem:s26], [sflag:$0x9], $0x1800, $0x38;
	[tilespmem:$0x1A400] =	vst v63  }
0x3d: {  	_ =	swait.ge [sflag:s20], $0x1800  }
0x3e: {  	[sflag:s20] =	ssyncset.done $0x0  }
0x3f: {  	[sflag:s20] =	ssyncadd.s32 $0xFFFFE800  }
0x40: {  	[spmem:s13] =	stream.linear.scatter [tilespmem:s26], [sflag:$0x9], $0x1800, $0x38;
	[tilespmem:$0x1A400] =	vst v63  }
0x41: {  	_ =	swait.ge [sflag:s20], $0x1800  }
0x42: {  	[sflag:s20] =	ssyncset.done $0x0  }
0x43: {  	[sflag:s20] =	ssyncadd.s32 $0xFFFFE800  }
0x44: {  	s0 =	simm.s32 $0x0;
	[bflag:$0x0] =	sbarrier.arrive $0xFFFF  }
0x45: {  	[tilespmem:s26], [sflag:$0x1] =	stream.indirect.gather [spmem:s2], $0x30, s0, s28, $0xb8;
	[tilespmem:$0x1A400] =	vst v63  }
0x46: {  	_ = 	snop  }
0x47: {  	[tilespmem:s29], [sflag:$0x2] =	stream.indirect.gather [spmem:s2], $0x30, s28, s28, $0xb8;
	[tilespmem:$0x1A400] =	vst v63  }
0x48: {  	s14 =	simm.s32 $0x100  }
0x49: {  	[tilespmem:s31], [sflag:$0x3] =	stream.indirect.gather [spmem:s2], $0x30, s14, s28, $0xb8;
	[tilespmem:$0x1A400] =	vst v63  }
0x4a: {  	s25 =	simm.s32 $0x180  }
0x4b: {  	[tilespmem:s1], [sflag:$0x4] =	stream.indirect.gather [spmem:s2], $0x30, s25, s28, $0xb8;
	[tilespmem:$0x1A400] =	vst v63  }
0x4c: {  	_ =	swait.ge [sflag:s23], $0x1800  }
0x4d: {  	[sflag:s23] =	ssyncset.done $0x0  }
0x4e: {  	s30 =	simm.s32 $0x2A00;
	[sflag:s23] =	ssyncadd.s32 $0xFFFFE800  }
0x4f: {  	[spmem:s3] =	stream.indirect.scatter.add.f32 [tilespmem:s26], [sflag:$0x5], $0x30, s30, s28, $0xb8;
	[tilespmem:$0x1A400] =	vst v63  }
0x50: {  	_ =	swait.ge [sflag:s21], $0x1800  }
0x51: {  	[sflag:s21] =	ssyncset.done $0x0  }
0x52: {  	s14 =	simm.s32 $0x200;
	[sflag:s21] =	ssyncadd.s32 $0xFFFFE800  }
0x53: {  	[tilespmem:s26], [sflag:$0x1] =	stream.indirect.gather [spmem:s2], $0x30, s14, s28, $0xb8;
	[tilespmem:$0x1A400] =	vst v63  }
0x54: {  	_ =	swait.ge [sflag:s4], $0x1800  }
0x55: {  	[sflag:s4] =	ssyncset.done $0x0  }
0x56: {  	s25 =	simm.s32 $0x2A80;
	[sflag:s4] =	ssyncadd.s32 $0xFFFFE800  }
0x57: {  	[spmem:s3] =	stream.indirect.scatter.add.f32 [tilespmem:s29], [sflag:$0x6], $0x30, s25, s28, $0xb8;
	[tilespmem:$0x1A400] =	vst v63  }
0x58: {  	_ =	swait.ge [sflag:s24], $0x1800  }
0x59: {  	[sflag:s24] =	ssyncset.done $0x0  }
0x5a: {  	s30 =	simm.s32 $0x280;
	[sflag:s24] =	ssyncadd.s32 $0xFFFFE800  }
0x5b: {  	[tilespmem:s29], [sflag:$0x2] =	stream.indirect.gather [spmem:s2], $0x30, s30, s28, $0xb8;
	[tilespmem:$0x1A400] =	vst v63  }
0x5c: {  	_ =	swait.ge [sflag:s5], $0x1800  }
0x5d: {  	[sflag:s5] =	ssyncset.done $0x0  }
0x5e: {  	s14 =	simm.s32 $0x2B00;
	[sflag:s5] =	ssyncadd.s32 $0xFFFFE800  }
0x5f: {  	[spmem:s3] =	stream.indirect.scatter.add.f32 [tilespmem:s31], [sflag:$0x7], $0x30, s14, s28, $0xb8;
	[tilespmem:$0x1A400] =	vst v63  }
0x60: {  	_ =	swait.ge [sflag:s6], $0x1800  }
0x61: {  	[sflag:s6] =	ssyncset.done $0x0  }
0x62: {  	s25 =	simm.s32 $0x300;
	[sflag:s6] =	ssyncadd.s32 $0xFFFFE800  }
0x63: {  	[tilespmem:s31], [sflag:$0x3] =	stream.indirect.gather [spmem:s2], $0x30, s25, s28, $0xb8;
	[tilespmem:$0x1A400] =	vst v63  }
0x64: {  	_ =	swait.ge [sflag:s7], $0x1800  }
0x65: {  	[sflag:s7] =	ssyncset.done $0x0  }
0x66: {  	s30 =	simm.s32 $0x2B80;
	[sflag:s7] =	ssyncadd.s32 $0xFFFFE800  }
0x67: {  	[spmem:s3] =	stream.indirect.scatter.add.f32 [tilespmem:s1], [sflag:$0x8], $0x30, s30, s28, $0xb8;
	[tilespmem:$0x1A400] =	vst v63  }
0x68: {  	_ =	swait.ge [sflag:s8], $0x1800  }
0x69: {  	[sflag:s8] =	ssyncset.done $0x0  }
0x6a: {  	s0 =	simm.s32 $0x380;
	s25 =	simm.s32 $0x800;
	[sflag:s8] =	ssyncadd.s32 $0xFFFFE800  }
.LBB2_4:
0x6b: {  	[tilespmem:s1], [sflag:$0x4] =	stream.indirect.gather [spmem:s2], $0x30, s0, s28, $0xb8;
	[tilespmem:$0x1A400] =	vst v63  }
0x6c: {  	s0 =	smov.u32 s25  }
0x6d: {  	p0 =	sne.s32 s25, $0x9800;
	s25 =	sadd.s32 $0x800, s25;
	_ =	swait.ge [sflag:s23], $0x1800  }
0x6e: {  	s30 =	sshra.s32 s0, $0x2;
	[sflag:s23] =	ssyncset.done $0x0  }
0x6f: {  	s0 =	sadd.s32 $0x2A00, s30;
	[sflag:s23] =	ssyncadd.s32 $0xFFFFE800  }
0x70: {  	[spmem:s3] =	stream.indirect.scatter.add.f32 [tilespmem:s26], [sflag:$0x5], $0x30, s0, s28, $0xb8;
	[tilespmem:$0x1A400] =	vst v63  }
0x71: {  	_ =	swait.ge [sflag:s21], $0x1800  }
0x72: {  	[sflag:s21] =	ssyncset.done $0x0  }
0x73: {  	s0 =	sadd.s32 $0x200, s30;
	[sflag:s21] =	ssyncadd.s32 $0xFFFFE800  }
0x74: {  	[tilespmem:s26], [sflag:$0x1] =	stream.indirect.gather [spmem:s2], $0x30, s0, s28, $0xb8;
	[tilespmem:$0x1A400] =	vst v63  }
0x75: {  	_ =	swait.ge [sflag:s4], $0x1800  }
0x76: {  	[sflag:s4] =	ssyncset.done $0x0  }
0x77: {  	s0 =	sadd.s32 $0x2A80, s30;
	[sflag:s4] =	ssyncadd.s32 $0xFFFFE800  }
0x78: {  	[spmem:s3] =	stream.indirect.scatter.add.f32 [tilespmem:s29], [sflag:$0x6], $0x30, s0, s28, $0xb8;
	[tilespmem:$0x1A400] =	vst v63  }
0x79: {  	_ =	swait.ge [sflag:s24], $0x1800  }
0x7a: {  	[sflag:s24] =	ssyncset.done $0x0  }
0x7b: {  	s0 =	sadd.s32 $0x280, s30;
	[sflag:s24] =	ssyncadd.s32 $0xFFFFE800  }
0x7c: {  	[tilespmem:s29], [sflag:$0x2] =	stream.indirect.gather [spmem:s2], $0x30, s0, s28, $0xb8;
	[tilespmem:$0x1A400] =	vst v63  }
0x7d: {  	_ =	swait.ge [sflag:s5], $0x1800  }
0x7e: {  	[sflag:s5] =	ssyncset.done $0x0  }
0x7f: {  	s0 =	sadd.s32 $0x2B00, s30;
	[sflag:s5] =	ssyncadd.s32 $0xFFFFE800  }
0x80: {  	[spmem:s3] =	stream.indirect.scatter.add.f32 [tilespmem:s31], [sflag:$0x7], $0x30, s0, s28, $0xb8;
	[tilespmem:$0x1A400] =	vst v63  }
0x81: {  	_ =	swait.ge [sflag:s6], $0x1800  }
0x82: {  	[sflag:s6] =	ssyncset.done $0x0  }
0x83: {  	s0 =	sadd.s32 $0x300, s30;
	[sflag:s6] =	ssyncadd.s32 $0xFFFFE800  }
0x84: {  	[tilespmem:s31], [sflag:$0x3] =	stream.indirect.gather [spmem:s2], $0x30, s0, s28, $0xb8;
	[tilespmem:$0x1A400] =	vst v63  }
0x85: {  	_ =	swait.ge [sflag:s7], $0x1800  }
0x86: {  	[sflag:s7] =	ssyncset.done $0x0  }
.Ltmp1:
0x87: {  	s0 =	sadd.s32 $0x2B80, s30;
	[sflag:s7] =	ssyncadd.s32 $0xFFFFE800;
	(pc) =	sbr.rel @p0 .LBB2_4-.Ltmp1, $4  }
0x88: {  	[spmem:s3] =	stream.indirect.scatter.add.f32 [tilespmem:s1], [sflag:$0x8], $0x30, s0, s28, $0xb8;
	[tilespmem:$0x1A400] =	vst v63  }
0x89: {  	_ =	swait.ge [sflag:s8], $0x1800  }
0x8a: {  	[sflag:s8] =	ssyncset.done $0x0  }
0x8b: {  	s0 =	sadd.s32 $0x380, s30;
	[sflag:s8] =	ssyncadd.s32 $0xFFFFE800  }
0x8c: {  	[tilespmem:s1], [sflag:$0x4] =	stream.indirect.gather [spmem:s2], $0x30, s0, s28, $0xb8;
	[tilespmem:$0x1A400] =	vst v63  }
0x8d: {  	_ =	swait.ge [sflag:s23], $0x1800  }
0x8e: {  	[sflag:s23] =	ssyncset.done $0x0  }
0x8f: {  	s25 =	simm.s32 $0x5200;
	[sflag:s23] =	ssyncadd.s32 $0xFFFFE800  }
0x90: {  	[spmem:s3] =	stream.indirect.scatter.add.f32 [tilespmem:s26], [sflag:$0x9], $0x30, s25, s28, $0xb8;
	[tilespmem:$0x1A400] =	vst v63  }
0x91: {  	_ =	swait.ge [sflag:s20], $0x1800  }
0x92: {  	[sflag:s20] =	ssyncset.done $0x0  }
0x93: {  	[sflag:s20] =	ssyncadd.s32 $0xFFFFE800  }
0x94: {  	_ =	swait.ge [sflag:s4], $0x1800  }
0x95: {  	[sflag:s4] =	ssyncset.done $0x0  }
0x96: {  	[sflag:s4] =	ssyncadd.s32 $0xFFFFE800  }
0x97: {  	[spmem:s3] =	stream.indirect.scatter.add.f32 [tilespmem:s29], [sflag:$0x9], $0x30, s15, s28, $0xb8;
	[tilespmem:$0x1A400] =	vst v63  }
0x98: {  	_ =	swait.ge [sflag:s20], $0x1800  }
0x99: {  	[sflag:s20] =	ssyncset.done $0x0  }
0x9a: {  	[sflag:s20] =	ssyncadd.s32 $0xFFFFE800  }
0x9b: {  	_ =	swait.ge [sflag:s5], $0x1800  }
0x9c: {  	[sflag:s5] =	ssyncset.done $0x0  }
0x9d: {  	[sflag:s5] =	ssyncadd.s32 $0xFFFFE800  }
0x9e: {  	[spmem:s3] =	stream.indirect.scatter.add.f32 [tilespmem:s31], [sflag:$0x9], $0x30, s16, s28, $0xb8;
	[tilespmem:$0x1A400] =	vst v63  }
0x9f: {  	_ =	swait.ge [sflag:s20], $0x1800  }
0xa0: {  	[sflag:s20] =	ssyncset.done $0x0  }
0xa1: {  	[sflag:s20] =	ssyncadd.s32 $0xFFFFE800  }
0xa2: {  	_ =	swait.ge [sflag:s7], $0x1800  }
0xa3: {  	[sflag:s7] =	ssyncset.done $0x0  }
0xa4: {  	[sflag:s7] =	ssyncadd.s32 $0xFFFFE800  }
0xa5: {  	[spmem:s3] =	stream.indirect.scatter.add.f32 [tilespmem:s1], [sflag:$0x9], $0x30, s17, s28, $0xb8;
	[tilespmem:$0x1A400] =	vst v63  }
0xa6: {  	_ =	swait.ge [sflag:s20], $0x1800  }
0xa7: {  	[sflag:s20] =	ssyncset.done $0x0  }
0xa8: {  	[sflag:s20] =	ssyncadd.s32 $0xFFFFE800  }
0xa9: {  	[bflag:$0x0] =	sbarrier.arrive $0xFFFF  }
0xaa: {  	s25 =	sshrl.u32 s9, $0x3;
	s14 =	rddreg [dreg:$0x9]  }
0xab: {  	[hbm:s14], [sflag:s22] =	dma.local [spmem:s25], $0xF00  }
0xac: {  	_ =	swait.ge [sflag:s20], $0xF00  }
0xad: {  	[sflag:s20] =	ssyncset.done $0x0  }
0xae: {  	s14 =	simm.s32 $0x12;
	s0 =	rddreg [dreg:$0xa];
	[sflag:s20] =	ssyncadd.s32 $0xFFFFF100  }
0xaf: {  	[spmem:s19@s24], [sflag:s22] =	dma.strided [hbm:s0@s14], $0xF00, s23, $0x6   }
0xb0: {  	_ =	swait.ge [sflag:s20], $0xF00  }
0xb1: {  	[sflag:s20] =	ssyncset.done $0x0  }
0xb2: {  	s30 =	simm.s32 $0x0;
	s0 =	simm.s32 $0xC0;
	[sflag:s20] =	ssyncadd.s32 $0xFFFFF100  }
.LBB2_6:
0xb3: {  	p0 =	sne.s32 s0, $0x5F40;
	[tilespmem:s30+$0x5420] =	vst v0;
	s14 =	smov.u32 s0;
	s0 =	sadd.s32 $0xC0, s0  }
.Ltmp2:
0xb4: {  	[tilespmem:s30+$0x5400] =	vst v0;
	(pc) =	sbr.rel @p0 .LBB2_6-.Ltmp2, $2  }
0xb5: {  	[tilespmem:s30+$0x5410] =	vst v0;
	_ =	sdelay $0x2  }
0xb6: {  	s30 =	sshra.s32 s14, $0x2  }
0xb7: {  	[tilespmem:s30+$0x5420] =	vst v0  }
0xb8: {  	[tilespmem:s30+$0x5400] =	vst v0  }
0xb9: {  	[tilespmem:s30+$0x5410] =	vst v0  }
0xba: {  	[spmem:s9] =	stream.linear.scatter [tilespmem:s26], [sflag:$0x9], $0x1800, $0x38;
	[tilespmem:$0x1A400] =	vst v63  }
0xbb: {  	_ =	swait.ge [sflag:s20], $0x1800  }
0xbc: {  	[sflag:s20] =	ssyncset.done $0x0  }
0xbd: {  	[sflag:s20] =	ssyncadd.s32 $0xFFFFE800  }
0xbe: {  	[spmem:s10] =	stream.linear.scatter [tilespmem:s26], [sflag:$0x9], $0x1800, $0x38;
	[tilespmem:$0x1A400] =	vst v63  }
0xbf: {  	_ =	swait.ge [sflag:s20], $0x1800  }
0xc0: {  	[sflag:s20] =	ssyncset.done $0x0  }
0xc1: {  	[sflag:s20] =	ssyncadd.s32 $0xFFFFE800  }
0xc2: {  	[spmem:s11] =	stream.linear.scatter [tilespmem:s26], [sflag:$0x9], $0x1800, $0x38;
	[tilespmem:$0x1A400] =	vst v63  }
0xc3: {  	_ =	swait.ge [sflag:s20], $0x1800  }
0xc4: {  	[sflag:s20] =	ssyncset.done $0x0  }
0xc5: {  	[sflag:s20] =	ssyncadd.s32 $0xFFFFE800  }
0xc6: {  	[spmem:s12] =	stream.linear.scatter [tilespmem:s26], [sflag:$0x9], $0x1800, $0x38;
	[tilespmem:$0x1A400] =	vst v63  }
0xc7: {  	_ =	swait.ge [sflag:s20], $0x1800  }
0xc8: {  	[sflag:s20] =	ssyncset.done $0x0  }
0xc9: {  	[sflag:s20] =	ssyncadd.s32 $0xFFFFE800  }
0xca: {  	[spmem:s13] =	stream.linear.scatter [tilespmem:s26], [sflag:$0x9], $0x1800, $0x38;
	[tilespmem:$0x1A400] =	vst v63  }
0xcb: {  	_ =	swait.ge [sflag:s20], $0x1800  }
0xcc: {  	[sflag:s20] =	ssyncset.done $0x0  }
0xcd: {  	[sflag:s20] =	ssyncadd.s32 $0xFFFFE800  }
0xce: {  	s0 =	simm.s32 $0x0;
	[bflag:$0x0] =	sbarrier.arrive $0xFFFF  }
0xcf: {  	[tilespmem:s26], [sflag:$0x1] =	stream.indirect.gather [spmem:s2], $0x30, s0, s28, $0xb8;
	[tilespmem:$0x1A400] =	vst v63  }
0xd0: {  	_ = 	snop  }
0xd1: {  	[tilespmem:s29], [sflag:$0x2] =	stream.indirect.gather [spmem:s2], $0x30, s28, s28, $0xb8;
	[tilespmem:$0x1A400] =	vst v63  }
0xd2: {  	s14 =	simm.s32 $0x100  }
0xd3: {  	[tilespmem:s31], [sflag:$0x3] =	stream.indirect.gather [spmem:s2], $0x30, s14, s28, $0xb8;
	[tilespmem:$0x1A400] =	vst v63  }
0xd4: {  	s14 =	simm.s32 $0x180  }
0xd5: {  	[tilespmem:s1], [sflag:$0x4] =	stream.indirect.gather [spmem:s2], $0x30, s14, s28, $0xb8;
	[tilespmem:$0x1A400] =	vst v63  }
0xd6: {  	_ =	swait.ge [sflag:s23], $0x1800  }
0xd7: {  	[sflag:s23] =	ssyncset.done $0x0  }
0xd8: {  	s14 =	simm.s32 $0x2A00;
	[sflag:s23] =	ssyncadd.s32 $0xFFFFE800  }
0xd9: {  	[spmem:s3] =	stream.indirect.scatter.add.f32 [tilespmem:s26], [sflag:$0x5], $0x30, s14, s28, $0xb8;
	[tilespmem:$0x1A400] =	vst v63  }
0xda: {  	_ =	swait.ge [sflag:s21], $0x1800  }
0xdb: {  	[sflag:s21] =	ssyncset.done $0x0  }
0xdc: {  	s14 =	simm.s32 $0x200;
	[sflag:s21] =	ssyncadd.s32 $0xFFFFE800  }
0xdd: {  	[tilespmem:s26], [sflag:$0x1] =	stream.indirect.gather [spmem:s2], $0x30, s14, s28, $0xb8;
	[tilespmem:$0x1A400] =	vst v63  }
0xde: {  	_ =	swait.ge [sflag:s4], $0x1800  }
0xdf: {  	[sflag:s4] =	ssyncset.done $0x0  }
0xe0: {  	s14 =	simm.s32 $0x2A80;
	[sflag:s4] =	ssyncadd.s32 $0xFFFFE800  }
0xe1: {  	[spmem:s3] =	stream.indirect.scatter.add.f32 [tilespmem:s29], [sflag:$0x6], $0x30, s14, s28, $0xb8;
	[tilespmem:$0x1A400] =	vst v63  }
0xe2: {  	_ =	swait.ge [sflag:s24], $0x1800  }
0xe3: {  	[sflag:s24] =	ssyncset.done $0x0  }
0xe4: {  	s14 =	simm.s32 $0x280;
	[sflag:s24] =	ssyncadd.s32 $0xFFFFE800  }
0xe5: {  	[tilespmem:s29], [sflag:$0x2] =	stream.indirect.gather [spmem:s2], $0x30, s14, s28, $0xb8;
	[tilespmem:$0x1A400] =	vst v63  }
0xe6: {  	_ =	swait.ge [sflag:s5], $0x1800  }
0xe7: {  	[sflag:s5] =	ssyncset.done $0x0  }
0xe8: {  	s14 =	simm.s32 $0x2B00;
	[sflag:s5] =	ssyncadd.s32 $0xFFFFE800  }
0xe9: {  	[spmem:s3] =	stream.indirect.scatter.add.f32 [tilespmem:s31], [sflag:$0x7], $0x30, s14, s28, $0xb8;
	[tilespmem:$0x1A400] =	vst v63  }
0xea: {  	_ =	swait.ge [sflag:s6], $0x1800  }
0xeb: {  	[sflag:s6] =	ssyncset.done $0x0  }
0xec: {  	s14 =	simm.s32 $0x300;
	[sflag:s6] =	ssyncadd.s32 $0xFFFFE800  }
0xed: {  	[tilespmem:s31], [sflag:$0x3] =	stream.indirect.gather [spmem:s2], $0x30, s14, s28, $0xb8;
	[tilespmem:$0x1A400] =	vst v63  }
0xee: {  	_ =	swait.ge [sflag:s7], $0x1800  }
0xef: {  	[sflag:s7] =	ssyncset.done $0x0  }
0xf0: {  	s14 =	simm.s32 $0x2B80;
	[sflag:s7] =	ssyncadd.s32 $0xFFFFE800  }
0xf1: {  	[spmem:s3] =	stream.indirect.scatter.add.f32 [tilespmem:s1], [sflag:$0x8], $0x30, s14, s28, $0xb8;
	[tilespmem:$0x1A400] =	vst v63  }
0xf2: {  	_ =	swait.ge [sflag:s8], $0x1800  }
0xf3: {  	[sflag:s8] =	ssyncset.done $0x0  }
0xf4: {  	s30 =	simm.s32 $0x800;
	s0 =	simm.s32 $0x380;
	[sflag:s8] =	ssyncadd.s32 $0xFFFFE800  }
.LBB2_8:
0xf5: {  	[tilespmem:s1], [sflag:$0x4] =	stream.indirect.gather [spmem:s2], $0x30, s0, s28, $0xb8;
	[tilespmem:$0x1A400] =	vst v63  }
0xf6: {  	s0 =	smov.u32 s30  }
0xf7: {  	p0 =	sne.s32 s30, $0x9800;
	s30 =	sadd.s32 $0x800, s30;
	_ =	swait.ge [sflag:s23], $0x1800  }
0xf8: {  	s0 =	sshra.s32 s0, $0x2;
	[sflag:s23] =	ssyncset.done $0x0  }
0xf9: {  	s14 =	sadd.s32 $0x2A00, s0;
	[sflag:s23] =	ssyncadd.s32 $0xFFFFE800  }
0xfa: {  	[spmem:s3] =	stream.indirect.scatter.add.f32 [tilespmem:s26], [sflag:$0x5], $0x30, s14, s28, $0xb8;
	[tilespmem:$0x1A400] =	vst v63  }
0xfb: {  	_ =	swait.ge [sflag:s21], $0x1800  }
0xfc: {  	[sflag:s21] =	ssyncset.done $0x0  }
0xfd: {  	s14 =	sadd.s32 $0x200, s0;
	[sflag:s21] =	ssyncadd.s32 $0xFFFFE800  }
0xfe: {  	[tilespmem:s26], [sflag:$0x1] =	stream.indirect.gather [spmem:s2], $0x30, s14, s28, $0xb8;
	[tilespmem:$0x1A400] =	vst v63  }
0xff: {  	_ =	swait.ge [sflag:s4], $0x1800  }
0x100: {  	[sflag:s4] =	ssyncset.done $0x0  }
0x101: {  	s14 =	sadd.s32 $0x2A80, s0;
	[sflag:s4] =	ssyncadd.s32 $0xFFFFE800  }
0x102: {  	[spmem:s3] =	stream.indirect.scatter.add.f32 [tilespmem:s29], [sflag:$0x6], $0x30, s14, s28, $0xb8;
	[tilespmem:$0x1A400] =	vst v63  }
0x103: {  	_ =	swait.ge [sflag:s24], $0x1800  }
0x104: {  	[sflag:s24] =	ssyncset.done $0x0  }
0x105: {  	s14 =	sadd.s32 $0x280, s0;
	[sflag:s24] =	ssyncadd.s32 $0xFFFFE800  }
0x106: {  	[tilespmem:s29], [sflag:$0x2] =	stream.indirect.gather [spmem:s2], $0x30, s14, s28, $0xb8;
	[tilespmem:$0x1A400] =	vst v63  }
0x107: {  	_ =	swait.ge [sflag:s5], $0x1800  }
0x108: {  	[sflag:s5] =	ssyncset.done $0x0  }
0x109: {  	s14 =	sadd.s32 $0x2B00, s0;
	[sflag:s5] =	ssyncadd.s32 $0xFFFFE800  }
0x10a: {  	[spmem:s3] =	stream.indirect.scatter.add.f32 [tilespmem:s31], [sflag:$0x7], $0x30, s14, s28, $0xb8;
	[tilespmem:$0x1A400] =	vst v63  }
0x10b: {  	_ =	swait.ge [sflag:s6], $0x1800  }
0x10c: {  	[sflag:s6] =	ssyncset.done $0x0  }
0x10d: {  	s14 =	sadd.s32 $0x300, s0;
	[sflag:s6] =	ssyncadd.s32 $0xFFFFE800  }
0x10e: {  	[tilespmem:s31], [sflag:$0x3] =	stream.indirect.gather [spmem:s2], $0x30, s14, s28, $0xb8;
	[tilespmem:$0x1A400] =	vst v63  }
0x10f: {  	_ =	swait.ge [sflag:s7], $0x1800  }
0x110: {  	[sflag:s7] =	ssyncset.done $0x0  }
.Ltmp3:
0x111: {  	s14 =	sadd.s32 $0x2B80, s0;
	[sflag:s7] =	ssyncadd.s32 $0xFFFFE800;
	(pc) =	sbr.rel @p0 .LBB2_8-.Ltmp3, $4  }
0x112: {  	[spmem:s3] =	stream.indirect.scatter.add.f32 [tilespmem:s1], [sflag:$0x8], $0x30, s14, s28, $0xb8;
	[tilespmem:$0x1A400] =	vst v63  }
0x113: {  	_ =	swait.ge [sflag:s8], $0x1800  }
0x114: {  	[sflag:s8] =	ssyncset.done $0x0  }
0x115: {  	s0 =	sadd.s32 $0x380, s0;
	[sflag:s8] =	ssyncadd.s32 $0xFFFFE800  }
0x116: {  	[tilespmem:s1], [sflag:$0x4] =	stream.indirect.gather [spmem:s2], $0x30, s0, s28, $0xb8;
	[tilespmem:$0x1A400] =	vst v63  }
0x117: {  	_ =	swait.ge [sflag:s23], $0x1800  }
0x118: {  	[sflag:s23] =	ssyncset.done $0x0  }
0x119: {  	s30 =	simm.s32 $0x5200;
	[sflag:s23] =	ssyncadd.s32 $0xFFFFE800  }
0x11a: {  	[spmem:s3] =	stream.indirect.scatter.add.f32 [tilespmem:s26], [sflag:$0x9], $0x30, s30, s28, $0xb8;
	[tilespmem:$0x1A400] =	vst v63  }
0x11b: {  	_ =	swait.ge [sflag:s20], $0x1800  }
0x11c: {  	[sflag:s20] =	ssyncset.done $0x0  }
0x11d: {  	[sflag:s20] =	ssyncadd.s32 $0xFFFFE800  }
0x11e: {  	_ =	swait.ge [sflag:s4], $0x1800  }
0x11f: {  	[sflag:s4] =	ssyncset.done $0x0  }
0x120: {  	[sflag:s4] =	ssyncadd.s32 $0xFFFFE800  }
0x121: {  	[spmem:s3] =	stream.indirect.scatter.add.f32 [tilespmem:s29], [sflag:$0x9], $0x30, s15, s28, $0xb8;
	[tilespmem:$0x1A400] =	vst v63  }
0x122: {  	_ =	swait.ge [sflag:s20], $0x1800  }
0x123: {  	[sflag:s20] =	ssyncset.done $0x0  }
0x124: {  	[sflag:s20] =	ssyncadd.s32 $0xFFFFE800  }
0x125: {  	_ =	swait.ge [sflag:s5], $0x1800  }
0x126: {  	[sflag:s5] =	ssyncset.done $0x0  }
0x127: {  	[sflag:s5] =	ssyncadd.s32 $0xFFFFE800  }
0x128: {  	[spmem:s3] =	stream.indirect.scatter.add.f32 [tilespmem:s31], [sflag:$0x9], $0x30, s16, s28, $0xb8;
	[tilespmem:$0x1A400] =	vst v63  }
0x129: {  	_ =	swait.ge [sflag:s20], $0x1800  }
0x12a: {  	[sflag:s20] =	ssyncset.done $0x0  }
0x12b: {  	[sflag:s20] =	ssyncadd.s32 $0xFFFFE800  }
0x12c: {  	_ =	swait.ge [sflag:s7], $0x1800  }
0x12d: {  	[sflag:s7] =	ssyncset.done $0x0  }
0x12e: {  	[sflag:s7] =	ssyncadd.s32 $0xFFFFE800  }
0x12f: {  	[spmem:s3] =	stream.indirect.scatter.add.f32 [tilespmem:s1], [sflag:$0x9], $0x30, s17, s28, $0xb8;
	[tilespmem:$0x1A400] =	vst v63  }
0x130: {  	_ =	swait.ge [sflag:s20], $0x1800  }
0x131: {  	[sflag:s20] =	ssyncset.done $0x0  }
0x132: {  	[sflag:s20] =	ssyncadd.s32 $0xFFFFE800  }
0x133: {  	[bflag:$0x0] =	sbarrier.arrive $0xFFFF  }
0x134: {  	s14 =	rddreg [dreg:$0xb]  }
0x135: {  	[hbm:s14], [sflag:s22] =	dma.local [spmem:s25], $0xF00  }
0x136: {  	_ =	swait.ge [sflag:s20], $0xF00  }
0x137: {  	[sflag:s20] =	ssyncset.done $0x0  }
0x138: {  	s14 =	simm.s32 $0x12;
	s30 =	rddreg [dreg:$0xc];
	[sflag:s20] =	ssyncadd.s32 $0xFFFFF100  }
0x139: {  	[spmem:s19@s24], [sflag:s22] =	dma.strided [hbm:s30@s14], $0xF00, s23, $0x6   }
0x13a: {  	_ =	swait.ge [sflag:s20], $0xF00  }
0x13b: {  	[sflag:s20] =	ssyncset.done $0x0  }
0x13c: {  	s0 =	simm.s32 $0xC0;
	s19 =	simm.s32 $0x0;
	[sflag:s20] =	ssyncadd.s32 $0xFFFFF100  }
.LBB2_10:
0x13d: {  	p0 =	sne.s32 s0, $0x5F40;
	[tilespmem:s19+$0x5420] =	vst v0;
	s14 =	smov.u32 s0;
	s0 =	sadd.s32 $0xC0, s0  }
.Ltmp4:
0x13e: {  	[tilespmem:s19+$0x5400] =	vst v0;
	(pc) =	sbr.rel @p0 .LBB2_10-.Ltmp4, $2  }
0x13f: {  	[tilespmem:s19+$0x5410] =	vst v0;
	_ =	sdelay $0x2  }
0x140: {  	s19 =	sshra.s32 s14, $0x2  }
0x141: {  	[tilespmem:s19+$0x5420] =	vst v0  }
0x142: {  	[tilespmem:s19+$0x5400] =	vst v0  }
0x143: {  	[tilespmem:s19+$0x5410] =	vst v0  }
0x144: {  	[spmem:s9] =	stream.linear.scatter [tilespmem:s26], [sflag:$0x9], $0x1800, $0x38;
	[tilespmem:$0x1A400] =	vst v63  }
0x145: {  	_ =	swait.ge [sflag:s20], $0x1800  }
0x146: {  	[sflag:s20] =	ssyncset.done $0x0  }
0x147: {  	[sflag:s20] =	ssyncadd.s32 $0xFFFFE800  }
0x148: {  	[spmem:s10] =	stream.linear.scatter [tilespmem:s26], [sflag:$0x9], $0x1800, $0x38;
	[tilespmem:$0x1A400] =	vst v63  }
0x149: {  	_ =	swait.ge [sflag:s20], $0x1800  }
0x14a: {  	[sflag:s20] =	ssyncset.done $0x0  }
0x14b: {  	[sflag:s20] =	ssyncadd.s32 $0xFFFFE800  }
0x14c: {  	[spmem:s11] =	stream.linear.scatter [tilespmem:s26], [sflag:$0x9], $0x1800, $0x38;
	[tilespmem:$0x1A400] =	vst v63  }
0x14d: {  	_ =	swait.ge [sflag:s20], $0x1800  }
0x14e: {  	[sflag:s20] =	ssyncset.done $0x0  }
0x14f: {  	[sflag:s20] =	ssyncadd.s32 $0xFFFFE800  }
0x150: {  	[spmem:s12] =	stream.linear.scatter [tilespmem:s26], [sflag:$0x9], $0x1800, $0x38;
	[tilespmem:$0x1A400] =	vst v63  }
0x151: {  	_ =	swait.ge [sflag:s20], $0x1800  }
0x152: {  	[sflag:s20] =	ssyncset.done $0x0  }
0x153: {  	[sflag:s20] =	ssyncadd.s32 $0xFFFFE800  }
0x154: {  	[spmem:s13] =	stream.linear.scatter [tilespmem:s26], [sflag:$0x9], $0x1800, $0x38;
	[tilespmem:$0x1A400] =	vst v63  }
0x155: {  	_ =	swait.ge [sflag:s20], $0x1800  }
0x156: {  	[sflag:s20] =	ssyncset.done $0x0  }
0x157: {  	[sflag:s20] =	ssyncadd.s32 $0xFFFFE800  }
0x158: {  	s0 =	simm.s32 $0x0;
	[bflag:$0x0] =	sbarrier.arrive $0xFFFF  }
0x159: {  	[tilespmem:s26], [sflag:$0x1] =	stream.indirect.gather [spmem:s2], $0x30, s0, s28, $0xb8;
	[tilespmem:$0x1A400] =	vst v63  }
0x15a: {  	_ = 	snop  }
0x15b: {  	[tilespmem:s29], [sflag:$0x2] =	stream.indirect.gather [spmem:s2], $0x30, s28, s28, $0xb8;
	[tilespmem:$0x1A400] =	vst v63  }
0x15c: {  	s14 =	simm.s32 $0x100  }
0x15d: {  	[tilespmem:s31], [sflag:$0x3] =	stream.indirect.gather [spmem:s2], $0x30, s14, s28, $0xb8;
	[tilespmem:$0x1A400] =	vst v63  }
0x15e: {  	s19 =	simm.s32 $0x180  }
0x15f: {  	[tilespmem:s1], [sflag:$0x4] =	stream.indirect.gather [spmem:s2], $0x30, s19, s28, $0xb8;
	[tilespmem:$0x1A400] =	vst v63  }
0x160: {  	_ =	swait.ge [sflag:s23], $0x1800  }
0x161: {  	[sflag:s23] =	ssyncset.done $0x0  }
0x162: {  	s30 =	simm.s32 $0x2A00;
	[sflag:s23] =	ssyncadd.s32 $0xFFFFE800  }
0x163: {  	[spmem:s3] =	stream.indirect.scatter.add.f32 [tilespmem:s26], [sflag:$0x5], $0x30, s30, s28, $0xb8;
	[tilespmem:$0x1A400] =	vst v63  }
0x164: {  	_ =	swait.ge [sflag:s21], $0x1800  }
0x165: {  	[sflag:s21] =	ssyncset.done $0x0  }
0x166: {  	s14 =	simm.s32 $0x200;
	[sflag:s21] =	ssyncadd.s32 $0xFFFFE800  }
0x167: {  	[tilespmem:s26], [sflag:$0x1] =	stream.indirect.gather [spmem:s2], $0x30, s14, s28, $0xb8;
	[tilespmem:$0x1A400] =	vst v63  }
0x168: {  	_ =	swait.ge [sflag:s4], $0x1800  }
0x169: {  	[sflag:s4] =	ssyncset.done $0x0  }
0x16a: {  	s19 =	simm.s32 $0x2A80;
	[sflag:s4] =	ssyncadd.s32 $0xFFFFE800  }
0x16b: {  	[spmem:s3] =	stream.indirect.scatter.add.f32 [tilespmem:s29], [sflag:$0x6], $0x30, s19, s28, $0xb8;
	[tilespmem:$0x1A400] =	vst v63  }
0x16c: {  	_ =	swait.ge [sflag:s24], $0x1800  }
0x16d: {  	[sflag:s24] =	ssyncset.done $0x0  }
0x16e: {  	s30 =	simm.s32 $0x280;
	[sflag:s24] =	ssyncadd.s32 $0xFFFFE800  }
0x16f: {  	[tilespmem:s29], [sflag:$0x2] =	stream.indirect.gather [spmem:s2], $0x30, s30, s28, $0xb8;
	[tilespmem:$0x1A400] =	vst v63  }
0x170: {  	_ =	swait.ge [sflag:s5], $0x1800  }
0x171: {  	[sflag:s5] =	ssyncset.done $0x0  }
0x172: {  	s14 =	simm.s32 $0x2B00;
	[sflag:s5] =	ssyncadd.s32 $0xFFFFE800  }
0x173: {  	[spmem:s3] =	stream.indirect.scatter.add.f32 [tilespmem:s31], [sflag:$0x7], $0x30, s14, s28, $0xb8;
	[tilespmem:$0x1A400] =	vst v63  }
0x174: {  	_ =	swait.ge [sflag:s6], $0x1800  }
0x175: {  	[sflag:s6] =	ssyncset.done $0x0  }
0x176: {  	s19 =	simm.s32 $0x300;
	[sflag:s6] =	ssyncadd.s32 $0xFFFFE800  }
0x177: {  	[tilespmem:s31], [sflag:$0x3] =	stream.indirect.gather [spmem:s2], $0x30, s19, s28, $0xb8;
	[tilespmem:$0x1A400] =	vst v63  }
0x178: {  	_ =	swait.ge [sflag:s7], $0x1800  }
0x179: {  	[sflag:s7] =	ssyncset.done $0x0  }
0x17a: {  	s30 =	simm.s32 $0x2B80;
	[sflag:s7] =	ssyncadd.s32 $0xFFFFE800  }
0x17b: {  	[spmem:s3] =	stream.indirect.scatter.add.f32 [tilespmem:s1], [sflag:$0x8], $0x30, s30, s28, $0xb8;
	[tilespmem:$0x1A400] =	vst v63  }
0x17c: {  	_ =	swait.ge [sflag:s8], $0x1800  }
0x17d: {  	[sflag:s8] =	ssyncset.done $0x0  }
0x17e: {  	s0 =	simm.s32 $0x380;
	s19 =	simm.s32 $0x800;
	[sflag:s8] =	ssyncadd.s32 $0xFFFFE800  }
.LBB2_12:
0x17f: {  	[tilespmem:s1], [sflag:$0x4] =	stream.indirect.gather [spmem:s2], $0x30, s0, s28, $0xb8;
	[tilespmem:$0x1A400] =	vst v63  }
0x180: {  	s0 =	smov.u32 s19  }
0x181: {  	p0 =	sne.s32 s19, $0x9800;
	s19 =	sadd.s32 $0x800, s19;
	_ =	swait.ge [sflag:s23], $0x1800  }
0x182: {  	s0 =	sshra.s32 s0, $0x2;
	[sflag:s23] =	ssyncset.done $0x0  }
0x183: {  	s14 =	sadd.s32 $0x2A00, s0;
	[sflag:s23] =	ssyncadd.s32 $0xFFFFE800  }
0x184: {  	[spmem:s3] =	stream.indirect.scatter.add.f32 [tilespmem:s26], [sflag:$0x5], $0x30, s14, s28, $0xb8;
	[tilespmem:$0x1A400] =	vst v63  }
0x185: {  	_ =	swait.ge [sflag:s21], $0x1800  }
0x186: {  	[sflag:s21] =	ssyncset.done $0x0  }
0x187: {  	s14 =	sadd.s32 $0x200, s0;
	[sflag:s21] =	ssyncadd.s32 $0xFFFFE800  }
0x188: {  	[tilespmem:s26], [sflag:$0x1] =	stream.indirect.gather [spmem:s2], $0x30, s14, s28, $0xb8;
	[tilespmem:$0x1A400] =	vst v63  }
0x189: {  	_ =	swait.ge [sflag:s4], $0x1800  }
0x18a: {  	[sflag:s4] =	ssyncset.done $0x0  }
0x18b: {  	s14 =	sadd.s32 $0x2A80, s0;
	[sflag:s4] =	ssyncadd.s32 $0xFFFFE800  }
0x18c: {  	[spmem:s3] =	stream.indirect.scatter.add.f32 [tilespmem:s29], [sflag:$0x6], $0x30, s14, s28, $0xb8;
	[tilespmem:$0x1A400] =	vst v63  }
0x18d: {  	_ =	swait.ge [sflag:s24], $0x1800  }
0x18e: {  	[sflag:s24] =	ssyncset.done $0x0  }
0x18f: {  	s14 =	sadd.s32 $0x280, s0;
	[sflag:s24] =	ssyncadd.s32 $0xFFFFE800  }
0x190: {  	[tilespmem:s29], [sflag:$0x2] =	stream.indirect.gather [spmem:s2], $0x30, s14, s28, $0xb8;
	[tilespmem:$0x1A400] =	vst v63  }
0x191: {  	_ =	swait.ge [sflag:s5], $0x1800  }
0x192: {  	[sflag:s5] =	ssyncset.done $0x0  }
0x193: {  	s14 =	sadd.s32 $0x2B00, s0;
	[sflag:s5] =	ssyncadd.s32 $0xFFFFE800  }
0x194: {  	[spmem:s3] =	stream.indirect.scatter.add.f32 [tilespmem:s31], [sflag:$0x7], $0x30, s14, s28, $0xb8;
	[tilespmem:$0x1A400] =	vst v63  }
0x195: {  	_ =	swait.ge [sflag:s6], $0x1800  }
0x196: {  	[sflag:s6] =	ssyncset.done $0x0  }
0x197: {  	s14 =	sadd.s32 $0x300, s0;
	[sflag:s6] =	ssyncadd.s32 $0xFFFFE800  }
0x198: {  	[tilespmem:s31], [sflag:$0x3] =	stream.indirect.gather [spmem:s2], $0x30, s14, s28, $0xb8;
	[tilespmem:$0x1A400] =	vst v63  }
0x199: {  	_ =	swait.ge [sflag:s7], $0x1800  }
0x19a: {  	[sflag:s7] =	ssyncset.done $0x0  }
.Ltmp5:
0x19b: {  	s14 =	sadd.s32 $0x2B80, s0;
	[sflag:s7] =	ssyncadd.s32 $0xFFFFE800;
	(pc) =	sbr.rel @p0 .LBB2_12-.Ltmp5, $4  }
0x19c: {  	[spmem:s3] =	stream.indirect.scatter.add.f32 [tilespmem:s1], [sflag:$0x8], $0x30, s14, s28, $0xb8;
	[tilespmem:$0x1A400] =	vst v63  }
0x19d: {  	_ =	swait.ge [sflag:s8], $0x1800  }
0x19e: {  	[sflag:s8] =	ssyncset.done $0x0  }
0x19f: {  	s0 =	sadd.s32 $0x380, s0;
	[sflag:s8] =	ssyncadd.s32 $0xFFFFE800  }
0x1a0: {  	[tilespmem:s1], [sflag:$0x4] =	stream.indirect.gather [spmem:s2], $0x30, s0, s28, $0xb8;
	[tilespmem:$0x1A400] =	vst v63  }
0x1a1: {  	_ =	swait.ge [sflag:s23], $0x1800  }
0x1a2: {  	[sflag:s23] =	ssyncset.done $0x0  }
0x1a3: {  	s14 =	simm.s32 $0x5200;
	[sflag:s23] =	ssyncadd.s32 $0xFFFFE800  }
0x1a4: {  	[spmem:s3] =	stream.indirect.scatter.add.f32 [tilespmem:s26], [sflag:$0x9], $0x30, s14, s28, $0xb8;
	[tilespmem:$0x1A400] =	vst v63  }
0x1a5: {  	_ =	swait.ge [sflag:s20], $0x1800  }
0x1a6: {  	[sflag:s20] =	ssyncset.done $0x0  }
0x1a7: {  	[sflag:s20] =	ssyncadd.s32 $0xFFFFE800  }
0x1a8: {  	_ =	swait.ge [sflag:s4], $0x1800  }
0x1a9: {  	[sflag:s4] =	ssyncset.done $0x0  }
0x1aa: {  	[sflag:s4] =	ssyncadd.s32 $0xFFFFE800  }
0x1ab: {  	[spmem:s3] =	stream.indirect.scatter.add.f32 [tilespmem:s29], [sflag:$0x9], $0x30, s15, s28, $0xb8;
	[tilespmem:$0x1A400] =	vst v63  }
0x1ac: {  	_ =	swait.ge [sflag:s20], $0x1800  }
0x1ad: {  	[sflag:s20] =	ssyncset.done $0x0  }
0x1ae: {  	[sflag:s20] =	ssyncadd.s32 $0xFFFFE800  }
0x1af: {  	_ =	swait.ge [sflag:s5], $0x1800  }
0x1b0: {  	[sflag:s5] =	ssyncset.done $0x0  }
0x1b1: {  	[sflag:s5] =	ssyncadd.s32 $0xFFFFE800  }
0x1b2: {  	[spmem:s3] =	stream.indirect.scatter.add.f32 [tilespmem:s31], [sflag:$0x9], $0x30, s16, s28, $0xb8;
	[tilespmem:$0x1A400] =	vst v63  }
0x1b3: {  	_ =	swait.ge [sflag:s20], $0x1800  }
0x1b4: {  	[sflag:s20] =	ssyncset.done $0x0  }
0x1b5: {  	[sflag:s20] =	ssyncadd.s32 $0xFFFFE800  }
0x1b6: {  	_ =	swait.ge [sflag:s7], $0x1800  }
0x1b7: {  	[sflag:s7] =	ssyncset.done $0x0  }
0x1b8: {  	[sflag:s7] =	ssyncadd.s32 $0xFFFFE800  }
0x1b9: {  	[spmem:s3] =	stream.indirect.scatter.add.f32 [tilespmem:s1], [sflag:$0x9], $0x30, s17, s28, $0xb8;
	[tilespmem:$0x1A400] =	vst v63  }
0x1ba: {  	_ =	swait.ge [sflag:s20], $0x1800  }
0x1bb: {  	[sflag:s20] =	ssyncset.done $0x0  }
0x1bc: {  	[sflag:s20] =	ssyncadd.s32 $0xFFFFE800  }
0x1bd: {  	[bflag:$0x0] =	sbarrier.arrive $0xFFFF  }
0x1be: {  	s19 =	rddreg [dreg:$0xd]  }
0x1bf: {  	[hbm:s19], [sflag:s22] =	dma.local [spmem:s25], $0xF00  }
0x1c0: {  	_ =	swait.ge [sflag:s20], $0xF00  }
0x1c1: {  	s18 =	sadd.s32 $0x1, s18;
	s30 =	rddreg [dreg:$0xe]  }
0x1c2: {  	p0 =	sne.s32 s18, s30  }
.Ltmp6:
0x1c3: {  	_ = 	snop;
	(pc) =	sbr.rel @p0 .LBB2_1-.Ltmp6, $3  }
0x1c4: {  	_ =	sdelay $0x1  }
0x1c5: {  	[sflag:s20] =	ssyncset.done $0x0  }
0x1c6: {  	[sflag:s20] =	ssyncadd.s32 $0xFFFFF100  }
0x1c7: {  	_ =	sfence.sel $0x180000  }
0x1c8: {  	[bflag:$0x0] =	sbarrier.arrive $0xFFFF  }
0x1c9: {  	_ =	strace $0x9000004D  }
0x1ca: {  	s0 =	stileid.u32;
	[bflag:$0x2] =	sbarrier.arrive $0xFFFF  }
0x1cb: {  	p0 =	sne.s32 s0, $0x0;
	s0 =	rddreg [dreg:$0x4]  }
0x1cc: {  	s0 =	sadd.s32 @!p0 $0x100000, s0  }
0x1cd: {  	[sflag:s0] =	ssyncadd.tile.s32 @!p0 $0x1;
	_ =	shalt  }
.Lfunc_end2:
_tile_overlayer_lowered:
.L_overlay_start_2:
0x1ce: {  	(tag) =	ssettag $0x2  }
0x1cf: {  	s0 =	rddreg [dreg:$0x0];
	s2 =	stileid.u32  }
0x1d0: {  	s1 =	rddreg [dreg:$0x1];
	p0 =	sne.s32 s2, $0x0  }
0x1d1: {  	s3 =	rddreg [dreg:$0x2];
	[bflag:$0x3] =	sbarrier.arrive $0xFFFF;
	s2 =	simm.s32 @!p0 $0x1C09  }
0x1d2: {  	[timem:s3], [sflag:s2] =	dma.local @!p0 [hbm:s0], s1  }
0x1d3: {  	s0 =	simm.s32 @!p0 $0x9  }
0x1d4: {  	_ =	swait.ge @!p0 [sflag:s0], s1  }
0x1d5: {  	s1 =	ssub.s32 @!p0 $0x0, s1;
	[sflag:s0] =	ssyncset.done @!p0 $0x0  }
0x1d6: {  	[sflag:s0] =	ssyncadd.s32 @!p0 s1  }
0x1d7: {  	[bflag:$0x3] =	sbarrier.arrive $0xFFFF  }
0x1d8: {  	_ =	shalt  }

// kernel: kernel.8.cloned.1.call-start
scs
__scs_entry_jumppad:
0x0: {  	(pc) =	sbr.rel $0x88, $3  }
0x1: {  	(tag) =	ssettag $0x0;
	lr =	simm.s32 $0x1  }
0x2: {  	[smem:$0x3F9B] =	sst lr;
	_ =	strace $0xD0000000  }
0x3: {  	_ = 	snop  }
0x4: {  	_ = 	snop  }
0x5: {  	_ = 	snop  }
0x6: {  	_ = 	snop  }
0x7: {  	_ = 	snop  }
__scs_overlays_trampoline_lowered:
0x8: {  	[smem:$0x3FAA] =	sst s0  }
0x9: {  	[smem:$0x3FAB] =	sst s1  }
0xa: {  	[smem:$0x3FAC] =	sst s2  }
0xb: {  	[smem:$0x3FAD] =	sst s3  }
0xc: {  	[smem:$0x3FAE] =	sst s4  }
0xd: {  	[smem:$0x3FAF] =	sst s5  }
0xe: {  	[smem:$0x3FB0] =	sst s6  }
0xf: {  	[smem:$0x3FB1] =	sst s7  }
0x10: {  	[smem:$0x3FB2] =	sst s8  }
0x11: {  	[smem:$0x3FB3] =	sst s9;
	s0 =	simm.s32 @!p0 $0x0  }
0x12: {  	s1 =	sld [smem:$0x3F99];
	s0 =	simm.s32 @p0 $0x1  }
0x13: {  	[smem:$0x3FB4] =	sst s0;
	s0 =	simm.s32 @!p1 $0x0  }
0x14: {  	s2 =	sld [smem:$0x3F98];
	s0 =	simm.s32 @p1 $0x1  }
0x15: {  	[smem:$0x3FB5] =	sst s0;
	s0 =	simm.s32 @!p2 $0x0  }
0x16: {  	s3 =	sld [smem:$0x3FDB];
	s0 =	simm.s32 @p2 $0x1  }
0x17: {  	s4 =	simm.s32 $0x1BF5;
	[smem:$0x3FB7] =	sst s0  }
0x18: {  	s0 =	sld [smem:$0x3F9A];
	_ =	swait.ge [sflag:s4], $0x0  }
0x19: {  	s7 =	sld [smem:$0x3F9B]  }
0x1a: {  	s8 =	sadd.s32 $0xFFFFE003, lr  }
0x1b: {  	s9 =	sadd.s32 $0xFFFFFEF7, lr;
	s5 =	simm.s32 $0xFFFFFFFF;
	p2 =	slt.u32 s8, $0xFFFFF086  }
0x1c: {  	p1 =	slt.u32 s9, $0xF7A;
	s5 =	simm.s32 @!p2 $0x0  }
0x1d: {  	s5 =	simm.s32 @p1 $0x1;
	p0 =	seq.s32 s7, s2  }
0x1e: {  	s7 =	smul.u32 @!p0 $0xF7A, s2;
	p2 =	seq.s32 @!p0 s5, $0x0  }
0x1f: {  	s9 =	smul.u32 $0xF7A, s1;
	s8 =	simm.s32 @!p0 $0x1BF5;
	p2 =	por !p2, p0  }
0x20: {  	[sflag:s8] =	ssyncset.s32 @!p0 $0xFFFFF086;
	s6 =	sadd.s32 @!p0 s3, s7;
	s7 =	simm.s32 @!p0 $0x108  }
0x21: {  	s3 =	sadd.s32 s3, s9;
	s6 =	sadd.s32 @!p0 $0x88, s6;
	s7 =	simm.s32 @p2 $0x1082  }
0x22: {  	[simem:s7], [sflag:s8] =	dma.local @!p0 [hbm:s6], $0xF7A  }
0x23: {  	s9 =	sor.u32 $0xD0000000, s2;
	s6 =	simm.s32 $0x108;
	_ =	swait.ge @!p0 [sflag:s8], $0x0  }
0x24: {  	s3 =	sadd.s32 $0x88, s3;
	s6 =	simm.s32 @!p1 $0x1082;
	[sflag:s4] =	ssyncset.s32 $0xFFFFF086  }
0x25: {  	[simem:s6], [sflag:s4] =	dma.local [hbm:s3], $0xF7A  }
0x26: {  	[smem:$0x3F9B] =	sst s1;
	(tag) =	ssettag s2;
	_ =	strace s9  }
0x27: {  	s1 =	sld [smem:$0x3FAB]  }
0x28: {  	s2 =	sld [smem:$0x3FAC]  }
0x29: {  	s4 =	sld [smem:$0x3FAE]  }
0x2a: {  	p0 =	seq.s32 s5, $0x0;
	s5 =	sld [smem:$0x3FAF]  }
0x2b: {  	s6 =	sld [smem:$0x3FB0]  }
0x2c: {  	s7 =	sld [smem:$0x3FB1]  }
0x2d: {  	s3 =	simm.s32 $0x108;
	s8 =	sld [smem:$0x3FB2]  }
0x2e: {  	s3 =	simm.s32 @!p0 $0x1082;
	s9 =	sld [smem:$0x3FB3]  }
0x2f: {  	lr =	sadd.s32 s0, s3;
	s0 =	sld [smem:$0x3FAA]  }
0x30: {  	s3 =	sld [smem:$0x3FAD]  }
0x31: {  	[smem:$0x3FB6] =	sst s10  }
0x32: {  	s10 =	sld [smem:$0x3FB4];
	_ =	sdelay $0x3  }
0x33: {  	p0 =	seq.s32 s10, $0x1;
	s10 =	sld [smem:$0x3FB6];
	_ =	sdelay $0x3  }
0x34: {  	[smem:$0x3FB6] =	sst s10  }
0x35: {  	s10 =	sld [smem:$0x3FB5];
	_ =	sdelay $0x3  }
0x36: {  	p1 =	seq.s32 s10, $0x1;
	s10 =	sld [smem:$0x3FB6];
	_ =	sdelay $0x3  }
0x37: {  	[smem:$0x3FB6] =	sst s10  }
0x38: {  	s10 =	sld [smem:$0x3FB7]  }
0x39: {  	_ = 	snop;
	(pc) =	sbr.ind lr, $3  }
0x3a: {  	_ = 	snop  }
0x3b: {  	_ = 	snop  }
0x3c: {  	p2 =	seq.s32 s10, $0x1;
	s10 =	sld [smem:$0x3FB6]  }
0x3d: {  	_ =	shalt  }
0x3e: {  	_ =	shalt  }
0x3f: {  	_ =	shalt  }
0x40: {  	_ =	shalt  }
0x41: {  	_ =	shalt  }
0x42: {  	_ =	shalt  }
0x43: {  	_ =	shalt  }
0x44: {  	_ =	shalt  }
0x45: {  	_ =	shalt  }
0x46: {  	_ =	shalt  }
0x47: {  	_ =	shalt  }
0x48: {  	_ =	shalt  }
0x49: {  	_ =	shalt  }
0x4a: {  	_ =	shalt  }
0x4b: {  	_ =	shalt  }
0x4c: {  	_ =	shalt  }
0x4d: {  	_ =	shalt  }
0x4e: {  	_ =	shalt  }
0x4f: {  	_ =	shalt  }
0x50: {  	_ =	shalt  }
0x51: {  	_ =	shalt  }
0x52: {  	_ =	shalt  }
0x53: {  	_ =	shalt  }
0x54: {  	_ =	shalt  }
0x55: {  	_ =	shalt  }
0x56: {  	_ =	shalt  }
0x57: {  	_ =	shalt  }
0x58: {  	_ =	shalt  }
0x59: {  	_ =	shalt  }
0x5a: {  	_ =	shalt  }
0x5b: {  	_ =	shalt  }
0x5c: {  	_ =	shalt  }
0x5d: {  	_ =	shalt  }
0x5e: {  	_ =	shalt  }
0x5f: {  	_ =	shalt  }
0x60: {  	_ =	shalt  }
0x61: {  	_ =	shalt  }
0x62: {  	_ =	shalt  }
0x63: {  	_ =	shalt  }
0x64: {  	_ =	shalt  }
0x65: {  	_ =	shalt  }
0x66: {  	_ =	shalt  }
0x67: {  	_ =	shalt  }
0x68: {  	_ =	shalt  }
0x69: {  	_ =	shalt  }
0x6a: {  	_ =	shalt  }
0x6b: {  	_ =	shalt  }
0x6c: {  	_ =	shalt  }
0x6d: {  	_ =	shalt  }
0x6e: {  	_ =	shalt  }
0x6f: {  	_ =	shalt  }
0x70: {  	_ =	shalt  }
0x71: {  	_ =	shalt  }
0x72: {  	_ =	shalt  }
0x73: {  	_ =	shalt  }
0x74: {  	_ =	shalt  }
0x75: {  	_ =	shalt  }
0x76: {  	_ =	shalt  }
0x77: {  	_ =	shalt  }
0x78: {  	_ =	shalt  }
0x79: {  	_ =	shalt  }
0x7a: {  	_ =	shalt  }
0x7b: {  	_ =	shalt  }
0x7c: {  	_ =	shalt  }
0x7d: {  	_ =	shalt  }
0x7e: {  	_ =	shalt  }
0x7f: {  	_ =	shalt  }
0x80: {  	_ =	shalt  }
0x81: {  	_ =	shalt  }
0x82: {  	_ =	shalt  }
0x83: {  	_ =	shalt  }
0x84: {  	_ =	shalt  }
0x85: {  	_ =	shalt  }
0x86: {  	_ =	shalt  }
0x87: {  	_ =	shalt  }
.Lfunc_end0:
.L_simem_size_0:
called_computation_lowered:
.L_overlay_start_0:
0x88: {  	s2 =	sld [smem:$0x3FD9]  }
0x89: {  	s3 =	sld [smem:$0x3FFE];
	_ =	sdelay $0x1  }
0x8a: {  	s1 =	srdreg.scid  }
0x8b: {  	s0 =	sand.u32 $0x1, s1  }
0x8c: {  	s17 =	sshll.u32 s0, $0xA;
	s2 =	sadd.s32 s3, s2  }
0x8d: {  	s2 =	sadd.s32 s2, s17  }
0x8e: {  	[smem:$0x3FC2] =	sst s2  }
0x8f: {  	_ = 	snop  }
0x90: {  	s2 =	sld [smem:$0x3FD0];
	(tm) =	ssettm $0x1  }
0x91: {  	s18 =	sld [smem:$0x3FFB];
	_ =	sdelay $0x3  }
0x92: {  	_ =	strace s18  }
0x93: {  	s3 =	sld [smem:$0x3FFC];
	_ =	sdelay $0x3  }
0x94: {  	_ =	strace s3  }
0x95: {  	s3 =	sld [smem:$0x3FFD];
	_ =	sdelay $0x3  }
0x96: {  	_ =	strace s3  }
0x97: {  	_ =	strace $0x8FFFFFFF  }
0x98: {  	s19 =	sld [smem:$0x3FDB];
	_ =	sdelay $0x1  }
0x99: {  	s4 =	simm.s32 $_scs_section_size  }
0x9a: {  	s5 =	simm.s32 $_size__tile_overlayer_lowered;
	s6 =	simm.s32 $_tile_overlayer_lowered  }
0x9b: {  	s22 =	simm.s32 $0x1BFF;
	s21 =	sshll.u32 s6, $0x1;
	s3 =	sadd.s32 s4, s19  }
0x9c: {  	s7 =	simm.s32 $0x0;
	s20 =	sshll.u32 s5, $0x1;
	s5 =	sadd.s32 s21, s3  }
0x9d: {  	[timem:s7], [sflag:s22] =	dma.local [hbm:s5], s20  }
0x9e: {  	_ =	swait.ge [sflag:s22], s20  }
0x9f: {  	s4 =	ssub.s32 $0x0, s20;
	[sflag:s22] =	ssyncset.done $0x0  }
0xa0: {  	[sflag:s22] =	ssyncadd.s32 s4;
	_ =	sdelay $0x1  }
0xa1: {  	s23 =	simm.s32 $0x1B8B  }
0xa2: {  	_ =	swait.ge [sflag:s23], $0x1  }
0xa3: {  	[sflag:s23] =	ssyncset.done $0x0  }
0xa4: {  	s25 =	simm.s32 $0x1B8E;
	s24 =	sld [smem:$0x3FFE];
	[sflag:s23] =	ssyncadd.s32 $0xFFFFFFFF  }
0xa5: {  	s26 =	simm.s32 $execute0_lowered;
	[smem:$0x3FD2] =	sst s25  }
0xa6: {  	s5 =	sshll.u32 s26, $0x1;
	_ =	strace $0x80000046;
	[dreg:$0x1] =	wrdreg $0xFFFFFFFF  }
0xa7: {  	s28 =	simm.s32 $_size_execute0_lowered;
	s3 =	sadd.s32 s3, s5;
	[dreg:$0x0] =	wrdreg $0x0  }
0xa8: {  	s5 =	sshll.u32 s28, $0x1;
	[dreg:$0x2] =	wrdreg s3  }
0xa9: {  	[dreg:$0x3] =	wrdreg s5  }
0xaa: {  	[dreg:$0x4] =	wrdreg $0xC0  }
0xab: {  	_ =	task [dreg:s7], $0x5FFFF  }
0xac: {  	[dreg:$0x1] =	wrdreg $0xFFFFFFFF  }
0xad: {  	[dreg:$0x0] =	wrdreg $0x60  }
0xae: {  	[dreg:$0x2] =	wrdreg s2  }
0xaf: {  	[dreg:$0x3] =	wrdreg s24  }
0xb0: {  	[dreg:$0x4] =	wrdreg $0x3A000  }
0xb1: {  	[dreg:$0x5] =	wrdreg $0x9  }
0xb2: {  	_ =	task.clear_ibuf [dreg:s7], $0x6FFFF;
	_ =	strace $0x90000046  }
0xb3: {  	s29 =	simm.s32 $0x9;
	_ =	strace $0x80000048  }
0xb4: {  	_ =	swait.ge [sflag:s29], $0x1  }
0xb5: {  	[sflag:s29] =	ssyncadd.s32 $0xFFFFFFFF  }
0xb6: {  	_ =	strace $0x90000048  }
0xb7: {  	_ =	sfence  }
0xb8: {  	s30 =	sld [smem:$0x0];
	_ =	sdelay $0x2  }
0xb9: {  	s31 =	sshll.u32 s1, $0xD;
	s1 =	sshrl.u32 s1, $0x2  }
0xba: {  	s3 =	sand.u32 $0x4000, s31;
	s1 =	sadd.s32 s1, s30  }
0xbb: {  	s0 =	sor.u32 s3, s0;
	s1 =	sshll.u32 s1, $0x11  }
0xbc: {  	s0 =	sor.u32 s1, s0  }
0xbd: {  	s0 =	sadd.s32 $0x8F2B, s0  }
0xbe: {  	[sflag:s0] =	ssyncadd.remote.s32 $0x1  }
0xbf: {  	_ =	sfence.sel $0xFFFF  }
0xc0: {  	[dreg:$0x0] =	wrdreg $0xFFFFFFFF;
	(pc) =	sbr.abs _section_cstart, $3  }
0xc1: {  	[dreg:$0x1] =	wrdreg $0xFFFFFFFF  }
0xc2: {  	_ =	task.clear_ibuf [dreg:s7], $0x2FFFF;
	_ =	strace $0x9FFFFFFF  }
0xc3: {  	(tm) =	ssettm $0x7FFFFFFF  }
tec
execute0_lowered:
.L_overlay_start_1:
0x0: {  	(tag) =	ssettag $0x1  }
0x1: {  	s4 =	rddreg [dreg:$0x0]  }
0x2: {  	s5 =	rddreg [dreg:$0x1]  }
0x3: {  	s2 =	rddreg [dreg:$0x2]  }
0x4: {  	s0 =	rddreg [dreg:$0x3]  }
0x5: {  	s6 =	srdreg.scid;
	s1 =	stileid.u32;
	s3 =	simm.s32 $0x0  }
0x6: {  	s13 =	simm.s32 $0x3200;
	s14 =	simm.s32 $0x80;
	s15 =	simm.s32 $0x2A00  }
0x7: {  	s18 =	simm.s32 $0x0;
	s6 =	sand.u32 $0x1, s6;
	s7 =	smul.u32 $0x2800, s1  }
0x8: {  	[smem:$0x7FF] =	sst s3;
	s9 =	sshll.u32 s1, $0x1;
	s10 =	smul.u32 $0xA000, s1  }
0x9: {  	s16 =	sshll.u32 s1, $0x6;
	s8 =	smul.u32 $0x28000, s6;
	_ =	strace $0x80000047  }
0xa: {  	s9 =	sor.u32 s6, s9;
	s6 =	ssub.s32 $0x2, s6;
	s16 =	sor.u32 $0x1C01, s16  }
0xb: {  	s9 =	smul.u32 $0x540, s9;
	s29 =	sshrl.u32 s6, $0x1;
	s30 =	sshrl.u32 s10, $0x2  }
0xc: {  	s8 =	sadd.s32 s7, s8;
	s12 =	ssub.s32 s6, s29;
	s31 =	sadd.s32 s30, s2  }
0xd: {  	s8 =	sshrl.u32 s8, $0x3;
	s4 =	sadd.s32 s4, s9;
	s6 =	sadd.s32 $0x800, s31  }
0xe: {  	s9 =	sadd.s32 $0x2000, s31;
	s11 =	sadd.s32 s8, s5;
	s5 =	sadd.s32 s7, s2  }
0xf: {  	s7 =	sadd.s32 $0x1000, s31;
	s8 =	sadd.s32 $0x1800, s31;
	s10 =	sadd.s32 $0x1800, s11  }
0x10: {  	v0 =	vimm.f32 $1.000000000e+00;
	v1 =	vimm.f32 $0.0e+00;
	s11 =	smax.u32 s12, $0x1;
	s12 =	simm.s32 $0x1;
	s17 =	sshrl.u32 s5, $0x3  }
.LBB2_1:
0x11: {  	[tilespmem:s3], [sflag:$0x1] =	stream.linear.gather [hbm4b:s4+s3], $0x2A00, $0x38;
	[tilespmem:$0x6200] =	vst v63  }
0x12: {  	_ =	swait.ge [sflag:s12], $0x2A00  }
0x13: {  	[sflag:s12] =	ssyncset.done $0x0  }
0x14: {  	s19 =	simm.s32 $0x40;
	s20 =	simm.s32 $0x0;
	[sflag:s12] =	ssyncadd.s32 $0xFFFFD600  }
.LBB2_2:
0x15: {  	p0 =	sne.s32 s19, $0x1FC0;
	[tilespmem:s20+$0x2A00] =	vst v0;
	s21 =	smov.u32 s19;
	s19 =	sadd.s32 $0x40, s19  }
.Ltmp0:
0x16: {  	[tilespmem:s20+$0x3200] =	vst v1;
	(pc) =	sbr.rel @p0 .LBB2_2-.Ltmp0, $2  }
0x17: {  	_ =	sdelay $0x2  }
0x18: {  	s20 =	sshra.s32 s21, $0x2  }
0x19: {  	[tilespmem:s20+$0x2A00] =	vst v0  }
0x1a: {  	[tilespmem:s20+$0x3200] =	vst v1  }
0x1b: {  	[spmem:s5] =	stream.linear.scatter [tilespmem:s13], [sflag:$0x1], $0x800, $0x38;
	[tilespmem:$0x6200] =	vst v63  }
0x1c: {  	_ =	swait.ge [sflag:s12], $0x800  }
0x1d: {  	[sflag:s12] =	ssyncset.done $0x0  }
0x1e: {  	[sflag:s12] =	ssyncadd.s32 $0xFFFFF800  }
0x1f: {  	[spmem:s6] =	stream.linear.scatter [tilespmem:s13], [sflag:$0x1], $0x800, $0x38;
	[tilespmem:$0x6200] =	vst v63  }
0x20: {  	_ =	swait.ge [sflag:s12], $0x800  }
0x21: {  	[sflag:s12] =	ssyncset.done $0x0  }
0x22: {  	[sflag:s12] =	ssyncadd.s32 $0xFFFFF800  }
0x23: {  	[spmem:s7] =	stream.linear.scatter [tilespmem:s13], [sflag:$0x1], $0x800, $0x38;
	[tilespmem:$0x6200] =	vst v63  }
0x24: {  	_ =	swait.ge [sflag:s12], $0x800  }
0x25: {  	[sflag:s12] =	ssyncset.done $0x0  }
0x26: {  	[sflag:s12] =	ssyncadd.s32 $0xFFFFF800  }
0x27: {  	[spmem:s8] =	stream.linear.scatter [tilespmem:s13], [sflag:$0x1], $0x800, $0x38;
	[tilespmem:$0x6200] =	vst v63  }
0x28: {  	_ =	swait.ge [sflag:s12], $0x800  }
0x29: {  	[sflag:s12] =	ssyncset.done $0x0  }
0x2a: {  	[sflag:s12] =	ssyncadd.s32 $0xFFFFF800  }
0x2b: {  	[spmem:s9] =	stream.linear.scatter [tilespmem:s13], [sflag:$0x1], $0x800, $0x38;
	[tilespmem:$0x6200] =	vst v63  }
0x2c: {  	_ =	swait.ge [sflag:s12], $0x800  }
0x2d: {  	[sflag:s12] =	ssyncset.done $0x0  }
0x2e: {  	[sflag:s12] =	ssyncadd.s32 $0xFFFFF800  }
0x2f: {  	s19 =	simm.s32 $0x0;
	[bflag:$0x0] =	sbarrier.arrive $0xFFFF  }
0x30: {  	[spmem:s2] =	stream.indirect.scatter.add.f32 [tilespmem:s15], [sflag:$0x1], $0x10, s19, s14, $0xb8;
	[tilespmem:$0x6200] =	vst v63  }
0x31: {  	_ =	swait.ge [sflag:s12], $0x800  }
0x32: {  	s19 =	simm.s32 $0x200;
	[sflag:s12] =	ssyncset.done $0x0  }
.LBB2_4:
0x33: {  	s20 =	sshra.s32 s19, $0x2;
	[sflag:s12] =	ssyncadd.s32 $0xFFFFF800;
	p0 =	sne.s32 s19, $0xA600  }
0x34: {  	[spmem:s2] =	stream.indirect.scatter.add.f32 [tilespmem:s15], [sflag:$0x1], $0x10, s20, s14, $0xb8;
	[tilespmem:$0x6200] =	vst v63  }
.Ltmp1:
0x35: {  	_ = 	snop;
	(pc) =	sbr.rel @p0 .LBB2_4-.Ltmp1, $4  }
0x36: {  	_ = 	snop  }
0x37: {  	s19 =	sadd.s32 $0x200, s19  }
0x38: {  	_ =	swait.ge [sflag:s12], $0x800  }
0x39: {  	[sflag:s12] =	ssyncset.done $0x0  }
0x3a: {  	s18 =	sadd.s32 $0x1, s18  }
0x3b: {  	[sflag:s12] =	ssyncadd.s32 $0xFFFFF800;
	p0 =	sne.s32 s18, s11  }
.Ltmp2:
0x3c: {  	[bflag:$0x0] =	sbarrier.arrive $0xFFFF;
	(pc) =	sbr.rel @p0 .LBB2_1-.Ltmp2, $4  }
0x3d: {  	[hbm:s10], [sflag:s16] =	dma.local [spmem:s17], $0x500  }
0x3e: {  	_ =	swait.ge [sflag:s12], $0x500  }
0x3f: {  	[sflag:s12] =	ssyncset.done $0x0  }
0x40: {  	[sflag:s12] =	ssyncadd.s32 $0xFFFFFB00  }
0x41: {  	_ =	sfence.sel $0x180000  }
0x42: {  	[bflag:$0x0] =	sbarrier.arrive $0xFFFF  }
0x43: {  	p0 =	sne.s32 s1, $0x0;
	_ =	strace $0x90000047  }
0x44: {  	s0 =	sadd.s32 @!p0 $0x100000, s0;
	[bflag:$0x2] =	sbarrier.arrive $0xFFFF  }
0x45: {  	[sflag:s0] =	ssyncadd.tile.s32 @!p0 $0x1;
	_ =	shalt  }
.Lfunc_end2:
_tile_overlayer_lowered:
.L_overlay_start_2:
0x46: {  	(tag) =	ssettag $0x2  }
0x47: {  	s0 =	rddreg [dreg:$0x0];
	s2 =	stileid.u32  }
0x48: {  	s1 =	rddreg [dreg:$0x1];
	p0 =	sne.s32 s2, $0x0  }
0x49: {  	s3 =	rddreg [dreg:$0x2];
	[bflag:$0x3] =	sbarrier.arrive $0xFFFF;
	s2 =	simm.s32 @!p0 $0x1C01  }
0x4a: {  	[timem:s3], [sflag:s2] =	dma.local @!p0 [hbm:s0], s1  }
0x4b: {  	s0 =	simm.s32 @!p0 $0x1  }
0x4c: {  	_ =	swait.ge @!p0 [sflag:s0], s1  }
0x4d: {  	s1 =	ssub.s32 @!p0 $0x0, s1;
	[sflag:s0] =	ssyncset.done @!p0 $0x0  }
0x4e: {  	[sflag:s0] =	ssyncadd.s32 @!p0 s1  }
0x4f: {  	[bflag:$0x3] =	sbarrier.arrive $0xFFFF  }
0x50: {  	_ =	shalt  }

</sc_bundles>
